<compile_context>
chip_gen: v7x
topology: tpu7x:2x2x1
jax: 0.10.2.dev20260603
libtpu: 0.0.44.dev20260713+nightly
codegen_flags: <defaults>
</compile_context>

<pallas_src>
import functools

import jax
import jax.numpy as jnp
from jax import lax
from jax.experimental import pallas as pl
from jax.experimental.pallas import tpu as pltpu
from jax.experimental.pallas import tpu_sc as plsc

N = 10000
D = 128
E = 320000
K = 32
R = 3
EPS = 1e-8

NC = 2
NS = 16
NW = NC * NS
NP = 10240
ROWS_PER_TILE = NP // NS
C = 128
EP = 327680
T = EP // (NW * C)
DW = 16


def _deg_body(dst_hbm, out_hbm, didx_v, ones_v, stage_v, acc_sh):
    c = lax.axis_index("c")
    s = lax.axis_index("s")
    wid = s * NC + c

    def fill(i, _):
        ones_v[pl.ds(i * 16, 16)] = jnp.full((16,), 1.0, jnp.float32)
        return 0

    lax.fori_loop(0, C // 16, fill, 0)

    def zfill(i, _):
        stage_v[pl.ds(i * 16, 16)] = jnp.zeros((16,), jnp.float32)
        return 0

    lax.fori_loop(0, ROWS_PER_TILE // 16, zfill, 0)

    base = s * ROWS_PER_TILE
    pltpu.sync_copy(stage_v, acc_sh.at[pl.ds(base, ROWS_PER_TILE)])
    plsc.subcore_barrier()

    def body(j, _):
        pltpu.sync_copy(dst_hbm.at[pl.ds(wid * T * C + j * C, C)], didx_v)
        pltpu.sync_copy(ones_v, acc_sh.at[didx_v], add=True)
        return 0

    lax.fori_loop(0, T, body, 0)
    plsc.subcore_barrier()

    pltpu.sync_copy(acc_sh.at[pl.ds(base, ROWS_PER_TILE)], stage_v)
    pltpu.sync_copy(stage_v, out_hbm.at[c, pl.ds(base, ROWS_PER_TILE)])


NBUF = 2
CM = 128
TM = EP // (NW * CM)


def _mp_body(pk_hbm, y_hbm, out_hbm, pidx_v, sidx_c, didx_c, rows_v, acc_sh,
             gsems, ssems):
    c = lax.axis_index("c")
    s = lax.axis_index("s")
    wid = s * NC + c

    def zero_rows(i, _):
        r = i // (D // 16)
        q = i % (D // 16)
        rows_v[0][r, pl.ds(q * 16, 16)] = jnp.zeros((16,), jnp.float32)
        return 0

    lax.fori_loop(0, CM * (D // 16), zero_rows, 0)

    base = s * ROWS_PER_TILE
    for k in range(ROWS_PER_TILE // CM):
        pltpu.sync_copy(rows_v[0], acc_sh.at[pl.ds(base + k * CM, CM)])
    plsc.subcore_barrier()

    pltpu.sync_copy(pk_hbm.at[pl.ds(wid * TM, TM)], pidx_v)

    def unpack_src(g, bb):
        for q in range(CM // 16):
            v = pidx_v[g, pl.ds(q * 16, 16)]
            sidx_c[bb][pl.ds(q * 16, 16)] = v & 16383

    def unpack_dst(g, bb):
        for q in range(CM // 16):
            v = pidx_v[g, pl.ds(q * 16, 16)]
            didx_c[bb][pl.ds(q * 16, 16)] = lax.shift_right_logical(v, 14)

    for b in range(2):
        unpack_src(b, b)
        pltpu.async_copy(y_hbm.at[sidx_c[b]], rows_v[b], gsems[b])

    def body(i, _):
        for bb in range(NBUF):
            g = i * NBUF + bb
            pltpu.make_async_copy(y_hbm.at[sidx_c[bb]], rows_v[bb],
                                  gsems[bb]).wait()
            unpack_dst(g, bb)
            pltpu.sync_copy(rows_v[bb], acc_sh.at[didx_c[bb]], add=True)

            @pl.when(g + NBUF < TM)
            def _():
                unpack_src(g + NBUF, bb)
                pltpu.async_copy(y_hbm.at[sidx_c[bb]], rows_v[bb], gsems[bb])

        return 0

    lax.fori_loop(0, TM // NBUF, body, 0)
    plsc.subcore_barrier()

    for k in range(ROWS_PER_TILE // CM):
        pltpu.sync_copy(acc_sh.at[pl.ds(base + k * CM, CM)], rows_v[0])
        pltpu.sync_copy(rows_v[0], out_hbm.at[c, pl.ds(base + k * CM, CM)])



def _tc_pre_body(x_ref, w1_ref, degp_ref, y1_ref, dinv_ref):
    dp = degp_ref[...]
    deg = dp[0] + dp[1] + 1.0
    dinv = lax.rsqrt(jnp.maximum(deg, 1e-12))
    dinv_ref[...] = dinv
    xw = jnp.dot(x_ref[...], w1_ref[...], preferred_element_type=jnp.float32)
    y1_ref[0:N, :] = dinv[0:N] * xw
    y1_ref[N:NP, :] = jnp.zeros((NP - N, D), jnp.float32)


def _tc_mid_body(p_ref, y1_ref, dinv_ref, b1_ref, gamma_ref, beta_ref, w2_ref,
                 h1_ref, y2_ref):
    p = p_ref[...]
    dinv = dinv_ref[0:N]
    h = dinv * (p[0, 0:N] + p[1, 0:N] + y1_ref[0:N]) + b1_ref[...]
    mu = jnp.mean(h, axis=0, keepdims=True)
    var = jnp.mean((h - mu) ** 2, axis=0, keepdims=True)
    h = gamma_ref[...] * (h - mu) / jnp.sqrt(var + 1e-5) + beta_ref[...]
    h = jnp.maximum(h, 0.0)
    h1_ref[...] = h
    xw2 = jnp.dot(h, w2_ref[...], preferred_element_type=jnp.float32)
    y2_ref[0:N, :] = dinv * xw2
    y2_ref[N:NP, :] = jnp.zeros((NP - N, D), jnp.float32)


VB = 2000
VG = N // VB


def _vq(h, cb_all):
    residual = h
    b = h.shape[0]
    commit = jnp.float32(0.0)
    packed = jnp.zeros((b, 1), jnp.int32)
    for l in range(R):
        cb = cb_all[l]
        rn = residual / (jnp.sqrt(jnp.sum(residual * residual, axis=-1,
                                          keepdims=True)) + EPS)
        cbn = cb / (jnp.sqrt(jnp.sum(cb * cb, axis=-1, keepdims=True)) + EPS)
        sim = lax.dot_general(rn, cbn, (((1,), (1,)), ((), ())),
                              preferred_element_type=jnp.float32)
        mx = jnp.max(sim, axis=-1, keepdims=True)
        lane = lax.broadcasted_iota(jnp.int32, (b, K), 1)
        idx = jnp.min(jnp.where(sim >= mx, lane, K), axis=-1, keepdims=True)
        q = jnp.zeros_like(residual)
        for k in range(K):
            q = jnp.where(idx == k, cb[k][None, :], q)
        commit = commit + 0.25 * (jnp.sum((q - residual) ** 2) / (N * D))
        residual = residual - q
        packed = packed + (idx << (5 * l))
    return packed, commit


def _tc_vq1_body(h1_ref, cb1_ref, ids_ref, c1_ref):
    i = pl.program_id(0)
    packed, commit = _vq(h1_ref[...], cb1_ref[...])
    ids_ref[...] = packed

    @pl.when(i == 0)
    def _():
        c1_ref[...] = jnp.zeros((1, 1), jnp.float32)

    c1_ref[...] += jnp.reshape(commit, (1, 1))


def _tc_fin_body(p_ref, y2_ref, dinv_ref, b2_ref, cb2_ref, wl_ref, bl_ref,
                 wg_ref, bg_ref, c1_ref, o1_ref, og_ref, ids_ref, cm_ref):
    i = pl.program_id(0)
    p = p_ref[...]
    h = dinv_ref[...] * (p[0] + p[1] + y2_ref[...]) + b2_ref[...]
    packed, c2 = _vq(h, cb2_ref[...])
    ids_ref[...] = packed

    @pl.when(i == 0)
    def _():
        cm_ref[...] = c1_ref[...]

    cm_ref[...] += jnp.reshape(c2, (1, 1))
    o1_ref[...] = jnp.dot(h, wl_ref[...], preferred_element_type=jnp.float32) \
        + bl_ref[...]
    og_ref[...] = jnp.dot(h, wg_ref[...], preferred_element_type=jnp.float32) \
        + bg_ref[...]


def _mk(body, out_shapes):
    return pl.pallas_call(body, out_shape=out_shapes)


_full = lambda shape: pl.BlockSpec(shape, lambda i: tuple(0 for _ in shape))

_tc_vq1_call = pl.pallas_call(
    _tc_vq1_body,
    grid=(VG,),
    in_specs=[
        pl.BlockSpec((VB, D), lambda i: (i, 0)),
        _full((R, K, D)),
    ],
    out_specs=[
        pl.BlockSpec((VB, 1), lambda i: (i, 0)),
        _full((1, 1)),
    ],
    out_shape=[
        jax.ShapeDtypeStruct((N, 1), jnp.int32),
        jax.ShapeDtypeStruct((1, 1), jnp.float32),
    ],
)


@functools.cache
def _sc_kernels():
    mesh = plsc.VectorSubcoreMesh(core_axis_name="c", subcore_axis_name="s",
                                  num_cores=NC, num_subcores=NS)
    deg = pl.kernel(
        _deg_body,
        out_type=jax.ShapeDtypeStruct((NC, NP), jnp.float32),
        mesh=mesh,
        scratch_types=[
            pltpu.VMEM((C,), jnp.int32),
            pltpu.VMEM((C,), jnp.float32),
            pltpu.VMEM((ROWS_PER_TILE,), jnp.float32),
            pltpu.VMEM_SHARED((NP,), jnp.float32),
        ],
    )
    mp = pl.kernel(
        _mp_body,
        out_type=jax.ShapeDtypeStruct((NC, NP, D), jnp.float32),
        mesh=mesh,
        scratch_types=[
            pltpu.VMEM((TM, CM), jnp.int32),
            [pltpu.VMEM((CM,), jnp.int32)] * NBUF,
            [pltpu.VMEM((CM,), jnp.int32)] * NBUF,
            [pltpu.VMEM((CM, D), jnp.float32)] * NBUF,
            pltpu.VMEM_SHARED((NP, D), jnp.float32),
            [pltpu.SemaphoreType.DMA] * NBUF,
            [pltpu.SemaphoreType.DMA] * NBUF,
        ],
    )
    return deg, mp


_tc_pre = _mk(_tc_pre_body, [
    jax.ShapeDtypeStruct((NP, D), jnp.float32),
    jax.ShapeDtypeStruct((NP, 1), jnp.float32),
])
_tc_mid = _mk(_tc_mid_body, [
    jax.ShapeDtypeStruct((N, D), jnp.float32),
    jax.ShapeDtypeStruct((NP, D), jnp.float32),
])


def kernel(x, edge_index, W1, b1, W2, b2, gamma, beta, cb1, cb2, Wl, bl, Wg, bg):
    src = edge_index[0]
    dst = edge_index[1]
    pad = jnp.full((EP - E,), NP - 1, dtype=jnp.int32)
    srcp = jnp.concatenate([src, pad])
    dstp = jnp.concatenate([dst, pad])
    pk2d = (srcp + dstp * 16384).reshape(NW * TM, CM)

    deg_k, mp_k = _sc_kernels()
    degp = deg_k(dstp).reshape(NC, NP, 1)
    y1, dinv = _tc_pre(x, W1, degp)
    p1 = mp_k(pk2d, y1)
    h1, y2 = _tc_mid(p1, y1, dinv, b1[None, :], gamma[None, :], beta[None, :], W2)
    p2 = mp_k(pk2d, y2)
    ids1p, c1 = _tc_vq1_call(h1, cb1)

    dout = Wg.shape[1]
    _tc_fin = pl.pallas_call(
        _tc_fin_body,
        grid=(VG,),
        in_specs=[
            pl.BlockSpec((2, VB, D), lambda i: (0, i, 0)),
            pl.BlockSpec((VB, D), lambda i: (i, 0)),
            pl.BlockSpec((VB, 1), lambda i: (i, 0)),
            _full((1, D)),
            _full((R, K, D)),
            _full((D, D)),
            _full((1, D)),
            _full((D, dout)),
            _full((1, dout)),
            _full((1, 1)),
        ],
        out_specs=[
            pl.BlockSpec((VB, D), lambda i: (i, 0)),
            pl.BlockSpec((VB, dout), lambda i: (i, 0)),
            pl.BlockSpec((VB, 1), lambda i: (i, 0)),
            _full((1, 1)),
        ],
        out_shape=[
            jax.ShapeDtypeStruct((N, D), jnp.float32),
            jax.ShapeDtypeStruct((N, dout), jnp.float32),
            jax.ShapeDtypeStruct((N, 1), jnp.int32),
            jax.ShapeDtypeStruct((1, 1), jnp.float32),
        ],
    )
    o1, og, ids2p, cm = _tc_fin(p2, y2, dinv, b2[None, :], cb2, Wl, bl[None, :],
                                Wg, bg[None, :], c1)

    ids = []
    for packed in (ids1p, ids2p):
        for l in range(R):
            ids.append((packed >> (5 * l)) & 31)
    id_concat = jnp.concatenate(ids, axis=1)
    return (o1, cm[0, 0], id_concat, og)

# --- scband reference (transcript-rebuilt; emitter-appended) ---
"""Pipeline reference for scband-gcn-13657996001664 (READ-ONLY COPY).

The authoritative reference and input builder live on the scoring server;
editing this copy changes nothing except your own understanding.
"""

import jax, jax.numpy as jnp
import numpy as np

N = 10000
E = 320000
D_IN = 128
D_H = 128
D_OUT = 128
K = 32
R = 3
EPS = 1e-8


def setup_inputs(seed: int = 0):
    key = jax.random.key(seed)
    ks = jax.random.split(key, 16)
    x = jax.random.normal(ks[0], (N, D_IN), dtype=jnp.float32)
    edge_index = jax.random.randint(ks[1], (2, E), 0, N, dtype=jnp.int32)
    W1 = jax.random.normal(ks[2], (D_IN, D_H), dtype=jnp.float32) / np.sqrt(D_IN)
    b1 = jnp.zeros((D_H,), dtype=jnp.float32)
    W2 = jax.random.normal(ks[3], (D_H, D_H), dtype=jnp.float32) / np.sqrt(D_H)
    b2 = jnp.zeros((D_H,), dtype=jnp.float32)
    gamma = jnp.ones((D_H,), dtype=jnp.float32)
    beta = jnp.zeros((D_H,), dtype=jnp.float32)
    cb1 = jax.random.normal(ks[4], (R, K, D_H), dtype=jnp.float32)
    cb2 = jax.random.normal(ks[5], (R, K, D_H), dtype=jnp.float32)
    Wl = jax.random.normal(ks[6], (D_H, D_OUT), dtype=jnp.float32) / np.sqrt(D_H)
    bl = jnp.zeros((D_OUT,), dtype=jnp.float32)
    Wg = jax.random.normal(ks[7], (D_H, 2 * R), dtype=jnp.float32) / np.sqrt(D_H)
    bg = jnp.zeros((2 * R,), dtype=jnp.float32)
    return {"x": x, "edge_index": edge_index, "W1": W1, "b1": b1, "W2": W2, "b2": b2,
            "gamma": gamma, "beta": beta, "cb1": cb1, "cb2": cb2, "Wl": Wl, "bl": bl,
            "Wg": Wg, "bg": bg}


def gcn_conv(x, src, dst, W, b):
    n = x.shape[0]
    xw = x @ W
    loops = jnp.arange(n, dtype=src.dtype)
    s = jnp.concatenate([src, loops])
    d = jnp.concatenate([dst, loops])
    deg = jax.ops.segment_sum(jnp.ones(s.shape[0], dtype=xw.dtype), d, num_segments=n)
    dinv = jax.lax.rsqrt(jnp.maximum(deg, 1e-12))
    norm = dinv[s] * dinv[d]
    out = jax.ops.segment_sum(xw[s] * norm[:, None], d, num_segments=n)
    return out + b


def batchnorm(x, gamma, beta):
    mu = jnp.mean(x, axis=0)
    var = jnp.var(x, axis=0)
    return gamma * (x - mu) / jnp.sqrt(var + 1e-5) + beta


def residual_vq(x, codebooks):
    # kmeans=1 path: lucidrains-style ResidualVectorQuant, 3 residual layers,
    # cosine-sim nearest code, straight-through, commitment_weight=0.25
    residual = x
    commit = jnp.float32(0.0)
    ids = []
    for l in range(R):
        cb = codebooks[l]
        rn = residual / (jnp.linalg.norm(residual, axis=-1, keepdims=True) + EPS)
        cbn = cb / (jnp.linalg.norm(cb, axis=-1, keepdims=True) + EPS)
        sim = rn @ cbn.T
        idx = jnp.argmax(sim, axis=-1)
        q = jnp.take(cb, idx, axis=0)
        commit = commit + 0.25 * jnp.mean((jax.lax.stop_gradient(q) - residual) ** 2)
        q_st = residual + jax.lax.stop_gradient(q - residual)
        residual = residual - q_st
        ids.append(idx)
    return jnp.stack(ids, axis=1), commit


def reference(x, edge_index, W1, b1, W2, b2, gamma, beta, cb1, cb2, Wl, bl, Wg, bg):
    src = edge_index[0]
    dst = edge_index[1]
    h = gcn_conv(x, src, dst, W1, b1)
    h = batchnorm(h, gamma, beta)
    h = jax.nn.relu(h)
    # dropout is identity in eval mode
    ids1, c1 = residual_vq(h, cb1)
    h = gcn_conv(h, src, dst, W2, b2)
    ids2, c2 = residual_vq(h, cb2)
    total_commit = c1 + c2
    id_concat = jnp.concatenate([ids1, ids2], axis=1)
    return (h @ Wl + bl, total_commit, id_concat, h @ Wg + bg)

if __name__ == "__main__":
    import jax
    _d = setup_inputs()
    print(jax.jit(kernel)(*tuple(_d.values())))

</pallas_src>

<mosaic_0001>
#map = affine_map<(d0, d1) -> (0)>
#map1 = affine_map<(d0, d1) -> (0, 0)>
module attributes {stable_mosaic.version = 14 : i64} {
  func.func @_deg_body(%arg0: i32, %arg1: i32, %arg2: memref<327680xi32, #tpu.memory_space<hbm>>, %arg3: memref<2x10240xf32, #tpu.memory_space<hbm>>, %arg4: memref<128xi32, #tpu.memory_space<vmem>>, %arg5: memref<128xf32, #tpu.memory_space<vmem>>, %arg6: memref<640xf32, #tpu.memory_space<vmem>>, %arg7: memref<10240xf32, #tpu.memory_space<vmem_shared>>) attributes {dimension_semantics = [#tpu.dimension_semantics<core_parallel>, #tpu.dimension_semantics<subcore_parallel>], iteration_bounds = array<i64: 2, 16>, scalar_prefetch = 0 : i64, scratch_operands = 4 : i64, tpu.core_type = #tpu.core_type<sc_vector_subcore>, window_params = [{transform_indices = #map}, {transform_indices = #map1}]} {
    %mul3A = arith.constant 2 : i32
    %mul3A_0 = arith.muli %arg1, %mul3A : i32
    %add3A = arith.addi %mul3A_0, %arg0 : i32
    %scan3A = arith.constant 0 : i32
    %scan3A_1 = arith.constant 0 : i32
    %scan3A_2 = arith.constant 8 : i32
    %scan3A_3 = arith.addi %scan3A_1, %scan3A_2 : i32
    %scan3A_4 = arith.constant 1 : i32
    %scan3A_5 = scf.for %scan3A_24 = %scan3A_1 to %scan3A_3 step %scan3A_4 iter_args(%scan3A_25 = %scan3A) -> (i32)  : i32 {
      %broadcast_in_dim3A = arith.constant 1.000000e+00 : f32
      %broadcast_in_dim3A_26 = vector.broadcast %broadcast_in_dim3A : f32 to vector<16xf32>
      %mul3A_27 = arith.constant 16 : i32
      %mul3A_28 = arith.muli %scan3A_24, %mul3A_27 : i32
      %swap3A = arith.index_cast %mul3A_28 : i32 to index
      %swap3A_29 = tpu.vector_load %arg5[%swap3A] {strides = array<i32>} : memref<128xf32, #tpu.memory_space<vmem>>, vector<16xf32>,
      %swap3A_30 = vector.shape_cast %swap3A_29 : vector<16xf32> to vector<16xf32>
      %swap3A_31 = vector.shape_cast %broadcast_in_dim3A_26 : vector<16xf32> to vector<16xf32>
      tpu.vector_store %arg5[%swap3A], %swap3A_31 {strides = array<i32>} : memref<128xf32, #tpu.memory_space<vmem>>, vector<16xf32>,
      %scan3A_32 = arith.constant 0 : i32
      scf.yield %scan3A_32 : i32
    }
    %scan3A_6 = arith.constant 8 : i32
    %scan3A_7 = arith.constant 0 : i32
    %scan3A_8 = arith.constant 0 : i32
    %scan3A_9 = arith.constant 40 : i32
    %scan3A_10 = arith.addi %scan3A_8, %scan3A_9 : i32
    %scan3A_11 = arith.constant 1 : i32
    %scan3A_12 = scf.for %scan3A_24 = %scan3A_8 to %scan3A_10 step %scan3A_11 iter_args(%scan3A_25 = %scan3A_7) -> (i32)  : i32 {
      %broadcast_in_dim3A = arith.constant 0.000000e+00 : f32
      %broadcast_in_dim3A_26 = vector.broadcast %broadcast_in_dim3A : f32 to vector<16xf32>
      %mul3A_27 = arith.constant 16 : i32
      %mul3A_28 = arith.muli %scan3A_24, %mul3A_27 : i32
      %swap3A = arith.index_cast %mul3A_28 : i32 to index
      %swap3A_29 = tpu.vector_load %arg6[%swap3A] {strides = array<i32>} : memref<640xf32, #tpu.memory_space<vmem>>, vector<16xf32>,
      %swap3A_30 = vector.shape_cast %swap3A_29 : vector<16xf32> to vector<16xf32>
      %swap3A_31 = vector.shape_cast %broadcast_in_dim3A_26 : vector<16xf32> to vector<16xf32>
      tpu.vector_store %arg6[%swap3A], %swap3A_31 {strides = array<i32>} : memref<640xf32, #tpu.memory_space<vmem>>, vector<16xf32>,
      %scan3A_32 = arith.constant 0 : i32
      scf.yield %scan3A_32 : i32
    }
    %scan3A_13 = arith.constant 40 : i32
    %mul3A_14 = arith.constant 640 : i32
    %mul3A_15 = arith.muli %arg1, %mul3A_14 : i32
    "tpu.region"() ({
      %run_scoped3A = tpu.sem_alloc : memref<!tpu.dma_semaphore, #tpu.memory_space<semaphore_mem>>
      %dma_start3A = tpu.memref_slice %arg7[%mul3A_15] : memref<10240xf32, #tpu.memory_space<vmem_shared>> -> memref<640xf32, #tpu.memory_space<vmem_shared>>
      %dma_start3A_24 = tpu.memref_slice %arg7[%mul3A_15] : memref<10240xf32, #tpu.memory_space<vmem_shared>> -> memref<640xf32, #tpu.memory_space<vmem_shared>>
      tpu.enqueue_dma source(%arg6 : memref<640xf32, #tpu.memory_space<vmem>>) target(%dma_start3A_24 : memref<640xf32, #tpu.memory_space<vmem_shared>>) target_semaphore(%run_scoped3A : memref<!tpu.dma_semaphore, #tpu.memory_space<semaphore_mem>>)
      %dma_wait3A = tpu.memref_slice %arg7[%mul3A_15] : memref<10240xf32, #tpu.memory_space<vmem_shared>> -> memref<640xf32, #tpu.memory_space<vmem_shared>>
      %dma_wait3A_25 = tpu.memref_slice %arg7[%mul3A_15] : memref<10240xf32, #tpu.memory_space<vmem_shared>> -> memref<640xf32, #tpu.memory_space<vmem_shared>>
      tpu.wait_dma2 semaphore(%run_scoped3A : memref<!tpu.dma_semaphore, #tpu.memory_space<semaphore_mem>>) src(%arg6 : memref<640xf32, #tpu.memory_space<vmem>>) dst(%dma_wait3A_25 : memref<640xf32, #tpu.memory_space<vmem_shared>>)
      tpu.yield
    }) : () -> ()
    %barrier3A = arith.constant 0 : index
    tpu.barrier barrier_id(%barrier3A)
    %scan3A_16 = arith.constant 0 : i32
    %scan3A_17 = arith.constant 0 : i32
    %scan3A_18 = arith.constant 80 : i32
    %scan3A_19 = arith.addi %scan3A_17, %scan3A_18 : i32
    %scan3A_20 = arith.constant 1 : i32
    %scan3A_21 = scf.for %scan3A_24 = %scan3A_17 to %scan3A_19 step %scan3A_20 iter_args(%scan3A_25 = %scan3A_16) -> (i32)  : i32 {
      %mul3A_26 = arith.constant 80 : i32
      %mul3A_27 = arith.muli %add3A, %mul3A_26 : i32
      %mul3A_28 = arith.constant 128 : i32
      %mul3A_29 = arith.muli %mul3A_27, %mul3A_28 : i32
      %mul3A_30 = arith.constant 128 : i32
      %mul3A_31 = arith.muli %scan3A_24, %mul3A_30 : i32
      %add3A_32 = arith.addi %mul3A_29, %mul3A_31 : i32
      "tpu.region"() ({
        %run_scoped3A = tpu.sem_alloc : memref<!tpu.dma_semaphore, #tpu.memory_space<semaphore_mem>>
        %dma_start3A = tpu.memref_slice %arg2[%add3A_32] : memref<327680xi32, #tpu.memory_space<hbm>> -> memref<128xi32, #tpu.memory_space<hbm>>
        %dma_start3A_34 = tpu.memref_slice %arg2[%add3A_32] : memref<327680xi32, #tpu.memory_space<hbm>> -> memref<128xi32, #tpu.memory_space<hbm>>
        tpu.enqueue_dma source(%dma_start3A_34 : memref<128xi32, #tpu.memory_space<hbm>>) target(%arg4 : memref<128xi32, #tpu.memory_space<vmem>>) target_semaphore(%run_scoped3A : memref<!tpu.dma_semaphore, #tpu.memory_space<semaphore_mem>>)
        %dma_wait3A = tpu.memref_slice %arg2[%add3A_32] : memref<327680xi32, #tpu.memory_space<hbm>> -> memref<128xi32, #tpu.memory_space<hbm>>
        %dma_wait3A_35 = tpu.memref_slice %arg2[%add3A_32] : memref<327680xi32, #tpu.memory_space<hbm>> -> memref<128xi32, #tpu.memory_space<hbm>>
        tpu.wait_dma2 semaphore(%run_scoped3A : memref<!tpu.dma_semaphore, #tpu.memory_space<semaphore_mem>>) src(%dma_wait3A_35 : memref<128xi32, #tpu.memory_space<hbm>>) dst(%arg4 : memref<128xi32, #tpu.memory_space<vmem>>)
        tpu.yield
      }) : () -> ()
      "tpu.region"() ({
        %run_scoped3A = tpu.sem_alloc : memref<!tpu.dma_semaphore, #tpu.memory_space<semaphore_mem>>
        %dma_start3A = arith.constant 0 : i32
        %dma_start3A_34 = tpu.memref_slice %arg7[%dma_start3A] : memref<10240xf32, #tpu.memory_space<vmem_shared>> -> memref<10240xf32, #tpu.memory_space<vmem_shared>>
        tpu.enqueue_indirect_dma source(%arg5 : memref<128xf32, #tpu.memory_space<vmem>>) target(%dma_start3A_34 : memref<10240xf32, #tpu.memory_space<vmem_shared>>) offsets(%arg4 : memref<128xi32, #tpu.memory_space<vmem>>) semaphore(%run_scoped3A : memref<!tpu.dma_semaphore, #tpu.memory_space<semaphore_mem>>) {add = true}
        %dma_wait3A = arith.constant 0 : i32
        %dma_wait3A_35 = tpu.memref_slice %arg7[%dma_wait3A] : memref<10240xf32, #tpu.memory_space<vmem_shared>> -> memref<10240xf32, #tpu.memory_space<vmem_shared>>
        tpu.wait_indirect_dma semaphore(%run_scoped3A : memref<!tpu.dma_semaphore, #tpu.memory_space<semaphore_mem>>) src(%arg5 : memref<128xf32, #tpu.memory_space<vmem>>) dst(%dma_wait3A_35 : memref<10240xf32, #tpu.memory_space<vmem_shared>>)
        tpu.yield
      }) : () -> ()
      %scan3A_33 = arith.constant 0 : i32
      scf.yield %scan3A_33 : i32
    }
    %scan3A_22 = arith.constant 80 : i32
    %barrier3A_23 = arith.constant 0 : index
    tpu.barrier barrier_id(%barrier3A_23)
    "tpu.region"() ({
      %run_scoped3A = tpu.sem_alloc : memref<!tpu.dma_semaphore, #tpu.memory_space<semaphore_mem>>
      %dma_start3A = tpu.memref_slice %arg7[%mul3A_15] : memref<10240xf32, #tpu.memory_space<vmem_shared>> -> memref<640xf32, #tpu.memory_space<vmem_shared>>
      %dma_start3A_24 = tpu.memref_slice %arg7[%mul3A_15] : memref<10240xf32, #tpu.memory_space<vmem_shared>> -> memref<640xf32, #tpu.memory_space<vmem_shared>>
      tpu.enqueue_dma source(%dma_start3A_24 : memref<640xf32, #tpu.memory_space<vmem_shared>>) target(%arg6 : memref<640xf32, #tpu.memory_space<vmem>>) target_semaphore(%run_scoped3A : memref<!tpu.dma_semaphore, #tpu.memory_space<semaphore_mem>>)
      %dma_wait3A = tpu.memref_slice %arg7[%mul3A_15] : memref<10240xf32, #tpu.memory_space<vmem_shared>> -> memref<640xf32, #tpu.memory_space<vmem_shared>>
      %dma_wait3A_25 = tpu.memref_slice %arg7[%mul3A_15] : memref<10240xf32, #tpu.memory_space<vmem_shared>> -> memref<640xf32, #tpu.memory_space<vmem_shared>>
      tpu.wait_dma2 semaphore(%run_scoped3A : memref<!tpu.dma_semaphore, #tpu.memory_space<semaphore_mem>>) src(%dma_wait3A_25 : memref<640xf32, #tpu.memory_space<vmem_shared>>) dst(%arg6 : memref<640xf32, #tpu.memory_space<vmem>>)
      tpu.yield
    }) : () -> ()
    "tpu.region"() ({
      %run_scoped3A = tpu.sem_alloc : memref<!tpu.dma_semaphore, #tpu.memory_space<semaphore_mem>>
      %dma_start3A = tpu.memref_slice %arg3[%arg0, %mul3A_15] : memref<2x10240xf32, #tpu.memory_space<hbm>> -> memref<1x640xf32, #tpu.memory_space<hbm>>
      %dma_start3A_24 = tpu.memref_squeeze %dma_start3A : memref<1x640xf32, #tpu.memory_space<hbm>> -> memref<640xf32, #tpu.memory_space<hbm>>
      %dma_start3A_25 = tpu.memref_slice %arg3[%arg0, %mul3A_15] : memref<2x10240xf32, #tpu.memory_space<hbm>> -> memref<1x640xf32, #tpu.memory_space<hbm>>
      %dma_start3A_26 = tpu.memref_squeeze %dma_start3A_25 : memref<1x640xf32, #tpu.memory_space<hbm>> -> memref<640xf32, #tpu.memory_space<hbm>>
      tpu.enqueue_dma source(%arg6 : memref<640xf32, #tpu.memory_space<vmem>>) target(%dma_start3A_26 : memref<640xf32, #tpu.memory_space<hbm>>) target_semaphore(%run_scoped3A : memref<!tpu.dma_semaphore, #tpu.memory_space<semaphore_mem>>)
      %dma_wait3A = tpu.memref_slice %arg3[%arg0, %mul3A_15] : memref<2x10240xf32, #tpu.memory_space<hbm>> -> memref<1x640xf32, #tpu.memory_space<hbm>>
      %dma_wait3A_27 = tpu.memref_squeeze %dma_wait3A : memref<1x640xf32, #tpu.memory_space<hbm>> -> memref<640xf32, #tpu.memory_space<hbm>>
      %dma_wait3A_28 = tpu.memref_slice %arg3[%arg0, %mul3A_15] : memref<2x10240xf32, #tpu.memory_space<hbm>> -> memref<1x640xf32, #tpu.memory_space<hbm>>
      %dma_wait3A_29 = tpu.memref_squeeze %dma_wait3A_28 : memref<1x640xf32, #tpu.memory_space<hbm>> -> memref<640xf32, #tpu.memory_space<hbm>>
      tpu.wait_dma2 semaphore(%run_scoped3A : memref<!tpu.dma_semaphore, #tpu.memory_space<semaphore_mem>>) src(%arg6 : memref<640xf32, #tpu.memory_space<vmem>>) dst(%dma_wait3A_29 : memref<640xf32, #tpu.memory_space<hbm>>)
      tpu.yield
    }) : () -> ()
    return
  }
}

#map = affine_map<(d0, d1) -> (0, 0)>
#map1 = affine_map<(d0, d1) -> (0, 0, 0)>
module attributes {stable_mosaic.version = 14 : i64} {
  func.func @_mp_body(%arg0: i32, %arg1: i32, %arg2: memref<2560x128xi32, #tpu.memory_space<hbm>>, %arg3: memref<10240x128xf32, #tpu.memory_space<hbm>>, %arg4: memref<2x10240x128xf32, #tpu.memory_space<hbm>>, %arg5: memref<80x128xi32, #tpu.memory_space<vmem>>, %arg6: memref<128xi32, #tpu.memory_space<vmem>>, %arg7: memref<128xi32, #tpu.memory_space<vmem>>, %arg8: memref<128xi32, #tpu.memory_space<vmem>>, %arg9: memref<128xi32, #tpu.memory_space<vmem>>, %arg10: memref<128x128xf32, #tpu.memory_space<vmem>>, %arg11: memref<128x128xf32, #tpu.memory_space<vmem>>, %arg12: memref<10240x128xf32, #tpu.memory_space<vmem_shared>>, %arg13: memref<!tpu.dma_semaphore, #tpu.memory_space<semaphore_mem>>, %arg14: memref<!tpu.dma_semaphore, #tpu.memory_space<semaphore_mem>>, %arg15: memref<!tpu.dma_semaphore, #tpu.memory_space<semaphore_mem>>, %arg16: memref<!tpu.dma_semaphore, #tpu.memory_space<semaphore_mem>>) attributes {dimension_semantics = [#tpu.dimension_semantics<core_parallel>, #tpu.dimension_semantics<subcore_parallel>], iteration_bounds = array<i64: 2, 16>, scalar_prefetch = 0 : i64, scratch_operands = 12 : i64, tpu.core_type = #tpu.core_type<sc_vector_subcore>, window_params = [{transform_indices = #map}, {transform_indices = #map}, {transform_indices = #map1}]} {
    %mul3A = arith.constant 2 : i32
    %mul3A_0 = arith.muli %arg1, %mul3A : i32
    %add3A = arith.addi %mul3A_0, %arg0 : i32
    %scan3A = arith.constant 0 : i32
    %scan3A_1 = arith.constant 0 : i32
    %scan3A_2 = arith.constant 1024 : i32
    %scan3A_3 = arith.addi %scan3A_1, %scan3A_2 : i32
    %scan3A_4 = arith.constant 1 : i32
    %scan3A_5 = scf.for %scan3A_243 = %scan3A_1 to %scan3A_3 step %scan3A_4 iter_args(%scan3A_244 = %scan3A) -> (i32)  : i32 {
      %jit3A = arith.constant 8 : i32
      %div3A = arith.divsi %scan3A_243, %jit3A : i32
      %sign3A = arith.constant 0 : i32
      %sign3A_245 = arith.cmpi sgt, %scan3A_243, %sign3A : i32
      %sign3A_246 = arith.extui %sign3A_245 : i1 to i32
      %sign3A_247 = arith.constant 0 : i32
      %sign3A_248 = arith.cmpi slt, %scan3A_243, %sign3A_247 : i32
      %sign3A_249 = arith.extui %sign3A_248 : i1 to i32
      %sign3A_250 = arith.subi %sign3A_246, %sign3A_249 : i32
      %sign3A_251 = arith.constant 0 : i32
      %sign3A_252 = arith.cmpi sgt, %jit3A, %sign3A_251 : i32
      %sign3A_253 = arith.extui %sign3A_252 : i1 to i32
      %sign3A_254 = arith.constant 0 : i32
      %sign3A_255 = arith.cmpi slt, %jit3A, %sign3A_254 : i32
      %sign3A_256 = arith.extui %sign3A_255 : i1 to i32
      %sign3A_257 = arith.subi %sign3A_253, %sign3A_256 : i32
      %ne3A = arith.cmpi ne, %sign3A_250, %sign3A_257 : i32
      %rem3A = arith.remsi %scan3A_243, %jit3A : i32
      %ne3A_258 = arith.constant 0 : i32
      %ne3A_259 = arith.cmpi ne, %rem3A, %ne3A_258 : i32
      %and3A_260 = arith.andi %ne3A, %ne3A_259 : i1
      %sub3A = arith.constant 1 : i32
      %sub3A_261 = arith.subi %div3A, %sub3A : i32
      %select_n3A = arith.select %and3A_260, %sub3A_261, %div3A : i32
      %jit3A_262 = arith.constant 8 : i32
      %eq3A = arith.constant 0 : i32
      %eq3A_263 = arith.cmpi eq, %jit3A_262, %eq3A : i32
      %jit3A_264 = arith.constant 1 : i32
      %select_n3A_265 = arith.select %eq3A_263, %jit3A_264, %jit3A_262 : i32
      %rem3A_266 = arith.remsi %scan3A_243, %select_n3A_265 : i32
      %ne3A_267 = arith.constant 0 : i32
      %ne3A_268 = arith.cmpi ne, %rem3A_266, %ne3A_267 : i32
      %lt3A = arith.constant 0 : i32
      %lt3A_269 = arith.cmpi slt, %rem3A_266, %lt3A : i32
      %lt3A_270 = arith.constant 0 : i32
      %lt3A_271 = arith.cmpi slt, %select_n3A_265, %lt3A_270 : i32
      %ne3A_272 = arith.xori %lt3A_269, %lt3A_271 : i1
      %and3A_273 = arith.andi %ne3A_272, %ne3A_268 : i1
      %add3A_274 = arith.addi %rem3A_266, %select_n3A_265 : i32
      %select_n3A_275 = arith.select %and3A_273, %add3A_274, %rem3A_266 : i32
      %broadcast_in_dim3A = arith.constant 0.000000e+00 : f32
      %broadcast_in_dim3A_276 = vector.broadcast %broadcast_in_dim3A : f32 to vector<16xf32>
      %mul3A_277 = arith.constant 16 : i32
      %mul3A_278 = arith.muli %select_n3A_275, %mul3A_277 : i32
      %swap3A_279 = arith.index_cast %select_n3A : i32 to index
      %swap3A_280 = arith.index_cast %mul3A_278 : i32 to index
      %swap3A_281 = tpu.vector_load %arg10[%swap3A_279, %swap3A_280] {strides = array<i32>} : memref<128x128xf32, #tpu.memory_space<vmem>>, vector<1x16xf32>,
      %swap3A_282 = vector.shape_cast %swap3A_281 : vector<1x16xf32> to vector<16xf32>
      %swap3A_283 = vector.shape_cast %broadcast_in_dim3A_276 : vector<16xf32> to vector<1x16xf32>
      tpu.vector_store %arg10[%swap3A_279, %swap3A_280], %swap3A_283 {strides = array<i32>} : memref<128x128xf32, #tpu.memory_space<vmem>>, vector<1x16xf32>,
      %scan3A_284 = arith.constant 0 : i32
      scf.yield %scan3A_284 : i32
    }
    %scan3A_6 = arith.constant 1024 : i32
    %mul3A_7 = arith.constant 640 : i32
    %mul3A_8 = arith.muli %arg1, %mul3A_7 : i32
    %add3A_9 = arith.constant 0 : i32
    %add3A_10 = arith.addi %mul3A_8, %add3A_9 : i32
    "tpu.region"() ({
      %run_scoped3A = tpu.sem_alloc : memref<!tpu.dma_semaphore, #tpu.memory_space<semaphore_mem>>
      %dma_start3A_243 = arith.constant 0 : i32
      %dma_start3A_244 = tpu.memref_slice %arg12[%add3A_10, %dma_start3A_243] : memref<10240x128xf32, #tpu.memory_space<vmem_shared>> -> memref<128x128xf32, #tpu.memory_space<vmem_shared>>
      %dma_start3A_245 = arith.constant 0 : i32
      %dma_start3A_246 = tpu.memref_slice %arg12[%add3A_10, %dma_start3A_245] : memref<10240x128xf32, #tpu.memory_space<vmem_shared>> -> memref<128x128xf32, #tpu.memory_space<vmem_shared>>
      tpu.enqueue_dma source(%arg10 : memref<128x128xf32, #tpu.memory_space<vmem>>) target(%dma_start3A_246 : memref<128x128xf32, #tpu.memory_space<vmem_shared>>) target_semaphore(%run_scoped3A : memref<!tpu.dma_semaphore, #tpu.memory_space<semaphore_mem>>)
      %dma_wait3A = arith.constant 0 : i32
      %dma_wait3A_247 = tpu.memref_slice %arg12[%add3A_10, %dma_wait3A] : memref<10240x128xf32, #tpu.memory_space<vmem_shared>> -> memref<128x128xf32, #tpu.memory_space<vmem_shared>>
      %dma_wait3A_248 = arith.constant 0 : i32
      %dma_wait3A_249 = tpu.memref_slice %arg12[%add3A_10, %dma_wait3A_248] : memref<10240x128xf32, #tpu.memory_space<vmem_shared>> -> memref<128x128xf32, #tpu.memory_space<vmem_shared>>
      tpu.wait_dma2 semaphore(%run_scoped3A : memref<!tpu.dma_semaphore, #tpu.memory_space<semaphore_mem>>) src(%arg10 : memref<128x128xf32, #tpu.memory_space<vmem>>) dst(%dma_wait3A_249 : memref<128x128xf32, #tpu.memory_space<vmem_shared>>)
      tpu.yield
    }) : () -> ()
    %add3A_11 = arith.constant 128 : i32
    %add3A_12 = arith.addi %mul3A_8, %add3A_11 : i32
    "tpu.region"() ({
      %run_scoped3A = tpu.sem_alloc : memref<!tpu.dma_semaphore, #tpu.memory_space<semaphore_mem>>
      %dma_start3A_243 = arith.constant 0 : i32
      %dma_start3A_244 = tpu.memref_slice %arg12[%add3A_12, %dma_start3A_243] : memref<10240x128xf32, #tpu.memory_space<vmem_shared>> -> memref<128x128xf32, #tpu.memory_space<vmem_shared>>
      %dma_start3A_245 = arith.constant 0 : i32
      %dma_start3A_246 = tpu.memref_slice %arg12[%add3A_12, %dma_start3A_245] : memref<10240x128xf32, #tpu.memory_space<vmem_shared>> -> memref<128x128xf32, #tpu.memory_space<vmem_shared>>
      tpu.enqueue_dma source(%arg10 : memref<128x128xf32, #tpu.memory_space<vmem>>) target(%dma_start3A_246 : memref<128x128xf32, #tpu.memory_space<vmem_shared>>) target_semaphore(%run_scoped3A : memref<!tpu.dma_semaphore, #tpu.memory_space<semaphore_mem>>)
      %dma_wait3A = arith.constant 0 : i32
      %dma_wait3A_247 = tpu.memref_slice %arg12[%add3A_12, %dma_wait3A] : memref<10240x128xf32, #tpu.memory_space<vmem_shared>> -> memref<128x128xf32, #tpu.memory_space<vmem_shared>>
      %dma_wait3A_248 = arith.constant 0 : i32
      %dma_wait3A_249 = tpu.memref_slice %arg12[%add3A_12, %dma_wait3A_248] : memref<10240x128xf32, #tpu.memory_space<vmem_shared>> -> memref<128x128xf32, #tpu.memory_space<vmem_shared>>
      tpu.wait_dma2 semaphore(%run_scoped3A : memref<!tpu.dma_semaphore, #tpu.memory_space<semaphore_mem>>) src(%arg10 : memref<128x128xf32, #tpu.memory_space<vmem>>) dst(%dma_wait3A_249 : memref<128x128xf32, #tpu.memory_space<vmem_shared>>)
      tpu.yield
    }) : () -> ()
    %add3A_13 = arith.constant 256 : i32
    %add3A_14 = arith.addi %mul3A_8, %add3A_13 : i32
    "tpu.region"() ({
      %run_scoped3A = tpu.sem_alloc : memref<!tpu.dma_semaphore, #tpu.memory_space<semaphore_mem>>
      %dma_start3A_243 = arith.constant 0 : i32
      %dma_start3A_244 = tpu.memref_slice %arg12[%add3A_14, %dma_start3A_243] : memref<10240x128xf32, #tpu.memory_space<vmem_shared>> -> memref<128x128xf32, #tpu.memory_space<vmem_shared>>
      %dma_start3A_245 = arith.constant 0 : i32
      %dma_start3A_246 = tpu.memref_slice %arg12[%add3A_14, %dma_start3A_245] : memref<10240x128xf32, #tpu.memory_space<vmem_shared>> -> memref<128x128xf32, #tpu.memory_space<vmem_shared>>
      tpu.enqueue_dma source(%arg10 : memref<128x128xf32, #tpu.memory_space<vmem>>) target(%dma_start3A_246 : memref<128x128xf32, #tpu.memory_space<vmem_shared>>) target_semaphore(%run_scoped3A : memref<!tpu.dma_semaphore, #tpu.memory_space<semaphore_mem>>)
      %dma_wait3A = arith.constant 0 : i32
      %dma_wait3A_247 = tpu.memref_slice %arg12[%add3A_14, %dma_wait3A] : memref<10240x128xf32, #tpu.memory_space<vmem_shared>> -> memref<128x128xf32, #tpu.memory_space<vmem_shared>>
      %dma_wait3A_248 = arith.constant 0 : i32
      %dma_wait3A_249 = tpu.memref_slice %arg12[%add3A_14, %dma_wait3A_248] : memref<10240x128xf32, #tpu.memory_space<vmem_shared>> -> memref<128x128xf32, #tpu.memory_space<vmem_shared>>
      tpu.wait_dma2 semaphore(%run_scoped3A : memref<!tpu.dma_semaphore, #tpu.memory_space<semaphore_mem>>) src(%arg10 : memref<128x128xf32, #tpu.memory_space<vmem>>) dst(%dma_wait3A_249 : memref<128x128xf32, #tpu.memory_space<vmem_shared>>)
      tpu.yield
    }) : () -> ()
    %add3A_15 = arith.constant 384 : i32
    %add3A_16 = arith.addi %mul3A_8, %add3A_15 : i32
    "tpu.region"() ({
      %run_scoped3A = tpu.sem_alloc : memref<!tpu.dma_semaphore, #tpu.memory_space<semaphore_mem>>
      %dma_start3A_243 = arith.constant 0 : i32
      %dma_start3A_244 = tpu.memref_slice %arg12[%add3A_16, %dma_start3A_243] : memref<10240x128xf32, #tpu.memory_space<vmem_shared>> -> memref<128x128xf32, #tpu.memory_space<vmem_shared>>
      %dma_start3A_245 = arith.constant 0 : i32
      %dma_start3A_246 = tpu.memref_slice %arg12[%add3A_16, %dma_start3A_245] : memref<10240x128xf32, #tpu.memory_space<vmem_shared>> -> memref<128x128xf32, #tpu.memory_space<vmem_shared>>
      tpu.enqueue_dma source(%arg10 : memref<128x128xf32, #tpu.memory_space<vmem>>) target(%dma_start3A_246 : memref<128x128xf32, #tpu.memory_space<vmem_shared>>) target_semaphore(%run_scoped3A : memref<!tpu.dma_semaphore, #tpu.memory_space<semaphore_mem>>)
      %dma_wait3A = arith.constant 0 : i32
      %dma_wait3A_247 = tpu.memref_slice %arg12[%add3A_16, %dma_wait3A] : memref<10240x128xf32, #tpu.memory_space<vmem_shared>> -> memref<128x128xf32, #tpu.memory_space<vmem_shared>>
      %dma_wait3A_248 = arith.constant 0 : i32
      %dma_wait3A_249 = tpu.memref_slice %arg12[%add3A_16, %dma_wait3A_248] : memref<10240x128xf32, #tpu.memory_space<vmem_shared>> -> memref<128x128xf32, #tpu.memory_space<vmem_shared>>
      tpu.wait_dma2 semaphore(%run_scoped3A : memref<!tpu.dma_semaphore, #tpu.memory_space<semaphore_mem>>) src(%arg10 : memref<128x128xf32, #tpu.memory_space<vmem>>) dst(%dma_wait3A_249 : memref<128x128xf32, #tpu.memory_space<vmem_shared>>)
      tpu.yield
    }) : () -> ()
    %add3A_17 = arith.constant 512 : i32
    %add3A_18 = arith.addi %mul3A_8, %add3A_17 : i32
    "tpu.region"() ({
      %run_scoped3A = tpu.sem_alloc : memref<!tpu.dma_semaphore, #tpu.memory_space<semaphore_mem>>
      %dma_start3A_243 = arith.constant 0 : i32
      %dma_start3A_244 = tpu.memref_slice %arg12[%add3A_18, %dma_start3A_243] : memref<10240x128xf32, #tpu.memory_space<vmem_shared>> -> memref<128x128xf32, #tpu.memory_space<vmem_shared>>
      %dma_start3A_245 = arith.constant 0 : i32
      %dma_start3A_246 = tpu.memref_slice %arg12[%add3A_18, %dma_start3A_245] : memref<10240x128xf32, #tpu.memory_space<vmem_shared>> -> memref<128x128xf32, #tpu.memory_space<vmem_shared>>
      tpu.enqueue_dma source(%arg10 : memref<128x128xf32, #tpu.memory_space<vmem>>) target(%dma_start3A_246 : memref<128x128xf32, #tpu.memory_space<vmem_shared>>) target_semaphore(%run_scoped3A : memref<!tpu.dma_semaphore, #tpu.memory_space<semaphore_mem>>)
      %dma_wait3A = arith.constant 0 : i32
      %dma_wait3A_247 = tpu.memref_slice %arg12[%add3A_18, %dma_wait3A] : memref<10240x128xf32, #tpu.memory_space<vmem_shared>> -> memref<128x128xf32, #tpu.memory_space<vmem_shared>>
      %dma_wait3A_248 = arith.constant 0 : i32
      %dma_wait3A_249 = tpu.memref_slice %arg12[%add3A_18, %dma_wait3A_248] : memref<10240x128xf32, #tpu.memory_space<vmem_shared>> -> memref<128x128xf32, #tpu.memory_space<vmem_shared>>
      tpu.wait_dma2 semaphore(%run_scoped3A : memref<!tpu.dma_semaphore, #tpu.memory_space<semaphore_mem>>) src(%arg10 : memref<128x128xf32, #tpu.memory_space<vmem>>) dst(%dma_wait3A_249 : memref<128x128xf32, #tpu.memory_space<vmem_shared>>)
      tpu.yield
    }) : () -> ()
    %barrier3A = arith.constant 0 : index
    tpu.barrier barrier_id(%barrier3A)
    %mul3A_19 = arith.constant 80 : i32
    %mul3A_20 = arith.muli %add3A, %mul3A_19 : i32
    "tpu.region"() ({
      %run_scoped3A = tpu.sem_alloc : memref<!tpu.dma_semaphore, #tpu.memory_space<semaphore_mem>>
      %dma_start3A_243 = arith.constant 0 : i32
      %dma_start3A_244 = tpu.memref_slice %arg2[%mul3A_20, %dma_start3A_243] : memref<2560x128xi32, #tpu.memory_space<hbm>> -> memref<80x128xi32, #tpu.memory_space<hbm>>
      %dma_start3A_245 = arith.constant 0 : i32
      %dma_start3A_246 = tpu.memref_slice %arg2[%mul3A_20, %dma_start3A_245] : memref<2560x128xi32, #tpu.memory_space<hbm>> -> memref<80x128xi32, #tpu.memory_space<hbm>>
      tpu.enqueue_dma source(%dma_start3A_246 : memref<80x128xi32, #tpu.memory_space<hbm>>) target(%arg5 : memref<80x128xi32, #tpu.memory_space<vmem>>) target_semaphore(%run_scoped3A : memref<!tpu.dma_semaphore, #tpu.memory_space<semaphore_mem>>)
      %dma_wait3A = arith.constant 0 : i32
      %dma_wait3A_247 = tpu.memref_slice %arg2[%mul3A_20, %dma_wait3A] : memref<2560x128xi32, #tpu.memory_space<hbm>> -> memref<80x128xi32, #tpu.memory_space<hbm>>
      %dma_wait3A_248 = arith.constant 0 : i32
      %dma_wait3A_249 = tpu.memref_slice %arg2[%mul3A_20, %dma_wait3A_248] : memref<2560x128xi32, #tpu.memory_space<hbm>> -> memref<80x128xi32, #tpu.memory_space<hbm>>
      tpu.wait_dma2 semaphore(%run_scoped3A : memref<!tpu.dma_semaphore, #tpu.memory_space<semaphore_mem>>) src(%dma_wait3A_249 : memref<80x128xi32, #tpu.memory_space<hbm>>) dst(%arg5 : memref<80x128xi32, #tpu.memory_space<vmem>>)
      tpu.yield
    }) : () -> ()
    %get3A = arith.constant 0 : i32
    %get3A_21 = arith.index_cast %get3A : i32 to index
    %get3A_22 = arith.constant 0 : index
    %get3A_23 = tpu.vector_load %arg5[%get3A_21, %get3A_22] {strides = array<i32>} : memref<80x128xi32, #tpu.memory_space<vmem>>, vector<1x16xi32>,
    %get3A_24 = vector.shape_cast %get3A_23 : vector<1x16xi32> to vector<16xi32>
    %and3A = arith.constant 16383 : i32
    %and3A_25 = vector.broadcast %and3A : i32 to vector<16xi32>
    %and3A_26 = arith.andi %get3A_24, %and3A_25 : vector<16xi32>
    %swap3A = arith.constant 0 : index
    %swap3A_27 = tpu.vector_load %arg6[%swap3A] {strides = array<i32>} : memref<128xi32, #tpu.memory_space<vmem>>, vector<16xi32>,
    %swap3A_28 = vector.shape_cast %swap3A_27 : vector<16xi32> to vector<16xi32>
    %swap3A_29 = vector.shape_cast %and3A_26 : vector<16xi32> to vector<16xi32>
    tpu.vector_store %arg6[%swap3A], %swap3A_29 {strides = array<i32>} : memref<128xi32, #tpu.memory_space<vmem>>, vector<16xi32>,
    %get3A_30 = arith.constant 0 : i32
    %get3A_31 = arith.index_cast %get3A_30 : i32 to index
    %get3A_32 = arith.constant 16 : index
    %get3A_33 = tpu.vector_load %arg5[%get3A_31, %get3A_32] {strides = array<i32>} : memref<80x128xi32, #tpu.memory_space<vmem>>, vector<1x16xi32>,
    %get3A_34 = vector.shape_cast %get3A_33 : vector<1x16xi32> to vector<16xi32>
    %and3A_35 = arith.constant 16383 : i32
    %and3A_36 = vector.broadcast %and3A_35 : i32 to vector<16xi32>
    %and3A_37 = arith.andi %get3A_34, %and3A_36 : vector<16xi32>
    %swap3A_38 = arith.constant 16 : index
    %swap3A_39 = tpu.vector_load %arg6[%swap3A_38] {strides = array<i32>} : memref<128xi32, #tpu.memory_space<vmem>>, vector<16xi32>,
    %swap3A_40 = vector.shape_cast %swap3A_39 : vector<16xi32> to vector<16xi32>
    %swap3A_41 = vector.shape_cast %and3A_37 : vector<16xi32> to vector<16xi32>
    tpu.vector_store %arg6[%swap3A_38], %swap3A_41 {strides = array<i32>} : memref<128xi32, #tpu.memory_space<vmem>>, vector<16xi32>,
    %get3A_42 = arith.constant 0 : i32
    %get3A_43 = arith.index_cast %get3A_42 : i32 to index
    %get3A_44 = arith.constant 32 : index
    %get3A_45 = tpu.vector_load %arg5[%get3A_43, %get3A_44] {strides = array<i32>} : memref<80x128xi32, #tpu.memory_space<vmem>>, vector<1x16xi32>,
    %get3A_46 = vector.shape_cast %get3A_45 : vector<1x16xi32> to vector<16xi32>
    %and3A_47 = arith.constant 16383 : i32
    %and3A_48 = vector.broadcast %and3A_47 : i32 to vector<16xi32>
    %and3A_49 = arith.andi %get3A_46, %and3A_48 : vector<16xi32>
    %swap3A_50 = arith.constant 32 : index
    %swap3A_51 = tpu.vector_load %arg6[%swap3A_50] {strides = array<i32>} : memref<128xi32, #tpu.memory_space<vmem>>, vector<16xi32>,
    %swap3A_52 = vector.shape_cast %swap3A_51 : vector<16xi32> to vector<16xi32>
    %swap3A_53 = vector.shape_cast %and3A_49 : vector<16xi32> to vector<16xi32>
    tpu.vector_store %arg6[%swap3A_50], %swap3A_53 {strides = array<i32>} : memref<128xi32, #tpu.memory_space<vmem>>, vector<16xi32>,
    %get3A_54 = arith.constant 0 : i32
    %get3A_55 = arith.index_cast %get3A_54 : i32 to index
    %get3A_56 = arith.constant 48 : index
    %get3A_57 = tpu.vector_load %arg5[%get3A_55, %get3A_56] {strides = array<i32>} : memref<80x128xi32, #tpu.memory_space<vmem>>, vector<1x16xi32>,
    %get3A_58 = vector.shape_cast %get3A_57 : vector<1x16xi32> to vector<16xi32>
    %and3A_59 = arith.constant 16383 : i32
    %and3A_60 = vector.broadcast %and3A_59 : i32 to vector<16xi32>
    %and3A_61 = arith.andi %get3A_58, %and3A_60 : vector<16xi32>
    %swap3A_62 = arith.constant 48 : index
    %swap3A_63 = tpu.vector_load %arg6[%swap3A_62] {strides = array<i32>} : memref<128xi32, #tpu.memory_space<vmem>>, vector<16xi32>,
    %swap3A_64 = vector.shape_cast %swap3A_63 : vector<16xi32> to vector<16xi32>
    %swap3A_65 = vector.shape_cast %and3A_61 : vector<16xi32> to vector<16xi32>
    tpu.vector_store %arg6[%swap3A_62], %swap3A_65 {strides = array<i32>} : memref<128xi32, #tpu.memory_space<vmem>>, vector<16xi32>,
    %get3A_66 = arith.constant 0 : i32
    %get3A_67 = arith.index_cast %get3A_66 : i32 to index
    %get3A_68 = arith.constant 64 : index
    %get3A_69 = tpu.vector_load %arg5[%get3A_67, %get3A_68] {strides = array<i32>} : memref<80x128xi32, #tpu.memory_space<vmem>>, vector<1x16xi32>,
    %get3A_70 = vector.shape_cast %get3A_69 : vector<1x16xi32> to vector<16xi32>
    %and3A_71 = arith.constant 16383 : i32
    %and3A_72 = vector.broadcast %and3A_71 : i32 to vector<16xi32>
    %and3A_73 = arith.andi %get3A_70, %and3A_72 : vector<16xi32>
    %swap3A_74 = arith.constant 64 : index
    %swap3A_75 = tpu.vector_load %arg6[%swap3A_74] {strides = array<i32>} : memref<128xi32, #tpu.memory_space<vmem>>, vector<16xi32>,
    %swap3A_76 = vector.shape_cast %swap3A_75 : vector<16xi32> to vector<16xi32>
    %swap3A_77 = vector.shape_cast %and3A_73 : vector<16xi32> to vector<16xi32>
    tpu.vector_store %arg6[%swap3A_74], %swap3A_77 {strides = array<i32>} : memref<128xi32, #tpu.memory_space<vmem>>, vector<16xi32>,
    %get3A_78 = arith.constant 0 : i32
    %get3A_79 = arith.index_cast %get3A_78 : i32 to index
    %get3A_80 = arith.constant 80 : index
    %get3A_81 = tpu.vector_load %arg5[%get3A_79, %get3A_80] {strides = array<i32>} : memref<80x128xi32, #tpu.memory_space<vmem>>, vector<1x16xi32>,
    %get3A_82 = vector.shape_cast %get3A_81 : vector<1x16xi32> to vector<16xi32>
    %and3A_83 = arith.constant 16383 : i32
    %and3A_84 = vector.broadcast %and3A_83 : i32 to vector<16xi32>
    %and3A_85 = arith.andi %get3A_82, %and3A_84 : vector<16xi32>
    %swap3A_86 = arith.constant 80 : index
    %swap3A_87 = tpu.vector_load %arg6[%swap3A_86] {strides = array<i32>} : memref<128xi32, #tpu.memory_space<vmem>>, vector<16xi32>,
    %swap3A_88 = vector.shape_cast %swap3A_87 : vector<16xi32> to vector<16xi32>
    %swap3A_89 = vector.shape_cast %and3A_85 : vector<16xi32> to vector<16xi32>
    tpu.vector_store %arg6[%swap3A_86], %swap3A_89 {strides = array<i32>} : memref<128xi32, #tpu.memory_space<vmem>>, vector<16xi32>,
    %get3A_90 = arith.constant 0 : i32
    %get3A_91 = arith.index_cast %get3A_90 : i32 to index
    %get3A_92 = arith.constant 96 : index
    %get3A_93 = tpu.vector_load %arg5[%get3A_91, %get3A_92] {strides = array<i32>} : memref<80x128xi32, #tpu.memory_space<vmem>>, vector<1x16xi32>,
    %get3A_94 = vector.shape_cast %get3A_93 : vector<1x16xi32> to vector<16xi32>
    %and3A_95 = arith.constant 16383 : i32
    %and3A_96 = vector.broadcast %and3A_95 : i32 to vector<16xi32>
    %and3A_97 = arith.andi %get3A_94, %and3A_96 : vector<16xi32>
    %swap3A_98 = arith.constant 96 : index
    %swap3A_99 = tpu.vector_load %arg6[%swap3A_98] {strides = array<i32>} : memref<128xi32, #tpu.memory_space<vmem>>, vector<16xi32>,
    %swap3A_100 = vector.shape_cast %swap3A_99 : vector<16xi32> to vector<16xi32>
    %swap3A_101 = vector.shape_cast %and3A_97 : vector<16xi32> to vector<16xi32>
    tpu.vector_store %arg6[%swap3A_98], %swap3A_101 {strides = array<i32>} : memref<128xi32, #tpu.memory_space<vmem>>, vector<16xi32>,
    %get3A_102 = arith.constant 0 : i32
    %get3A_103 = arith.index_cast %get3A_102 : i32 to index
    %get3A_104 = arith.constant 112 : index
    %get3A_105 = tpu.vector_load %arg5[%get3A_103, %get3A_104] {strides = array<i32>} : memref<80x128xi32, #tpu.memory_space<vmem>>, vector<1x16xi32>,
    %get3A_106 = vector.shape_cast %get3A_105 : vector<1x16xi32> to vector<16xi32>
    %and3A_107 = arith.constant 16383 : i32
    %and3A_108 = vector.broadcast %and3A_107 : i32 to vector<16xi32>
    %and3A_109 = arith.andi %get3A_106, %and3A_108 : vector<16xi32>
    %swap3A_110 = arith.constant 112 : index
    %swap3A_111 = tpu.vector_load %arg6[%swap3A_110] {strides = array<i32>} : memref<128xi32, #tpu.memory_space<vmem>>, vector<16xi32>,
    %swap3A_112 = vector.shape_cast %swap3A_111 : vector<16xi32> to vector<16xi32>
    %swap3A_113 = vector.shape_cast %and3A_109 : vector<16xi32> to vector<16xi32>
    tpu.vector_store %arg6[%swap3A_110], %swap3A_113 {strides = array<i32>} : memref<128xi32, #tpu.memory_space<vmem>>, vector<16xi32>,
    %dma_start3A = arith.constant 0 : i32
    %dma_start3A_114 = arith.constant 0 : i32
    %dma_start3A_115 = tpu.memref_slice %arg3[%dma_start3A, %dma_start3A_114] : memref<10240x128xf32, #tpu.memory_space<hbm>> -> memref<10240x128xf32, #tpu.memory_space<hbm>>
    tpu.enqueue_indirect_dma source(%dma_start3A_115 : memref<10240x128xf32, #tpu.memory_space<hbm>>) target(%arg10 : memref<128x128xf32, #tpu.memory_space<vmem>>) offsets(%arg6 : memref<128xi32, #tpu.memory_space<vmem>>) semaphore(%arg13 : memref<!tpu.dma_semaphore, #tpu.memory_space<semaphore_mem>>)
    %get3A_116 = arith.constant 1 : i32
    %get3A_117 = arith.index_cast %get3A_116 : i32 to index
    %get3A_118 = arith.constant 0 : index
    %get3A_119 = tpu.vector_load %arg5[%get3A_117, %get3A_118] {strides = array<i32>} : memref<80x128xi32, #tpu.memory_space<vmem>>, vector<1x16xi32>,
    %get3A_120 = vector.shape_cast %get3A_119 : vector<1x16xi32> to vector<16xi32>
    %and3A_121 = arith.constant 16383 : i32
    %and3A_122 = vector.broadcast %and3A_121 : i32 to vector<16xi32>
    %and3A_123 = arith.andi %get3A_120, %and3A_122 : vector<16xi32>
    %swap3A_124 = arith.constant 0 : index
    %swap3A_125 = tpu.vector_load %arg7[%swap3A_124] {strides = array<i32>} : memref<128xi32, #tpu.memory_space<vmem>>, vector<16xi32>,
    %swap3A_126 = vector.shape_cast %swap3A_125 : vector<16xi32> to vector<16xi32>
    %swap3A_127 = vector.shape_cast %and3A_123 : vector<16xi32> to vector<16xi32>
    tpu.vector_store %arg7[%swap3A_124], %swap3A_127 {strides = array<i32>} : memref<128xi32, #tpu.memory_space<vmem>>, vector<16xi32>,
    %get3A_128 = arith.constant 1 : i32
    %get3A_129 = arith.index_cast %get3A_128 : i32 to index
    %get3A_130 = arith.constant 16 : index
    %get3A_131 = tpu.vector_load %arg5[%get3A_129, %get3A_130] {strides = array<i32>} : memref<80x128xi32, #tpu.memory_space<vmem>>, vector<1x16xi32>,
    %get3A_132 = vector.shape_cast %get3A_131 : vector<1x16xi32> to vector<16xi32>
    %and3A_133 = arith.constant 16383 : i32
    %and3A_134 = vector.broadcast %and3A_133 : i32 to vector<16xi32>
    %and3A_135 = arith.andi %get3A_132, %and3A_134 : vector<16xi32>
    %swap3A_136 = arith.constant 16 : index
    %swap3A_137 = tpu.vector_load %arg7[%swap3A_136] {strides = array<i32>} : memref<128xi32, #tpu.memory_space<vmem>>, vector<16xi32>,
    %swap3A_138 = vector.shape_cast %swap3A_137 : vector<16xi32> to vector<16xi32>
    %swap3A_139 = vector.shape_cast %and3A_135 : vector<16xi32> to vector<16xi32>
    tpu.vector_store %arg7[%swap3A_136], %swap3A_139 {strides = array<i32>} : memref<128xi32, #tpu.memory_space<vmem>>, vector<16xi32>,
    %get3A_140 = arith.constant 1 : i32
    %get3A_141 = arith.index_cast %get3A_140 : i32 to index
    %get3A_142 = arith.constant 32 : index
    %get3A_143 = tpu.vector_load %arg5[%get3A_141, %get3A_142] {strides = array<i32>} : memref<80x128xi32, #tpu.memory_space<vmem>>, vector<1x16xi32>,
    %get3A_144 = vector.shape_cast %get3A_143 : vector<1x16xi32> to vector<16xi32>
    %and3A_145 = arith.constant 16383 : i32
    %and3A_146 = vector.broadcast %and3A_145 : i32 to vector<16xi32>
    %and3A_147 = arith.andi %get3A_144, %and3A_146 : vector<16xi32>
    %swap3A_148 = arith.constant 32 : index
    %swap3A_149 = tpu.vector_load %arg7[%swap3A_148] {strides = array<i32>} : memref<128xi32, #tpu.memory_space<vmem>>, vector<16xi32>,
    %swap3A_150 = vector.shape_cast %swap3A_149 : vector<16xi32> to vector<16xi32>
    %swap3A_151 = vector.shape_cast %and3A_147 : vector<16xi32> to vector<16xi32>
    tpu.vector_store %arg7[%swap3A_148], %swap3A_151 {strides = array<i32>} : memref<128xi32, #tpu.memory_space<vmem>>, vector<16xi32>,
    %get3A_152 = arith.constant 1 : i32
    %get3A_153 = arith.index_cast %get3A_152 : i32 to index
    %get3A_154 = arith.constant 48 : index
    %get3A_155 = tpu.vector_load %arg5[%get3A_153, %get3A_154] {strides = array<i32>} : memref<80x128xi32, #tpu.memory_space<vmem>>, vector<1x16xi32>,
    %get3A_156 = vector.shape_cast %get3A_155 : vector<1x16xi32> to vector<16xi32>
    %and3A_157 = arith.constant 16383 : i32
    %and3A_158 = vector.broadcast %and3A_157 : i32 to vector<16xi32>
    %and3A_159 = arith.andi %get3A_156, %and3A_158 : vector<16xi32>
    %swap3A_160 = arith.constant 48 : index
    %swap3A_161 = tpu.vector_load %arg7[%swap3A_160] {strides = array<i32>} : memref<128xi32, #tpu.memory_space<vmem>>, vector<16xi32>,
    %swap3A_162 = vector.shape_cast %swap3A_161 : vector<16xi32> to vector<16xi32>
    %swap3A_163 = vector.shape_cast %and3A_159 : vector<16xi32> to vector<16xi32>
    tpu.vector_store %arg7[%swap3A_160], %swap3A_163 {strides = array<i32>} : memref<128xi32, #tpu.memory_space<vmem>>, vector<16xi32>,
    %get3A_164 = arith.constant 1 : i32
    %get3A_165 = arith.index_cast %get3A_164 : i32 to index
    %get3A_166 = arith.constant 64 : index
    %get3A_167 = tpu.vector_load %arg5[%get3A_165, %get3A_166] {strides = array<i32>} : memref<80x128xi32, #tpu.memory_space<vmem>>, vector<1x16xi32>,
    %get3A_168 = vector.shape_cast %get3A_167 : vector<1x16xi32> to vector<16xi32>
    %and3A_169 = arith.constant 16383 : i32
    %and3A_170 = vector.broadcast %and3A_169 : i32 to vector<16xi32>
    %and3A_171 = arith.andi %get3A_168, %and3A_170 : vector<16xi32>
    %swap3A_172 = arith.constant 64 : index
    %swap3A_173 = tpu.vector_load %arg7[%swap3A_172] {strides = array<i32>} : memref<128xi32, #tpu.memory_space<vmem>>, vector<16xi32>,
    %swap3A_174 = vector.shape_cast %swap3A_173 : vector<16xi32> to vector<16xi32>
    %swap3A_175 = vector.shape_cast %and3A_171 : vector<16xi32> to vector<16xi32>
    tpu.vector_store %arg7[%swap3A_172], %swap3A_175 {strides = array<i32>} : memref<128xi32, #tpu.memory_space<vmem>>, vector<16xi32>,
    %get3A_176 = arith.constant 1 : i32
    %get3A_177 = arith.index_cast %get3A_176 : i32 to index
    %get3A_178 = arith.constant 80 : index
    %get3A_179 = tpu.vector_load %arg5[%get3A_177, %get3A_178] {strides = array<i32>} : memref<80x128xi32, #tpu.memory_space<vmem>>, vector<1x16xi32>,
    %get3A_180 = vector.shape_cast %get3A_179 : vector<1x16xi32> to vector<16xi32>
    %and3A_181 = arith.constant 16383 : i32
    %and3A_182 = vector.broadcast %and3A_181 : i32 to vector<16xi32>
    %and3A_183 = arith.andi %get3A_180, %and3A_182 : vector<16xi32>
    %swap3A_184 = arith.constant 80 : index
    %swap3A_185 = tpu.vector_load %arg7[%swap3A_184] {strides = array<i32>} : memref<128xi32, #tpu.memory_space<vmem>>, vector<16xi32>,
    %swap3A_186 = vector.shape_cast %swap3A_185 : vector<16xi32> to vector<16xi32>
    %swap3A_187 = vector.shape_cast %and3A_183 : vector<16xi32> to vector<16xi32>
    tpu.vector_store %arg7[%swap3A_184], %swap3A_187 {strides = array<i32>} : memref<128xi32, #tpu.memory_space<vmem>>, vector<16xi32>,
    %get3A_188 = arith.constant 1 : i32
    %get3A_189 = arith.index_cast %get3A_188 : i32 to index
    %get3A_190 = arith.constant 96 : index
    %get3A_191 = tpu.vector_load %arg5[%get3A_189, %get3A_190] {strides = array<i32>} : memref<80x128xi32, #tpu.memory_space<vmem>>, vector<1x16xi32>,
    %get3A_192 = vector.shape_cast %get3A_191 : vector<1x16xi32> to vector<16xi32>
    %and3A_193 = arith.constant 16383 : i32
    %and3A_194 = vector.broadcast %and3A_193 : i32 to vector<16xi32>
    %and3A_195 = arith.andi %get3A_192, %and3A_194 : vector<16xi32>
    %swap3A_196 = arith.constant 96 : index
    %swap3A_197 = tpu.vector_load %arg7[%swap3A_196] {strides = array<i32>} : memref<128xi32, #tpu.memory_space<vmem>>, vector<16xi32>,
    %swap3A_198 = vector.shape_cast %swap3A_197 : vector<16xi32> to vector<16xi32>
    %swap3A_199 = vector.shape_cast %and3A_195 : vector<16xi32> to vector<16xi32>
    tpu.vector_store %arg7[%swap3A_196], %swap3A_199 {strides = array<i32>} : memref<128xi32, #tpu.memory_space<vmem>>, vector<16xi32>,
    %get3A_200 = arith.constant 1 : i32
    %get3A_201 = arith.index_cast %get3A_200 : i32 to index
    %get3A_202 = arith.constant 112 : index
    %get3A_203 = tpu.vector_load %arg5[%get3A_201, %get3A_202] {strides = array<i32>} : memref<80x128xi32, #tpu.memory_space<vmem>>, vector<1x16xi32>,
    %get3A_204 = vector.shape_cast %get3A_203 : vector<1x16xi32> to vector<16xi32>
    %and3A_205 = arith.constant 16383 : i32
    %and3A_206 = vector.broadcast %and3A_205 : i32 to vector<16xi32>
    %and3A_207 = arith.andi %get3A_204, %and3A_206 : vector<16xi32>
    %swap3A_208 = arith.constant 112 : index
    %swap3A_209 = tpu.vector_load %arg7[%swap3A_208] {strides = array<i32>} : memref<128xi32, #tpu.memory_space<vmem>>, vector<16xi32>,
    %swap3A_210 = vector.shape_cast %swap3A_209 : vector<16xi32> to vector<16xi32>
    %swap3A_211 = vector.shape_cast %and3A_207 : vector<16xi32> to vector<16xi32>
    tpu.vector_store %arg7[%swap3A_208], %swap3A_211 {strides = array<i32>} : memref<128xi32, #tpu.memory_space<vmem>>, vector<16xi32>,
    %dma_start3A_212 = arith.constant 0 : i32
    %dma_start3A_213 = arith.constant 0 : i32
    %dma_start3A_214 = tpu.memref_slice %arg3[%dma_start3A_212, %dma_start3A_213] : memref<10240x128xf32, #tpu.memory_space<hbm>> -> memref<10240x128xf32, #tpu.memory_space<hbm>>
    tpu.enqueue_indirect_dma source(%dma_start3A_214 : memref<10240x128xf32, #tpu.memory_space<hbm>>) target(%arg11 : memref<128x128xf32, #tpu.memory_space<vmem>>) offsets(%arg7 : memref<128xi32, #tpu.memory_space<vmem>>) semaphore(%arg14 : memref<!tpu.dma_semaphore, #tpu.memory_space<semaphore_mem>>)
    %scan3A_215 = arith.constant 0 : i32
    %scan3A_216 = arith.constant 0 : i32
    %scan3A_217 = arith.constant 40 : i32
    %scan3A_218 = arith.addi %scan3A_216, %scan3A_217 : i32
    %scan3A_219 = arith.constant 1 : i32
    %scan3A_220 = scf.for %scan3A_243 = %scan3A_216 to %scan3A_218 step %scan3A_219 iter_args(%scan3A_244 = %scan3A_215) -> (i32)  : i32 {
      %mul3A_245 = arith.constant 2 : i32
      %mul3A_246 = arith.muli %scan3A_243, %mul3A_245 : i32
      %add3A_247 = arith.constant 0 : i32
      %add3A_248 = arith.addi %mul3A_246, %add3A_247 : i32
      %dma_wait3A = arith.constant 0 : i32
      %dma_wait3A_249 = arith.constant 0 : i32
      %dma_wait3A_250 = tpu.memref_slice %arg3[%dma_wait3A, %dma_wait3A_249] : memref<10240x128xf32, #tpu.memory_space<hbm>> -> memref<10240x128xf32, #tpu.memory_space<hbm>>
      tpu.wait_indirect_dma semaphore(%arg13 : memref<!tpu.dma_semaphore, #tpu.memory_space<semaphore_mem>>) src(%dma_wait3A_250 : memref<10240x128xf32, #tpu.memory_space<hbm>>) dst(%arg10 : memref<128x128xf32, #tpu.memory_space<vmem>>)
      %get3A_251 = arith.index_cast %add3A_248 : i32 to index
      %get3A_252 = arith.constant 0 : index
      %get3A_253 = tpu.vector_load %arg5[%get3A_251, %get3A_252] {strides = array<i32>} : memref<80x128xi32, #tpu.memory_space<vmem>>, vector<1x16xi32>,
      %get3A_254 = vector.shape_cast %get3A_253 : vector<1x16xi32> to vector<16xi32>
      %shift_right_logical3A = arith.constant 14 : i32
      %shift_right_logical3A_255 = vector.broadcast %shift_right_logical3A : i32 to vector<16xi32>
      %shift_right_logical3A_256 = arith.shrui %get3A_254, %shift_right_logical3A_255 : vector<16xi32>
      %swap3A_257 = arith.constant 0 : index
      %swap3A_258 = tpu.vector_load %arg8[%swap3A_257] {strides = array<i32>} : memref<128xi32, #tpu.memory_space<vmem>>, vector<16xi32>,
      %swap3A_259 = vector.shape_cast %swap3A_258 : vector<16xi32> to vector<16xi32>
      %swap3A_260 = vector.shape_cast %shift_right_logical3A_256 : vector<16xi32> to vector<16xi32>
      tpu.vector_store %arg8[%swap3A_257], %swap3A_260 {strides = array<i32>} : memref<128xi32, #tpu.memory_space<vmem>>, vector<16xi32>,
      %get3A_261 = arith.index_cast %add3A_248 : i32 to index
      %get3A_262 = arith.constant 16 : index
      %get3A_263 = tpu.vector_load %arg5[%get3A_261, %get3A_262] {strides = array<i32>} : memref<80x128xi32, #tpu.memory_space<vmem>>, vector<1x16xi32>,
      %get3A_264 = vector.shape_cast %get3A_263 : vector<1x16xi32> to vector<16xi32>
      %shift_right_logical3A_265 = arith.constant 14 : i32
      %shift_right_logical3A_266 = vector.broadcast %shift_right_logical3A_265 : i32 to vector<16xi32>
      %shift_right_logical3A_267 = arith.shrui %get3A_264, %shift_right_logical3A_266 : vector<16xi32>
      %swap3A_268 = arith.constant 16 : index
      %swap3A_269 = tpu.vector_load %arg8[%swap3A_268] {strides = array<i32>} : memref<128xi32, #tpu.memory_space<vmem>>, vector<16xi32>,
      %swap3A_270 = vector.shape_cast %swap3A_269 : vector<16xi32> to vector<16xi32>
      %swap3A_271 = vector.shape_cast %shift_right_logical3A_267 : vector<16xi32> to vector<16xi32>
      tpu.vector_store %arg8[%swap3A_268], %swap3A_271 {strides = array<i32>} : memref<128xi32, #tpu.memory_space<vmem>>, vector<16xi32>,
      %get3A_272 = arith.index_cast %add3A_248 : i32 to index
      %get3A_273 = arith.constant 32 : index
      %get3A_274 = tpu.vector_load %arg5[%get3A_272, %get3A_273] {strides = array<i32>} : memref<80x128xi32, #tpu.memory_space<vmem>>, vector<1x16xi32>,
      %get3A_275 = vector.shape_cast %get3A_274 : vector<1x16xi32> to vector<16xi32>
      %shift_right_logical3A_276 = arith.constant 14 : i32
      %shift_right_logical3A_277 = vector.broadcast %shift_right_logical3A_276 : i32 to vector<16xi32>
      %shift_right_logical3A_278 = arith.shrui %get3A_275, %shift_right_logical3A_277 : vector<16xi32>
      %swap3A_279 = arith.constant 32 : index
      %swap3A_280 = tpu.vector_load %arg8[%swap3A_279] {strides = array<i32>} : memref<128xi32, #tpu.memory_space<vmem>>, vector<16xi32>,
      %swap3A_281 = vector.shape_cast %swap3A_280 : vector<16xi32> to vector<16xi32>
      %swap3A_282 = vector.shape_cast %shift_right_logical3A_278 : vector<16xi32> to vector<16xi32>
      tpu.vector_store %arg8[%swap3A_279], %swap3A_282 {strides = array<i32>} : memref<128xi32, #tpu.memory_space<vmem>>, vector<16xi32>,
      %get3A_283 = arith.index_cast %add3A_248 : i32 to index
      %get3A_284 = arith.constant 48 : index
      %get3A_285 = tpu.vector_load %arg5[%get3A_283, %get3A_284] {strides = array<i32>} : memref<80x128xi32, #tpu.memory_space<vmem>>, vector<1x16xi32>,
      %get3A_286 = vector.shape_cast %get3A_285 : vector<1x16xi32> to vector<16xi32>
      %shift_right_logical3A_287 = arith.constant 14 : i32
      %shift_right_logical3A_288 = vector.broadcast %shift_right_logical3A_287 : i32 to vector<16xi32>
      %shift_right_logical3A_289 = arith.shrui %get3A_286, %shift_right_logical3A_288 : vector<16xi32>
      %swap3A_290 = arith.constant 48 : index
      %swap3A_291 = tpu.vector_load %arg8[%swap3A_290] {strides = array<i32>} : memref<128xi32, #tpu.memory_space<vmem>>, vector<16xi32>,
      %swap3A_292 = vector.shape_cast %swap3A_291 : vector<16xi32> to vector<16xi32>
      %swap3A_293 = vector.shape_cast %shift_right_logical3A_289 : vector<16xi32> to vector<16xi32>
      tpu.vector_store %arg8[%swap3A_290], %swap3A_293 {strides = array<i32>} : memref<128xi32, #tpu.memory_space<vmem>>, vector<16xi32>,
      %get3A_294 = arith.index_cast %add3A_248 : i32 to index
      %get3A_295 = arith.constant 64 : index
      %get3A_296 = tpu.vector_load %arg5[%get3A_294, %get3A_295] {strides = array<i32>} : memref<80x128xi32, #tpu.memory_space<vmem>>, vector<1x16xi32>,
      %get3A_297 = vector.shape_cast %get3A_296 : vector<1x16xi32> to vector<16xi32>
      %shift_right_logical3A_298 = arith.constant 14 : i32
      %shift_right_logical3A_299 = vector.broadcast %shift_right_logical3A_298 : i32 to vector<16xi32>
      %shift_right_logical3A_300 = arith.shrui %get3A_297, %shift_right_logical3A_299 : vector<16xi32>
      %swap3A_301 = arith.constant 64 : index
      %swap3A_302 = tpu.vector_load %arg8[%swap3A_301] {strides = array<i32>} : memref<128xi32, #tpu.memory_space<vmem>>, vector<16xi32>,
      %swap3A_303 = vector.shape_cast %swap3A_302 : vector<16xi32> to vector<16xi32>
      %swap3A_304 = vector.shape_cast %shift_right_logical3A_300 : vector<16xi32> to vector<16xi32>
      tpu.vector_store %arg8[%swap3A_301], %swap3A_304 {strides = array<i32>} : memref<128xi32, #tpu.memory_space<vmem>>, vector<16xi32>,
      %get3A_305 = arith.index_cast %add3A_248 : i32 to index
      %get3A_306 = arith.constant 80 : index
      %get3A_307 = tpu.vector_load %arg5[%get3A_305, %get3A_306] {strides = array<i32>} : memref<80x128xi32, #tpu.memory_space<vmem>>, vector<1x16xi32>,
      %get3A_308 = vector.shape_cast %get3A_307 : vector<1x16xi32> to vector<16xi32>
      %shift_right_logical3A_309 = arith.constant 14 : i32
      %shift_right_logical3A_310 = vector.broadcast %shift_right_logical3A_309 : i32 to vector<16xi32>
      %shift_right_logical3A_311 = arith.shrui %get3A_308, %shift_right_logical3A_310 : vector<16xi32>
      %swap3A_312 = arith.constant 80 : index
      %swap3A_313 = tpu.vector_load %arg8[%swap3A_312] {strides = array<i32>} : memref<128xi32, #tpu.memory_space<vmem>>, vector<16xi32>,
      %swap3A_314 = vector.shape_cast %swap3A_313 : vector<16xi32> to vector<16xi32>
      %swap3A_315 = vector.shape_cast %shift_right_logical3A_311 : vector<16xi32> to vector<16xi32>
      tpu.vector_store %arg8[%swap3A_312], %swap3A_315 {strides = array<i32>} : memref<128xi32, #tpu.memory_space<vmem>>, vector<16xi32>,
      %get3A_316 = arith.index_cast %add3A_248 : i32 to index
      %get3A_317 = arith.constant 96 : index
      %get3A_318 = tpu.vector_load %arg5[%get3A_316, %get3A_317] {strides = array<i32>} : memref<80x128xi32, #tpu.memory_space<vmem>>, vector<1x16xi32>,
      %get3A_319 = vector.shape_cast %get3A_318 : vector<1x16xi32> to vector<16xi32>
      %shift_right_logical3A_320 = arith.constant 14 : i32
      %shift_right_logical3A_321 = vector.broadcast %shift_right_logical3A_320 : i32 to vector<16xi32>
      %shift_right_logical3A_322 = arith.shrui %get3A_319, %shift_right_logical3A_321 : vector<16xi32>
      %swap3A_323 = arith.constant 96 : index
      %swap3A_324 = tpu.vector_load %arg8[%swap3A_323] {strides = array<i32>} : memref<128xi32, #tpu.memory_space<vmem>>, vector<16xi32>,
      %swap3A_325 = vector.shape_cast %swap3A_324 : vector<16xi32> to vector<16xi32>
      %swap3A_326 = vector.shape_cast %shift_right_logical3A_322 : vector<16xi32> to vector<16xi32>
      tpu.vector_store %arg8[%swap3A_323], %swap3A_326 {strides = array<i32>} : memref<128xi32, #tpu.memory_space<vmem>>, vector<16xi32>,
      %get3A_327 = arith.index_cast %add3A_248 : i32 to index
      %get3A_328 = arith.constant 112 : index
      %get3A_329 = tpu.vector_load %arg5[%get3A_327, %get3A_328] {strides = array<i32>} : memref<80x128xi32, #tpu.memory_space<vmem>>, vector<1x16xi32>,
      %get3A_330 = vector.shape_cast %get3A_329 : vector<1x16xi32> to vector<16xi32>
      %shift_right_logical3A_331 = arith.constant 14 : i32
      %shift_right_logical3A_332 = vector.broadcast %shift_right_logical3A_331 : i32 to vector<16xi32>
      %shift_right_logical3A_333 = arith.shrui %get3A_330, %shift_right_logical3A_332 : vector<16xi32>
      %swap3A_334 = arith.constant 112 : index
      %swap3A_335 = tpu.vector_load %arg8[%swap3A_334] {strides = array<i32>} : memref<128xi32, #tpu.memory_space<vmem>>, vector<16xi32>,
      %swap3A_336 = vector.shape_cast %swap3A_335 : vector<16xi32> to vector<16xi32>
      %swap3A_337 = vector.shape_cast %shift_right_logical3A_333 : vector<16xi32> to vector<16xi32>
      tpu.vector_store %arg8[%swap3A_334], %swap3A_337 {strides = array<i32>} : memref<128xi32, #tpu.memory_space<vmem>>, vector<16xi32>,
      "tpu.region"() ({
        %run_scoped3A = tpu.sem_alloc : memref<!tpu.dma_semaphore, #tpu.memory_space<semaphore_mem>>
        %dma_start3A_445 = arith.constant 0 : i32
        %dma_start3A_446 = arith.constant 0 : i32
        %dma_start3A_447 = tpu.memref_slice %arg12[%dma_start3A_445, %dma_start3A_446] : memref<10240x128xf32, #tpu.memory_space<vmem_shared>> -> memref<10240x128xf32, #tpu.memory_space<vmem_shared>>
        tpu.enqueue_indirect_dma source(%arg10 : memref<128x128xf32, #tpu.memory_space<vmem>>) target(%dma_start3A_447 : memref<10240x128xf32, #tpu.memory_space<vmem_shared>>) offsets(%arg8 : memref<128xi32, #tpu.memory_space<vmem>>) semaphore(%run_scoped3A : memref<!tpu.dma_semaphore, #tpu.memory_space<semaphore_mem>>) {add = true}
        %dma_wait3A_448 = arith.constant 0 : i32
        %dma_wait3A_449 = arith.constant 0 : i32
        %dma_wait3A_450 = tpu.memref_slice %arg12[%dma_wait3A_448, %dma_wait3A_449] : memref<10240x128xf32, #tpu.memory_space<vmem_shared>> -> memref<10240x128xf32, #tpu.memory_space<vmem_shared>>
        tpu.wait_indirect_dma semaphore(%run_scoped3A : memref<!tpu.dma_semaphore, #tpu.memory_space<semaphore_mem>>) src(%arg10 : memref<128x128xf32, #tpu.memory_space<vmem>>) dst(%dma_wait3A_450 : memref<10240x128xf32, #tpu.memory_space<vmem_shared>>)
        tpu.yield
      }) : () -> ()
      %add3A_338 = arith.constant 2 : i32
      %add3A_339 = arith.addi %add3A_248, %add3A_338 : i32
      %lt3A = arith.constant 80 : i32
      %lt3A_340 = arith.cmpi slt, %add3A_339, %lt3A : i32
      %convert_element_type3A = arith.extui %lt3A_340 : i1 to i32
      %cond3A = arith.constant 0 : i32
      %cond3A_341 = arith.cmpi ne, %convert_element_type3A, %cond3A : i32
      scf.if %cond3A_341 {
        %add3A_445 = arith.constant 2 : i32
        %add3A_446 = arith.addi %add3A_248, %add3A_445 : i32
        %get3A_447 = arith.index_cast %add3A_446 : i32 to index
        %get3A_448 = arith.constant 0 : index
        %get3A_449 = tpu.vector_load %arg5[%get3A_447, %get3A_448] {strides = array<i32>} : memref<80x128xi32, #tpu.memory_space<vmem>>, vector<1x16xi32>,
        %get3A_450 = vector.shape_cast %get3A_449 : vector<1x16xi32> to vector<16xi32>
        %and3A_451 = arith.constant 16383 : i32
        %and3A_452 = vector.broadcast %and3A_451 : i32 to vector<16xi32>
        %and3A_453 = arith.andi %get3A_450, %and3A_452 : vector<16xi32>
        %swap3A_454 = arith.constant 0 : index
        %swap3A_455 = tpu.vector_load %arg6[%swap3A_454] {strides = array<i32>} : memref<128xi32, #tpu.memory_space<vmem>>, vector<16xi32>,
        %swap3A_456 = vector.shape_cast %swap3A_455 : vector<16xi32> to vector<16xi32>
        %swap3A_457 = vector.shape_cast %and3A_453 : vector<16xi32> to vector<16xi32>
        tpu.vector_store %arg6[%swap3A_454], %swap3A_457 {strides = array<i32>} : memref<128xi32, #tpu.memory_space<vmem>>, vector<16xi32>,
        %get3A_458 = arith.index_cast %add3A_446 : i32 to index
        %get3A_459 = arith.constant 16 : index
        %get3A_460 = tpu.vector_load %arg5[%get3A_458, %get3A_459] {strides = array<i32>} : memref<80x128xi32, #tpu.memory_space<vmem>>, vector<1x16xi32>,
        %get3A_461 = vector.shape_cast %get3A_460 : vector<1x16xi32> to vector<16xi32>
        %and3A_462 = arith.constant 16383 : i32
        %and3A_463 = vector.broadcast %and3A_462 : i32 to vector<16xi32>
        %and3A_464 = arith.andi %get3A_461, %and3A_463 : vector<16xi32>
        %swap3A_465 = arith.constant 16 : index
        %swap3A_466 = tpu.vector_load %arg6[%swap3A_465] {strides = array<i32>} : memref<128xi32, #tpu.memory_space<vmem>>, vector<16xi32>,
        %swap3A_467 = vector.shape_cast %swap3A_466 : vector<16xi32> to vector<16xi32>
        %swap3A_468 = vector.shape_cast %and3A_464 : vector<16xi32> to vector<16xi32>
        tpu.vector_store %arg6[%swap3A_465], %swap3A_468 {strides = array<i32>} : memref<128xi32, #tpu.memory_space<vmem>>, vector<16xi32>,
        %get3A_469 = arith.index_cast %add3A_446 : i32 to index
        %get3A_470 = arith.constant 32 : index
        %get3A_471 = tpu.vector_load %arg5[%get3A_469, %get3A_470] {strides = array<i32>} : memref<80x128xi32, #tpu.memory_space<vmem>>, vector<1x16xi32>,
        %get3A_472 = vector.shape_cast %get3A_471 : vector<1x16xi32> to vector<16xi32>
        %and3A_473 = arith.constant 16383 : i32
        %and3A_474 = vector.broadcast %and3A_473 : i32 to vector<16xi32>
        %and3A_475 = arith.andi %get3A_472, %and3A_474 : vector<16xi32>
        %swap3A_476 = arith.constant 32 : index
        %swap3A_477 = tpu.vector_load %arg6[%swap3A_476] {strides = array<i32>} : memref<128xi32, #tpu.memory_space<vmem>>, vector<16xi32>,
        %swap3A_478 = vector.shape_cast %swap3A_477 : vector<16xi32> to vector<16xi32>
        %swap3A_479 = vector.shape_cast %and3A_475 : vector<16xi32> to vector<16xi32>
        tpu.vector_store %arg6[%swap3A_476], %swap3A_479 {strides = array<i32>} : memref<128xi32, #tpu.memory_space<vmem>>, vector<16xi32>,
        %get3A_480 = arith.index_cast %add3A_446 : i32 to index
        %get3A_481 = arith.constant 48 : index
        %get3A_482 = tpu.vector_load %arg5[%get3A_480, %get3A_481] {strides = array<i32>} : memref<80x128xi32, #tpu.memory_space<vmem>>, vector<1x16xi32>,
        %get3A_483 = vector.shape_cast %get3A_482 : vector<1x16xi32> to vector<16xi32>
        %and3A_484 = arith.constant 16383 : i32
        %and3A_485 = vector.broadcast %and3A_484 : i32 to vector<16xi32>
        %and3A_486 = arith.andi %get3A_483, %and3A_485 : vector<16xi32>
        %swap3A_487 = arith.constant 48 : index
        %swap3A_488 = tpu.vector_load %arg6[%swap3A_487] {strides = array<i32>} : memref<128xi32, #tpu.memory_space<vmem>>, vector<16xi32>,
        %swap3A_489 = vector.shape_cast %swap3A_488 : vector<16xi32> to vector<16xi32>
        %swap3A_490 = vector.shape_cast %and3A_486 : vector<16xi32> to vector<16xi32>
        tpu.vector_store %arg6[%swap3A_487], %swap3A_490 {strides = array<i32>} : memref<128xi32, #tpu.memory_space<vmem>>, vector<16xi32>,
        %get3A_491 = arith.index_cast %add3A_446 : i32 to index
        %get3A_492 = arith.constant 64 : index
        %get3A_493 = tpu.vector_load %arg5[%get3A_491, %get3A_492] {strides = array<i32>} : memref<80x128xi32, #tpu.memory_space<vmem>>, vector<1x16xi32>,
        %get3A_494 = vector.shape_cast %get3A_493 : vector<1x16xi32> to vector<16xi32>
        %and3A_495 = arith.constant 16383 : i32
        %and3A_496 = vector.broadcast %and3A_495 : i32 to vector<16xi32>
        %and3A_497 = arith.andi %get3A_494, %and3A_496 : vector<16xi32>
        %swap3A_498 = arith.constant 64 : index
        %swap3A_499 = tpu.vector_load %arg6[%swap3A_498] {strides = array<i32>} : memref<128xi32, #tpu.memory_space<vmem>>, vector<16xi32>,
        %swap3A_500 = vector.shape_cast %swap3A_499 : vector<16xi32> to vector<16xi32>
        %swap3A_501 = vector.shape_cast %and3A_497 : vector<16xi32> to vector<16xi32>
        tpu.vector_store %arg6[%swap3A_498], %swap3A_501 {strides = array<i32>} : memref<128xi32, #tpu.memory_space<vmem>>, vector<16xi32>,
        %get3A_502 = arith.index_cast %add3A_446 : i32 to index
        %get3A_503 = arith.constant 80 : index
        %get3A_504 = tpu.vector_load %arg5[%get3A_502, %get3A_503] {strides = array<i32>} : memref<80x128xi32, #tpu.memory_space<vmem>>, vector<1x16xi32>,
        %get3A_505 = vector.shape_cast %get3A_504 : vector<1x16xi32> to vector<16xi32>
        %and3A_506 = arith.constant 16383 : i32
        %and3A_507 = vector.broadcast %and3A_506 : i32 to vector<16xi32>
        %and3A_508 = arith.andi %get3A_505, %and3A_507 : vector<16xi32>
        %swap3A_509 = arith.constant 80 : index
        %swap3A_510 = tpu.vector_load %arg6[%swap3A_509] {strides = array<i32>} : memref<128xi32, #tpu.memory_space<vmem>>, vector<16xi32>,
        %swap3A_511 = vector.shape_cast %swap3A_510 : vector<16xi32> to vector<16xi32>
        %swap3A_512 = vector.shape_cast %and3A_508 : vector<16xi32> to vector<16xi32>
        tpu.vector_store %arg6[%swap3A_509], %swap3A_512 {strides = array<i32>} : memref<128xi32, #tpu.memory_space<vmem>>, vector<16xi32>,
        %get3A_513 = arith.index_cast %add3A_446 : i32 to index
        %get3A_514 = arith.constant 96 : index
        %get3A_515 = tpu.vector_load %arg5[%get3A_513, %get3A_514] {strides = array<i32>} : memref<80x128xi32, #tpu.memory_space<vmem>>, vector<1x16xi32>,
        %get3A_516 = vector.shape_cast %get3A_515 : vector<1x16xi32> to vector<16xi32>
        %and3A_517 = arith.constant 16383 : i32
        %and3A_518 = vector.broadcast %and3A_517 : i32 to vector<16xi32>
        %and3A_519 = arith.andi %get3A_516, %and3A_518 : vector<16xi32>
        %swap3A_520 = arith.constant 96 : index
        %swap3A_521 = tpu.vector_load %arg6[%swap3A_520] {strides = array<i32>} : memref<128xi32, #tpu.memory_space<vmem>>, vector<16xi32>,
        %swap3A_522 = vector.shape_cast %swap3A_521 : vector<16xi32> to vector<16xi32>
        %swap3A_523 = vector.shape_cast %and3A_519 : vector<16xi32> to vector<16xi32>
        tpu.vector_store %arg6[%swap3A_520], %swap3A_523 {strides = array<i32>} : memref<128xi32, #tpu.memory_space<vmem>>, vector<16xi32>,
        %get3A_524 = arith.index_cast %add3A_446 : i32 to index
        %get3A_525 = arith.constant 112 : index
        %get3A_526 = tpu.vector_load %arg5[%get3A_524, %get3A_525] {strides = array<i32>} : memref<80x128xi32, #tpu.memory_space<vmem>>, vector<1x16xi32>,
        %get3A_527 = vector.shape_cast %get3A_526 : vector<1x16xi32> to vector<16xi32>
        %and3A_528 = arith.constant 16383 : i32
        %and3A_529 = vector.broadcast %and3A_528 : i32 to vector<16xi32>
        %and3A_530 = arith.andi %get3A_527, %and3A_529 : vector<16xi32>
        %swap3A_531 = arith.constant 112 : index
        %swap3A_532 = tpu.vector_load %arg6[%swap3A_531] {strides = array<i32>} : memref<128xi32, #tpu.memory_space<vmem>>, vector<16xi32>,
        %swap3A_533 = vector.shape_cast %swap3A_532 : vector<16xi32> to vector<16xi32>
        %swap3A_534 = vector.shape_cast %and3A_530 : vector<16xi32> to vector<16xi32>
        tpu.vector_store %arg6[%swap3A_531], %swap3A_534 {strides = array<i32>} : memref<128xi32, #tpu.memory_space<vmem>>, vector<16xi32>,
        %dma_start3A_535 = arith.constant 0 : i32
        %dma_start3A_536 = arith.constant 0 : i32
        %dma_start3A_537 = tpu.memref_slice %arg3[%dma_start3A_535, %dma_start3A_536] : memref<10240x128xf32, #tpu.memory_space<hbm>> -> memref<10240x128xf32, #tpu.memory_space<hbm>>
        tpu.enqueue_indirect_dma source(%dma_start3A_537 : memref<10240x128xf32, #tpu.memory_space<hbm>>) target(%arg10 : memref<128x128xf32, #tpu.memory_space<vmem>>) offsets(%arg6 : memref<128xi32, #tpu.memory_space<vmem>>) semaphore(%arg13 : memref<!tpu.dma_semaphore, #tpu.memory_space<semaphore_mem>>)
      } else {
      }
      %mul3A_342 = arith.constant 2 : i32
      %mul3A_343 = arith.muli %scan3A_243, %mul3A_342 : i32
      %add3A_344 = arith.constant 1 : i32
      %add3A_345 = arith.addi %mul3A_343, %add3A_344 : i32
      %dma_wait3A_346 = arith.constant 0 : i32
      %dma_wait3A_347 = arith.constant 0 : i32
      %dma_wait3A_348 = tpu.memref_slice %arg3[%dma_wait3A_346, %dma_wait3A_347] : memref<10240x128xf32, #tpu.memory_space<hbm>> -> memref<10240x128xf32, #tpu.memory_space<hbm>>
      tpu.wait_indirect_dma semaphore(%arg14 : memref<!tpu.dma_semaphore, #tpu.memory_space<semaphore_mem>>) src(%dma_wait3A_348 : memref<10240x128xf32, #tpu.memory_space<hbm>>) dst(%arg11 : memref<128x128xf32, #tpu.memory_space<vmem>>)
      %get3A_349 = arith.index_cast %add3A_345 : i32 to index
      %get3A_350 = arith.constant 0 : index
      %get3A_351 = tpu.vector_load %arg5[%get3A_349, %get3A_350] {strides = array<i32>} : memref<80x128xi32, #tpu.memory_space<vmem>>, vector<1x16xi32>,
      %get3A_352 = vector.shape_cast %get3A_351 : vector<1x16xi32> to vector<16xi32>
      %shift_right_logical3A_353 = arith.constant 14 : i32
      %shift_right_logical3A_354 = vector.broadcast %shift_right_logical3A_353 : i32 to vector<16xi32>
      %shift_right_logical3A_355 = arith.shrui %get3A_352, %shift_right_logical3A_354 : vector<16xi32>
      %swap3A_356 = arith.constant 0 : index
      %swap3A_357 = tpu.vector_load %arg9[%swap3A_356] {strides = array<i32>} : memref<128xi32, #tpu.memory_space<vmem>>, vector<16xi32>,
      %swap3A_358 = vector.shape_cast %swap3A_357 : vector<16xi32> to vector<16xi32>
      %swap3A_359 = vector.shape_cast %shift_right_logical3A_355 : vector<16xi32> to vector<16xi32>
      tpu.vector_store %arg9[%swap3A_356], %swap3A_359 {strides = array<i32>} : memref<128xi32, #tpu.memory_space<vmem>>, vector<16xi32>,
      %get3A_360 = arith.index_cast %add3A_345 : i32 to index
      %get3A_361 = arith.constant 16 : index
      %get3A_362 = tpu.vector_load %arg5[%get3A_360, %get3A_361] {strides = array<i32>} : memref<80x128xi32, #tpu.memory_space<vmem>>, vector<1x16xi32>,
      %get3A_363 = vector.shape_cast %get3A_362 : vector<1x16xi32> to vector<16xi32>
      %shift_right_logical3A_364 = arith.constant 14 : i32
      %shift_right_logical3A_365 = vector.broadcast %shift_right_logical3A_364 : i32 to vector<16xi32>
      %shift_right_logical3A_366 = arith.shrui %get3A_363, %shift_right_logical3A_365 : vector<16xi32>
      %swap3A_367 = arith.constant 16 : index
      %swap3A_368 = tpu.vector_load %arg9[%swap3A_367] {strides = array<i32>} : memref<128xi32, #tpu.memory_space<vmem>>, vector<16xi32>,
      %swap3A_369 = vector.shape_cast %swap3A_368 : vector<16xi32> to vector<16xi32>
      %swap3A_370 = vector.shape_cast %shift_right_logical3A_366 : vector<16xi32> to vector<16xi32>
      tpu.vector_store %arg9[%swap3A_367], %swap3A_370 {strides = array<i32>} : memref<128xi32, #tpu.memory_space<vmem>>, vector<16xi32>,
      %get3A_371 = arith.index_cast %add3A_345 : i32 to index
      %get3A_372 = arith.constant 32 : index
      %get3A_373 = tpu.vector_load %arg5[%get3A_371, %get3A_372] {strides = array<i32>} : memref<80x128xi32, #tpu.memory_space<vmem>>, vector<1x16xi32>,
      %get3A_374 = vector.shape_cast %get3A_373 : vector<1x16xi32> to vector<16xi32>
      %shift_right_logical3A_375 = arith.constant 14 : i32
      %shift_right_logical3A_376 = vector.broadcast %shift_right_logical3A_375 : i32 to vector<16xi32>
      %shift_right_logical3A_377 = arith.shrui %get3A_374, %shift_right_logical3A_376 : vector<16xi32>
      %swap3A_378 = arith.constant 32 : index
      %swap3A_379 = tpu.vector_load %arg9[%swap3A_378] {strides = array<i32>} : memref<128xi32, #tpu.memory_space<vmem>>, vector<16xi32>,
      %swap3A_380 = vector.shape_cast %swap3A_379 : vector<16xi32> to vector<16xi32>
      %swap3A_381 = vector.shape_cast %shift_right_logical3A_377 : vector<16xi32> to vector<16xi32>
      tpu.vector_store %arg9[%swap3A_378], %swap3A_381 {strides = array<i32>} : memref<128xi32, #tpu.memory_space<vmem>>, vector<16xi32>,
      %get3A_382 = arith.index_cast %add3A_345 : i32 to index
      %get3A_383 = arith.constant 48 : index
      %get3A_384 = tpu.vector_load %arg5[%get3A_382, %get3A_383] {strides = array<i32>} : memref<80x128xi32, #tpu.memory_space<vmem>>, vector<1x16xi32>,
      %get3A_385 = vector.shape_cast %get3A_384 : vector<1x16xi32> to vector<16xi32>
      %shift_right_logical3A_386 = arith.constant 14 : i32
      %shift_right_logical3A_387 = vector.broadcast %shift_right_logical3A_386 : i32 to vector<16xi32>
      %shift_right_logical3A_388 = arith.shrui %get3A_385, %shift_right_logical3A_387 : vector<16xi32>
      %swap3A_389 = arith.constant 48 : index
      %swap3A_390 = tpu.vector_load %arg9[%swap3A_389] {strides = array<i32>} : memref<128xi32, #tpu.memory_space<vmem>>, vector<16xi32>,
      %swap3A_391 = vector.shape_cast %swap3A_390 : vector<16xi32> to vector<16xi32>
      %swap3A_392 = vector.shape_cast %shift_right_logical3A_388 : vector<16xi32> to vector<16xi32>
      tpu.vector_store %arg9[%swap3A_389], %swap3A_392 {strides = array<i32>} : memref<128xi32, #tpu.memory_space<vmem>>, vector<16xi32>,
      %get3A_393 = arith.index_cast %add3A_345 : i32 to index
      %get3A_394 = arith.constant 64 : index
      %get3A_395 = tpu.vector_load %arg5[%get3A_393, %get3A_394] {strides = array<i32>} : memref<80x128xi32, #tpu.memory_space<vmem>>, vector<1x16xi32>,
      %get3A_396 = vector.shape_cast %get3A_395 : vector<1x16xi32> to vector<16xi32>
      %shift_right_logical3A_397 = arith.constant 14 : i32
      %shift_right_logical3A_398 = vector.broadcast %shift_right_logical3A_397 : i32 to vector<16xi32>
      %shift_right_logical3A_399 = arith.shrui %get3A_396, %shift_right_logical3A_398 : vector<16xi32>
      %swap3A_400 = arith.constant 64 : index
      %swap3A_401 = tpu.vector_load %arg9[%swap3A_400] {strides = array<i32>} : memref<128xi32, #tpu.memory_space<vmem>>, vector<16xi32>,
      %swap3A_402 = vector.shape_cast %swap3A_401 : vector<16xi32> to vector<16xi32>
      %swap3A_403 = vector.shape_cast %shift_right_logical3A_399 : vector<16xi32> to vector<16xi32>
      tpu.vector_store %arg9[%swap3A_400], %swap3A_403 {strides = array<i32>} : memref<128xi32, #tpu.memory_space<vmem>>, vector<16xi32>,
      %get3A_404 = arith.index_cast %add3A_345 : i32 to index
      %get3A_405 = arith.constant 80 : index
      %get3A_406 = tpu.vector_load %arg5[%get3A_404, %get3A_405] {strides = array<i32>} : memref<80x128xi32, #tpu.memory_space<vmem>>, vector<1x16xi32>,
      %get3A_407 = vector.shape_cast %get3A_406 : vector<1x16xi32> to vector<16xi32>
      %shift_right_logical3A_408 = arith.constant 14 : i32
      %shift_right_logical3A_409 = vector.broadcast %shift_right_logical3A_408 : i32 to vector<16xi32>
      %shift_right_logical3A_410 = arith.shrui %get3A_407, %shift_right_logical3A_409 : vector<16xi32>
      %swap3A_411 = arith.constant 80 : index
      %swap3A_412 = tpu.vector_load %arg9[%swap3A_411] {strides = array<i32>} : memref<128xi32, #tpu.memory_space<vmem>>, vector<16xi32>,
      %swap3A_413 = vector.shape_cast %swap3A_412 : vector<16xi32> to vector<16xi32>
      %swap3A_414 = vector.shape_cast %shift_right_logical3A_410 : vector<16xi32> to vector<16xi32>
      tpu.vector_store %arg9[%swap3A_411], %swap3A_414 {strides = array<i32>} : memref<128xi32, #tpu.memory_space<vmem>>, vector<16xi32>,
      %get3A_415 = arith.index_cast %add3A_345 : i32 to index
      %get3A_416 = arith.constant 96 : index
      %get3A_417 = tpu.vector_load %arg5[%get3A_415, %get3A_416] {strides = array<i32>} : memref<80x128xi32, #tpu.memory_space<vmem>>, vector<1x16xi32>,
      %get3A_418 = vector.shape_cast %get3A_417 : vector<1x16xi32> to vector<16xi32>
      %shift_right_logical3A_419 = arith.constant 14 : i32
      %shift_right_logical3A_420 = vector.broadcast %shift_right_logical3A_419 : i32 to vector<16xi32>
      %shift_right_logical3A_421 = arith.shrui %get3A_418, %shift_right_logical3A_420 : vector<16xi32>
      %swap3A_422 = arith.constant 96 : index
      %swap3A_423 = tpu.vector_load %arg9[%swap3A_422] {strides = array<i32>} : memref<128xi32, #tpu.memory_space<vmem>>, vector<16xi32>,
      %swap3A_424 = vector.shape_cast %swap3A_423 : vector<16xi32> to vector<16xi32>
      %swap3A_425 = vector.shape_cast %shift_right_logical3A_421 : vector<16xi32> to vector<16xi32>
      tpu.vector_store %arg9[%swap3A_422], %swap3A_425 {strides = array<i32>} : memref<128xi32, #tpu.memory_space<vmem>>, vector<16xi32>,
      %get3A_426 = arith.index_cast %add3A_345 : i32 to index
      %get3A_427 = arith.constant 112 : index
      %get3A_428 = tpu.vector_load %arg5[%get3A_426, %get3A_427] {strides = array<i32>} : memref<80x128xi32, #tpu.memory_space<vmem>>, vector<1x16xi32>,
      %get3A_429 = vector.shape_cast %get3A_428 : vector<1x16xi32> to vector<16xi32>
      %shift_right_logical3A_430 = arith.constant 14 : i32
      %shift_right_logical3A_431 = vector.broadcast %shift_right_logical3A_430 : i32 to vector<16xi32>
      %shift_right_logical3A_432 = arith.shrui %get3A_429, %shift_right_logical3A_431 : vector<16xi32>
      %swap3A_433 = arith.constant 112 : index
      %swap3A_434 = tpu.vector_load %arg9[%swap3A_433] {strides = array<i32>} : memref<128xi32, #tpu.memory_space<vmem>>, vector<16xi32>,
      %swap3A_435 = vector.shape_cast %swap3A_434 : vector<16xi32> to vector<16xi32>
      %swap3A_436 = vector.shape_cast %shift_right_logical3A_432 : vector<16xi32> to vector<16xi32>
      tpu.vector_store %arg9[%swap3A_433], %swap3A_436 {strides = array<i32>} : memref<128xi32, #tpu.memory_space<vmem>>, vector<16xi32>,
      "tpu.region"() ({
        %run_scoped3A = tpu.sem_alloc : memref<!tpu.dma_semaphore, #tpu.memory_space<semaphore_mem>>
        %dma_start3A_445 = arith.constant 0 : i32
        %dma_start3A_446 = arith.constant 0 : i32
        %dma_start3A_447 = tpu.memref_slice %arg12[%dma_start3A_445, %dma_start3A_446] : memref<10240x128xf32, #tpu.memory_space<vmem_shared>> -> memref<10240x128xf32, #tpu.memory_space<vmem_shared>>
        tpu.enqueue_indirect_dma source(%arg11 : memref<128x128xf32, #tpu.memory_space<vmem>>) target(%dma_start3A_447 : memref<10240x128xf32, #tpu.memory_space<vmem_shared>>) offsets(%arg9 : memref<128xi32, #tpu.memory_space<vmem>>) semaphore(%run_scoped3A : memref<!tpu.dma_semaphore, #tpu.memory_space<semaphore_mem>>) {add = true}
        %dma_wait3A_448 = arith.constant 0 : i32
        %dma_wait3A_449 = arith.constant 0 : i32
        %dma_wait3A_450 = tpu.memref_slice %arg12[%dma_wait3A_448, %dma_wait3A_449] : memref<10240x128xf32, #tpu.memory_space<vmem_shared>> -> memref<10240x128xf32, #tpu.memory_space<vmem_shared>>
        tpu.wait_indirect_dma semaphore(%run_scoped3A : memref<!tpu.dma_semaphore, #tpu.memory_space<semaphore_mem>>) src(%arg11 : memref<128x128xf32, #tpu.memory_space<vmem>>) dst(%dma_wait3A_450 : memref<10240x128xf32, #tpu.memory_space<vmem_shared>>)
        tpu.yield
      }) : () -> ()
      %add3A_437 = arith.constant 2 : i32
      %add3A_438 = arith.addi %add3A_345, %add3A_437 : i32
      %lt3A_439 = arith.constant 80 : i32
      %lt3A_440 = arith.cmpi slt, %add3A_438, %lt3A_439 : i32
      %convert_element_type3A_441 = arith.extui %lt3A_440 : i1 to i32
      %cond3A_442 = arith.constant 0 : i32
      %cond3A_443 = arith.cmpi ne, %convert_element_type3A_441, %cond3A_442 : i32
      scf.if %cond3A_443 {
        %add3A_445 = arith.constant 2 : i32
        %add3A_446 = arith.addi %add3A_345, %add3A_445 : i32
        %get3A_447 = arith.index_cast %add3A_446 : i32 to index
        %get3A_448 = arith.constant 0 : index
        %get3A_449 = tpu.vector_load %arg5[%get3A_447, %get3A_448] {strides = array<i32>} : memref<80x128xi32, #tpu.memory_space<vmem>>, vector<1x16xi32>,
        %get3A_450 = vector.shape_cast %get3A_449 : vector<1x16xi32> to vector<16xi32>
        %and3A_451 = arith.constant 16383 : i32
        %and3A_452 = vector.broadcast %and3A_451 : i32 to vector<16xi32>
        %and3A_453 = arith.andi %get3A_450, %and3A_452 : vector<16xi32>
        %swap3A_454 = arith.constant 0 : index
        %swap3A_455 = tpu.vector_load %arg7[%swap3A_454] {strides = array<i32>} : memref<128xi32, #tpu.memory_space<vmem>>, vector<16xi32>,
        %swap3A_456 = vector.shape_cast %swap3A_455 : vector<16xi32> to vector<16xi32>
        %swap3A_457 = vector.shape_cast %and3A_453 : vector<16xi32> to vector<16xi32>
        tpu.vector_store %arg7[%swap3A_454], %swap3A_457 {strides = array<i32>} : memref<128xi32, #tpu.memory_space<vmem>>, vector<16xi32>,
        %get3A_458 = arith.index_cast %add3A_446 : i32 to index
        %get3A_459 = arith.constant 16 : index
        %get3A_460 = tpu.vector_load %arg5[%get3A_458, %get3A_459] {strides = array<i32>} : memref<80x128xi32, #tpu.memory_space<vmem>>, vector<1x16xi32>,
        %get3A_461 = vector.shape_cast %get3A_460 : vector<1x16xi32> to vector<16xi32>
        %and3A_462 = arith.constant 16383 : i32
        %and3A_463 = vector.broadcast %and3A_462 : i32 to vector<16xi32>
        %and3A_464 = arith.andi %get3A_461, %and3A_463 : vector<16xi32>
        %swap3A_465 = arith.constant 16 : index
        %swap3A_466 = tpu.vector_load %arg7[%swap3A_465] {strides = array<i32>} : memref<128xi32, #tpu.memory_space<vmem>>, vector<16xi32>,
        %swap3A_467 = vector.shape_cast %swap3A_466 : vector<16xi32> to vector<16xi32>
        %swap3A_468 = vector.shape_cast %and3A_464 : vector<16xi32> to vector<16xi32>
        tpu.vector_store %arg7[%swap3A_465], %swap3A_468 {strides = array<i32>} : memref<128xi32, #tpu.memory_space<vmem>>, vector<16xi32>,
        %get3A_469 = arith.index_cast %add3A_446 : i32 to index
        %get3A_470 = arith.constant 32 : index
        %get3A_471 = tpu.vector_load %arg5[%get3A_469, %get3A_470] {strides = array<i32>} : memref<80x128xi32, #tpu.memory_space<vmem>>, vector<1x16xi32>,
        %get3A_472 = vector.shape_cast %get3A_471 : vector<1x16xi32> to vector<16xi32>
        %and3A_473 = arith.constant 16383 : i32
        %and3A_474 = vector.broadcast %and3A_473 : i32 to vector<16xi32>
        %and3A_475 = arith.andi %get3A_472, %and3A_474 : vector<16xi32>
        %swap3A_476 = arith.constant 32 : index
        %swap3A_477 = tpu.vector_load %arg7[%swap3A_476] {strides = array<i32>} : memref<128xi32, #tpu.memory_space<vmem>>, vector<16xi32>,
        %swap3A_478 = vector.shape_cast %swap3A_477 : vector<16xi32> to vector<16xi32>
        %swap3A_479 = vector.shape_cast %and3A_475 : vector<16xi32> to vector<16xi32>
        tpu.vector_store %arg7[%swap3A_476], %swap3A_479 {strides = array<i32>} : memref<128xi32, #tpu.memory_space<vmem>>, vector<16xi32>,
        %get3A_480 = arith.index_cast %add3A_446 : i32 to index
        %get3A_481 = arith.constant 48 : index
        %get3A_482 = tpu.vector_load %arg5[%get3A_480, %get3A_481] {strides = array<i32>} : memref<80x128xi32, #tpu.memory_space<vmem>>, vector<1x16xi32>,
        %get3A_483 = vector.shape_cast %get3A_482 : vector<1x16xi32> to vector<16xi32>
        %and3A_484 = arith.constant 16383 : i32
        %and3A_485 = vector.broadcast %and3A_484 : i32 to vector<16xi32>
        %and3A_486 = arith.andi %get3A_483, %and3A_485 : vector<16xi32>
        %swap3A_487 = arith.constant 48 : index
        %swap3A_488 = tpu.vector_load %arg7[%swap3A_487] {strides = array<i32>} : memref<128xi32, #tpu.memory_space<vmem>>, vector<16xi32>,
        %swap3A_489 = vector.shape_cast %swap3A_488 : vector<16xi32> to vector<16xi32>
        %swap3A_490 = vector.shape_cast %and3A_486 : vector<16xi32> to vector<16xi32>
        tpu.vector_store %arg7[%swap3A_487], %swap3A_490 {strides = array<i32>} : memref<128xi32, #tpu.memory_space<vmem>>, vector<16xi32>,
        %get3A_491 = arith.index_cast %add3A_446 : i32 to index
        %get3A_492 = arith.constant 64 : index
        %get3A_493 = tpu.vector_load %arg5[%get3A_491, %get3A_492] {strides = array<i32>} : memref<80x128xi32, #tpu.memory_space<vmem>>, vector<1x16xi32>,
        %get3A_494 = vector.shape_cast %get3A_493 : vector<1x16xi32> to vector<16xi32>
        %and3A_495 = arith.constant 16383 : i32
        %and3A_496 = vector.broadcast %and3A_495 : i32 to vector<16xi32>
        %and3A_497 = arith.andi %get3A_494, %and3A_496 : vector<16xi32>
        %swap3A_498 = arith.constant 64 : index
        %swap3A_499 = tpu.vector_load %arg7[%swap3A_498] {strides = array<i32>} : memref<128xi32, #tpu.memory_space<vmem>>, vector<16xi32>,
        %swap3A_500 = vector.shape_cast %swap3A_499 : vector<16xi32> to vector<16xi32>
        %swap3A_501 = vector.shape_cast %and3A_497 : vector<16xi32> to vector<16xi32>
        tpu.vector_store %arg7[%swap3A_498], %swap3A_501 {strides = array<i32>} : memref<128xi32, #tpu.memory_space<vmem>>, vector<16xi32>,
        %get3A_502 = arith.index_cast %add3A_446 : i32 to index
        %get3A_503 = arith.constant 80 : index
        %get3A_504 = tpu.vector_load %arg5[%get3A_502, %get3A_503] {strides = array<i32>} : memref<80x128xi32, #tpu.memory_space<vmem>>, vector<1x16xi32>,
        %get3A_505 = vector.shape_cast %get3A_504 : vector<1x16xi32> to vector<16xi32>
        %and3A_506 = arith.constant 16383 : i32
        %and3A_507 = vector.broadcast %and3A_506 : i32 to vector<16xi32>
        %and3A_508 = arith.andi %get3A_505, %and3A_507 : vector<16xi32>
        %swap3A_509 = arith.constant 80 : index
        %swap3A_510 = tpu.vector_load %arg7[%swap3A_509] {strides = array<i32>} : memref<128xi32, #tpu.memory_space<vmem>>, vector<16xi32>,
        %swap3A_511 = vector.shape_cast %swap3A_510 : vector<16xi32> to vector<16xi32>
        %swap3A_512 = vector.shape_cast %and3A_508 : vector<16xi32> to vector<16xi32>
        tpu.vector_store %arg7[%swap3A_509], %swap3A_512 {strides = array<i32>} : memref<128xi32, #tpu.memory_space<vmem>>, vector<16xi32>,
        %get3A_513 = arith.index_cast %add3A_446 : i32 to index
        %get3A_514 = arith.constant 96 : index
        %get3A_515 = tpu.vector_load %arg5[%get3A_513, %get3A_514] {strides = array<i32>} : memref<80x128xi32, #tpu.memory_space<vmem>>, vector<1x16xi32>,
        %get3A_516 = vector.shape_cast %get3A_515 : vector<1x16xi32> to vector<16xi32>
        %and3A_517 = arith.constant 16383 : i32
        %and3A_518 = vector.broadcast %and3A_517 : i32 to vector<16xi32>
        %and3A_519 = arith.andi %get3A_516, %and3A_518 : vector<16xi32>
        %swap3A_520 = arith.constant 96 : index
        %swap3A_521 = tpu.vector_load %arg7[%swap3A_520] {strides = array<i32>} : memref<128xi32, #tpu.memory_space<vmem>>, vector<16xi32>,
        %swap3A_522 = vector.shape_cast %swap3A_521 : vector<16xi32> to vector<16xi32>
        %swap3A_523 = vector.shape_cast %and3A_519 : vector<16xi32> to vector<16xi32>
        tpu.vector_store %arg7[%swap3A_520], %swap3A_523 {strides = array<i32>} : memref<128xi32, #tpu.memory_space<vmem>>, vector<16xi32>,
        %get3A_524 = arith.index_cast %add3A_446 : i32 to index
        %get3A_525 = arith.constant 112 : index
        %get3A_526 = tpu.vector_load %arg5[%get3A_524, %get3A_525] {strides = array<i32>} : memref<80x128xi32, #tpu.memory_space<vmem>>, vector<1x16xi32>,
        %get3A_527 = vector.shape_cast %get3A_526 : vector<1x16xi32> to vector<16xi32>
        %and3A_528 = arith.constant 16383 : i32
        %and3A_529 = vector.broadcast %and3A_528 : i32 to vector<16xi32>
        %and3A_530 = arith.andi %get3A_527, %and3A_529 : vector<16xi32>
        %swap3A_531 = arith.constant 112 : index
        %swap3A_532 = tpu.vector_load %arg7[%swap3A_531] {strides = array<i32>} : memref<128xi32, #tpu.memory_space<vmem>>, vector<16xi32>,
        %swap3A_533 = vector.shape_cast %swap3A_532 : vector<16xi32> to vector<16xi32>
        %swap3A_534 = vector.shape_cast %and3A_530 : vector<16xi32> to vector<16xi32>
        tpu.vector_store %arg7[%swap3A_531], %swap3A_534 {strides = array<i32>} : memref<128xi32, #tpu.memory_space<vmem>>, vector<16xi32>,
        %dma_start3A_535 = arith.constant 0 : i32
        %dma_start3A_536 = arith.constant 0 : i32
        %dma_start3A_537 = tpu.memref_slice %arg3[%dma_start3A_535, %dma_start3A_536] : memref<10240x128xf32, #tpu.memory_space<hbm>> -> memref<10240x128xf32, #tpu.memory_space<hbm>>
        tpu.enqueue_indirect_dma source(%dma_start3A_537 : memref<10240x128xf32, #tpu.memory_space<hbm>>) target(%arg11 : memref<128x128xf32, #tpu.memory_space<vmem>>) offsets(%arg7 : memref<128xi32, #tpu.memory_space<vmem>>) semaphore(%arg14 : memref<!tpu.dma_semaphore, #tpu.memory_space<semaphore_mem>>)
      } else {
      }
      %scan3A_444 = arith.constant 0 : i32
      scf.yield %scan3A_444 : i32
    }
    %scan3A_221 = arith.constant 40 : i32
    %barrier3A_222 = arith.constant 0 : index
    tpu.barrier barrier_id(%barrier3A_222)
    %add3A_223 = arith.constant 0 : i32
    %add3A_224 = arith.addi %mul3A_8, %add3A_223 : i32
    "tpu.region"() ({
      %run_scoped3A = tpu.sem_alloc : memref<!tpu.dma_semaphore, #tpu.memory_space<semaphore_mem>>
      %dma_start3A_243 = arith.constant 0 : i32
      %dma_start3A_244 = tpu.memref_slice %arg12[%add3A_224, %dma_start3A_243] : memref<10240x128xf32, #tpu.memory_space<vmem_shared>> -> memref<128x128xf32, #tpu.memory_space<vmem_shared>>
      %dma_start3A_245 = arith.constant 0 : i32
      %dma_start3A_246 = tpu.memref_slice %arg12[%add3A_224, %dma_start3A_245] : memref<10240x128xf32, #tpu.memory_space<vmem_shared>> -> memref<128x128xf32, #tpu.memory_space<vmem_shared>>
      tpu.enqueue_dma source(%dma_start3A_246 : memref<128x128xf32, #tpu.memory_space<vmem_shared>>) target(%arg10 : memref<128x128xf32, #tpu.memory_space<vmem>>) target_semaphore(%run_scoped3A : memref<!tpu.dma_semaphore, #tpu.memory_space<semaphore_mem>>)
      %dma_wait3A = arith.constant 0 : i32
      %dma_wait3A_247 = tpu.memref_slice %arg12[%add3A_224, %dma_wait3A] : memref<10240x128xf32, #tpu.memory_space<vmem_shared>> -> memref<128x128xf32, #tpu.memory_space<vmem_shared>>
      %dma_wait3A_248 = arith.constant 0 : i32
      %dma_wait3A_249 = tpu.memref_slice %arg12[%add3A_224, %dma_wait3A_248] : memref<10240x128xf32, #tpu.memory_space<vmem_shared>> -> memref<128x128xf32, #tpu.memory_space<vmem_shared>>
      tpu.wait_dma2 semaphore(%run_scoped3A : memref<!tpu.dma_semaphore, #tpu.memory_space<semaphore_mem>>) src(%dma_wait3A_249 : memref<128x128xf32, #tpu.memory_space<vmem_shared>>) dst(%arg10 : memref<128x128xf32, #tpu.memory_space<vmem>>)
      tpu.yield
    }) : () -> ()
    %add3A_225 = arith.constant 0 : i32
    %add3A_226 = arith.addi %mul3A_8, %add3A_225 : i32
    "tpu.region"() ({
      %run_scoped3A = tpu.sem_alloc : memref<!tpu.dma_semaphore, #tpu.memory_space<semaphore_mem>>
      %dma_start3A_243 = arith.constant 0 : i32
      %dma_start3A_244 = tpu.memref_slice %arg4[%arg0, %add3A_226, %dma_start3A_243] : memref<2x10240x128xf32, #tpu.memory_space<hbm>> -> memref<1x128x128xf32, #tpu.memory_space<hbm>>
      %dma_start3A_245 = tpu.memref_squeeze %dma_start3A_244 : memref<1x128x128xf32, #tpu.memory_space<hbm>> -> memref<128x128xf32, #tpu.memory_space<hbm>>
      %dma_start3A_246 = arith.constant 0 : i32
      %dma_start3A_247 = tpu.memref_slice %arg4[%arg0, %add3A_226, %dma_start3A_246] : memref<2x10240x128xf32, #tpu.memory_space<hbm>> -> memref<1x128x128xf32, #tpu.memory_space<hbm>>
      %dma_start3A_248 = tpu.memref_squeeze %dma_start3A_247 : memref<1x128x128xf32, #tpu.memory_space<hbm>> -> memref<128x128xf32, #tpu.memory_space<hbm>>
      tpu.enqueue_dma source(%arg10 : memref<128x128xf32, #tpu.memory_space<vmem>>) target(%dma_start3A_248 : memref<128x128xf32, #tpu.memory_space<hbm>>) target_semaphore(%run_scoped3A : memref<!tpu.dma_semaphore, #tpu.memory_space<semaphore_mem>>)
      %dma_wait3A = arith.constant 0 : i32
      %dma_wait3A_249 = tpu.memref_slice %arg4[%arg0, %add3A_226, %dma_wait3A] : memref<2x10240x128xf32, #tpu.memory_space<hbm>> -> memref<1x128x128xf32, #tpu.memory_space<hbm>>
      %dma_wait3A_250 = tpu.memref_squeeze %dma_wait3A_249 : memref<1x128x128xf32, #tpu.memory_space<hbm>> -> memref<128x128xf32, #tpu.memory_space<hbm>>
      %dma_wait3A_251 = arith.constant 0 : i32
      %dma_wait3A_252 = tpu.memref_slice %arg4[%arg0, %add3A_226, %dma_wait3A_251] : memref<2x10240x128xf32, #tpu.memory_space<hbm>> -> memref<1x128x128xf32, #tpu.memory_space<hbm>>
      %dma_wait3A_253 = tpu.memref_squeeze %dma_wait3A_252 : memref<1x128x128xf32, #tpu.memory_space<hbm>> -> memref<128x128xf32, #tpu.memory_space<hbm>>
      tpu.wait_dma2 semaphore(%run_scoped3A : memref<!tpu.dma_semaphore, #tpu.memory_space<semaphore_mem>>) src(%arg10 : memref<128x128xf32, #tpu.memory_space<vmem>>) dst(%dma_wait3A_253 : memref<128x128xf32, #tpu.memory_space<hbm>>)
      tpu.yield
    }) : () -> ()
    %add3A_227 = arith.constant 128 : i32
    %add3A_228 = arith.addi %mul3A_8, %add3A_227 : i32
    "tpu.region"() ({
      %run_scoped3A = tpu.sem_alloc : memref<!tpu.dma_semaphore, #tpu.memory_space<semaphore_mem>>
      %dma_start3A_243 = arith.constant 0 : i32
      %dma_start3A_244 = tpu.memref_slice %arg12[%add3A_228, %dma_start3A_243] : memref<10240x128xf32, #tpu.memory_space<vmem_shared>> -> memref<128x128xf32, #tpu.memory_space<vmem_shared>>
      %dma_start3A_245 = arith.constant 0 : i32
      %dma_start3A_246 = tpu.memref_slice %arg12[%add3A_228, %dma_start3A_245] : memref<10240x128xf32, #tpu.memory_space<vmem_shared>> -> memref<128x128xf32, #tpu.memory_space<vmem_shared>>
      tpu.enqueue_dma source(%dma_start3A_246 : memref<128x128xf32, #tpu.memory_space<vmem_shared>>) target(%arg10 : memref<128x128xf32, #tpu.memory_space<vmem>>) target_semaphore(%run_scoped3A : memref<!tpu.dma_semaphore, #tpu.memory_space<semaphore_mem>>)
      %dma_wait3A = arith.constant 0 : i32
      %dma_wait3A_247 = tpu.memref_slice %arg12[%add3A_228, %dma_wait3A] : memref<10240x128xf32, #tpu.memory_space<vmem_shared>> -> memref<128x128xf32, #tpu.memory_space<vmem_shared>>
      %dma_wait3A_248 = arith.constant 0 : i32
      %dma_wait3A_249 = tpu.memref_slice %arg12[%add3A_228, %dma_wait3A_248] : memref<10240x128xf32, #tpu.memory_space<vmem_shared>> -> memref<128x128xf32, #tpu.memory_space<vmem_shared>>
      tpu.wait_dma2 semaphore(%run_scoped3A : memref<!tpu.dma_semaphore, #tpu.memory_space<semaphore_mem>>) src(%dma_wait3A_249 : memref<128x128xf32, #tpu.memory_space<vmem_shared>>) dst(%arg10 : memref<128x128xf32, #tpu.memory_space<vmem>>)
      tpu.yield
    }) : () -> ()
    %add3A_229 = arith.constant 128 : i32
    %add3A_230 = arith.addi %mul3A_8, %add3A_229 : i32
    "tpu.region"() ({
      %run_scoped3A = tpu.sem_alloc : memref<!tpu.dma_semaphore, #tpu.memory_space<semaphore_mem>>
      %dma_start3A_243 = arith.constant 0 : i32
      %dma_start3A_244 = tpu.memref_slice %arg4[%arg0, %add3A_230, %dma_start3A_243] : memref<2x10240x128xf32, #tpu.memory_space<hbm>> -> memref<1x128x128xf32, #tpu.memory_space<hbm>>
      %dma_start3A_245 = tpu.memref_squeeze %dma_start3A_244 : memref<1x128x128xf32, #tpu.memory_space<hbm>> -> memref<128x128xf32, #tpu.memory_space<hbm>>
      %dma_start3A_246 = arith.constant 0 : i32
      %dma_start3A_247 = tpu.memref_slice %arg4[%arg0, %add3A_230, %dma_start3A_246] : memref<2x10240x128xf32, #tpu.memory_space<hbm>> -> memref<1x128x128xf32, #tpu.memory_space<hbm>>
      %dma_start3A_248 = tpu.memref_squeeze %dma_start3A_247 : memref<1x128x128xf32, #tpu.memory_space<hbm>> -> memref<128x128xf32, #tpu.memory_space<hbm>>
      tpu.enqueue_dma source(%arg10 : memref<128x128xf32, #tpu.memory_space<vmem>>) target(%dma_start3A_248 : memref<128x128xf32, #tpu.memory_space<hbm>>) target_semaphore(%run_scoped3A : memref<!tpu.dma_semaphore, #tpu.memory_space<semaphore_mem>>)
      %dma_wait3A = arith.constant 0 : i32
      %dma_wait3A_249 = tpu.memref_slice %arg4[%arg0, %add3A_230, %dma_wait3A] : memref<2x10240x128xf32, #tpu.memory_space<hbm>> -> memref<1x128x128xf32, #tpu.memory_space<hbm>>
      %dma_wait3A_250 = tpu.memref_squeeze %dma_wait3A_249 : memref<1x128x128xf32, #tpu.memory_space<hbm>> -> memref<128x128xf32, #tpu.memory_space<hbm>>
      %dma_wait3A_251 = arith.constant 0 : i32
      %dma_wait3A_252 = tpu.memref_slice %arg4[%arg0, %add3A_230, %dma_wait3A_251] : memref<2x10240x128xf32, #tpu.memory_space<hbm>> -> memref<1x128x128xf32, #tpu.memory_space<hbm>>
      %dma_wait3A_253 = tpu.memref_squeeze %dma_wait3A_252 : memref<1x128x128xf32, #tpu.memory_space<hbm>> -> memref<128x128xf32, #tpu.memory_space<hbm>>
      tpu.wait_dma2 semaphore(%run_scoped3A : memref<!tpu.dma_semaphore, #tpu.memory_space<semaphore_mem>>) src(%arg10 : memref<128x128xf32, #tpu.memory_space<vmem>>) dst(%dma_wait3A_253 : memref<128x128xf32, #tpu.memory_space<hbm>>)
      tpu.yield
    }) : () -> ()
    %add3A_231 = arith.constant 256 : i32
    %add3A_232 = arith.addi %mul3A_8, %add3A_231 : i32
    "tpu.region"() ({
      %run_scoped3A = tpu.sem_alloc : memref<!tpu.dma_semaphore, #tpu.memory_space<semaphore_mem>>
      %dma_start3A_243 = arith.constant 0 : i32
      %dma_start3A_244 = tpu.memref_slice %arg12[%add3A_232, %dma_start3A_243] : memref<10240x128xf32, #tpu.memory_space<vmem_shared>> -> memref<128x128xf32, #tpu.memory_space<vmem_shared>>
      %dma_start3A_245 = arith.constant 0 : i32
      %dma_start3A_246 = tpu.memref_slice %arg12[%add3A_232, %dma_start3A_245] : memref<10240x128xf32, #tpu.memory_space<vmem_shared>> -> memref<128x128xf32, #tpu.memory_space<vmem_shared>>
      tpu.enqueue_dma source(%dma_start3A_246 : memref<128x128xf32, #tpu.memory_space<vmem_shared>>) target(%arg10 : memref<128x128xf32, #tpu.memory_space<vmem>>) target_semaphore(%run_scoped3A : memref<!tpu.dma_semaphore, #tpu.memory_space<semaphore_mem>>)
      %dma_wait3A = arith.constant 0 : i32
      %dma_wait3A_247 = tpu.memref_slice %arg12[%add3A_232, %dma_wait3A] : memref<10240x128xf32, #tpu.memory_space<vmem_shared>> -> memref<128x128xf32, #tpu.memory_space<vmem_shared>>
      %dma_wait3A_248 = arith.constant 0 : i32
      %dma_wait3A_249 = tpu.memref_slice %arg12[%add3A_232, %dma_wait3A_248] : memref<10240x128xf32, #tpu.memory_space<vmem_shared>> -> memref<128x128xf32, #tpu.memory_space<vmem_shared>>
      tpu.wait_dma2 semaphore(%run_scoped3A : memref<!tpu.dma_semaphore, #tpu.memory_space<semaphore_mem>>) src(%dma_wait3A_249 : memref<128x128xf32, #tpu.memory_space<vmem_shared>>) dst(%arg10 : memref<128x128xf32, #tpu.memory_space<vmem>>)
      tpu.yield
    }) : () -> ()
    %add3A_233 = arith.constant 256 : i32
    %add3A_234 = arith.addi %mul3A_8, %add3A_233 : i32
    "tpu.region"() ({
      %run_scoped3A = tpu.sem_alloc : memref<!tpu.dma_semaphore, #tpu.memory_space<semaphore_mem>>
      %dma_start3A_243 = arith.constant 0 : i32
      %dma_start3A_244 = tpu.memref_slice %arg4[%arg0, %add3A_234, %dma_start3A_243] : memref<2x10240x128xf32, #tpu.memory_space<hbm>> -> memref<1x128x128xf32, #tpu.memory_space<hbm>>
      %dma_start3A_245 = tpu.memref_squeeze %dma_start3A_244 : memref<1x128x128xf32, #tpu.memory_space<hbm>> -> memref<128x128xf32, #tpu.memory_space<hbm>>
      %dma_start3A_246 = arith.constant 0 : i32
      %dma_start3A_247 = tpu.memref_slice %arg4[%arg0, %add3A_234, %dma_start3A_246] : memref<2x10240x128xf32, #tpu.memory_space<hbm>> -> memref<1x128x128xf32, #tpu.memory_space<hbm>>
      %dma_start3A_248 = tpu.memref_squeeze %dma_start3A_247 : memref<1x128x128xf32, #tpu.memory_space<hbm>> -> memref<128x128xf32, #tpu.memory_space<hbm>>
      tpu.enqueue_dma source(%arg10 : memref<128x128xf32, #tpu.memory_space<vmem>>) target(%dma_start3A_248 : memref<128x128xf32, #tpu.memory_space<hbm>>) target_semaphore(%run_scoped3A : memref<!tpu.dma_semaphore, #tpu.memory_space<semaphore_mem>>)
      %dma_wait3A = arith.constant 0 : i32
      %dma_wait3A_249 = tpu.memref_slice %arg4[%arg0, %add3A_234, %dma_wait3A] : memref<2x10240x128xf32, #tpu.memory_space<hbm>> -> memref<1x128x128xf32, #tpu.memory_space<hbm>>
      %dma_wait3A_250 = tpu.memref_squeeze %dma_wait3A_249 : memref<1x128x128xf32, #tpu.memory_space<hbm>> -> memref<128x128xf32, #tpu.memory_space<hbm>>
      %dma_wait3A_251 = arith.constant 0 : i32
      %dma_wait3A_252 = tpu.memref_slice %arg4[%arg0, %add3A_234, %dma_wait3A_251] : memref<2x10240x128xf32, #tpu.memory_space<hbm>> -> memref<1x128x128xf32, #tpu.memory_space<hbm>>
      %dma_wait3A_253 = tpu.memref_squeeze %dma_wait3A_252 : memref<1x128x128xf32, #tpu.memory_space<hbm>> -> memref<128x128xf32, #tpu.memory_space<hbm>>
      tpu.wait_dma2 semaphore(%run_scoped3A : memref<!tpu.dma_semaphore, #tpu.memory_space<semaphore_mem>>) src(%arg10 : memref<128x128xf32, #tpu.memory_space<vmem>>) dst(%dma_wait3A_253 : memref<128x128xf32, #tpu.memory_space<hbm>>)
      tpu.yield
    }) : () -> ()
    %add3A_235 = arith.constant 384 : i32
    %add3A_236 = arith.addi %mul3A_8, %add3A_235 : i32
    "tpu.region"() ({
      %run_scoped3A = tpu.sem_alloc : memref<!tpu.dma_semaphore, #tpu.memory_space<semaphore_mem>>
      %dma_start3A_243 = arith.constant 0 : i32
      %dma_start3A_244 = tpu.memref_slice %arg12[%add3A_236, %dma_start3A_243] : memref<10240x128xf32, #tpu.memory_space<vmem_shared>> -> memref<128x128xf32, #tpu.memory_space<vmem_shared>>
      %dma_start3A_245 = arith.constant 0 : i32
      %dma_start3A_246 = tpu.memref_slice %arg12[%add3A_236, %dma_start3A_245] : memref<10240x128xf32, #tpu.memory_space<vmem_shared>> -> memref<128x128xf32, #tpu.memory_space<vmem_shared>>
      tpu.enqueue_dma source(%dma_start3A_246 : memref<128x128xf32, #tpu.memory_space<vmem_shared>>) target(%arg10 : memref<128x128xf32, #tpu.memory_space<vmem>>) target_semaphore(%run_scoped3A : memref<!tpu.dma_semaphore, #tpu.memory_space<semaphore_mem>>)
      %dma_wait3A = arith.constant 0 : i32
      %dma_wait3A_247 = tpu.memref_slice %arg12[%add3A_236, %dma_wait3A] : memref<10240x128xf32, #tpu.memory_space<vmem_shared>> -> memref<128x128xf32, #tpu.memory_space<vmem_shared>>
      %dma_wait3A_248 = arith.constant 0 : i32
      %dma_wait3A_249 = tpu.memref_slice %arg12[%add3A_236, %dma_wait3A_248] : memref<10240x128xf32, #tpu.memory_space<vmem_shared>> -> memref<128x128xf32, #tpu.memory_space<vmem_shared>>
      tpu.wait_dma2 semaphore(%run_scoped3A : memref<!tpu.dma_semaphore, #tpu.memory_space<semaphore_mem>>) src(%dma_wait3A_249 : memref<128x128xf32, #tpu.memory_space<vmem_shared>>) dst(%arg10 : memref<128x128xf32, #tpu.memory_space<vmem>>)
      tpu.yield
    }) : () -> ()
    %add3A_237 = arith.constant 384 : i32
    %add3A_238 = arith.addi %mul3A_8, %add3A_237 : i32
    "tpu.region"() ({
      %run_scoped3A = tpu.sem_alloc : memref<!tpu.dma_semaphore, #tpu.memory_space<semaphore_mem>>
      %dma_start3A_243 = arith.constant 0 : i32
      %dma_start3A_244 = tpu.memref_slice %arg4[%arg0, %add3A_238, %dma_start3A_243] : memref<2x10240x128xf32, #tpu.memory_space<hbm>> -> memref<1x128x128xf32, #tpu.memory_space<hbm>>
      %dma_start3A_245 = tpu.memref_squeeze %dma_start3A_244 : memref<1x128x128xf32, #tpu.memory_space<hbm>> -> memref<128x128xf32, #tpu.memory_space<hbm>>
      %dma_start3A_246 = arith.constant 0 : i32
      %dma_start3A_247 = tpu.memref_slice %arg4[%arg0, %add3A_238, %dma_start3A_246] : memref<2x10240x128xf32, #tpu.memory_space<hbm>> -> memref<1x128x128xf32, #tpu.memory_space<hbm>>
      %dma_start3A_248 = tpu.memref_squeeze %dma_start3A_247 : memref<1x128x128xf32, #tpu.memory_space<hbm>> -> memref<128x128xf32, #tpu.memory_space<hbm>>
      tpu.enqueue_dma source(%arg10 : memref<128x128xf32, #tpu.memory_space<vmem>>) target(%dma_start3A_248 : memref<128x128xf32, #tpu.memory_space<hbm>>) target_semaphore(%run_scoped3A : memref<!tpu.dma_semaphore, #tpu.memory_space<semaphore_mem>>)
      %dma_wait3A = arith.constant 0 : i32
      %dma_wait3A_249 = tpu.memref_slice %arg4[%arg0, %add3A_238, %dma_wait3A] : memref<2x10240x128xf32, #tpu.memory_space<hbm>> -> memref<1x128x128xf32, #tpu.memory_space<hbm>>
      %dma_wait3A_250 = tpu.memref_squeeze %dma_wait3A_249 : memref<1x128x128xf32, #tpu.memory_space<hbm>> -> memref<128x128xf32, #tpu.memory_space<hbm>>
      %dma_wait3A_251 = arith.constant 0 : i32
      %dma_wait3A_252 = tpu.memref_slice %arg4[%arg0, %add3A_238, %dma_wait3A_251] : memref<2x10240x128xf32, #tpu.memory_space<hbm>> -> memref<1x128x128xf32, #tpu.memory_space<hbm>>
      %dma_wait3A_253 = tpu.memref_squeeze %dma_wait3A_252 : memref<1x128x128xf32, #tpu.memory_space<hbm>> -> memref<128x128xf32, #tpu.memory_space<hbm>>
      tpu.wait_dma2 semaphore(%run_scoped3A : memref<!tpu.dma_semaphore, #tpu.memory_space<semaphore_mem>>) src(%arg10 : memref<128x128xf32, #tpu.memory_space<vmem>>) dst(%dma_wait3A_253 : memref<128x128xf32, #tpu.memory_space<hbm>>)
      tpu.yield
    }) : () -> ()
    %add3A_239 = arith.constant 512 : i32
    %add3A_240 = arith.addi %mul3A_8, %add3A_239 : i32
    "tpu.region"() ({
      %run_scoped3A = tpu.sem_alloc : memref<!tpu.dma_semaphore, #tpu.memory_space<semaphore_mem>>
      %dma_start3A_243 = arith.constant 0 : i32
      %dma_start3A_244 = tpu.memref_slice %arg12[%add3A_240, %dma_start3A_243] : memref<10240x128xf32, #tpu.memory_space<vmem_shared>> -> memref<128x128xf32, #tpu.memory_space<vmem_shared>>
      %dma_start3A_245 = arith.constant 0 : i32
      %dma_start3A_246 = tpu.memref_slice %arg12[%add3A_240, %dma_start3A_245] : memref<10240x128xf32, #tpu.memory_space<vmem_shared>> -> memref<128x128xf32, #tpu.memory_space<vmem_shared>>
      tpu.enqueue_dma source(%dma_start3A_246 : memref<128x128xf32, #tpu.memory_space<vmem_shared>>) target(%arg10 : memref<128x128xf32, #tpu.memory_space<vmem>>) target_semaphore(%run_scoped3A : memref<!tpu.dma_semaphore, #tpu.memory_space<semaphore_mem>>)
      %dma_wait3A = arith.constant 0 : i32
      %dma_wait3A_247 = tpu.memref_slice %arg12[%add3A_240, %dma_wait3A] : memref<10240x128xf32, #tpu.memory_space<vmem_shared>> -> memref<128x128xf32, #tpu.memory_space<vmem_shared>>
      %dma_wait3A_248 = arith.constant 0 : i32
      %dma_wait3A_249 = tpu.memref_slice %arg12[%add3A_240, %dma_wait3A_248] : memref<10240x128xf32, #tpu.memory_space<vmem_shared>> -> memref<128x128xf32, #tpu.memory_space<vmem_shared>>
      tpu.wait_dma2 semaphore(%run_scoped3A : memref<!tpu.dma_semaphore, #tpu.memory_space<semaphore_mem>>) src(%dma_wait3A_249 : memref<128x128xf32, #tpu.memory_space<vmem_shared>>) dst(%arg10 : memref<128x128xf32, #tpu.memory_space<vmem>>)
      tpu.yield
    }) : () -> ()
    %add3A_241 = arith.constant 512 : i32
    %add3A_242 = arith.addi %mul3A_8, %add3A_241 : i32
    "tpu.region"() ({
      %run_scoped3A = tpu.sem_alloc : memref<!tpu.dma_semaphore, #tpu.memory_space<semaphore_mem>>
      %dma_start3A_243 = arith.constant 0 : i32
      %dma_start3A_244 = tpu.memref_slice %arg4[%arg0, %add3A_242, %dma_start3A_243] : memref<2x10240x128xf32, #tpu.memory_space<hbm>> -> memref<1x128x128xf32, #tpu.memory_space<hbm>>
      %dma_start3A_245 = tpu.memref_squeeze %dma_start3A_244 : memref<1x128x128xf32, #tpu.memory_space<hbm>> -> memref<128x128xf32, #tpu.memory_space<hbm>>
      %dma_start3A_246 = arith.constant 0 : i32
      %dma_start3A_247 = tpu.memref_slice %arg4[%arg0, %add3A_242, %dma_start3A_246] : memref<2x10240x128xf32, #tpu.memory_space<hbm>> -> memref<1x128x128xf32, #tpu.memory_space<hbm>>
      %dma_start3A_248 = tpu.memref_squeeze %dma_start3A_247 : memref<1x128x128xf32, #tpu.memory_space<hbm>> -> memref<128x128xf32, #tpu.memory_space<hbm>>
      tpu.enqueue_dma source(%arg10 : memref<128x128xf32, #tpu.memory_space<vmem>>) target(%dma_start3A_248 : memref<128x128xf32, #tpu.memory_space<hbm>>) target_semaphore(%run_scoped3A : memref<!tpu.dma_semaphore, #tpu.memory_space<semaphore_mem>>)
      %dma_wait3A = arith.constant 0 : i32
      %dma_wait3A_249 = tpu.memref_slice %arg4[%arg0, %add3A_242, %dma_wait3A] : memref<2x10240x128xf32, #tpu.memory_space<hbm>> -> memref<1x128x128xf32, #tpu.memory_space<hbm>>
      %dma_wait3A_250 = tpu.memref_squeeze %dma_wait3A_249 : memref<1x128x128xf32, #tpu.memory_space<hbm>> -> memref<128x128xf32, #tpu.memory_space<hbm>>
      %dma_wait3A_251 = arith.constant 0 : i32
      %dma_wait3A_252 = tpu.memref_slice %arg4[%arg0, %add3A_242, %dma_wait3A_251] : memref<2x10240x128xf32, #tpu.memory_space<hbm>> -> memref<1x128x128xf32, #tpu.memory_space<hbm>>
      %dma_wait3A_253 = tpu.memref_squeeze %dma_wait3A_252 : memref<1x128x128xf32, #tpu.memory_space<hbm>> -> memref<128x128xf32, #tpu.memory_space<hbm>>
      tpu.wait_dma2 semaphore(%run_scoped3A : memref<!tpu.dma_semaphore, #tpu.memory_space<semaphore_mem>>) src(%arg10 : memref<128x128xf32, #tpu.memory_space<vmem>>) dst(%dma_wait3A_253 : memref<128x128xf32, #tpu.memory_space<hbm>>)
      tpu.yield
    }) : () -> ()
    return
  }
}

#map = affine_map<(d0, d1) -> (0, 0)>
#map1 = affine_map<(d0, d1) -> (0, 0, 0)>
module attributes {stable_mosaic.version = 14 : i64} {
  func.func @_mp_body(%arg0: i32, %arg1: i32, %arg2: memref<2560x128xi32, #tpu.memory_space<hbm>>, %arg3: memref<10240x128xf32, #tpu.memory_space<hbm>>, %arg4: memref<2x10240x128xf32, #tpu.memory_space<hbm>>, %arg5: memref<80x128xi32, #tpu.memory_space<vmem>>, %arg6: memref<128xi32, #tpu.memory_space<vmem>>, %arg7: memref<128xi32, #tpu.memory_space<vmem>>, %arg8: memref<128xi32, #tpu.memory_space<vmem>>, %arg9: memref<128xi32, #tpu.memory_space<vmem>>, %arg10: memref<128x128xf32, #tpu.memory_space<vmem>>, %arg11: memref<128x128xf32, #tpu.memory_space<vmem>>, %arg12: memref<10240x128xf32, #tpu.memory_space<vmem_shared>>, %arg13: memref<!tpu.dma_semaphore, #tpu.memory_space<semaphore_mem>>, %arg14: memref<!tpu.dma_semaphore, #tpu.memory_space<semaphore_mem>>, %arg15: memref<!tpu.dma_semaphore, #tpu.memory_space<semaphore_mem>>, %arg16: memref<!tpu.dma_semaphore, #tpu.memory_space<semaphore_mem>>) attributes {dimension_semantics = [#tpu.dimension_semantics<core_parallel>, #tpu.dimension_semantics<subcore_parallel>], iteration_bounds = array<i64: 2, 16>, scalar_prefetch = 0 : i64, scratch_operands = 12 : i64, tpu.core_type = #tpu.core_type<sc_vector_subcore>, window_params = [{transform_indices = #map}, {transform_indices = #map}, {transform_indices = #map1}]} {
    %mul3A = arith.constant 2 : i32
    %mul3A_0 = arith.muli %arg1, %mul3A : i32
    %add3A = arith.addi %mul3A_0, %arg0 : i32
    %scan3A = arith.constant 0 : i32
    %scan3A_1 = arith.constant 0 : i32
    %scan3A_2 = arith.constant 1024 : i32
    %scan3A_3 = arith.addi %scan3A_1, %scan3A_2 : i32
    %scan3A_4 = arith.constant 1 : i32
    %scan3A_5 = scf.for %scan3A_243 = %scan3A_1 to %scan3A_3 step %scan3A_4 iter_args(%scan3A_244 = %scan3A) -> (i32)  : i32 {
      %jit3A = arith.constant 8 : i32
      %div3A = arith.divsi %scan3A_243, %jit3A : i32
      %sign3A = arith.constant 0 : i32
      %sign3A_245 = arith.cmpi sgt, %scan3A_243, %sign3A : i32
      %sign3A_246 = arith.extui %sign3A_245 : i1 to i32
      %sign3A_247 = arith.constant 0 : i32
      %sign3A_248 = arith.cmpi slt, %scan3A_243, %sign3A_247 : i32
      %sign3A_249 = arith.extui %sign3A_248 : i1 to i32
      %sign3A_250 = arith.subi %sign3A_246, %sign3A_249 : i32
      %sign3A_251 = arith.constant 0 : i32
      %sign3A_252 = arith.cmpi sgt, %jit3A, %sign3A_251 : i32
      %sign3A_253 = arith.extui %sign3A_252 : i1 to i32
      %sign3A_254 = arith.constant 0 : i32
      %sign3A_255 = arith.cmpi slt, %jit3A, %sign3A_254 : i32
      %sign3A_256 = arith.extui %sign3A_255 : i1 to i32
      %sign3A_257 = arith.subi %sign3A_253, %sign3A_256 : i32
      %ne3A = arith.cmpi ne, %sign3A_250, %sign3A_257 : i32
      %rem3A = arith.remsi %scan3A_243, %jit3A : i32
      %ne3A_258 = arith.constant 0 : i32
      %ne3A_259 = arith.cmpi ne, %rem3A, %ne3A_258 : i32
      %and3A_260 = arith.andi %ne3A, %ne3A_259 : i1
      %sub3A = arith.constant 1 : i32
      %sub3A_261 = arith.subi %div3A, %sub3A : i32
      %select_n3A = arith.select %and3A_260, %sub3A_261, %div3A : i32
      %jit3A_262 = arith.constant 8 : i32
      %eq3A = arith.constant 0 : i32
      %eq3A_263 = arith.cmpi eq, %jit3A_262, %eq3A : i32
      %jit3A_264 = arith.constant 1 : i32
      %select_n3A_265 = arith.select %eq3A_263, %jit3A_264, %jit3A_262 : i32
      %rem3A_266 = arith.remsi %scan3A_243, %select_n3A_265 : i32
      %ne3A_267 = arith.constant 0 : i32
      %ne3A_268 = arith.cmpi ne, %rem3A_266, %ne3A_267 : i32
      %lt3A = arith.constant 0 : i32
      %lt3A_269 = arith.cmpi slt, %rem3A_266, %lt3A : i32
      %lt3A_270 = arith.constant 0 : i32
      %lt3A_271 = arith.cmpi slt, %select_n3A_265, %lt3A_270 : i32
      %ne3A_272 = arith.xori %lt3A_269, %lt3A_271 : i1
      %and3A_273 = arith.andi %ne3A_272, %ne3A_268 : i1
      %add3A_274 = arith.addi %rem3A_266, %select_n3A_265 : i32
      %select_n3A_275 = arith.select %and3A_273, %add3A_274, %rem3A_266 : i32
      %broadcast_in_dim3A = arith.constant 0.000000e+00 : f32
      %broadcast_in_dim3A_276 = vector.broadcast %broadcast_in_dim3A : f32 to vector<16xf32>
      %mul3A_277 = arith.constant 16 : i32
      %mul3A_278 = arith.muli %select_n3A_275, %mul3A_277 : i32
      %swap3A_279 = arith.index_cast %select_n3A : i32 to index
      %swap3A_280 = arith.index_cast %mul3A_278 : i32 to index
      %swap3A_281 = tpu.vector_load %arg10[%swap3A_279, %swap3A_280] {strides = array<i32>} : memref<128x128xf32, #tpu.memory_space<vmem>>, vector<1x16xf32>,
      %swap3A_282 = vector.shape_cast %swap3A_281 : vector<1x16xf32> to vector<16xf32>
      %swap3A_283 = vector.shape_cast %broadcast_in_dim3A_276 : vector<16xf32> to vector<1x16xf32>
      tpu.vector_store %arg10[%swap3A_279, %swap3A_280], %swap3A_283 {strides = array<i32>} : memref<128x128xf32, #tpu.memory_space<vmem>>, vector<1x16xf32>,
      %scan3A_284 = arith.constant 0 : i32
      scf.yield %scan3A_284 : i32
    }
    %scan3A_6 = arith.constant 1024 : i32
    %mul3A_7 = arith.constant 640 : i32
    %mul3A_8 = arith.muli %arg1, %mul3A_7 : i32
    %add3A_9 = arith.constant 0 : i32
    %add3A_10 = arith.addi %mul3A_8, %add3A_9 : i32
    "tpu.region"() ({
      %run_scoped3A = tpu.sem_alloc : memref<!tpu.dma_semaphore, #tpu.memory_space<semaphore_mem>>
      %dma_start3A_243 = arith.constant 0 : i32
      %dma_start3A_244 = tpu.memref_slice %arg12[%add3A_10, %dma_start3A_243] : memref<10240x128xf32, #tpu.memory_space<vmem_shared>> -> memref<128x128xf32, #tpu.memory_space<vmem_shared>>
      %dma_start3A_245 = arith.constant 0 : i32
      %dma_start3A_246 = tpu.memref_slice %arg12[%add3A_10, %dma_start3A_245] : memref<10240x128xf32, #tpu.memory_space<vmem_shared>> -> memref<128x128xf32, #tpu.memory_space<vmem_shared>>
      tpu.enqueue_dma source(%arg10 : memref<128x128xf32, #tpu.memory_space<vmem>>) target(%dma_start3A_246 : memref<128x128xf32, #tpu.memory_space<vmem_shared>>) target_semaphore(%run_scoped3A : memref<!tpu.dma_semaphore, #tpu.memory_space<semaphore_mem>>)
      %dma_wait3A = arith.constant 0 : i32
      %dma_wait3A_247 = tpu.memref_slice %arg12[%add3A_10, %dma_wait3A] : memref<10240x128xf32, #tpu.memory_space<vmem_shared>> -> memref<128x128xf32, #tpu.memory_space<vmem_shared>>
      %dma_wait3A_248 = arith.constant 0 : i32
      %dma_wait3A_249 = tpu.memref_slice %arg12[%add3A_10, %dma_wait3A_248] : memref<10240x128xf32, #tpu.memory_space<vmem_shared>> -> memref<128x128xf32, #tpu.memory_space<vmem_shared>>
      tpu.wait_dma2 semaphore(%run_scoped3A : memref<!tpu.dma_semaphore, #tpu.memory_space<semaphore_mem>>) src(%arg10 : memref<128x128xf32, #tpu.memory_space<vmem>>) dst(%dma_wait3A_249 : memref<128x128xf32, #tpu.memory_space<vmem_shared>>)
      tpu.yield
    }) : () -> ()
    %add3A_11 = arith.constant 128 : i32
    %add3A_12 = arith.addi %mul3A_8, %add3A_11 : i32
    "tpu.region"() ({
      %run_scoped3A = tpu.sem_alloc : memref<!tpu.dma_semaphore, #tpu.memory_space<semaphore_mem>>
      %dma_start3A_243 = arith.constant 0 : i32
      %dma_start3A_244 = tpu.memref_slice %arg12[%add3A_12, %dma_start3A_243] : memref<10240x128xf32, #tpu.memory_space<vmem_shared>> -> memref<128x128xf32, #tpu.memory_space<vmem_shared>>
      %dma_start3A_245 = arith.constant 0 : i32
      %dma_start3A_246 = tpu.memref_slice %arg12[%add3A_12, %dma_start3A_245] : memref<10240x128xf32, #tpu.memory_space<vmem_shared>> -> memref<128x128xf32, #tpu.memory_space<vmem_shared>>
      tpu.enqueue_dma source(%arg10 : memref<128x128xf32, #tpu.memory_space<vmem>>) target(%dma_start3A_246 : memref<128x128xf32, #tpu.memory_space<vmem_shared>>) target_semaphore(%run_scoped3A : memref<!tpu.dma_semaphore, #tpu.memory_space<semaphore_mem>>)
      %dma_wait3A = arith.constant 0 : i32
      %dma_wait3A_247 = tpu.memref_slice %arg12[%add3A_12, %dma_wait3A] : memref<10240x128xf32, #tpu.memory_space<vmem_shared>> -> memref<128x128xf32, #tpu.memory_space<vmem_shared>>
      %dma_wait3A_248 = arith.constant 0 : i32
      %dma_wait3A_249 = tpu.memref_slice %arg12[%add3A_12, %dma_wait3A_248] : memref<10240x128xf32, #tpu.memory_space<vmem_shared>> -> memref<128x128xf32, #tpu.memory_space<vmem_shared>>
      tpu.wait_dma2 semaphore(%run_scoped3A : memref<!tpu.dma_semaphore, #tpu.memory_space<semaphore_mem>>) src(%arg10 : memref<128x128xf32, #tpu.memory_space<vmem>>) dst(%dma_wait3A_249 : memref<128x128xf32, #tpu.memory_space<vmem_shared>>)
      tpu.yield
    }) : () -> ()
    %add3A_13 = arith.constant 256 : i32
    %add3A_14 = arith.addi %mul3A_8, %add3A_13 : i32
    "tpu.region"() ({
      %run_scoped3A = tpu.sem_alloc : memref<!tpu.dma_semaphore, #tpu.memory_space<semaphore_mem>>
      %dma_start3A_243 = arith.constant 0 : i32
      %dma_start3A_244 = tpu.memref_slice %arg12[%add3A_14, %dma_start3A_243] : memref<10240x128xf32, #tpu.memory_space<vmem_shared>> -> memref<128x128xf32, #tpu.memory_space<vmem_shared>>
      %dma_start3A_245 = arith.constant 0 : i32
      %dma_start3A_246 = tpu.memref_slice %arg12[%add3A_14, %dma_start3A_245] : memref<10240x128xf32, #tpu.memory_space<vmem_shared>> -> memref<128x128xf32, #tpu.memory_space<vmem_shared>>
      tpu.enqueue_dma source(%arg10 : memref<128x128xf32, #tpu.memory_space<vmem>>) target(%dma_start3A_246 : memref<128x128xf32, #tpu.memory_space<vmem_shared>>) target_semaphore(%run_scoped3A : memref<!tpu.dma_semaphore, #tpu.memory_space<semaphore_mem>>)
      %dma_wait3A = arith.constant 0 : i32
      %dma_wait3A_247 = tpu.memref_slice %arg12[%add3A_14, %dma_wait3A] : memref<10240x128xf32, #tpu.memory_space<vmem_shared>> -> memref<128x128xf32, #tpu.memory_space<vmem_shared>>
      %dma_wait3A_248 = arith.constant 0 : i32
      %dma_wait3A_249 = tpu.memref_slice %arg12[%add3A_14, %dma_wait3A_248] : memref<10240x128xf32, #tpu.memory_space<vmem_shared>> -> memref<128x128xf32, #tpu.memory_space<vmem_shared>>
      tpu.wait_dma2 semaphore(%run_scoped3A : memref<!tpu.dma_semaphore, #tpu.memory_space<semaphore_mem>>) src(%arg10 : memref<128x128xf32, #tpu.memory_space<vmem>>) dst(%dma_wait3A_249 : memref<128x128xf32, #tpu.memory_space<vmem_shared>>)
      tpu.yield
    }) : () -> ()
    %add3A_15 = arith.constant 384 : i32
    %add3A_16 = arith.addi %mul3A_8, %add3A_15 : i32
    "tpu.region"() ({
      %run_scoped3A = tpu.sem_alloc : memref<!tpu.dma_semaphore, #tpu.memory_space<semaphore_mem>>
      %dma_start3A_243 = arith.constant 0 : i32
      %dma_start3A_244 = tpu.memref_slice %arg12[%add3A_16, %dma_start3A_243] : memref<10240x128xf32, #tpu.memory_space<vmem_shared>> -> memref<128x128xf32, #tpu.memory_space<vmem_shared>>
      %dma_start3A_245 = arith.constant 0 : i32
      %dma_start3A_246 = tpu.memref_slice %arg12[%add3A_16, %dma_start3A_245] : memref<10240x128xf32, #tpu.memory_space<vmem_shared>> -> memref<128x128xf32, #tpu.memory_space<vmem_shared>>
      tpu.enqueue_dma source(%arg10 : memref<128x128xf32, #tpu.memory_space<vmem>>) target(%dma_start3A_246 : memref<128x128xf32, #tpu.memory_space<vmem_shared>>) target_semaphore(%run_scoped3A : memref<!tpu.dma_semaphore, #tpu.memory_space<semaphore_mem>>)
      %dma_wait3A = arith.constant 0 : i32
      %dma_wait3A_247 = tpu.memref_slice %arg12[%add3A_16, %dma_wait3A] : memref<10240x128xf32, #tpu.memory_space<vmem_shared>> -> memref<128x128xf32, #tpu.memory_space<vmem_shared>>
      %dma_wait3A_248 = arith.constant 0 : i32
      %dma_wait3A_249 = tpu.memref_slice %arg12[%add3A_16, %dma_wait3A_248] : memref<10240x128xf32, #tpu.memory_space<vmem_shared>> -> memref<128x128xf32, #tpu.memory_space<vmem_shared>>
      tpu.wait_dma2 semaphore(%run_scoped3A : memref<!tpu.dma_semaphore, #tpu.memory_space<semaphore_mem>>) src(%arg10 : memref<128x128xf32, #tpu.memory_space<vmem>>) dst(%dma_wait3A_249 : memref<128x128xf32, #tpu.memory_space<vmem_shared>>)
      tpu.yield
    }) : () -> ()
    %add3A_17 = arith.constant 512 : i32
    %add3A_18 = arith.addi %mul3A_8, %add3A_17 : i32
    "tpu.region"() ({
      %run_scoped3A = tpu.sem_alloc : memref<!tpu.dma_semaphore, #tpu.memory_space<semaphore_mem>>
      %dma_start3A_243 = arith.constant 0 : i32
      %dma_start3A_244 = tpu.memref_slice %arg12[%add3A_18, %dma_start3A_243] : memref<10240x128xf32, #tpu.memory_space<vmem_shared>> -> memref<128x128xf32, #tpu.memory_space<vmem_shared>>
      %dma_start3A_245 = arith.constant 0 : i32
      %dma_start3A_246 = tpu.memref_slice %arg12[%add3A_18, %dma_start3A_245] : memref<10240x128xf32, #tpu.memory_space<vmem_shared>> -> memref<128x128xf32, #tpu.memory_space<vmem_shared>>
      tpu.enqueue_dma source(%arg10 : memref<128x128xf32, #tpu.memory_space<vmem>>) target(%dma_start3A_246 : memref<128x128xf32, #tpu.memory_space<vmem_shared>>) target_semaphore(%run_scoped3A : memref<!tpu.dma_semaphore, #tpu.memory_space<semaphore_mem>>)
      %dma_wait3A = arith.constant 0 : i32
      %dma_wait3A_247 = tpu.memref_slice %arg12[%add3A_18, %dma_wait3A] : memref<10240x128xf32, #tpu.memory_space<vmem_shared>> -> memref<128x128xf32, #tpu.memory_space<vmem_shared>>
      %dma_wait3A_248 = arith.constant 0 : i32
      %dma_wait3A_249 = tpu.memref_slice %arg12[%add3A_18, %dma_wait3A_248] : memref<10240x128xf32, #tpu.memory_space<vmem_shared>> -> memref<128x128xf32, #tpu.memory_space<vmem_shared>>
      tpu.wait_dma2 semaphore(%run_scoped3A : memref<!tpu.dma_semaphore, #tpu.memory_space<semaphore_mem>>) src(%arg10 : memref<128x128xf32, #tpu.memory_space<vmem>>) dst(%dma_wait3A_249 : memref<128x128xf32, #tpu.memory_space<vmem_shared>>)
      tpu.yield
    }) : () -> ()
    %barrier3A = arith.constant 0 : index
    tpu.barrier barrier_id(%barrier3A)
    %mul3A_19 = arith.constant 80 : i32
    %mul3A_20 = arith.muli %add3A, %mul3A_19 : i32
    "tpu.region"() ({
      %run_scoped3A = tpu.sem_alloc : memref<!tpu.dma_semaphore, #tpu.memory_space<semaphore_mem>>
      %dma_start3A_243 = arith.constant 0 : i32
      %dma_start3A_244 = tpu.memref_slice %arg2[%mul3A_20, %dma_start3A_243] : memref<2560x128xi32, #tpu.memory_space<hbm>> -> memref<80x128xi32, #tpu.memory_space<hbm>>
      %dma_start3A_245 = arith.constant 0 : i32
      %dma_start3A_246 = tpu.memref_slice %arg2[%mul3A_20, %dma_start3A_245] : memref<2560x128xi32, #tpu.memory_space<hbm>> -> memref<80x128xi32, #tpu.memory_space<hbm>>
      tpu.enqueue_dma source(%dma_start3A_246 : memref<80x128xi32, #tpu.memory_space<hbm>>) target(%arg5 : memref<80x128xi32, #tpu.memory_space<vmem>>) target_semaphore(%run_scoped3A : memref<!tpu.dma_semaphore, #tpu.memory_space<semaphore_mem>>)
      %dma_wait3A = arith.constant 0 : i32
      %dma_wait3A_247 = tpu.memref_slice %arg2[%mul3A_20, %dma_wait3A] : memref<2560x128xi32, #tpu.memory_space<hbm>> -> memref<80x128xi32, #tpu.memory_space<hbm>>
      %dma_wait3A_248 = arith.constant 0 : i32
      %dma_wait3A_249 = tpu.memref_slice %arg2[%mul3A_20, %dma_wait3A_248] : memref<2560x128xi32, #tpu.memory_space<hbm>> -> memref<80x128xi32, #tpu.memory_space<hbm>>
      tpu.wait_dma2 semaphore(%run_scoped3A : memref<!tpu.dma_semaphore, #tpu.memory_space<semaphore_mem>>) src(%dma_wait3A_249 : memref<80x128xi32, #tpu.memory_space<hbm>>) dst(%arg5 : memref<80x128xi32, #tpu.memory_space<vmem>>)
      tpu.yield
    }) : () -> ()
    %get3A = arith.constant 0 : i32
    %get3A_21 = arith.index_cast %get3A : i32 to index
    %get3A_22 = arith.constant 0 : index
    %get3A_23 = tpu.vector_load %arg5[%get3A_21, %get3A_22] {strides = array<i32>} : memref<80x128xi32, #tpu.memory_space<vmem>>, vector<1x16xi32>,
    %get3A_24 = vector.shape_cast %get3A_23 : vector<1x16xi32> to vector<16xi32>
    %and3A = arith.constant 16383 : i32
    %and3A_25 = vector.broadcast %and3A : i32 to vector<16xi32>
    %and3A_26 = arith.andi %get3A_24, %and3A_25 : vector<16xi32>
    %swap3A = arith.constant 0 : index
    %swap3A_27 = tpu.vector_load %arg6[%swap3A] {strides = array<i32>} : memref<128xi32, #tpu.memory_space<vmem>>, vector<16xi32>,
    %swap3A_28 = vector.shape_cast %swap3A_27 : vector<16xi32> to vector<16xi32>
    %swap3A_29 = vector.shape_cast %and3A_26 : vector<16xi32> to vector<16xi32>
    tpu.vector_store %arg6[%swap3A], %swap3A_29 {strides = array<i32>} : memref<128xi32, #tpu.memory_space<vmem>>, vector<16xi32>,
    %get3A_30 = arith.constant 0 : i32
    %get3A_31 = arith.index_cast %get3A_30 : i32 to index
    %get3A_32 = arith.constant 16 : index
    %get3A_33 = tpu.vector_load %arg5[%get3A_31, %get3A_32] {strides = array<i32>} : memref<80x128xi32, #tpu.memory_space<vmem>>, vector<1x16xi32>,
    %get3A_34 = vector.shape_cast %get3A_33 : vector<1x16xi32> to vector<16xi32>
    %and3A_35 = arith.constant 16383 : i32
    %and3A_36 = vector.broadcast %and3A_35 : i32 to vector<16xi32>
    %and3A_37 = arith.andi %get3A_34, %and3A_36 : vector<16xi32>
    %swap3A_38 = arith.constant 16 : index
    %swap3A_39 = tpu.vector_load %arg6[%swap3A_38] {strides = array<i32>} : memref<128xi32, #tpu.memory_space<vmem>>, vector<16xi32>,
    %swap3A_40 = vector.shape_cast %swap3A_39 : vector<16xi32> to vector<16xi32>
    %swap3A_41 = vector.shape_cast %and3A_37 : vector<16xi32> to vector<16xi32>
    tpu.vector_store %arg6[%swap3A_38], %swap3A_41 {strides = array<i32>} : memref<128xi32, #tpu.memory_space<vmem>>, vector<16xi32>,
    %get3A_42 = arith.constant 0 : i32
    %get3A_43 = arith.index_cast %get3A_42 : i32 to index
    %get3A_44 = arith.constant 32 : index
    %get3A_45 = tpu.vector_load %arg5[%get3A_43, %get3A_44] {strides = array<i32>} : memref<80x128xi32, #tpu.memory_space<vmem>>, vector<1x16xi32>,
    %get3A_46 = vector.shape_cast %get3A_45 : vector<1x16xi32> to vector<16xi32>
    %and3A_47 = arith.constant 16383 : i32
    %and3A_48 = vector.broadcast %and3A_47 : i32 to vector<16xi32>
    %and3A_49 = arith.andi %get3A_46, %and3A_48 : vector<16xi32>
    %swap3A_50 = arith.constant 32 : index
    %swap3A_51 = tpu.vector_load %arg6[%swap3A_50] {strides = array<i32>} : memref<128xi32, #tpu.memory_space<vmem>>, vector<16xi32>,
    %swap3A_52 = vector.shape_cast %swap3A_51 : vector<16xi32> to vector<16xi32>
    %swap3A_53 = vector.shape_cast %and3A_49 : vector<16xi32> to vector<16xi32>
    tpu.vector_store %arg6[%swap3A_50], %swap3A_53 {strides = array<i32>} : memref<128xi32, #tpu.memory_space<vmem>>, vector<16xi32>,
    %get3A_54 = arith.constant 0 : i32
    %get3A_55 = arith.index_cast %get3A_54 : i32 to index
    %get3A_56 = arith.constant 48 : index
    %get3A_57 = tpu.vector_load %arg5[%get3A_55, %get3A_56] {strides = array<i32>} : memref<80x128xi32, #tpu.memory_space<vmem>>, vector<1x16xi32>,
    %get3A_58 = vector.shape_cast %get3A_57 : vector<1x16xi32> to vector<16xi32>
    %and3A_59 = arith.constant 16383 : i32
    %and3A_60 = vector.broadcast %and3A_59 : i32 to vector<16xi32>
    %and3A_61 = arith.andi %get3A_58, %and3A_60 : vector<16xi32>
    %swap3A_62 = arith.constant 48 : index
    %swap3A_63 = tpu.vector_load %arg6[%swap3A_62] {strides = array<i32>} : memref<128xi32, #tpu.memory_space<vmem>>, vector<16xi32>,
    %swap3A_64 = vector.shape_cast %swap3A_63 : vector<16xi32> to vector<16xi32>
    %swap3A_65 = vector.shape_cast %and3A_61 : vector<16xi32> to vector<16xi32>
    tpu.vector_store %arg6[%swap3A_62], %swap3A_65 {strides = array<i32>} : memref<128xi32, #tpu.memory_space<vmem>>, vector<16xi32>,
    %get3A_66 = arith.constant 0 : i32
    %get3A_67 = arith.index_cast %get3A_66 : i32 to index
    %get3A_68 = arith.constant 64 : index
    %get3A_69 = tpu.vector_load %arg5[%get3A_67, %get3A_68] {strides = array<i32>} : memref<80x128xi32, #tpu.memory_space<vmem>>, vector<1x16xi32>,
    %get3A_70 = vector.shape_cast %get3A_69 : vector<1x16xi32> to vector<16xi32>
    %and3A_71 = arith.constant 16383 : i32
    %and3A_72 = vector.broadcast %and3A_71 : i32 to vector<16xi32>
    %and3A_73 = arith.andi %get3A_70, %and3A_72 : vector<16xi32>
    %swap3A_74 = arith.constant 64 : index
    %swap3A_75 = tpu.vector_load %arg6[%swap3A_74] {strides = array<i32>} : memref<128xi32, #tpu.memory_space<vmem>>, vector<16xi32>,
    %swap3A_76 = vector.shape_cast %swap3A_75 : vector<16xi32> to vector<16xi32>
    %swap3A_77 = vector.shape_cast %and3A_73 : vector<16xi32> to vector<16xi32>
    tpu.vector_store %arg6[%swap3A_74], %swap3A_77 {strides = array<i32>} : memref<128xi32, #tpu.memory_space<vmem>>, vector<16xi32>,
    %get3A_78 = arith.constant 0 : i32
    %get3A_79 = arith.index_cast %get3A_78 : i32 to index
    %get3A_80 = arith.constant 80 : index
    %get3A_81 = tpu.vector_load %arg5[%get3A_79, %get3A_80] {strides = array<i32>} : memref<80x128xi32, #tpu.memory_space<vmem>>, vector<1x16xi32>,
    %get3A_82 = vector.shape_cast %get3A_81 : vector<1x16xi32> to vector<16xi32>
    %and3A_83 = arith.constant 16383 : i32
    %and3A_84 = vector.broadcast %and3A_83 : i32 to vector<16xi32>
    %and3A_85 = arith.andi %get3A_82, %and3A_84 : vector<16xi32>
    %swap3A_86 = arith.constant 80 : index
    %swap3A_87 = tpu.vector_load %arg6[%swap3A_86] {strides = array<i32>} : memref<128xi32, #tpu.memory_space<vmem>>, vector<16xi32>,
    %swap3A_88 = vector.shape_cast %swap3A_87 : vector<16xi32> to vector<16xi32>
    %swap3A_89 = vector.shape_cast %and3A_85 : vector<16xi32> to vector<16xi32>
    tpu.vector_store %arg6[%swap3A_86], %swap3A_89 {strides = array<i32>} : memref<128xi32, #tpu.memory_space<vmem>>, vector<16xi32>,
    %get3A_90 = arith.constant 0 : i32
    %get3A_91 = arith.index_cast %get3A_90 : i32 to index
    %get3A_92 = arith.constant 96 : index
    %get3A_93 = tpu.vector_load %arg5[%get3A_91, %get3A_92] {strides = array<i32>} : memref<80x128xi32, #tpu.memory_space<vmem>>, vector<1x16xi32>,
    %get3A_94 = vector.shape_cast %get3A_93 : vector<1x16xi32> to vector<16xi32>
    %and3A_95 = arith.constant 16383 : i32
    %and3A_96 = vector.broadcast %and3A_95 : i32 to vector<16xi32>
    %and3A_97 = arith.andi %get3A_94, %and3A_96 : vector<16xi32>
    %swap3A_98 = arith.constant 96 : index
    %swap3A_99 = tpu.vector_load %arg6[%swap3A_98] {strides = array<i32>} : memref<128xi32, #tpu.memory_space<vmem>>, vector<16xi32>,
    %swap3A_100 = vector.shape_cast %swap3A_99 : vector<16xi32> to vector<16xi32>
    %swap3A_101 = vector.shape_cast %and3A_97 : vector<16xi32> to vector<16xi32>
    tpu.vector_store %arg6[%swap3A_98], %swap3A_101 {strides = array<i32>} : memref<128xi32, #tpu.memory_space<vmem>>, vector<16xi32>,
    %get3A_102 = arith.constant 0 : i32
    %get3A_103 = arith.index_cast %get3A_102 : i32 to index
    %get3A_104 = arith.constant 112 : index
    %get3A_105 = tpu.vector_load %arg5[%get3A_103, %get3A_104] {strides = array<i32>} : memref<80x128xi32, #tpu.memory_space<vmem>>, vector<1x16xi32>,
    %get3A_106 = vector.shape_cast %get3A_105 : vector<1x16xi32> to vector<16xi32>
    %and3A_107 = arith.constant 16383 : i32
    %and3A_108 = vector.broadcast %and3A_107 : i32 to vector<16xi32>
    %and3A_109 = arith.andi %get3A_106, %and3A_108 : vector<16xi32>
    %swap3A_110 = arith.constant 112 : index
    %swap3A_111 = tpu.vector_load %arg6[%swap3A_110] {strides = array<i32>} : memref<128xi32, #tpu.memory_space<vmem>>, vector<16xi32>,
    %swap3A_112 = vector.shape_cast %swap3A_111 : vector<16xi32> to vector<16xi32>
    %swap3A_113 = vector.shape_cast %and3A_109 : vector<16xi32> to vector<16xi32>
    tpu.vector_store %arg6[%swap3A_110], %swap3A_113 {strides = array<i32>} : memref<128xi32, #tpu.memory_space<vmem>>, vector<16xi32>,
    %dma_start3A = arith.constant 0 : i32
    %dma_start3A_114 = arith.constant 0 : i32
    %dma_start3A_115 = tpu.memref_slice %arg3[%dma_start3A, %dma_start3A_114] : memref<10240x128xf32, #tpu.memory_space<hbm>> -> memref<10240x128xf32, #tpu.memory_space<hbm>>
    tpu.enqueue_indirect_dma source(%dma_start3A_115 : memref<10240x128xf32, #tpu.memory_space<hbm>>) target(%arg10 : memref<128x128xf32, #tpu.memory_space<vmem>>) offsets(%arg6 : memref<128xi32, #tpu.memory_space<vmem>>) semaphore(%arg13 : memref<!tpu.dma_semaphore, #tpu.memory_space<semaphore_mem>>)
    %get3A_116 = arith.constant 1 : i32
    %get3A_117 = arith.index_cast %get3A_116 : i32 to index
    %get3A_118 = arith.constant 0 : index
    %get3A_119 = tpu.vector_load %arg5[%get3A_117, %get3A_118] {strides = array<i32>} : memref<80x128xi32, #tpu.memory_space<vmem>>, vector<1x16xi32>,
    %get3A_120 = vector.shape_cast %get3A_119 : vector<1x16xi32> to vector<16xi32>
    %and3A_121 = arith.constant 16383 : i32
    %and3A_122 = vector.broadcast %and3A_121 : i32 to vector<16xi32>
    %and3A_123 = arith.andi %get3A_120, %and3A_122 : vector<16xi32>
    %swap3A_124 = arith.constant 0 : index
    %swap3A_125 = tpu.vector_load %arg7[%swap3A_124] {strides = array<i32>} : memref<128xi32, #tpu.memory_space<vmem>>, vector<16xi32>,
    %swap3A_126 = vector.shape_cast %swap3A_125 : vector<16xi32> to vector<16xi32>
    %swap3A_127 = vector.shape_cast %and3A_123 : vector<16xi32> to vector<16xi32>
    tpu.vector_store %arg7[%swap3A_124], %swap3A_127 {strides = array<i32>} : memref<128xi32, #tpu.memory_space<vmem>>, vector<16xi32>,
    %get3A_128 = arith.constant 1 : i32
    %get3A_129 = arith.index_cast %get3A_128 : i32 to index
    %get3A_130 = arith.constant 16 : index
    %get3A_131 = tpu.vector_load %arg5[%get3A_129, %get3A_130] {strides = array<i32>} : memref<80x128xi32, #tpu.memory_space<vmem>>, vector<1x16xi32>,
    %get3A_132 = vector.shape_cast %get3A_131 : vector<1x16xi32> to vector<16xi32>
    %and3A_133 = arith.constant 16383 : i32
    %and3A_134 = vector.broadcast %and3A_133 : i32 to vector<16xi32>
    %and3A_135 = arith.andi %get3A_132, %and3A_134 : vector<16xi32>
    %swap3A_136 = arith.constant 16 : index
    %swap3A_137 = tpu.vector_load %arg7[%swap3A_136] {strides = array<i32>} : memref<128xi32, #tpu.memory_space<vmem>>, vector<16xi32>,
    %swap3A_138 = vector.shape_cast %swap3A_137 : vector<16xi32> to vector<16xi32>
    %swap3A_139 = vector.shape_cast %and3A_135 : vector<16xi32> to vector<16xi32>
    tpu.vector_store %arg7[%swap3A_136], %swap3A_139 {strides = array<i32>} : memref<128xi32, #tpu.memory_space<vmem>>, vector<16xi32>,
    %get3A_140 = arith.constant 1 : i32
    %get3A_141 = arith.index_cast %get3A_140 : i32 to index
    %get3A_142 = arith.constant 32 : index
    %get3A_143 = tpu.vector_load %arg5[%get3A_141, %get3A_142] {strides = array<i32>} : memref<80x128xi32, #tpu.memory_space<vmem>>, vector<1x16xi32>,
    %get3A_144 = vector.shape_cast %get3A_143 : vector<1x16xi32> to vector<16xi32>
    %and3A_145 = arith.constant 16383 : i32
    %and3A_146 = vector.broadcast %and3A_145 : i32 to vector<16xi32>
    %and3A_147 = arith.andi %get3A_144, %and3A_146 : vector<16xi32>
    %swap3A_148 = arith.constant 32 : index
    %swap3A_149 = tpu.vector_load %arg7[%swap3A_148] {strides = array<i32>} : memref<128xi32, #tpu.memory_space<vmem>>, vector<16xi32>,
    %swap3A_150 = vector.shape_cast %swap3A_149 : vector<16xi32> to vector<16xi32>
    %swap3A_151 = vector.shape_cast %and3A_147 : vector<16xi32> to vector<16xi32>
    tpu.vector_store %arg7[%swap3A_148], %swap3A_151 {strides = array<i32>} : memref<128xi32, #tpu.memory_space<vmem>>, vector<16xi32>,
    %get3A_152 = arith.constant 1 : i32
    %get3A_153 = arith.index_cast %get3A_152 : i32 to index
    %get3A_154 = arith.constant 48 : index
    %get3A_155 = tpu.vector_load %arg5[%get3A_153, %get3A_154] {strides = array<i32>} : memref<80x128xi32, #tpu.memory_space<vmem>>, vector<1x16xi32>,
    %get3A_156 = vector.shape_cast %get3A_155 : vector<1x16xi32> to vector<16xi32>
    %and3A_157 = arith.constant 16383 : i32
    %and3A_158 = vector.broadcast %and3A_157 : i32 to vector<16xi32>
    %and3A_159 = arith.andi %get3A_156, %and3A_158 : vector<16xi32>
    %swap3A_160 = arith.constant 48 : index
    %swap3A_161 = tpu.vector_load %arg7[%swap3A_160] {strides = array<i32>} : memref<128xi32, #tpu.memory_space<vmem>>, vector<16xi32>,
    %swap3A_162 = vector.shape_cast %swap3A_161 : vector<16xi32> to vector<16xi32>
    %swap3A_163 = vector.shape_cast %and3A_159 : vector<16xi32> to vector<16xi32>
    tpu.vector_store %arg7[%swap3A_160], %swap3A_163 {strides = array<i32>} : memref<128xi32, #tpu.memory_space<vmem>>, vector<16xi32>,
    %get3A_164 = arith.constant 1 : i32
    %get3A_165 = arith.index_cast %get3A_164 : i32 to index
    %get3A_166 = arith.constant 64 : index
    %get3A_167 = tpu.vector_load %arg5[%get3A_165, %get3A_166] {strides = array<i32>} : memref<80x128xi32, #tpu.memory_space<vmem>>, vector<1x16xi32>,
    %get3A_168 = vector.shape_cast %get3A_167 : vector<1x16xi32> to vector<16xi32>
    %and3A_169 = arith.constant 16383 : i32
    %and3A_170 = vector.broadcast %and3A_169 : i32 to vector<16xi32>
    %and3A_171 = arith.andi %get3A_168, %and3A_170 : vector<16xi32>
    %swap3A_172 = arith.constant 64 : index
    %swap3A_173 = tpu.vector_load %arg7[%swap3A_172] {strides = array<i32>} : memref<128xi32, #tpu.memory_space<vmem>>, vector<16xi32>,
    %swap3A_174 = vector.shape_cast %swap3A_173 : vector<16xi32> to vector<16xi32>
    %swap3A_175 = vector.shape_cast %and3A_171 : vector<16xi32> to vector<16xi32>
    tpu.vector_store %arg7[%swap3A_172], %swap3A_175 {strides = array<i32>} : memref<128xi32, #tpu.memory_space<vmem>>, vector<16xi32>,
    %get3A_176 = arith.constant 1 : i32
    %get3A_177 = arith.index_cast %get3A_176 : i32 to index
    %get3A_178 = arith.constant 80 : index
    %get3A_179 = tpu.vector_load %arg5[%get3A_177, %get3A_178] {strides = array<i32>} : memref<80x128xi32, #tpu.memory_space<vmem>>, vector<1x16xi32>,
    %get3A_180 = vector.shape_cast %get3A_179 : vector<1x16xi32> to vector<16xi32>
    %and3A_181 = arith.constant 16383 : i32
    %and3A_182 = vector.broadcast %and3A_181 : i32 to vector<16xi32>
    %and3A_183 = arith.andi %get3A_180, %and3A_182 : vector<16xi32>
    %swap3A_184 = arith.constant 80 : index
    %swap3A_185 = tpu.vector_load %arg7[%swap3A_184] {strides = array<i32>} : memref<128xi32, #tpu.memory_space<vmem>>, vector<16xi32>,
    %swap3A_186 = vector.shape_cast %swap3A_185 : vector<16xi32> to vector<16xi32>
    %swap3A_187 = vector.shape_cast %and3A_183 : vector<16xi32> to vector<16xi32>
    tpu.vector_store %arg7[%swap3A_184], %swap3A_187 {strides = array<i32>} : memref<128xi32, #tpu.memory_space<vmem>>, vector<16xi32>,
    %get3A_188 = arith.constant 1 : i32
    %get3A_189 = arith.index_cast %get3A_188 : i32 to index
    %get3A_190 = arith.constant 96 : index
    %get3A_191 = tpu.vector_load %arg5[%get3A_189, %get3A_190] {strides = array<i32>} : memref<80x128xi32, #tpu.memory_space<vmem>>, vector<1x16xi32>,
    %get3A_192 = vector.shape_cast %get3A_191 : vector<1x16xi32> to vector<16xi32>
    %and3A_193 = arith.constant 16383 : i32
    %and3A_194 = vector.broadcast %and3A_193 : i32 to vector<16xi32>
    %and3A_195 = arith.andi %get3A_192, %and3A_194 : vector<16xi32>
    %swap3A_196 = arith.constant 96 : index
    %swap3A_197 = tpu.vector_load %arg7[%swap3A_196] {strides = array<i32>} : memref<128xi32, #tpu.memory_space<vmem>>, vector<16xi32>,
    %swap3A_198 = vector.shape_cast %swap3A_197 : vector<16xi32> to vector<16xi32>
    %swap3A_199 = vector.shape_cast %and3A_195 : vector<16xi32> to vector<16xi32>
    tpu.vector_store %arg7[%swap3A_196], %swap3A_199 {strides = array<i32>} : memref<128xi32, #tpu.memory_space<vmem>>, vector<16xi32>,
    %get3A_200 = arith.constant 1 : i32
    %get3A_201 = arith.index_cast %get3A_200 : i32 to index
    %get3A_202 = arith.constant 112 : index
    %get3A_203 = tpu.vector_load %arg5[%get3A_201, %get3A_202] {strides = array<i32>} : memref<80x128xi32, #tpu.memory_space<vmem>>, vector<1x16xi32>,
    %get3A_204 = vector.shape_cast %get3A_203 : vector<1x16xi32> to vector<16xi32>
    %and3A_205 = arith.constant 16383 : i32
    %and3A_206 = vector.broadcast %and3A_205 : i32 to vector<16xi32>
    %and3A_207 = arith.andi %get3A_204, %and3A_206 : vector<16xi32>
    %swap3A_208 = arith.constant 112 : index
    %swap3A_209 = tpu.vector_load %arg7[%swap3A_208] {strides = array<i32>} : memref<128xi32, #tpu.memory_space<vmem>>, vector<16xi32>,
    %swap3A_210 = vector.shape_cast %swap3A_209 : vector<16xi32> to vector<16xi32>
    %swap3A_211 = vector.shape_cast %and3A_207 : vector<16xi32> to vector<16xi32>
    tpu.vector_store %arg7[%swap3A_208], %swap3A_211 {strides = array<i32>} : memref<128xi32, #tpu.memory_space<vmem>>, vector<16xi32>,
    %dma_start3A_212 = arith.constant 0 : i32
    %dma_start3A_213 = arith.constant 0 : i32
    %dma_start3A_214 = tpu.memref_slice %arg3[%dma_start3A_212, %dma_start3A_213] : memref<10240x128xf32, #tpu.memory_space<hbm>> -> memref<10240x128xf32, #tpu.memory_space<hbm>>
    tpu.enqueue_indirect_dma source(%dma_start3A_214 : memref<10240x128xf32, #tpu.memory_space<hbm>>) target(%arg11 : memref<128x128xf32, #tpu.memory_space<vmem>>) offsets(%arg7 : memref<128xi32, #tpu.memory_space<vmem>>) semaphore(%arg14 : memref<!tpu.dma_semaphore, #tpu.memory_space<semaphore_mem>>)
    %scan3A_215 = arith.constant 0 : i32
    %scan3A_216 = arith.constant 0 : i32
    %scan3A_217 = arith.constant 40 : i32
    %scan3A_218 = arith.addi %scan3A_216, %scan3A_217 : i32
    %scan3A_219 = arith.constant 1 : i32
    %scan3A_220 = scf.for %scan3A_243 = %scan3A_216 to %scan3A_218 step %scan3A_219 iter_args(%scan3A_244 = %scan3A_215) -> (i32)  : i32 {
      %mul3A_245 = arith.constant 2 : i32
      %mul3A_246 = arith.muli %scan3A_243, %mul3A_245 : i32
      %add3A_247 = arith.constant 0 : i32
      %add3A_248 = arith.addi %mul3A_246, %add3A_247 : i32
      %dma_wait3A = arith.constant 0 : i32
      %dma_wait3A_249 = arith.constant 0 : i32
      %dma_wait3A_250 = tpu.memref_slice %arg3[%dma_wait3A, %dma_wait3A_249] : memref<10240x128xf32, #tpu.memory_space<hbm>> -> memref<10240x128xf32, #tpu.memory_space<hbm>>
      tpu.wait_indirect_dma semaphore(%arg13 : memref<!tpu.dma_semaphore, #tpu.memory_space<semaphore_mem>>) src(%dma_wait3A_250 : memref<10240x128xf32, #tpu.memory_space<hbm>>) dst(%arg10 : memref<128x128xf32, #tpu.memory_space<vmem>>)
      %get3A_251 = arith.index_cast %add3A_248 : i32 to index
      %get3A_252 = arith.constant 0 : index
      %get3A_253 = tpu.vector_load %arg5[%get3A_251, %get3A_252] {strides = array<i32>} : memref<80x128xi32, #tpu.memory_space<vmem>>, vector<1x16xi32>,
      %get3A_254 = vector.shape_cast %get3A_253 : vector<1x16xi32> to vector<16xi32>
      %shift_right_logical3A = arith.constant 14 : i32
      %shift_right_logical3A_255 = vector.broadcast %shift_right_logical3A : i32 to vector<16xi32>
      %shift_right_logical3A_256 = arith.shrui %get3A_254, %shift_right_logical3A_255 : vector<16xi32>
      %swap3A_257 = arith.constant 0 : index
      %swap3A_258 = tpu.vector_load %arg8[%swap3A_257] {strides = array<i32>} : memref<128xi32, #tpu.memory_space<vmem>>, vector<16xi32>,
      %swap3A_259 = vector.shape_cast %swap3A_258 : vector<16xi32> to vector<16xi32>
      %swap3A_260 = vector.shape_cast %shift_right_logical3A_256 : vector<16xi32> to vector<16xi32>
      tpu.vector_store %arg8[%swap3A_257], %swap3A_260 {strides = array<i32>} : memref<128xi32, #tpu.memory_space<vmem>>, vector<16xi32>,
      %get3A_261 = arith.index_cast %add3A_248 : i32 to index
      %get3A_262 = arith.constant 16 : index
      %get3A_263 = tpu.vector_load %arg5[%get3A_261, %get3A_262] {strides = array<i32>} : memref<80x128xi32, #tpu.memory_space<vmem>>, vector<1x16xi32>,
      %get3A_264 = vector.shape_cast %get3A_263 : vector<1x16xi32> to vector<16xi32>
      %shift_right_logical3A_265 = arith.constant 14 : i32
      %shift_right_logical3A_266 = vector.broadcast %shift_right_logical3A_265 : i32 to vector<16xi32>
      %shift_right_logical3A_267 = arith.shrui %get3A_264, %shift_right_logical3A_266 : vector<16xi32>
      %swap3A_268 = arith.constant 16 : index
      %swap3A_269 = tpu.vector_load %arg8[%swap3A_268] {strides = array<i32>} : memref<128xi32, #tpu.memory_space<vmem>>, vector<16xi32>,
      %swap3A_270 = vector.shape_cast %swap3A_269 : vector<16xi32> to vector<16xi32>
      %swap3A_271 = vector.shape_cast %shift_right_logical3A_267 : vector<16xi32> to vector<16xi32>
      tpu.vector_store %arg8[%swap3A_268], %swap3A_271 {strides = array<i32>} : memref<128xi32, #tpu.memory_space<vmem>>, vector<16xi32>,
      %get3A_272 = arith.index_cast %add3A_248 : i32 to index
      %get3A_273 = arith.constant 32 : index
      %get3A_274 = tpu.vector_load %arg5[%get3A_272, %get3A_273] {strides = array<i32>} : memref<80x128xi32, #tpu.memory_space<vmem>>, vector<1x16xi32>,
      %get3A_275 = vector.shape_cast %get3A_274 : vector<1x16xi32> to vector<16xi32>
      %shift_right_logical3A_276 = arith.constant 14 : i32
      %shift_right_logical3A_277 = vector.broadcast %shift_right_logical3A_276 : i32 to vector<16xi32>
      %shift_right_logical3A_278 = arith.shrui %get3A_275, %shift_right_logical3A_277 : vector<16xi32>
      %swap3A_279 = arith.constant 32 : index
      %swap3A_280 = tpu.vector_load %arg8[%swap3A_279] {strides = array<i32>} : memref<128xi32, #tpu.memory_space<vmem>>, vector<16xi32>,
      %swap3A_281 = vector.shape_cast %swap3A_280 : vector<16xi32> to vector<16xi32>
      %swap3A_282 = vector.shape_cast %shift_right_logical3A_278 : vector<16xi32> to vector<16xi32>
      tpu.vector_store %arg8[%swap3A_279], %swap3A_282 {strides = array<i32>} : memref<128xi32, #tpu.memory_space<vmem>>, vector<16xi32>,
      %get3A_283 = arith.index_cast %add3A_248 : i32 to index
      %get3A_284 = arith.constant 48 : index
      %get3A_285 = tpu.vector_load %arg5[%get3A_283, %get3A_284] {strides = array<i32>} : memref<80x128xi32, #tpu.memory_space<vmem>>, vector<1x16xi32>,
      %get3A_286 = vector.shape_cast %get3A_285 : vector<1x16xi32> to vector<16xi32>
      %shift_right_logical3A_287 = arith.constant 14 : i32
      %shift_right_logical3A_288 = vector.broadcast %shift_right_logical3A_287 : i32 to vector<16xi32>
      %shift_right_logical3A_289 = arith.shrui %get3A_286, %shift_right_logical3A_288 : vector<16xi32>
      %swap3A_290 = arith.constant 48 : index
      %swap3A_291 = tpu.vector_load %arg8[%swap3A_290] {strides = array<i32>} : memref<128xi32, #tpu.memory_space<vmem>>, vector<16xi32>,
      %swap3A_292 = vector.shape_cast %swap3A_291 : vector<16xi32> to vector<16xi32>
      %swap3A_293 = vector.shape_cast %shift_right_logical3A_289 : vector<16xi32> to vector<16xi32>
      tpu.vector_store %arg8[%swap3A_290], %swap3A_293 {strides = array<i32>} : memref<128xi32, #tpu.memory_space<vmem>>, vector<16xi32>,
      %get3A_294 = arith.index_cast %add3A_248 : i32 to index
      %get3A_295 = arith.constant 64 : index
      %get3A_296 = tpu.vector_load %arg5[%get3A_294, %get3A_295] {strides = array<i32>} : memref<80x128xi32, #tpu.memory_space<vmem>>, vector<1x16xi32>,
      %get3A_297 = vector.shape_cast %get3A_296 : vector<1x16xi32> to vector<16xi32>
      %shift_right_logical3A_298 = arith.constant 14 : i32
      %shift_right_logical3A_299 = vector.broadcast %shift_right_logical3A_298 : i32 to vector<16xi32>
      %shift_right_logical3A_300 = arith.shrui %get3A_297, %shift_right_logical3A_299 : vector<16xi32>
      %swap3A_301 = arith.constant 64 : index
      %swap3A_302 = tpu.vector_load %arg8[%swap3A_301] {strides = array<i32>} : memref<128xi32, #tpu.memory_space<vmem>>, vector<16xi32>,
      %swap3A_303 = vector.shape_cast %swap3A_302 : vector<16xi32> to vector<16xi32>
      %swap3A_304 = vector.shape_cast %shift_right_logical3A_300 : vector<16xi32> to vector<16xi32>
      tpu.vector_store %arg8[%swap3A_301], %swap3A_304 {strides = array<i32>} : memref<128xi32, #tpu.memory_space<vmem>>, vector<16xi32>,
      %get3A_305 = arith.index_cast %add3A_248 : i32 to index
      %get3A_306 = arith.constant 80 : index
      %get3A_307 = tpu.vector_load %arg5[%get3A_305, %get3A_306] {strides = array<i32>} : memref<80x128xi32, #tpu.memory_space<vmem>>, vector<1x16xi32>,
      %get3A_308 = vector.shape_cast %get3A_307 : vector<1x16xi32> to vector<16xi32>
      %shift_right_logical3A_309 = arith.constant 14 : i32
      %shift_right_logical3A_310 = vector.broadcast %shift_right_logical3A_309 : i32 to vector<16xi32>
      %shift_right_logical3A_311 = arith.shrui %get3A_308, %shift_right_logical3A_310 : vector<16xi32>
      %swap3A_312 = arith.constant 80 : index
      %swap3A_313 = tpu.vector_load %arg8[%swap3A_312] {strides = array<i32>} : memref<128xi32, #tpu.memory_space<vmem>>, vector<16xi32>,
      %swap3A_314 = vector.shape_cast %swap3A_313 : vector<16xi32> to vector<16xi32>
      %swap3A_315 = vector.shape_cast %shift_right_logical3A_311 : vector<16xi32> to vector<16xi32>
      tpu.vector_store %arg8[%swap3A_312], %swap3A_315 {strides = array<i32>} : memref<128xi32, #tpu.memory_space<vmem>>, vector<16xi32>,
      %get3A_316 = arith.index_cast %add3A_248 : i32 to index
      %get3A_317 = arith.constant 96 : index
      %get3A_318 = tpu.vector_load %arg5[%get3A_316, %get3A_317] {strides = array<i32>} : memref<80x128xi32, #tpu.memory_space<vmem>>, vector<1x16xi32>,
      %get3A_319 = vector.shape_cast %get3A_318 : vector<1x16xi32> to vector<16xi32>
      %shift_right_logical3A_320 = arith.constant 14 : i32
      %shift_right_logical3A_321 = vector.broadcast %shift_right_logical3A_320 : i32 to vector<16xi32>
      %shift_right_logical3A_322 = arith.shrui %get3A_319, %shift_right_logical3A_321 : vector<16xi32>
      %swap3A_323 = arith.constant 96 : index
      %swap3A_324 = tpu.vector_load %arg8[%swap3A_323] {strides = array<i32>} : memref<128xi32, #tpu.memory_space<vmem>>, vector<16xi32>,
      %swap3A_325 = vector.shape_cast %swap3A_324 : vector<16xi32> to vector<16xi32>
      %swap3A_326 = vector.shape_cast %shift_right_logical3A_322 : vector<16xi32> to vector<16xi32>
      tpu.vector_store %arg8[%swap3A_323], %swap3A_326 {strides = array<i32>} : memref<128xi32, #tpu.memory_space<vmem>>, vector<16xi32>,
      %get3A_327 = arith.index_cast %add3A_248 : i32 to index
      %get3A_328 = arith.constant 112 : index
      %get3A_329 = tpu.vector_load %arg5[%get3A_327, %get3A_328] {strides = array<i32>} : memref<80x128xi32, #tpu.memory_space<vmem>>, vector<1x16xi32>,
      %get3A_330 = vector.shape_cast %get3A_329 : vector<1x16xi32> to vector<16xi32>
      %shift_right_logical3A_331 = arith.constant 14 : i32
      %shift_right_logical3A_332 = vector.broadcast %shift_right_logical3A_331 : i32 to vector<16xi32>
      %shift_right_logical3A_333 = arith.shrui %get3A_330, %shift_right_logical3A_332 : vector<16xi32>
      %swap3A_334 = arith.constant 112 : index
      %swap3A_335 = tpu.vector_load %arg8[%swap3A_334] {strides = array<i32>} : memref<128xi32, #tpu.memory_space<vmem>>, vector<16xi32>,
      %swap3A_336 = vector.shape_cast %swap3A_335 : vector<16xi32> to vector<16xi32>
      %swap3A_337 = vector.shape_cast %shift_right_logical3A_333 : vector<16xi32> to vector<16xi32>
      tpu.vector_store %arg8[%swap3A_334], %swap3A_337 {strides = array<i32>} : memref<128xi32, #tpu.memory_space<vmem>>, vector<16xi32>,
      "tpu.region"() ({
        %run_scoped3A = tpu.sem_alloc : memref<!tpu.dma_semaphore, #tpu.memory_space<semaphore_mem>>
        %dma_start3A_445 = arith.constant 0 : i32
        %dma_start3A_446 = arith.constant 0 : i32
        %dma_start3A_447 = tpu.memref_slice %arg12[%dma_start3A_445, %dma_start3A_446] : memref<10240x128xf32, #tpu.memory_space<vmem_shared>> -> memref<10240x128xf32, #tpu.memory_space<vmem_shared>>
        tpu.enqueue_indirect_dma source(%arg10 : memref<128x128xf32, #tpu.memory_space<vmem>>) target(%dma_start3A_447 : memref<10240x128xf32, #tpu.memory_space<vmem_shared>>) offsets(%arg8 : memref<128xi32, #tpu.memory_space<vmem>>) semaphore(%run_scoped3A : memref<!tpu.dma_semaphore, #tpu.memory_space<semaphore_mem>>) {add = true}
        %dma_wait3A_448 = arith.constant 0 : i32
        %dma_wait3A_449 = arith.constant 0 : i32
        %dma_wait3A_450 = tpu.memref_slice %arg12[%dma_wait3A_448, %dma_wait3A_449] : memref<10240x128xf32, #tpu.memory_space<vmem_shared>> -> memref<10240x128xf32, #tpu.memory_space<vmem_shared>>
        tpu.wait_indirect_dma semaphore(%run_scoped3A : memref<!tpu.dma_semaphore, #tpu.memory_space<semaphore_mem>>) src(%arg10 : memref<128x128xf32, #tpu.memory_space<vmem>>) dst(%dma_wait3A_450 : memref<10240x128xf32, #tpu.memory_space<vmem_shared>>)
        tpu.yield
      }) : () -> ()
      %add3A_338 = arith.constant 2 : i32
      %add3A_339 = arith.addi %add3A_248, %add3A_338 : i32
      %lt3A = arith.constant 80 : i32
      %lt3A_340 = arith.cmpi slt, %add3A_339, %lt3A : i32
      %convert_element_type3A = arith.extui %lt3A_340 : i1 to i32
      %cond3A = arith.constant 0 : i32
      %cond3A_341 = arith.cmpi ne, %convert_element_type3A, %cond3A : i32
      scf.if %cond3A_341 {
        %add3A_445 = arith.constant 2 : i32
        %add3A_446 = arith.addi %add3A_248, %add3A_445 : i32
        %get3A_447 = arith.index_cast %add3A_446 : i32 to index
        %get3A_448 = arith.constant 0 : index
        %get3A_449 = tpu.vector_load %arg5[%get3A_447, %get3A_448] {strides = array<i32>} : memref<80x128xi32, #tpu.memory_space<vmem>>, vector<1x16xi32>,
        %get3A_450 = vector.shape_cast %get3A_449 : vector<1x16xi32> to vector<16xi32>
        %and3A_451 = arith.constant 16383 : i32
        %and3A_452 = vector.broadcast %and3A_451 : i32 to vector<16xi32>
        %and3A_453 = arith.andi %get3A_450, %and3A_452 : vector<16xi32>
        %swap3A_454 = arith.constant 0 : index
        %swap3A_455 = tpu.vector_load %arg6[%swap3A_454] {strides = array<i32>} : memref<128xi32, #tpu.memory_space<vmem>>, vector<16xi32>,
        %swap3A_456 = vector.shape_cast %swap3A_455 : vector<16xi32> to vector<16xi32>
        %swap3A_457 = vector.shape_cast %and3A_453 : vector<16xi32> to vector<16xi32>
        tpu.vector_store %arg6[%swap3A_454], %swap3A_457 {strides = array<i32>} : memref<128xi32, #tpu.memory_space<vmem>>, vector<16xi32>,
        %get3A_458 = arith.index_cast %add3A_446 : i32 to index
        %get3A_459 = arith.constant 16 : index
        %get3A_460 = tpu.vector_load %arg5[%get3A_458, %get3A_459] {strides = array<i32>} : memref<80x128xi32, #tpu.memory_space<vmem>>, vector<1x16xi32>,
        %get3A_461 = vector.shape_cast %get3A_460 : vector<1x16xi32> to vector<16xi32>
        %and3A_462 = arith.constant 16383 : i32
        %and3A_463 = vector.broadcast %and3A_462 : i32 to vector<16xi32>
        %and3A_464 = arith.andi %get3A_461, %and3A_463 : vector<16xi32>
        %swap3A_465 = arith.constant 16 : index
        %swap3A_466 = tpu.vector_load %arg6[%swap3A_465] {strides = array<i32>} : memref<128xi32, #tpu.memory_space<vmem>>, vector<16xi32>,
        %swap3A_467 = vector.shape_cast %swap3A_466 : vector<16xi32> to vector<16xi32>
        %swap3A_468 = vector.shape_cast %and3A_464 : vector<16xi32> to vector<16xi32>
        tpu.vector_store %arg6[%swap3A_465], %swap3A_468 {strides = array<i32>} : memref<128xi32, #tpu.memory_space<vmem>>, vector<16xi32>,
        %get3A_469 = arith.index_cast %add3A_446 : i32 to index
        %get3A_470 = arith.constant 32 : index
        %get3A_471 = tpu.vector_load %arg5[%get3A_469, %get3A_470] {strides = array<i32>} : memref<80x128xi32, #tpu.memory_space<vmem>>, vector<1x16xi32>,
        %get3A_472 = vector.shape_cast %get3A_471 : vector<1x16xi32> to vector<16xi32>
        %and3A_473 = arith.constant 16383 : i32
        %and3A_474 = vector.broadcast %and3A_473 : i32 to vector<16xi32>
        %and3A_475 = arith.andi %get3A_472, %and3A_474 : vector<16xi32>
        %swap3A_476 = arith.constant 32 : index
        %swap3A_477 = tpu.vector_load %arg6[%swap3A_476] {strides = array<i32>} : memref<128xi32, #tpu.memory_space<vmem>>, vector<16xi32>,
        %swap3A_478 = vector.shape_cast %swap3A_477 : vector<16xi32> to vector<16xi32>
        %swap3A_479 = vector.shape_cast %and3A_475 : vector<16xi32> to vector<16xi32>
        tpu.vector_store %arg6[%swap3A_476], %swap3A_479 {strides = array<i32>} : memref<128xi32, #tpu.memory_space<vmem>>, vector<16xi32>,
        %get3A_480 = arith.index_cast %add3A_446 : i32 to index
        %get3A_481 = arith.constant 48 : index
        %get3A_482 = tpu.vector_load %arg5[%get3A_480, %get3A_481] {strides = array<i32>} : memref<80x128xi32, #tpu.memory_space<vmem>>, vector<1x16xi32>,
        %get3A_483 = vector.shape_cast %get3A_482 : vector<1x16xi32> to vector<16xi32>
        %and3A_484 = arith.constant 16383 : i32
        %and3A_485 = vector.broadcast %and3A_484 : i32 to vector<16xi32>
        %and3A_486 = arith.andi %get3A_483, %and3A_485 : vector<16xi32>
        %swap3A_487 = arith.constant 48 : index
        %swap3A_488 = tpu.vector_load %arg6[%swap3A_487] {strides = array<i32>} : memref<128xi32, #tpu.memory_space<vmem>>, vector<16xi32>,
        %swap3A_489 = vector.shape_cast %swap3A_488 : vector<16xi32> to vector<16xi32>
        %swap3A_490 = vector.shape_cast %and3A_486 : vector<16xi32> to vector<16xi32>
        tpu.vector_store %arg6[%swap3A_487], %swap3A_490 {strides = array<i32>} : memref<128xi32, #tpu.memory_space<vmem>>, vector<16xi32>,
        %get3A_491 = arith.index_cast %add3A_446 : i32 to index
        %get3A_492 = arith.constant 64 : index
        %get3A_493 = tpu.vector_load %arg5[%get3A_491, %get3A_492] {strides = array<i32>} : memref<80x128xi32, #tpu.memory_space<vmem>>, vector<1x16xi32>,
        %get3A_494 = vector.shape_cast %get3A_493 : vector<1x16xi32> to vector<16xi32>
        %and3A_495 = arith.constant 16383 : i32
        %and3A_496 = vector.broadcast %and3A_495 : i32 to vector<16xi32>
        %and3A_497 = arith.andi %get3A_494, %and3A_496 : vector<16xi32>
        %swap3A_498 = arith.constant 64 : index
        %swap3A_499 = tpu.vector_load %arg6[%swap3A_498] {strides = array<i32>} : memref<128xi32, #tpu.memory_space<vmem>>, vector<16xi32>,
        %swap3A_500 = vector.shape_cast %swap3A_499 : vector<16xi32> to vector<16xi32>
        %swap3A_501 = vector.shape_cast %and3A_497 : vector<16xi32> to vector<16xi32>
        tpu.vector_store %arg6[%swap3A_498], %swap3A_501 {strides = array<i32>} : memref<128xi32, #tpu.memory_space<vmem>>, vector<16xi32>,
        %get3A_502 = arith.index_cast %add3A_446 : i32 to index
        %get3A_503 = arith.constant 80 : index
        %get3A_504 = tpu.vector_load %arg5[%get3A_502, %get3A_503] {strides = array<i32>} : memref<80x128xi32, #tpu.memory_space<vmem>>, vector<1x16xi32>,
        %get3A_505 = vector.shape_cast %get3A_504 : vector<1x16xi32> to vector<16xi32>
        %and3A_506 = arith.constant 16383 : i32
        %and3A_507 = vector.broadcast %and3A_506 : i32 to vector<16xi32>
        %and3A_508 = arith.andi %get3A_505, %and3A_507 : vector<16xi32>
        %swap3A_509 = arith.constant 80 : index
        %swap3A_510 = tpu.vector_load %arg6[%swap3A_509] {strides = array<i32>} : memref<128xi32, #tpu.memory_space<vmem>>, vector<16xi32>,
        %swap3A_511 = vector.shape_cast %swap3A_510 : vector<16xi32> to vector<16xi32>
        %swap3A_512 = vector.shape_cast %and3A_508 : vector<16xi32> to vector<16xi32>
        tpu.vector_store %arg6[%swap3A_509], %swap3A_512 {strides = array<i32>} : memref<128xi32, #tpu.memory_space<vmem>>, vector<16xi32>,
        %get3A_513 = arith.index_cast %add3A_446 : i32 to index
        %get3A_514 = arith.constant 96 : index
        %get3A_515 = tpu.vector_load %arg5[%get3A_513, %get3A_514] {strides = array<i32>} : memref<80x128xi32, #tpu.memory_space<vmem>>, vector<1x16xi32>,
        %get3A_516 = vector.shape_cast %get3A_515 : vector<1x16xi32> to vector<16xi32>
        %and3A_517 = arith.constant 16383 : i32
        %and3A_518 = vector.broadcast %and3A_517 : i32 to vector<16xi32>
        %and3A_519 = arith.andi %get3A_516, %and3A_518 : vector<16xi32>
        %swap3A_520 = arith.constant 96 : index
        %swap3A_521 = tpu.vector_load %arg6[%swap3A_520] {strides = array<i32>} : memref<128xi32, #tpu.memory_space<vmem>>, vector<16xi32>,
        %swap3A_522 = vector.shape_cast %swap3A_521 : vector<16xi32> to vector<16xi32>
        %swap3A_523 = vector.shape_cast %and3A_519 : vector<16xi32> to vector<16xi32>
        tpu.vector_store %arg6[%swap3A_520], %swap3A_523 {strides = array<i32>} : memref<128xi32, #tpu.memory_space<vmem>>, vector<16xi32>,
        %get3A_524 = arith.index_cast %add3A_446 : i32 to index
        %get3A_525 = arith.constant 112 : index
        %get3A_526 = tpu.vector_load %arg5[%get3A_524, %get3A_525] {strides = array<i32>} : memref<80x128xi32, #tpu.memory_space<vmem>>, vector<1x16xi32>,
        %get3A_527 = vector.shape_cast %get3A_526 : vector<1x16xi32> to vector<16xi32>
        %and3A_528 = arith.constant 16383 : i32
        %and3A_529 = vector.broadcast %and3A_528 : i32 to vector<16xi32>
        %and3A_530 = arith.andi %get3A_527, %and3A_529 : vector<16xi32>
        %swap3A_531 = arith.constant 112 : index
        %swap3A_532 = tpu.vector_load %arg6[%swap3A_531] {strides = array<i32>} : memref<128xi32, #tpu.memory_space<vmem>>, vector<16xi32>,
        %swap3A_533 = vector.shape_cast %swap3A_532 : vector<16xi32> to vector<16xi32>
        %swap3A_534 = vector.shape_cast %and3A_530 : vector<16xi32> to vector<16xi32>
        tpu.vector_store %arg6[%swap3A_531], %swap3A_534 {strides = array<i32>} : memref<128xi32, #tpu.memory_space<vmem>>, vector<16xi32>,
        %dma_start3A_535 = arith.constant 0 : i32
        %dma_start3A_536 = arith.constant 0 : i32
        %dma_start3A_537 = tpu.memref_slice %arg3[%dma_start3A_535, %dma_start3A_536] : memref<10240x128xf32, #tpu.memory_space<hbm>> -> memref<10240x128xf32, #tpu.memory_space<hbm>>
        tpu.enqueue_indirect_dma source(%dma_start3A_537 : memref<10240x128xf32, #tpu.memory_space<hbm>>) target(%arg10 : memref<128x128xf32, #tpu.memory_space<vmem>>) offsets(%arg6 : memref<128xi32, #tpu.memory_space<vmem>>) semaphore(%arg13 : memref<!tpu.dma_semaphore, #tpu.memory_space<semaphore_mem>>)
      } else {
      }
      %mul3A_342 = arith.constant 2 : i32
      %mul3A_343 = arith.muli %scan3A_243, %mul3A_342 : i32
      %add3A_344 = arith.constant 1 : i32
      %add3A_345 = arith.addi %mul3A_343, %add3A_344 : i32
      %dma_wait3A_346 = arith.constant 0 : i32
      %dma_wait3A_347 = arith.constant 0 : i32
      %dma_wait3A_348 = tpu.memref_slice %arg3[%dma_wait3A_346, %dma_wait3A_347] : memref<10240x128xf32, #tpu.memory_space<hbm>> -> memref<10240x128xf32, #tpu.memory_space<hbm>>
      tpu.wait_indirect_dma semaphore(%arg14 : memref<!tpu.dma_semaphore, #tpu.memory_space<semaphore_mem>>) src(%dma_wait3A_348 : memref<10240x128xf32, #tpu.memory_space<hbm>>) dst(%arg11 : memref<128x128xf32, #tpu.memory_space<vmem>>)
      %get3A_349 = arith.index_cast %add3A_345 : i32 to index
      %get3A_350 = arith.constant 0 : index
      %get3A_351 = tpu.vector_load %arg5[%get3A_349, %get3A_350] {strides = array<i32>} : memref<80x128xi32, #tpu.memory_space<vmem>>, vector<1x16xi32>,
      %get3A_352 = vector.shape_cast %get3A_351 : vector<1x16xi32> to vector<16xi32>
      %shift_right_logical3A_353 = arith.constant 14 : i32
      %shift_right_logical3A_354 = vector.broadcast %shift_right_logical3A_353 : i32 to vector<16xi32>
      %shift_right_logical3A_355 = arith.shrui %get3A_352, %shift_right_logical3A_354 : vector<16xi32>
      %swap3A_356 = arith.constant 0 : index
      %swap3A_357 = tpu.vector_load %arg9[%swap3A_356] {strides = array<i32>} : memref<128xi32, #tpu.memory_space<vmem>>, vector<16xi32>,
      %swap3A_358 = vector.shape_cast %swap3A_357 : vector<16xi32> to vector<16xi32>
      %swap3A_359 = vector.shape_cast %shift_right_logical3A_355 : vector<16xi32> to vector<16xi32>
      tpu.vector_store %arg9[%swap3A_356], %swap3A_359 {strides = array<i32>} : memref<128xi32, #tpu.memory_space<vmem>>, vector<16xi32>,
      %get3A_360 = arith.index_cast %add3A_345 : i32 to index
      %get3A_361 = arith.constant 16 : index
      %get3A_362 = tpu.vector_load %arg5[%get3A_360, %get3A_361] {strides = array<i32>} : memref<80x128xi32, #tpu.memory_space<vmem>>, vector<1x16xi32>,
      %get3A_363 = vector.shape_cast %get3A_362 : vector<1x16xi32> to vector<16xi32>
      %shift_right_logical3A_364 = arith.constant 14 : i32
      %shift_right_logical3A_365 = vector.broadcast %shift_right_logical3A_364 : i32 to vector<16xi32>
      %shift_right_logical3A_366 = arith.shrui %get3A_363, %shift_right_logical3A_365 : vector<16xi32>
      %swap3A_367 = arith.constant 16 : index
      %swap3A_368 = tpu.vector_load %arg9[%swap3A_367] {strides = array<i32>} : memref<128xi32, #tpu.memory_space<vmem>>, vector<16xi32>,
      %swap3A_369 = vector.shape_cast %swap3A_368 : vector<16xi32> to vector<16xi32>
      %swap3A_370 = vector.shape_cast %shift_right_logical3A_366 : vector<16xi32> to vector<16xi32>
      tpu.vector_store %arg9[%swap3A_367], %swap3A_370 {strides = array<i32>} : memref<128xi32, #tpu.memory_space<vmem>>, vector<16xi32>,
      %get3A_371 = arith.index_cast %add3A_345 : i32 to index
      %get3A_372 = arith.constant 32 : index
      %get3A_373 = tpu.vector_load %arg5[%get3A_371, %get3A_372] {strides = array<i32>} : memref<80x128xi32, #tpu.memory_space<vmem>>, vector<1x16xi32>,
      %get3A_374 = vector.shape_cast %get3A_373 : vector<1x16xi32> to vector<16xi32>
      %shift_right_logical3A_375 = arith.constant 14 : i32
      %shift_right_logical3A_376 = vector.broadcast %shift_right_logical3A_375 : i32 to vector<16xi32>
      %shift_right_logical3A_377 = arith.shrui %get3A_374, %shift_right_logical3A_376 : vector<16xi32>
      %swap3A_378 = arith.constant 32 : index
      %swap3A_379 = tpu.vector_load %arg9[%swap3A_378] {strides = array<i32>} : memref<128xi32, #tpu.memory_space<vmem>>, vector<16xi32>,
      %swap3A_380 = vector.shape_cast %swap3A_379 : vector<16xi32> to vector<16xi32>
      %swap3A_381 = vector.shape_cast %shift_right_logical3A_377 : vector<16xi32> to vector<16xi32>
      tpu.vector_store %arg9[%swap3A_378], %swap3A_381 {strides = array<i32>} : memref<128xi32, #tpu.memory_space<vmem>>, vector<16xi32>,
      %get3A_382 = arith.index_cast %add3A_345 : i32 to index
      %get3A_383 = arith.constant 48 : index
      %get3A_384 = tpu.vector_load %arg5[%get3A_382, %get3A_383] {strides = array<i32>} : memref<80x128xi32, #tpu.memory_space<vmem>>, vector<1x16xi32>,
      %get3A_385 = vector.shape_cast %get3A_384 : vector<1x16xi32> to vector<16xi32>
      %shift_right_logical3A_386 = arith.constant 14 : i32
      %shift_right_logical3A_387 = vector.broadcast %shift_right_logical3A_386 : i32 to vector<16xi32>
      %shift_right_logical3A_388 = arith.shrui %get3A_385, %shift_right_logical3A_387 : vector<16xi32>
      %swap3A_389 = arith.constant 48 : index
      %swap3A_390 = tpu.vector_load %arg9[%swap3A_389] {strides = array<i32>} : memref<128xi32, #tpu.memory_space<vmem>>, vector<16xi32>,
      %swap3A_391 = vector.shape_cast %swap3A_390 : vector<16xi32> to vector<16xi32>
      %swap3A_392 = vector.shape_cast %shift_right_logical3A_388 : vector<16xi32> to vector<16xi32>
      tpu.vector_store %arg9[%swap3A_389], %swap3A_392 {strides = array<i32>} : memref<128xi32, #tpu.memory_space<vmem>>, vector<16xi32>,
      %get3A_393 = arith.index_cast %add3A_345 : i32 to index
      %get3A_394 = arith.constant 64 : index
      %get3A_395 = tpu.vector_load %arg5[%get3A_393, %get3A_394] {strides = array<i32>} : memref<80x128xi32, #tpu.memory_space<vmem>>, vector<1x16xi32>,
      %get3A_396 = vector.shape_cast %get3A_395 : vector<1x16xi32> to vector<16xi32>
      %shift_right_logical3A_397 = arith.constant 14 : i32
      %shift_right_logical3A_398 = vector.broadcast %shift_right_logical3A_397 : i32 to vector<16xi32>
      %shift_right_logical3A_399 = arith.shrui %get3A_396, %shift_right_logical3A_398 : vector<16xi32>
      %swap3A_400 = arith.constant 64 : index
      %swap3A_401 = tpu.vector_load %arg9[%swap3A_400] {strides = array<i32>} : memref<128xi32, #tpu.memory_space<vmem>>, vector<16xi32>,
      %swap3A_402 = vector.shape_cast %swap3A_401 : vector<16xi32> to vector<16xi32>
      %swap3A_403 = vector.shape_cast %shift_right_logical3A_399 : vector<16xi32> to vector<16xi32>
      tpu.vector_store %arg9[%swap3A_400], %swap3A_403 {strides = array<i32>} : memref<128xi32, #tpu.memory_space<vmem>>, vector<16xi32>,
      %get3A_404 = arith.index_cast %add3A_345 : i32 to index
      %get3A_405 = arith.constant 80 : index
      %get3A_406 = tpu.vector_load %arg5[%get3A_404, %get3A_405] {strides = array<i32>} : memref<80x128xi32, #tpu.memory_space<vmem>>, vector<1x16xi32>,
      %get3A_407 = vector.shape_cast %get3A_406 : vector<1x16xi32> to vector<16xi32>
      %shift_right_logical3A_408 = arith.constant 14 : i32
      %shift_right_logical3A_409 = vector.broadcast %shift_right_logical3A_408 : i32 to vector<16xi32>
      %shift_right_logical3A_410 = arith.shrui %get3A_407, %shift_right_logical3A_409 : vector<16xi32>
      %swap3A_411 = arith.constant 80 : index
      %swap3A_412 = tpu.vector_load %arg9[%swap3A_411] {strides = array<i32>} : memref<128xi32, #tpu.memory_space<vmem>>, vector<16xi32>,
      %swap3A_413 = vector.shape_cast %swap3A_412 : vector<16xi32> to vector<16xi32>
      %swap3A_414 = vector.shape_cast %shift_right_logical3A_410 : vector<16xi32> to vector<16xi32>
      tpu.vector_store %arg9[%swap3A_411], %swap3A_414 {strides = array<i32>} : memref<128xi32, #tpu.memory_space<vmem>>, vector<16xi32>,
      %get3A_415 = arith.index_cast %add3A_345 : i32 to index
      %get3A_416 = arith.constant 96 : index
      %get3A_417 = tpu.vector_load %arg5[%get3A_415, %get3A_416] {strides = array<i32>} : memref<80x128xi32, #tpu.memory_space<vmem>>, vector<1x16xi32>,
      %get3A_418 = vector.shape_cast %get3A_417 : vector<1x16xi32> to vector<16xi32>
      %shift_right_logical3A_419 = arith.constant 14 : i32
      %shift_right_logical3A_420 = vector.broadcast %shift_right_logical3A_419 : i32 to vector<16xi32>
      %shift_right_logical3A_421 = arith.shrui %get3A_418, %shift_right_logical3A_420 : vector<16xi32>
      %swap3A_422 = arith.constant 96 : index
      %swap3A_423 = tpu.vector_load %arg9[%swap3A_422] {strides = array<i32>} : memref<128xi32, #tpu.memory_space<vmem>>, vector<16xi32>,
      %swap3A_424 = vector.shape_cast %swap3A_423 : vector<16xi32> to vector<16xi32>
      %swap3A_425 = vector.shape_cast %shift_right_logical3A_421 : vector<16xi32> to vector<16xi32>
      tpu.vector_store %arg9[%swap3A_422], %swap3A_425 {strides = array<i32>} : memref<128xi32, #tpu.memory_space<vmem>>, vector<16xi32>,
      %get3A_426 = arith.index_cast %add3A_345 : i32 to index
      %get3A_427 = arith.constant 112 : index
      %get3A_428 = tpu.vector_load %arg5[%get3A_426, %get3A_427] {strides = array<i32>} : memref<80x128xi32, #tpu.memory_space<vmem>>, vector<1x16xi32>,
      %get3A_429 = vector.shape_cast %get3A_428 : vector<1x16xi32> to vector<16xi32>
      %shift_right_logical3A_430 = arith.constant 14 : i32
      %shift_right_logical3A_431 = vector.broadcast %shift_right_logical3A_430 : i32 to vector<16xi32>
      %shift_right_logical3A_432 = arith.shrui %get3A_429, %shift_right_logical3A_431 : vector<16xi32>
      %swap3A_433 = arith.constant 112 : index
      %swap3A_434 = tpu.vector_load %arg9[%swap3A_433] {strides = array<i32>} : memref<128xi32, #tpu.memory_space<vmem>>, vector<16xi32>,
      %swap3A_435 = vector.shape_cast %swap3A_434 : vector<16xi32> to vector<16xi32>
      %swap3A_436 = vector.shape_cast %shift_right_logical3A_432 : vector<16xi32> to vector<16xi32>
      tpu.vector_store %arg9[%swap3A_433], %swap3A_436 {strides = array<i32>} : memref<128xi32, #tpu.memory_space<vmem>>, vector<16xi32>,
      "tpu.region"() ({
        %run_scoped3A = tpu.sem_alloc : memref<!tpu.dma_semaphore, #tpu.memory_space<semaphore_mem>>
        %dma_start3A_445 = arith.constant 0 : i32
        %dma_start3A_446 = arith.constant 0 : i32
        %dma_start3A_447 = tpu.memref_slice %arg12[%dma_start3A_445, %dma_start3A_446] : memref<10240x128xf32, #tpu.memory_space<vmem_shared>> -> memref<10240x128xf32, #tpu.memory_space<vmem_shared>>
        tpu.enqueue_indirect_dma source(%arg11 : memref<128x128xf32, #tpu.memory_space<vmem>>) target(%dma_start3A_447 : memref<10240x128xf32, #tpu.memory_space<vmem_shared>>) offsets(%arg9 : memref<128xi32, #tpu.memory_space<vmem>>) semaphore(%run_scoped3A : memref<!tpu.dma_semaphore, #tpu.memory_space<semaphore_mem>>) {add = true}
        %dma_wait3A_448 = arith.constant 0 : i32
        %dma_wait3A_449 = arith.constant 0 : i32
        %dma_wait3A_450 = tpu.memref_slice %arg12[%dma_wait3A_448, %dma_wait3A_449] : memref<10240x128xf32, #tpu.memory_space<vmem_shared>> -> memref<10240x128xf32, #tpu.memory_space<vmem_shared>>
        tpu.wait_indirect_dma semaphore(%run_scoped3A : memref<!tpu.dma_semaphore, #tpu.memory_space<semaphore_mem>>) src(%arg11 : memref<128x128xf32, #tpu.memory_space<vmem>>) dst(%dma_wait3A_450 : memref<10240x128xf32, #tpu.memory_space<vmem_shared>>)
        tpu.yield
      }) : () -> ()
      %add3A_437 = arith.constant 2 : i32
      %add3A_438 = arith.addi %add3A_345, %add3A_437 : i32
      %lt3A_439 = arith.constant 80 : i32
      %lt3A_440 = arith.cmpi slt, %add3A_438, %lt3A_439 : i32
      %convert_element_type3A_441 = arith.extui %lt3A_440 : i1 to i32
      %cond3A_442 = arith.constant 0 : i32
      %cond3A_443 = arith.cmpi ne, %convert_element_type3A_441, %cond3A_442 : i32
      scf.if %cond3A_443 {
        %add3A_445 = arith.constant 2 : i32
        %add3A_446 = arith.addi %add3A_345, %add3A_445 : i32
        %get3A_447 = arith.index_cast %add3A_446 : i32 to index
        %get3A_448 = arith.constant 0 : index
        %get3A_449 = tpu.vector_load %arg5[%get3A_447, %get3A_448] {strides = array<i32>} : memref<80x128xi32, #tpu.memory_space<vmem>>, vector<1x16xi32>,
        %get3A_450 = vector.shape_cast %get3A_449 : vector<1x16xi32> to vector<16xi32>
        %and3A_451 = arith.constant 16383 : i32
        %and3A_452 = vector.broadcast %and3A_451 : i32 to vector<16xi32>
        %and3A_453 = arith.andi %get3A_450, %and3A_452 : vector<16xi32>
        %swap3A_454 = arith.constant 0 : index
        %swap3A_455 = tpu.vector_load %arg7[%swap3A_454] {strides = array<i32>} : memref<128xi32, #tpu.memory_space<vmem>>, vector<16xi32>,
        %swap3A_456 = vector.shape_cast %swap3A_455 : vector<16xi32> to vector<16xi32>
        %swap3A_457 = vector.shape_cast %and3A_453 : vector<16xi32> to vector<16xi32>
        tpu.vector_store %arg7[%swap3A_454], %swap3A_457 {strides = array<i32>} : memref<128xi32, #tpu.memory_space<vmem>>, vector<16xi32>,
        %get3A_458 = arith.index_cast %add3A_446 : i32 to index
        %get3A_459 = arith.constant 16 : index
        %get3A_460 = tpu.vector_load %arg5[%get3A_458, %get3A_459] {strides = array<i32>} : memref<80x128xi32, #tpu.memory_space<vmem>>, vector<1x16xi32>,
        %get3A_461 = vector.shape_cast %get3A_460 : vector<1x16xi32> to vector<16xi32>
        %and3A_462 = arith.constant 16383 : i32
        %and3A_463 = vector.broadcast %and3A_462 : i32 to vector<16xi32>
        %and3A_464 = arith.andi %get3A_461, %and3A_463 : vector<16xi32>
        %swap3A_465 = arith.constant 16 : index
        %swap3A_466 = tpu.vector_load %arg7[%swap3A_465] {strides = array<i32>} : memref<128xi32, #tpu.memory_space<vmem>>, vector<16xi32>,
        %swap3A_467 = vector.shape_cast %swap3A_466 : vector<16xi32> to vector<16xi32>
        %swap3A_468 = vector.shape_cast %and3A_464 : vector<16xi32> to vector<16xi32>
        tpu.vector_store %arg7[%swap3A_465], %swap3A_468 {strides = array<i32>} : memref<128xi32, #tpu.memory_space<vmem>>, vector<16xi32>,
        %get3A_469 = arith.index_cast %add3A_446 : i32 to index
        %get3A_470 = arith.constant 32 : index
        %get3A_471 = tpu.vector_load %arg5[%get3A_469, %get3A_470] {strides = array<i32>} : memref<80x128xi32, #tpu.memory_space<vmem>>, vector<1x16xi32>,
        %get3A_472 = vector.shape_cast %get3A_471 : vector<1x16xi32> to vector<16xi32>
        %and3A_473 = arith.constant 16383 : i32
        %and3A_474 = vector.broadcast %and3A_473 : i32 to vector<16xi32>
        %and3A_475 = arith.andi %get3A_472, %and3A_474 : vector<16xi32>
        %swap3A_476 = arith.constant 32 : index
        %swap3A_477 = tpu.vector_load %arg7[%swap3A_476] {strides = array<i32>} : memref<128xi32, #tpu.memory_space<vmem>>, vector<16xi32>,
        %swap3A_478 = vector.shape_cast %swap3A_477 : vector<16xi32> to vector<16xi32>
        %swap3A_479 = vector.shape_cast %and3A_475 : vector<16xi32> to vector<16xi32>
        tpu.vector_store %arg7[%swap3A_476], %swap3A_479 {strides = array<i32>} : memref<128xi32, #tpu.memory_space<vmem>>, vector<16xi32>,
        %get3A_480 = arith.index_cast %add3A_446 : i32 to index
        %get3A_481 = arith.constant 48 : index
        %get3A_482 = tpu.vector_load %arg5[%get3A_480, %get3A_481] {strides = array<i32>} : memref<80x128xi32, #tpu.memory_space<vmem>>, vector<1x16xi32>,
        %get3A_483 = vector.shape_cast %get3A_482 : vector<1x16xi32> to vector<16xi32>
        %and3A_484 = arith.constant 16383 : i32
        %and3A_485 = vector.broadcast %and3A_484 : i32 to vector<16xi32>
        %and3A_486 = arith.andi %get3A_483, %and3A_485 : vector<16xi32>
        %swap3A_487 = arith.constant 48 : index
        %swap3A_488 = tpu.vector_load %arg7[%swap3A_487] {strides = array<i32>} : memref<128xi32, #tpu.memory_space<vmem>>, vector<16xi32>,
        %swap3A_489 = vector.shape_cast %swap3A_488 : vector<16xi32> to vector<16xi32>
        %swap3A_490 = vector.shape_cast %and3A_486 : vector<16xi32> to vector<16xi32>
        tpu.vector_store %arg7[%swap3A_487], %swap3A_490 {strides = array<i32>} : memref<128xi32, #tpu.memory_space<vmem>>, vector<16xi32>,
        %get3A_491 = arith.index_cast %add3A_446 : i32 to index
        %get3A_492 = arith.constant 64 : index
        %get3A_493 = tpu.vector_load %arg5[%get3A_491, %get3A_492] {strides = array<i32>} : memref<80x128xi32, #tpu.memory_space<vmem>>, vector<1x16xi32>,
        %get3A_494 = vector.shape_cast %get3A_493 : vector<1x16xi32> to vector<16xi32>
        %and3A_495 = arith.constant 16383 : i32
        %and3A_496 = vector.broadcast %and3A_495 : i32 to vector<16xi32>
        %and3A_497 = arith.andi %get3A_494, %and3A_496 : vector<16xi32>
        %swap3A_498 = arith.constant 64 : index
        %swap3A_499 = tpu.vector_load %arg7[%swap3A_498] {strides = array<i32>} : memref<128xi32, #tpu.memory_space<vmem>>, vector<16xi32>,
        %swap3A_500 = vector.shape_cast %swap3A_499 : vector<16xi32> to vector<16xi32>
        %swap3A_501 = vector.shape_cast %and3A_497 : vector<16xi32> to vector<16xi32>
        tpu.vector_store %arg7[%swap3A_498], %swap3A_501 {strides = array<i32>} : memref<128xi32, #tpu.memory_space<vmem>>, vector<16xi32>,
        %get3A_502 = arith.index_cast %add3A_446 : i32 to index
        %get3A_503 = arith.constant 80 : index
        %get3A_504 = tpu.vector_load %arg5[%get3A_502, %get3A_503] {strides = array<i32>} : memref<80x128xi32, #tpu.memory_space<vmem>>, vector<1x16xi32>,
        %get3A_505 = vector.shape_cast %get3A_504 : vector<1x16xi32> to vector<16xi32>
        %and3A_506 = arith.constant 16383 : i32
        %and3A_507 = vector.broadcast %and3A_506 : i32 to vector<16xi32>
        %and3A_508 = arith.andi %get3A_505, %and3A_507 : vector<16xi32>
        %swap3A_509 = arith.constant 80 : index
        %swap3A_510 = tpu.vector_load %arg7[%swap3A_509] {strides = array<i32>} : memref<128xi32, #tpu.memory_space<vmem>>, vector<16xi32>,
        %swap3A_511 = vector.shape_cast %swap3A_510 : vector<16xi32> to vector<16xi32>
        %swap3A_512 = vector.shape_cast %and3A_508 : vector<16xi32> to vector<16xi32>
        tpu.vector_store %arg7[%swap3A_509], %swap3A_512 {strides = array<i32>} : memref<128xi32, #tpu.memory_space<vmem>>, vector<16xi32>,
        %get3A_513 = arith.index_cast %add3A_446 : i32 to index
        %get3A_514 = arith.constant 96 : index
        %get3A_515 = tpu.vector_load %arg5[%get3A_513, %get3A_514] {strides = array<i32>} : memref<80x128xi32, #tpu.memory_space<vmem>>, vector<1x16xi32>,
        %get3A_516 = vector.shape_cast %get3A_515 : vector<1x16xi32> to vector<16xi32>
        %and3A_517 = arith.constant 16383 : i32
        %and3A_518 = vector.broadcast %and3A_517 : i32 to vector<16xi32>
        %and3A_519 = arith.andi %get3A_516, %and3A_518 : vector<16xi32>
        %swap3A_520 = arith.constant 96 : index
        %swap3A_521 = tpu.vector_load %arg7[%swap3A_520] {strides = array<i32>} : memref<128xi32, #tpu.memory_space<vmem>>, vector<16xi32>,
        %swap3A_522 = vector.shape_cast %swap3A_521 : vector<16xi32> to vector<16xi32>
        %swap3A_523 = vector.shape_cast %and3A_519 : vector<16xi32> to vector<16xi32>
        tpu.vector_store %arg7[%swap3A_520], %swap3A_523 {strides = array<i32>} : memref<128xi32, #tpu.memory_space<vmem>>, vector<16xi32>,
        %get3A_524 = arith.index_cast %add3A_446 : i32 to index
        %get3A_525 = arith.constant 112 : index
        %get3A_526 = tpu.vector_load %arg5[%get3A_524, %get3A_525] {strides = array<i32>} : memref<80x128xi32, #tpu.memory_space<vmem>>, vector<1x16xi32>,
        %get3A_527 = vector.shape_cast %get3A_526 : vector<1x16xi32> to vector<16xi32>
        %and3A_528 = arith.constant 16383 : i32
        %and3A_529 = vector.broadcast %and3A_528 : i32 to vector<16xi32>
        %and3A_530 = arith.andi %get3A_527, %and3A_529 : vector<16xi32>
        %swap3A_531 = arith.constant 112 : index
        %swap3A_532 = tpu.vector_load %arg7[%swap3A_531] {strides = array<i32>} : memref<128xi32, #tpu.memory_space<vmem>>, vector<16xi32>,
        %swap3A_533 = vector.shape_cast %swap3A_532 : vector<16xi32> to vector<16xi32>
        %swap3A_534 = vector.shape_cast %and3A_530 : vector<16xi32> to vector<16xi32>
        tpu.vector_store %arg7[%swap3A_531], %swap3A_534 {strides = array<i32>} : memref<128xi32, #tpu.memory_space<vmem>>, vector<16xi32>,
        %dma_start3A_535 = arith.constant 0 : i32
        %dma_start3A_536 = arith.constant 0 : i32
        %dma_start3A_537 = tpu.memref_slice %arg3[%dma_start3A_535, %dma_start3A_536] : memref<10240x128xf32, #tpu.memory_space<hbm>> -> memref<10240x128xf32, #tpu.memory_space<hbm>>
        tpu.enqueue_indirect_dma source(%dma_start3A_537 : memref<10240x128xf32, #tpu.memory_space<hbm>>) target(%arg11 : memref<128x128xf32, #tpu.memory_space<vmem>>) offsets(%arg7 : memref<128xi32, #tpu.memory_space<vmem>>) semaphore(%arg14 : memref<!tpu.dma_semaphore, #tpu.memory_space<semaphore_mem>>)
      } else {
      }
      %scan3A_444 = arith.constant 0 : i32
      scf.yield %scan3A_444 : i32
    }
    %scan3A_221 = arith.constant 40 : i32
    %barrier3A_222 = arith.constant 0 : index
    tpu.barrier barrier_id(%barrier3A_222)
    %add3A_223 = arith.constant 0 : i32
    %add3A_224 = arith.addi %mul3A_8, %add3A_223 : i32
    "tpu.region"() ({
      %run_scoped3A = tpu.sem_alloc : memref<!tpu.dma_semaphore, #tpu.memory_space<semaphore_mem>>
      %dma_start3A_243 = arith.constant 0 : i32
      %dma_start3A_244 = tpu.memref_slice %arg12[%add3A_224, %dma_start3A_243] : memref<10240x128xf32, #tpu.memory_space<vmem_shared>> -> memref<128x128xf32, #tpu.memory_space<vmem_shared>>
      %dma_start3A_245 = arith.constant 0 : i32
      %dma_start3A_246 = tpu.memref_slice %arg12[%add3A_224, %dma_start3A_245] : memref<10240x128xf32, #tpu.memory_space<vmem_shared>> -> memref<128x128xf32, #tpu.memory_space<vmem_shared>>
      tpu.enqueue_dma source(%dma_start3A_246 : memref<128x128xf32, #tpu.memory_space<vmem_shared>>) target(%arg10 : memref<128x128xf32, #tpu.memory_space<vmem>>) target_semaphore(%run_scoped3A : memref<!tpu.dma_semaphore, #tpu.memory_space<semaphore_mem>>)
      %dma_wait3A = arith.constant 0 : i32
      %dma_wait3A_247 = tpu.memref_slice %arg12[%add3A_224, %dma_wait3A] : memref<10240x128xf32, #tpu.memory_space<vmem_shared>> -> memref<128x128xf32, #tpu.memory_space<vmem_shared>>
      %dma_wait3A_248 = arith.constant 0 : i32
      %dma_wait3A_249 = tpu.memref_slice %arg12[%add3A_224, %dma_wait3A_248] : memref<10240x128xf32, #tpu.memory_space<vmem_shared>> -> memref<128x128xf32, #tpu.memory_space<vmem_shared>>
      tpu.wait_dma2 semaphore(%run_scoped3A : memref<!tpu.dma_semaphore, #tpu.memory_space<semaphore_mem>>) src(%dma_wait3A_249 : memref<128x128xf32, #tpu.memory_space<vmem_shared>>) dst(%arg10 : memref<128x128xf32, #tpu.memory_space<vmem>>)
      tpu.yield
    }) : () -> ()
    %add3A_225 = arith.constant 0 : i32
    %add3A_226 = arith.addi %mul3A_8, %add3A_225 : i32
    "tpu.region"() ({
      %run_scoped3A = tpu.sem_alloc : memref<!tpu.dma_semaphore, #tpu.memory_space<semaphore_mem>>
      %dma_start3A_243 = arith.constant 0 : i32
      %dma_start3A_244 = tpu.memref_slice %arg4[%arg0, %add3A_226, %dma_start3A_243] : memref<2x10240x128xf32, #tpu.memory_space<hbm>> -> memref<1x128x128xf32, #tpu.memory_space<hbm>>
      %dma_start3A_245 = tpu.memref_squeeze %dma_start3A_244 : memref<1x128x128xf32, #tpu.memory_space<hbm>> -> memref<128x128xf32, #tpu.memory_space<hbm>>
      %dma_start3A_246 = arith.constant 0 : i32
      %dma_start3A_247 = tpu.memref_slice %arg4[%arg0, %add3A_226, %dma_start3A_246] : memref<2x10240x128xf32, #tpu.memory_space<hbm>> -> memref<1x128x128xf32, #tpu.memory_space<hbm>>
      %dma_start3A_248 = tpu.memref_squeeze %dma_start3A_247 : memref<1x128x128xf32, #tpu.memory_space<hbm>> -> memref<128x128xf32, #tpu.memory_space<hbm>>
      tpu.enqueue_dma source(%arg10 : memref<128x128xf32, #tpu.memory_space<vmem>>) target(%dma_start3A_248 : memref<128x128xf32, #tpu.memory_space<hbm>>) target_semaphore(%run_scoped3A : memref<!tpu.dma_semaphore, #tpu.memory_space<semaphore_mem>>)
      %dma_wait3A = arith.constant 0 : i32
      %dma_wait3A_249 = tpu.memref_slice %arg4[%arg0, %add3A_226, %dma_wait3A] : memref<2x10240x128xf32, #tpu.memory_space<hbm>> -> memref<1x128x128xf32, #tpu.memory_space<hbm>>
      %dma_wait3A_250 = tpu.memref_squeeze %dma_wait3A_249 : memref<1x128x128xf32, #tpu.memory_space<hbm>> -> memref<128x128xf32, #tpu.memory_space<hbm>>
      %dma_wait3A_251 = arith.constant 0 : i32
      %dma_wait3A_252 = tpu.memref_slice %arg4[%arg0, %add3A_226, %dma_wait3A_251] : memref<2x10240x128xf32, #tpu.memory_space<hbm>> -> memref<1x128x128xf32, #tpu.memory_space<hbm>>
      %dma_wait3A_253 = tpu.memref_squeeze %dma_wait3A_252 : memref<1x128x128xf32, #tpu.memory_space<hbm>> -> memref<128x128xf32, #tpu.memory_space<hbm>>
      tpu.wait_dma2 semaphore(%run_scoped3A : memref<!tpu.dma_semaphore, #tpu.memory_space<semaphore_mem>>) src(%arg10 : memref<128x128xf32, #tpu.memory_space<vmem>>) dst(%dma_wait3A_253 : memref<128x128xf32, #tpu.memory_space<hbm>>)
      tpu.yield
    }) : () -> ()
    %add3A_227 = arith.constant 128 : i32
    %add3A_228 = arith.addi %mul3A_8, %add3A_227 : i32
    "tpu.region"() ({
      %run_scoped3A = tpu.sem_alloc : memref<!tpu.dma_semaphore, #tpu.memory_space<semaphore_mem>>
      %dma_start3A_243 = arith.constant 0 : i32
      %dma_start3A_244 = tpu.memref_slice %arg12[%add3A_228, %dma_start3A_243] : memref<10240x128xf32, #tpu.memory_space<vmem_shared>> -> memref<128x128xf32, #tpu.memory_space<vmem_shared>>
      %dma_start3A_245 = arith.constant 0 : i32
      %dma_start3A_246 = tpu.memref_slice %arg12[%add3A_228, %dma_start3A_245] : memref<10240x128xf32, #tpu.memory_space<vmem_shared>> -> memref<128x128xf32, #tpu.memory_space<vmem_shared>>
      tpu.enqueue_dma source(%dma_start3A_246 : memref<128x128xf32, #tpu.memory_space<vmem_shared>>) target(%arg10 : memref<128x128xf32, #tpu.memory_space<vmem>>) target_semaphore(%run_scoped3A : memref<!tpu.dma_semaphore, #tpu.memory_space<semaphore_mem>>)
      %dma_wait3A = arith.constant 0 : i32
      %dma_wait3A_247 = tpu.memref_slice %arg12[%add3A_228, %dma_wait3A] : memref<10240x128xf32, #tpu.memory_space<vmem_shared>> -> memref<128x128xf32, #tpu.memory_space<vmem_shared>>
      %dma_wait3A_248 = arith.constant 0 : i32
      %dma_wait3A_249 = tpu.memref_slice %arg12[%add3A_228, %dma_wait3A_248] : memref<10240x128xf32, #tpu.memory_space<vmem_shared>> -> memref<128x128xf32, #tpu.memory_space<vmem_shared>>
      tpu.wait_dma2 semaphore(%run_scoped3A : memref<!tpu.dma_semaphore, #tpu.memory_space<semaphore_mem>>) src(%dma_wait3A_249 : memref<128x128xf32, #tpu.memory_space<vmem_shared>>) dst(%arg10 : memref<128x128xf32, #tpu.memory_space<vmem>>)
      tpu.yield
    }) : () -> ()
    %add3A_229 = arith.constant 128 : i32
    %add3A_230 = arith.addi %mul3A_8, %add3A_229 : i32
    "tpu.region"() ({
      %run_scoped3A = tpu.sem_alloc : memref<!tpu.dma_semaphore, #tpu.memory_space<semaphore_mem>>
      %dma_start3A_243 = arith.constant 0 : i32
      %dma_start3A_244 = tpu.memref_slice %arg4[%arg0, %add3A_230, %dma_start3A_243] : memref<2x10240x128xf32, #tpu.memory_space<hbm>> -> memref<1x128x128xf32, #tpu.memory_space<hbm>>
      %dma_start3A_245 = tpu.memref_squeeze %dma_start3A_244 : memref<1x128x128xf32, #tpu.memory_space<hbm>> -> memref<128x128xf32, #tpu.memory_space<hbm>>
      %dma_start3A_246 = arith.constant 0 : i32
      %dma_start3A_247 = tpu.memref_slice %arg4[%arg0, %add3A_230, %dma_start3A_246] : memref<2x10240x128xf32, #tpu.memory_space<hbm>> -> memref<1x128x128xf32, #tpu.memory_space<hbm>>
      %dma_start3A_248 = tpu.memref_squeeze %dma_start3A_247 : memref<1x128x128xf32, #tpu.memory_space<hbm>> -> memref<128x128xf32, #tpu.memory_space<hbm>>
      tpu.enqueue_dma source(%arg10 : memref<128x128xf32, #tpu.memory_space<vmem>>) target(%dma_start3A_248 : memref<128x128xf32, #tpu.memory_space<hbm>>) target_semaphore(%run_scoped3A : memref<!tpu.dma_semaphore, #tpu.memory_space<semaphore_mem>>)
      %dma_wait3A = arith.constant 0 : i32
      %dma_wait3A_249 = tpu.memref_slice %arg4[%arg0, %add3A_230, %dma_wait3A] : memref<2x10240x128xf32, #tpu.memory_space<hbm>> -> memref<1x128x128xf32, #tpu.memory_space<hbm>>
      %dma_wait3A_250 = tpu.memref_squeeze %dma_wait3A_249 : memref<1x128x128xf32, #tpu.memory_space<hbm>> -> memref<128x128xf32, #tpu.memory_space<hbm>>
      %dma_wait3A_251 = arith.constant 0 : i32
      %dma_wait3A_252 = tpu.memref_slice %arg4[%arg0, %add3A_230, %dma_wait3A_251] : memref<2x10240x128xf32, #tpu.memory_space<hbm>> -> memref<1x128x128xf32, #tpu.memory_space<hbm>>
      %dma_wait3A_253 = tpu.memref_squeeze %dma_wait3A_252 : memref<1x128x128xf32, #tpu.memory_space<hbm>> -> memref<128x128xf32, #tpu.memory_space<hbm>>
      tpu.wait_dma2 semaphore(%run_scoped3A : memref<!tpu.dma_semaphore, #tpu.memory_space<semaphore_mem>>) src(%arg10 : memref<128x128xf32, #tpu.memory_space<vmem>>) dst(%dma_wait3A_253 : memref<128x128xf32, #tpu.memory_space<hbm>>)
      tpu.yield
    }) : () -> ()
    %add3A_231 = arith.constant 256 : i32
    %add3A_232 = arith.addi %mul3A_8, %add3A_231 : i32
    "tpu.region"() ({
      %run_scoped3A = tpu.sem_alloc : memref<!tpu.dma_semaphore, #tpu.memory_space<semaphore_mem>>
      %dma_start3A_243 = arith.constant 0 : i32
      %dma_start3A_244 = tpu.memref_slice %arg12[%add3A_232, %dma_start3A_243] : memref<10240x128xf32, #tpu.memory_space<vmem_shared>> -> memref<128x128xf32, #tpu.memory_space<vmem_shared>>
      %dma_start3A_245 = arith.constant 0 : i32
      %dma_start3A_246 = tpu.memref_slice %arg12[%add3A_232, %dma_start3A_245] : memref<10240x128xf32, #tpu.memory_space<vmem_shared>> -> memref<128x128xf32, #tpu.memory_space<vmem_shared>>
      tpu.enqueue_dma source(%dma_start3A_246 : memref<128x128xf32, #tpu.memory_space<vmem_shared>>) target(%arg10 : memref<128x128xf32, #tpu.memory_space<vmem>>) target_semaphore(%run_scoped3A : memref<!tpu.dma_semaphore, #tpu.memory_space<semaphore_mem>>)
      %dma_wait3A = arith.constant 0 : i32
      %dma_wait3A_247 = tpu.memref_slice %arg12[%add3A_232, %dma_wait3A] : memref<10240x128xf32, #tpu.memory_space<vmem_shared>> -> memref<128x128xf32, #tpu.memory_space<vmem_shared>>
      %dma_wait3A_248 = arith.constant 0 : i32
      %dma_wait3A_249 = tpu.memref_slice %arg12[%add3A_232, %dma_wait3A_248] : memref<10240x128xf32, #tpu.memory_space<vmem_shared>> -> memref<128x128xf32, #tpu.memory_space<vmem_shared>>
      tpu.wait_dma2 semaphore(%run_scoped3A : memref<!tpu.dma_semaphore, #tpu.memory_space<semaphore_mem>>) src(%dma_wait3A_249 : memref<128x128xf32, #tpu.memory_space<vmem_shared>>) dst(%arg10 : memref<128x128xf32, #tpu.memory_space<vmem>>)
      tpu.yield
    }) : () -> ()
    %add3A_233 = arith.constant 256 : i32
    %add3A_234 = arith.addi %mul3A_8, %add3A_233 : i32
    "tpu.region"() ({
      %run_scoped3A = tpu.sem_alloc : memref<!tpu.dma_semaphore, #tpu.memory_space<semaphore_mem>>
      %dma_start3A_243 = arith.constant 0 : i32
      %dma_start3A_244 = tpu.memref_slice %arg4[%arg0, %add3A_234, %dma_start3A_243] : memref<2x10240x128xf32, #tpu.memory_space<hbm>> -> memref<1x128x128xf32, #tpu.memory_space<hbm>>
      %dma_start3A_245 = tpu.memref_squeeze %dma_start3A_244 : memref<1x128x128xf32, #tpu.memory_space<hbm>> -> memref<128x128xf32, #tpu.memory_space<hbm>>
      %dma_start3A_246 = arith.constant 0 : i32
      %dma_start3A_247 = tpu.memref_slice %arg4[%arg0, %add3A_234, %dma_start3A_246] : memref<2x10240x128xf32, #tpu.memory_space<hbm>> -> memref<1x128x128xf32, #tpu.memory_space<hbm>>
      %dma_start3A_248 = tpu.memref_squeeze %dma_start3A_247 : memref<1x128x128xf32, #tpu.memory_space<hbm>> -> memref<128x128xf32, #tpu.memory_space<hbm>>
      tpu.enqueue_dma source(%arg10 : memref<128x128xf32, #tpu.memory_space<vmem>>) target(%dma_start3A_248 : memref<128x128xf32, #tpu.memory_space<hbm>>) target_semaphore(%run_scoped3A : memref<!tpu.dma_semaphore, #tpu.memory_space<semaphore_mem>>)
      %dma_wait3A = arith.constant 0 : i32
      %dma_wait3A_249 = tpu.memref_slice %arg4[%arg0, %add3A_234, %dma_wait3A] : memref<2x10240x128xf32, #tpu.memory_space<hbm>> -> memref<1x128x128xf32, #tpu.memory_space<hbm>>
      %dma_wait3A_250 = tpu.memref_squeeze %dma_wait3A_249 : memref<1x128x128xf32, #tpu.memory_space<hbm>> -> memref<128x128xf32, #tpu.memory_space<hbm>>
      %dma_wait3A_251 = arith.constant 0 : i32
      %dma_wait3A_252 = tpu.memref_slice %arg4[%arg0, %add3A_234, %dma_wait3A_251] : memref<2x10240x128xf32, #tpu.memory_space<hbm>> -> memref<1x128x128xf32, #tpu.memory_space<hbm>>
      %dma_wait3A_253 = tpu.memref_squeeze %dma_wait3A_252 : memref<1x128x128xf32, #tpu.memory_space<hbm>> -> memref<128x128xf32, #tpu.memory_space<hbm>>
      tpu.wait_dma2 semaphore(%run_scoped3A : memref<!tpu.dma_semaphore, #tpu.memory_space<semaphore_mem>>) src(%arg10 : memref<128x128xf32, #tpu.memory_space<vmem>>) dst(%dma_wait3A_253 : memref<128x128xf32, #tpu.memory_space<hbm>>)
      tpu.yield
    }) : () -> ()
    %add3A_235 = arith.constant 384 : i32
    %add3A_236 = arith.addi %mul3A_8, %add3A_235 : i32
    "tpu.region"() ({
      %run_scoped3A = tpu.sem_alloc : memref<!tpu.dma_semaphore, #tpu.memory_space<semaphore_mem>>
      %dma_start3A_243 = arith.constant 0 : i32
      %dma_start3A_244 = tpu.memref_slice %arg12[%add3A_236, %dma_start3A_243] : memref<10240x128xf32, #tpu.memory_space<vmem_shared>> -> memref<128x128xf32, #tpu.memory_space<vmem_shared>>
      %dma_start3A_245 = arith.constant 0 : i32
      %dma_start3A_246 = tpu.memref_slice %arg12[%add3A_236, %dma_start3A_245] : memref<10240x128xf32, #tpu.memory_space<vmem_shared>> -> memref<128x128xf32, #tpu.memory_space<vmem_shared>>
      tpu.enqueue_dma source(%dma_start3A_246 : memref<128x128xf32, #tpu.memory_space<vmem_shared>>) target(%arg10 : memref<128x128xf32, #tpu.memory_space<vmem>>) target_semaphore(%run_scoped3A : memref<!tpu.dma_semaphore, #tpu.memory_space<semaphore_mem>>)
      %dma_wait3A = arith.constant 0 : i32
      %dma_wait3A_247 = tpu.memref_slice %arg12[%add3A_236, %dma_wait3A] : memref<10240x128xf32, #tpu.memory_space<vmem_shared>> -> memref<128x128xf32, #tpu.memory_space<vmem_shared>>
      %dma_wait3A_248 = arith.constant 0 : i32
      %dma_wait3A_249 = tpu.memref_slice %arg12[%add3A_236, %dma_wait3A_248] : memref<10240x128xf32, #tpu.memory_space<vmem_shared>> -> memref<128x128xf32, #tpu.memory_space<vmem_shared>>
      tpu.wait_dma2 semaphore(%run_scoped3A : memref<!tpu.dma_semaphore, #tpu.memory_space<semaphore_mem>>) src(%dma_wait3A_249 : memref<128x128xf32, #tpu.memory_space<vmem_shared>>) dst(%arg10 : memref<128x128xf32, #tpu.memory_space<vmem>>)
      tpu.yield
    }) : () -> ()
    %add3A_237 = arith.constant 384 : i32
    %add3A_238 = arith.addi %mul3A_8, %add3A_237 : i32
    "tpu.region"() ({
      %run_scoped3A = tpu.sem_alloc : memref<!tpu.dma_semaphore, #tpu.memory_space<semaphore_mem>>
      %dma_start3A_243 = arith.constant 0 : i32
      %dma_start3A_244 = tpu.memref_slice %arg4[%arg0, %add3A_238, %dma_start3A_243] : memref<2x10240x128xf32, #tpu.memory_space<hbm>> -> memref<1x128x128xf32, #tpu.memory_space<hbm>>
      %dma_start3A_245 = tpu.memref_squeeze %dma_start3A_244 : memref<1x128x128xf32, #tpu.memory_space<hbm>> -> memref<128x128xf32, #tpu.memory_space<hbm>>
      %dma_start3A_246 = arith.constant 0 : i32
      %dma_start3A_247 = tpu.memref_slice %arg4[%arg0, %add3A_238, %dma_start3A_246] : memref<2x10240x128xf32, #tpu.memory_space<hbm>> -> memref<1x128x128xf32, #tpu.memory_space<hbm>>
      %dma_start3A_248 = tpu.memref_squeeze %dma_start3A_247 : memref<1x128x128xf32, #tpu.memory_space<hbm>> -> memref<128x128xf32, #tpu.memory_space<hbm>>
      tpu.enqueue_dma source(%arg10 : memref<128x128xf32, #tpu.memory_space<vmem>>) target(%dma_start3A_248 : memref<128x128xf32, #tpu.memory_space<hbm>>) target_semaphore(%run_scoped3A : memref<!tpu.dma_semaphore, #tpu.memory_space<semaphore_mem>>)
      %dma_wait3A = arith.constant 0 : i32
      %dma_wait3A_249 = tpu.memref_slice %arg4[%arg0, %add3A_238, %dma_wait3A] : memref<2x10240x128xf32, #tpu.memory_space<hbm>> -> memref<1x128x128xf32, #tpu.memory_space<hbm>>
      %dma_wait3A_250 = tpu.memref_squeeze %dma_wait3A_249 : memref<1x128x128xf32, #tpu.memory_space<hbm>> -> memref<128x128xf32, #tpu.memory_space<hbm>>
      %dma_wait3A_251 = arith.constant 0 : i32
      %dma_wait3A_252 = tpu.memref_slice %arg4[%arg0, %add3A_238, %dma_wait3A_251] : memref<2x10240x128xf32, #tpu.memory_space<hbm>> -> memref<1x128x128xf32, #tpu.memory_space<hbm>>
      %dma_wait3A_253 = tpu.memref_squeeze %dma_wait3A_252 : memref<1x128x128xf32, #tpu.memory_space<hbm>> -> memref<128x128xf32, #tpu.memory_space<hbm>>
      tpu.wait_dma2 semaphore(%run_scoped3A : memref<!tpu.dma_semaphore, #tpu.memory_space<semaphore_mem>>) src(%arg10 : memref<128x128xf32, #tpu.memory_space<vmem>>) dst(%dma_wait3A_253 : memref<128x128xf32, #tpu.memory_space<hbm>>)
      tpu.yield
    }) : () -> ()
    %add3A_239 = arith.constant 512 : i32
    %add3A_240 = arith.addi %mul3A_8, %add3A_239 : i32
    "tpu.region"() ({
      %run_scoped3A = tpu.sem_alloc : memref<!tpu.dma_semaphore, #tpu.memory_space<semaphore_mem>>
      %dma_start3A_243 = arith.constant 0 : i32
      %dma_start3A_244 = tpu.memref_slice %arg12[%add3A_240, %dma_start3A_243] : memref<10240x128xf32, #tpu.memory_space<vmem_shared>> -> memref<128x128xf32, #tpu.memory_space<vmem_shared>>
      %dma_start3A_245 = arith.constant 0 : i32
      %dma_start3A_246 = tpu.memref_slice %arg12[%add3A_240, %dma_start3A_245] : memref<10240x128xf32, #tpu.memory_space<vmem_shared>> -> memref<128x128xf32, #tpu.memory_space<vmem_shared>>
      tpu.enqueue_dma source(%dma_start3A_246 : memref<128x128xf32, #tpu.memory_space<vmem_shared>>) target(%arg10 : memref<128x128xf32, #tpu.memory_space<vmem>>) target_semaphore(%run_scoped3A : memref<!tpu.dma_semaphore, #tpu.memory_space<semaphore_mem>>)
      %dma_wait3A = arith.constant 0 : i32
      %dma_wait3A_247 = tpu.memref_slice %arg12[%add3A_240, %dma_wait3A] : memref<10240x128xf32, #tpu.memory_space<vmem_shared>> -> memref<128x128xf32, #tpu.memory_space<vmem_shared>>
      %dma_wait3A_248 = arith.constant 0 : i32
      %dma_wait3A_249 = tpu.memref_slice %arg12[%add3A_240, %dma_wait3A_248] : memref<10240x128xf32, #tpu.memory_space<vmem_shared>> -> memref<128x128xf32, #tpu.memory_space<vmem_shared>>
      tpu.wait_dma2 semaphore(%run_scoped3A : memref<!tpu.dma_semaphore, #tpu.memory_space<semaphore_mem>>) src(%dma_wait3A_249 : memref<128x128xf32, #tpu.memory_space<vmem_shared>>) dst(%arg10 : memref<128x128xf32, #tpu.memory_space<vmem>>)
      tpu.yield
    }) : () -> ()
    %add3A_241 = arith.constant 512 : i32
    %add3A_242 = arith.addi %mul3A_8, %add3A_241 : i32
    "tpu.region"() ({
      %run_scoped3A = tpu.sem_alloc : memref<!tpu.dma_semaphore, #tpu.memory_space<semaphore_mem>>
      %dma_start3A_243 = arith.constant 0 : i32
      %dma_start3A_244 = tpu.memref_slice %arg4[%arg0, %add3A_242, %dma_start3A_243] : memref<2x10240x128xf32, #tpu.memory_space<hbm>> -> memref<1x128x128xf32, #tpu.memory_space<hbm>>
      %dma_start3A_245 = tpu.memref_squeeze %dma_start3A_244 : memref<1x128x128xf32, #tpu.memory_space<hbm>> -> memref<128x128xf32, #tpu.memory_space<hbm>>
      %dma_start3A_246 = arith.constant 0 : i32
      %dma_start3A_247 = tpu.memref_slice %arg4[%arg0, %add3A_242, %dma_start3A_246] : memref<2x10240x128xf32, #tpu.memory_space<hbm>> -> memref<1x128x128xf32, #tpu.memory_space<hbm>>
      %dma_start3A_248 = tpu.memref_squeeze %dma_start3A_247 : memref<1x128x128xf32, #tpu.memory_space<hbm>> -> memref<128x128xf32, #tpu.memory_space<hbm>>
      tpu.enqueue_dma source(%arg10 : memref<128x128xf32, #tpu.memory_space<vmem>>) target(%dma_start3A_248 : memref<128x128xf32, #tpu.memory_space<hbm>>) target_semaphore(%run_scoped3A : memref<!tpu.dma_semaphore, #tpu.memory_space<semaphore_mem>>)
      %dma_wait3A = arith.constant 0 : i32
      %dma_wait3A_249 = tpu.memref_slice %arg4[%arg0, %add3A_242, %dma_wait3A] : memref<2x10240x128xf32, #tpu.memory_space<hbm>> -> memref<1x128x128xf32, #tpu.memory_space<hbm>>
      %dma_wait3A_250 = tpu.memref_squeeze %dma_wait3A_249 : memref<1x128x128xf32, #tpu.memory_space<hbm>> -> memref<128x128xf32, #tpu.memory_space<hbm>>
      %dma_wait3A_251 = arith.constant 0 : i32
      %dma_wait3A_252 = tpu.memref_slice %arg4[%arg0, %add3A_242, %dma_wait3A_251] : memref<2x10240x128xf32, #tpu.memory_space<hbm>> -> memref<1x128x128xf32, #tpu.memory_space<hbm>>
      %dma_wait3A_253 = tpu.memref_squeeze %dma_wait3A_252 : memref<1x128x128xf32, #tpu.memory_space<hbm>> -> memref<128x128xf32, #tpu.memory_space<hbm>>
      tpu.wait_dma2 semaphore(%run_scoped3A : memref<!tpu.dma_semaphore, #tpu.memory_space<semaphore_mem>>) src(%arg10 : memref<128x128xf32, #tpu.memory_space<vmem>>) dst(%dma_wait3A_253 : memref<128x128xf32, #tpu.memory_space<hbm>>)
      tpu.yield
    }) : () -> ()
    return
  }
}

module attributes {stable_mosaic.version = 14 : i64} {
  func.func @_tc_pre_body(%arg0: memref<10000x128xf32, #tpu.memory_space<vmem>>, %arg1: memref<128x128xf32, #tpu.memory_space<vmem>>, %arg2: memref<2x10240x1xf32, #tpu.memory_space<vmem>>, %arg3: memref<10240x128xf32, #tpu.memory_space<vmem>>, %arg4: memref<10240x1xf32, #tpu.memory_space<vmem>>) attributes {dimension_semantics = [], scalar_prefetch = 0 : i64, scratch_operands = 0 : i64, tpu.core_type = #tpu.core_type<tc>} {
    %get3A = arith.constant 0 : index
    %get3A_0 = arith.constant 0 : index
    %get3A_1 = arith.constant 0 : index
    %get3A_2 = vector.load %arg2[%get3A, %get3A_0, %get3A_1] : memref<2x10240x1xf32, #tpu.memory_space<vmem>>, vector<2x10240x1xf32>
    %slice3A = vector.extract_strided_slice %get3A_2 {offsets = [0, 0, 0], sizes = [1, 10240, 1], strides = [1, 1, 1]} : vector<2x10240x1xf32> to vector<1x10240x1xf32>
    %squeeze3A = vector.shape_cast %slice3A : vector<1x10240x1xf32> to vector<10240x1xf32>
    %slice3A_3 = vector.extract_strided_slice %get3A_2 {offsets = [1, 0, 0], sizes = [1, 10240, 1], strides = [1, 1, 1]} : vector<2x10240x1xf32> to vector<1x10240x1xf32>
    %squeeze3A_4 = vector.shape_cast %slice3A_3 : vector<1x10240x1xf32> to vector<10240x1xf32>
    %add3A = arith.addf %squeeze3A, %squeeze3A_4 : vector<10240x1xf32>
    %add3A_5 = arith.constant 1.000000e+00 : f32
    %add3A_6 = vector.broadcast %add3A_5 : f32 to vector<10240x1xf32>
    %add3A_7 = arith.addf %add3A, %add3A_6 : vector<10240x1xf32>
    %max3A = arith.constant 9.99999996E-13 : f32
    %max3A_8 = vector.broadcast %max3A : f32 to vector<10240x1xf32>
    %max3A_9 = arith.maximumf %add3A_7, %max3A_8 : vector<10240x1xf32>
    %rsqrt3A = math.rsqrt %max3A_9 : vector<10240x1xf32>
    %swap3A = arith.constant 0 : index
    %swap3A_10 = arith.constant 0 : index
    %swap3A_11 = vector.load %arg4[%swap3A, %swap3A_10] : memref<10240x1xf32, #tpu.memory_space<vmem>>, vector<10240x1xf32>
    tpu.vector_store %arg4[%swap3A, %swap3A_10], %rsqrt3A {strides = array<i32>} : memref<10240x1xf32, #tpu.memory_space<vmem>>, vector<10240x1xf32>,
    %get3A_12 = arith.constant 0 : index
    %get3A_13 = arith.constant 0 : index
    %get3A_14 = vector.load %arg0[%get3A_12, %get3A_13] : memref<10000x128xf32, #tpu.memory_space<vmem>>, vector<10000x128xf32>
    %get3A_15 = arith.constant 0 : index
    %get3A_16 = arith.constant 0 : index
    %get3A_17 = vector.load %arg1[%get3A_15, %get3A_16] : memref<128x128xf32, #tpu.memory_space<vmem>>, vector<128x128xf32>
    %dot_general3A = arith.constant dense<0.000000e+00> : vector<10000x128xf32>
    %dot_general3A_18 = tpu.matmul %get3A_14, %get3A_17, %dot_general3A {dimension_numbers = #tpu.dot_dimension_numbers<[1], [0], [0], [1], [0, 0, 1, 1], [], []>, transpose_lhs_hint = false} : vector<10000x128xf32>, vector<128x128xf32>, vector<10000x128xf32> -> vector<10000x128xf32>
    %slice3A_19 = vector.extract_strided_slice %rsqrt3A {offsets = [0, 0], sizes = [10000, 1], strides = [1, 1]} : vector<10240x1xf32> to vector<10000x1xf32>
    %mul3A = vector.broadcast %slice3A_19 : vector<10000x1xf32> to vector<10000x128xf32>
    %mul3A_20 = arith.mulf %mul3A, %dot_general3A_18 : vector<10000x128xf32>
    %swap3A_21 = arith.constant 0 : index
    %swap3A_22 = arith.constant 0 : index
    %swap3A_23 = vector.load %arg3[%swap3A_21, %swap3A_22] : memref<10240x128xf32, #tpu.memory_space<vmem>>, vector<10000x128xf32>
    tpu.vector_store %arg3[%swap3A_21, %swap3A_22], %mul3A_20 {strides = array<i32>} : memref<10240x128xf32, #tpu.memory_space<vmem>>, vector<10000x128xf32>,
    %broadcast_in_dim3A = arith.constant 0.000000e+00 : f32
    %broadcast_in_dim3A_24 = vector.broadcast %broadcast_in_dim3A : f32 to vector<240x128xf32>
    %swap3A_25 = arith.constant 10000 : index
    %swap3A_26 = arith.constant 0 : index
    %swap3A_27 = vector.load %arg3[%swap3A_25, %swap3A_26] : memref<10240x128xf32, #tpu.memory_space<vmem>>, vector<240x128xf32>
    tpu.vector_store %arg3[%swap3A_25, %swap3A_26], %broadcast_in_dim3A_24 {strides = array<i32>} : memref<10240x128xf32, #tpu.memory_space<vmem>>, vector<240x128xf32>,
    return
  }
}

module attributes {stable_mosaic.version = 14 : i64} {
  func.func @_tc_mid_body(%arg0: memref<2x10240x128xf32, #tpu.memory_space<vmem>>, %arg1: memref<10240x128xf32, #tpu.memory_space<vmem>>, %arg2: memref<10240x1xf32, #tpu.memory_space<vmem>>, %arg3: memref<1x128xf32, #tpu.memory_space<vmem>>, %arg4: memref<1x128xf32, #tpu.memory_space<vmem>>, %arg5: memref<1x128xf32, #tpu.memory_space<vmem>>, %arg6: memref<128x128xf32, #tpu.memory_space<vmem>>, %arg7: memref<10000x128xf32, #tpu.memory_space<vmem>>, %arg8: memref<10240x128xf32, #tpu.memory_space<vmem>>) attributes {dimension_semantics = [], scalar_prefetch = 0 : i64, scratch_operands = 0 : i64, tpu.core_type = #tpu.core_type<tc>} {
    %get3A = arith.constant 0 : index
    %get3A_0 = arith.constant 0 : index
    %get3A_1 = arith.constant 0 : index
    %get3A_2 = vector.load %arg0[%get3A, %get3A_0, %get3A_1] : memref<2x10240x128xf32, #tpu.memory_space<vmem>>, vector<2x10240x128xf32>
    %get3A_3 = arith.constant 0 : index
    %get3A_4 = arith.constant 0 : index
    %get3A_5 = vector.load %arg2[%get3A_3, %get3A_4] : memref<10240x1xf32, #tpu.memory_space<vmem>>, vector<10000x1xf32>
    %slice3A = vector.extract_strided_slice %get3A_2 {offsets = [0, 0, 0], sizes = [1, 10000, 128], strides = [1, 1, 1]} : vector<2x10240x128xf32> to vector<1x10000x128xf32>
    %squeeze3A = vector.shape_cast %slice3A : vector<1x10000x128xf32> to vector<10000x128xf32>
    %slice3A_6 = vector.extract_strided_slice %get3A_2 {offsets = [1, 0, 0], sizes = [1, 10000, 128], strides = [1, 1, 1]} : vector<2x10240x128xf32> to vector<1x10000x128xf32>
    %squeeze3A_7 = vector.shape_cast %slice3A_6 : vector<1x10000x128xf32> to vector<10000x128xf32>
    %add3A = arith.addf %squeeze3A, %squeeze3A_7 : vector<10000x128xf32>
    %get3A_8 = arith.constant 0 : index
    %get3A_9 = arith.constant 0 : index
    %get3A_10 = vector.load %arg1[%get3A_8, %get3A_9] : memref<10240x128xf32, #tpu.memory_space<vmem>>, vector<10000x128xf32>
    %add3A_11 = arith.addf %add3A, %get3A_10 : vector<10000x128xf32>
    %mul3A = vector.broadcast %get3A_5 : vector<10000x1xf32> to vector<10000x128xf32>
    %mul3A_12 = arith.mulf %mul3A, %add3A_11 : vector<10000x128xf32>
    %get3A_13 = arith.constant 0 : index
    %get3A_14 = arith.constant 0 : index
    %get3A_15 = vector.load %arg3[%get3A_13, %get3A_14] : memref<1x128xf32, #tpu.memory_space<vmem>>, vector<1x128xf32>
    %add3A_16 = vector.broadcast %get3A_15 : vector<1x128xf32> to vector<10000x128xf32>
    %add3A_17 = arith.addf %mul3A_12, %add3A_16 : vector<10000x128xf32>
    %reduce_sum3A = arith.constant dense<0.000000e+00> : vector<128xf32>
    %reduce_sum3A_18 = vector.multi_reduction <add>, %add3A_17, %reduce_sum3A [0] : vector<10000x128xf32> to vector<128xf32>
    %broadcast_in_dim3A = vector.shape_cast %reduce_sum3A_18 : vector<128xf32> to vector<1x128xf32>
    %div3A = arith.constant 1.000000e+04 : f32
    %div3A_19 = vector.broadcast %div3A : f32 to vector<1x128xf32>
    %div3A_20 = arith.divf %broadcast_in_dim3A, %div3A_19 : vector<1x128xf32>
    %sub3A = vector.broadcast %div3A_20 : vector<1x128xf32> to vector<10000x128xf32>
    %sub3A_21 = arith.subf %add3A_17, %sub3A : vector<10000x128xf32>
    %integer_pow3A = arith.mulf %sub3A_21, %sub3A_21 : vector<10000x128xf32>
    %reduce_sum3A_22 = arith.constant dense<0.000000e+00> : vector<128xf32>
    %reduce_sum3A_23 = vector.multi_reduction <add>, %integer_pow3A, %reduce_sum3A_22 [0] : vector<10000x128xf32> to vector<128xf32>
    %broadcast_in_dim3A_24 = vector.shape_cast %reduce_sum3A_23 : vector<128xf32> to vector<1x128xf32>
    %div3A_25 = arith.constant 1.000000e+04 : f32
    %div3A_26 = vector.broadcast %div3A_25 : f32 to vector<1x128xf32>
    %div3A_27 = arith.divf %broadcast_in_dim3A_24, %div3A_26 : vector<1x128xf32>
    %get3A_28 = arith.constant 0 : index
    %get3A_29 = arith.constant 0 : index
    %get3A_30 = vector.load %arg4[%get3A_28, %get3A_29] : memref<1x128xf32, #tpu.memory_space<vmem>>, vector<1x128xf32>
    %sub3A_31 = vector.broadcast %div3A_20 : vector<1x128xf32> to vector<10000x128xf32>
    %sub3A_32 = arith.subf %add3A_17, %sub3A_31 : vector<10000x128xf32>
    %mul3A_33 = vector.broadcast %get3A_30 : vector<1x128xf32> to vector<10000x128xf32>
    %mul3A_34 = arith.mulf %mul3A_33, %sub3A_32 : vector<10000x128xf32>
    %add3A_35 = arith.constant 9.99999974E-6 : f32
    %add3A_36 = vector.broadcast %add3A_35 : f32 to vector<1x128xf32>
    %add3A_37 = arith.addf %div3A_27, %add3A_36 : vector<1x128xf32>
    %sqrt3A = math.sqrt %add3A_37 : vector<1x128xf32>
    %div3A_38 = vector.broadcast %sqrt3A : vector<1x128xf32> to vector<10000x128xf32>
    %div3A_39 = arith.divf %mul3A_34, %div3A_38 : vector<10000x128xf32>
    %get3A_40 = arith.constant 0 : index
    %get3A_41 = arith.constant 0 : index
    %get3A_42 = vector.load %arg5[%get3A_40, %get3A_41] : memref<1x128xf32, #tpu.memory_space<vmem>>, vector<1x128xf32>
    %add3A_43 = vector.broadcast %get3A_42 : vector<1x128xf32> to vector<10000x128xf32>
    %add3A_44 = arith.addf %div3A_39, %add3A_43 : vector<10000x128xf32>
    %max3A = arith.constant 0.000000e+00 : f32
    %max3A_45 = vector.broadcast %max3A : f32 to vector<10000x128xf32>
    %max3A_46 = arith.maximumf %add3A_44, %max3A_45 : vector<10000x128xf32>
    %swap3A = arith.constant 0 : index
    %swap3A_47 = arith.constant 0 : index
    %swap3A_48 = vector.load %arg7[%swap3A, %swap3A_47] : memref<10000x128xf32, #tpu.memory_space<vmem>>, vector<10000x128xf32>
    tpu.vector_store %arg7[%swap3A, %swap3A_47], %max3A_46 {strides = array<i32>} : memref<10000x128xf32, #tpu.memory_space<vmem>>, vector<10000x128xf32>,
    %get3A_49 = arith.constant 0 : index
    %get3A_50 = arith.constant 0 : index
    %get3A_51 = vector.load %arg6[%get3A_49, %get3A_50] : memref<128x128xf32, #tpu.memory_space<vmem>>, vector<128x128xf32>
    %dot_general3A = arith.constant dense<0.000000e+00> : vector<10000x128xf32>
    %dot_general3A_52 = tpu.matmul %max3A_46, %get3A_51, %dot_general3A {dimension_numbers = #tpu.dot_dimension_numbers<[1], [0], [0], [1], [0, 0, 1, 1], [], []>, transpose_lhs_hint = false} : vector<10000x128xf32>, vector<128x128xf32>, vector<10000x128xf32> -> vector<10000x128xf32>
    %mul3A_53 = vector.broadcast %get3A_5 : vector<10000x1xf32> to vector<10000x128xf32>
    %mul3A_54 = arith.mulf %mul3A_53, %dot_general3A_52 : vector<10000x128xf32>
    %swap3A_55 = arith.constant 0 : index
    %swap3A_56 = arith.constant 0 : index
    %swap3A_57 = vector.load %arg8[%swap3A_55, %swap3A_56] : memref<10240x128xf32, #tpu.memory_space<vmem>>, vector<10000x128xf32>
    tpu.vector_store %arg8[%swap3A_55, %swap3A_56], %mul3A_54 {strides = array<i32>} : memref<10240x128xf32, #tpu.memory_space<vmem>>, vector<10000x128xf32>,
    %broadcast_in_dim3A_58 = arith.constant 0.000000e+00 : f32
    %broadcast_in_dim3A_59 = vector.broadcast %broadcast_in_dim3A_58 : f32 to vector<240x128xf32>
    %swap3A_60 = arith.constant 10000 : index
    %swap3A_61 = arith.constant 0 : index
    %swap3A_62 = vector.load %arg8[%swap3A_60, %swap3A_61] : memref<10240x128xf32, #tpu.memory_space<vmem>>, vector<240x128xf32>
    tpu.vector_store %arg8[%swap3A_60, %swap3A_61], %broadcast_in_dim3A_59 {strides = array<i32>} : memref<10240x128xf32, #tpu.memory_space<vmem>>, vector<240x128xf32>,
    return
  }
}

module attributes {stable_mosaic.version = 14 : i64} {
  func.func @_tc_vq1_body(%arg0: i32, %arg1: memref<2000x128xf32, #tpu.memory_space<vmem>>, %arg2: memref<3x32x128xf32, #tpu.memory_space<vmem>>, %arg3: memref<2000x1xi32, #tpu.memory_space<vmem>>, %arg4: memref<1x1xf32, #tpu.memory_space<vmem>>) attributes {dimension_semantics = [#tpu.dimension_semantics<arbitrary>], iteration_bounds = array<i64: 5>, scalar_prefetch = 0 : i64, scratch_operands = 0 : i64, tpu.core_type = #tpu.core_type<tc>, window_params = [{transform_indices = @transform_0, window_bounds = array<i64: 2000, 128>}, {pipeline_mode = #tpu.pipeline_mode<synchronous>, transform_indices = @transform_1, window_bounds = array<i64: 3, 32, 128>}, {transform_indices = @transform_2, window_bounds = array<i64: 2000, 1>}, {pipeline_mode = #tpu.pipeline_mode<synchronous>, transform_indices = @transform_3, window_bounds = array<i64: 1, 1>}]} {
    %get3A = arith.constant 0 : index
    %get3A_0 = arith.constant 0 : index
    %get3A_1 = vector.load %arg1[%get3A, %get3A_0] : memref<2000x128xf32, #tpu.memory_space<vmem>>, vector<2000x128xf32>
    %get3A_2 = arith.constant 0 : index
    %get3A_3 = arith.constant 0 : index
    %get3A_4 = arith.constant 0 : index
    %get3A_5 = vector.load %arg2[%get3A_2, %get3A_3, %get3A_4] : memref<3x32x128xf32, #tpu.memory_space<vmem>>, vector<3x32x128xf32>
    %broadcast_in_dim3A = arith.constant 0 : i32
    %broadcast_in_dim3A_6 = vector.broadcast %broadcast_in_dim3A : i32 to vector<2000x1xi32>
    %slice3A = vector.extract_strided_slice %get3A_5 {offsets = [0, 0, 0], sizes = [1, 32, 128], strides = [1, 1, 1]} : vector<3x32x128xf32> to vector<1x32x128xf32>
    %squeeze3A = vector.shape_cast %slice3A : vector<1x32x128xf32> to vector<32x128xf32>
    %mul3A = arith.mulf %get3A_1, %get3A_1 : vector<2000x128xf32>
    %reduce_sum3A = arith.constant dense<0.000000e+00> : vector<2000xf32>
    %reduce_sum3A_7 = vector.multi_reduction <add>, %mul3A, %reduce_sum3A [1] : vector<2000x128xf32> to vector<2000xf32>
    %broadcast_in_dim3A_8 = vector.shape_cast %reduce_sum3A_7 : vector<2000xf32> to vector<2000x1xf32>
    %sqrt3A = math.sqrt %broadcast_in_dim3A_8 : vector<2000x1xf32>
    %add3A = arith.constant 9.99999993E-9 : f32
    %add3A_9 = vector.broadcast %add3A : f32 to vector<2000x1xf32>
    %add3A_10 = arith.addf %sqrt3A, %add3A_9 : vector<2000x1xf32>
    %div3A = vector.broadcast %add3A_10 : vector<2000x1xf32> to vector<2000x128xf32>
    %div3A_11 = arith.divf %get3A_1, %div3A : vector<2000x128xf32>
    %mul3A_12 = arith.mulf %squeeze3A, %squeeze3A : vector<32x128xf32>
    %reduce_sum3A_13 = arith.constant dense<0.000000e+00> : vector<32xf32>
    %reduce_sum3A_14 = vector.multi_reduction <add>, %mul3A_12, %reduce_sum3A_13 [1] : vector<32x128xf32> to vector<32xf32>
    %broadcast_in_dim3A_15 = vector.shape_cast %reduce_sum3A_14 : vector<32xf32> to vector<32x1xf32>
    %sqrt3A_16 = math.sqrt %broadcast_in_dim3A_15 : vector<32x1xf32>
    %add3A_17 = arith.constant 9.99999993E-9 : f32
    %add3A_18 = vector.broadcast %add3A_17 : f32 to vector<32x1xf32>
    %add3A_19 = arith.addf %sqrt3A_16, %add3A_18 : vector<32x1xf32>
    %div3A_20 = vector.broadcast %add3A_19 : vector<32x1xf32> to vector<32x128xf32>
    %div3A_21 = arith.divf %squeeze3A, %div3A_20 : vector<32x128xf32>
    %dot_general3A = arith.constant dense<0.000000e+00> : vector<2000x32xf32>
    %dot_general3A_22 = tpu.matmul %div3A_11, %div3A_21, %dot_general3A {dimension_numbers = #tpu.dot_dimension_numbers<[1], [1], [0], [0], [0, 0, 1, 0], [], []>, transpose_lhs_hint = false} : vector<2000x128xf32>, vector<32x128xf32>, vector<2000x32xf32> -> vector<2000x32xf32>
    %reduce_max3A = arith.constant dense<0xFF800000> : vector<2000xf32>
    %reduce_max3A_23 = vector.multi_reduction <maximumf>, %dot_general3A_22, %reduce_max3A [1] : vector<2000x32xf32> to vector<2000xf32>
    %broadcast_in_dim3A_24 = vector.shape_cast %reduce_max3A_23 : vector<2000xf32> to vector<2000x1xf32>
    %iota3A = tpu.iota {dimensions = array<i32: 1>} : vector<2000x32xi32>
    %ge3A = vector.broadcast %broadcast_in_dim3A_24 : vector<2000x1xf32> to vector<2000x32xf32>
    %ge3A_25 = arith.cmpf oge, %dot_general3A_22, %ge3A : vector<2000x32xf32>
    %jit3A = arith.constant 32 : i32
    %broadcast_in_dim3A_26 = vector.broadcast %jit3A : i32 to vector<2000x32xi32>
    %select_n3A = arith.select %ge3A_25, %iota3A, %broadcast_in_dim3A_26 : vector<2000x32xi1>, vector<2000x32xi32>
    %reduce_min3A = arith.constant dense<2147483647> : vector<2000xi32>
    %reduce_min3A_27 = vector.multi_reduction <minsi>, %select_n3A, %reduce_min3A [1] : vector<2000x32xi32> to vector<2000xi32>
    %broadcast_in_dim3A_28 = vector.shape_cast %reduce_min3A_27 : vector<2000xi32> to vector<2000x1xi32>
    %broadcast_in_dim3A_29 = arith.constant 0.000000e+00 : f32
    %broadcast_in_dim3A_30 = vector.broadcast %broadcast_in_dim3A_29 : f32 to vector<2000x128xf32>
    %eq3A = arith.constant 0 : i32
    %eq3A_31 = vector.broadcast %eq3A : i32 to vector<2000x1xi32>
    %eq3A_32 = arith.cmpi eq, %broadcast_in_dim3A_28, %eq3A_31 : vector<2000x1xi32>
    %slice3A_33 = vector.extract_strided_slice %squeeze3A {offsets = [0, 0], sizes = [1, 128], strides = [1, 1]} : vector<32x128xf32> to vector<1x128xf32>
    %squeeze3A_34 = vector.shape_cast %slice3A_33 : vector<1x128xf32> to vector<128xf32>
    %broadcast_in_dim3A_35 = vector.shape_cast %squeeze3A_34 : vector<128xf32> to vector<1x128xf32>
    %broadcast_in_dim3A_36 = vector.shape_cast %eq3A_32 : vector<2000x1xi1> to vector<2000x1xi1>
    %broadcast_in_dim3A_37 = vector.broadcast %broadcast_in_dim3A_36 : vector<2000x1xi1> to vector<2000x128xi1>
    %broadcast_in_dim3A_38 = vector.shape_cast %broadcast_in_dim3A_35 : vector<1x128xf32> to vector<1x128xf32>
    %broadcast_in_dim3A_39 = vector.broadcast %broadcast_in_dim3A_38 : vector<1x128xf32> to vector<2000x128xf32>
    %select_n3A_40 = arith.select %broadcast_in_dim3A_37, %broadcast_in_dim3A_39, %broadcast_in_dim3A_30 : vector<2000x128xi1>, vector<2000x128xf32>
    %eq3A_41 = arith.constant 1 : i32
    %eq3A_42 = vector.broadcast %eq3A_41 : i32 to vector<2000x1xi32>
    %eq3A_43 = arith.cmpi eq, %broadcast_in_dim3A_28, %eq3A_42 : vector<2000x1xi32>
    %slice3A_44 = vector.extract_strided_slice %squeeze3A {offsets = [1, 0], sizes = [1, 128], strides = [1, 1]} : vector<32x128xf32> to vector<1x128xf32>
    %squeeze3A_45 = vector.shape_cast %slice3A_44 : vector<1x128xf32> to vector<128xf32>
    %broadcast_in_dim3A_46 = vector.shape_cast %squeeze3A_45 : vector<128xf32> to vector<1x128xf32>
    %broadcast_in_dim3A_47 = vector.shape_cast %eq3A_43 : vector<2000x1xi1> to vector<2000x1xi1>
    %broadcast_in_dim3A_48 = vector.broadcast %broadcast_in_dim3A_47 : vector<2000x1xi1> to vector<2000x128xi1>
    %broadcast_in_dim3A_49 = vector.shape_cast %broadcast_in_dim3A_46 : vector<1x128xf32> to vector<1x128xf32>
    %broadcast_in_dim3A_50 = vector.broadcast %broadcast_in_dim3A_49 : vector<1x128xf32> to vector<2000x128xf32>
    %select_n3A_51 = arith.select %broadcast_in_dim3A_48, %broadcast_in_dim3A_50, %select_n3A_40 : vector<2000x128xi1>, vector<2000x128xf32>
    %eq3A_52 = arith.constant 2 : i32
    %eq3A_53 = vector.broadcast %eq3A_52 : i32 to vector<2000x1xi32>
    %eq3A_54 = arith.cmpi eq, %broadcast_in_dim3A_28, %eq3A_53 : vector<2000x1xi32>
    %slice3A_55 = vector.extract_strided_slice %squeeze3A {offsets = [2, 0], sizes = [1, 128], strides = [1, 1]} : vector<32x128xf32> to vector<1x128xf32>
    %squeeze3A_56 = vector.shape_cast %slice3A_55 : vector<1x128xf32> to vector<128xf32>
    %broadcast_in_dim3A_57 = vector.shape_cast %squeeze3A_56 : vector<128xf32> to vector<1x128xf32>
    %broadcast_in_dim3A_58 = vector.shape_cast %eq3A_54 : vector<2000x1xi1> to vector<2000x1xi1>
    %broadcast_in_dim3A_59 = vector.broadcast %broadcast_in_dim3A_58 : vector<2000x1xi1> to vector<2000x128xi1>
    %broadcast_in_dim3A_60 = vector.shape_cast %broadcast_in_dim3A_57 : vector<1x128xf32> to vector<1x128xf32>
    %broadcast_in_dim3A_61 = vector.broadcast %broadcast_in_dim3A_60 : vector<1x128xf32> to vector<2000x128xf32>
    %select_n3A_62 = arith.select %broadcast_in_dim3A_59, %broadcast_in_dim3A_61, %select_n3A_51 : vector<2000x128xi1>, vector<2000x128xf32>
    %eq3A_63 = arith.constant 3 : i32
    %eq3A_64 = vector.broadcast %eq3A_63 : i32 to vector<2000x1xi32>
    %eq3A_65 = arith.cmpi eq, %broadcast_in_dim3A_28, %eq3A_64 : vector<2000x1xi32>
    %slice3A_66 = vector.extract_strided_slice %squeeze3A {offsets = [3, 0], sizes = [1, 128], strides = [1, 1]} : vector<32x128xf32> to vector<1x128xf32>
    %squeeze3A_67 = vector.shape_cast %slice3A_66 : vector<1x128xf32> to vector<128xf32>
    %broadcast_in_dim3A_68 = vector.shape_cast %squeeze3A_67 : vector<128xf32> to vector<1x128xf32>
    %broadcast_in_dim3A_69 = vector.shape_cast %eq3A_65 : vector<2000x1xi1> to vector<2000x1xi1>
    %broadcast_in_dim3A_70 = vector.broadcast %broadcast_in_dim3A_69 : vector<2000x1xi1> to vector<2000x128xi1>
    %broadcast_in_dim3A_71 = vector.shape_cast %broadcast_in_dim3A_68 : vector<1x128xf32> to vector<1x128xf32>
    %broadcast_in_dim3A_72 = vector.broadcast %broadcast_in_dim3A_71 : vector<1x128xf32> to vector<2000x128xf32>
    %select_n3A_73 = arith.select %broadcast_in_dim3A_70, %broadcast_in_dim3A_72, %select_n3A_62 : vector<2000x128xi1>, vector<2000x128xf32>
    %eq3A_74 = arith.constant 4 : i32
    %eq3A_75 = vector.broadcast %eq3A_74 : i32 to vector<2000x1xi32>
    %eq3A_76 = arith.cmpi eq, %broadcast_in_dim3A_28, %eq3A_75 : vector<2000x1xi32>
    %slice3A_77 = vector.extract_strided_slice %squeeze3A {offsets = [4, 0], sizes = [1, 128], strides = [1, 1]} : vector<32x128xf32> to vector<1x128xf32>
    %squeeze3A_78 = vector.shape_cast %slice3A_77 : vector<1x128xf32> to vector<128xf32>
    %broadcast_in_dim3A_79 = vector.shape_cast %squeeze3A_78 : vector<128xf32> to vector<1x128xf32>
    %broadcast_in_dim3A_80 = vector.shape_cast %eq3A_76 : vector<2000x1xi1> to vector<2000x1xi1>
    %broadcast_in_dim3A_81 = vector.broadcast %broadcast_in_dim3A_80 : vector<2000x1xi1> to vector<2000x128xi1>
    %broadcast_in_dim3A_82 = vector.shape_cast %broadcast_in_dim3A_79 : vector<1x128xf32> to vector<1x128xf32>
    %broadcast_in_dim3A_83 = vector.broadcast %broadcast_in_dim3A_82 : vector<1x128xf32> to vector<2000x128xf32>
    %select_n3A_84 = arith.select %broadcast_in_dim3A_81, %broadcast_in_dim3A_83, %select_n3A_73 : vector<2000x128xi1>, vector<2000x128xf32>
    %eq3A_85 = arith.constant 5 : i32
    %eq3A_86 = vector.broadcast %eq3A_85 : i32 to vector<2000x1xi32>
    %eq3A_87 = arith.cmpi eq, %broadcast_in_dim3A_28, %eq3A_86 : vector<2000x1xi32>
    %slice3A_88 = vector.extract_strided_slice %squeeze3A {offsets = [5, 0], sizes = [1, 128], strides = [1, 1]} : vector<32x128xf32> to vector<1x128xf32>
    %squeeze3A_89 = vector.shape_cast %slice3A_88 : vector<1x128xf32> to vector<128xf32>
    %broadcast_in_dim3A_90 = vector.shape_cast %squeeze3A_89 : vector<128xf32> to vector<1x128xf32>
    %broadcast_in_dim3A_91 = vector.shape_cast %eq3A_87 : vector<2000x1xi1> to vector<2000x1xi1>
    %broadcast_in_dim3A_92 = vector.broadcast %broadcast_in_dim3A_91 : vector<2000x1xi1> to vector<2000x128xi1>
    %broadcast_in_dim3A_93 = vector.shape_cast %broadcast_in_dim3A_90 : vector<1x128xf32> to vector<1x128xf32>
    %broadcast_in_dim3A_94 = vector.broadcast %broadcast_in_dim3A_93 : vector<1x128xf32> to vector<2000x128xf32>
    %select_n3A_95 = arith.select %broadcast_in_dim3A_92, %broadcast_in_dim3A_94, %select_n3A_84 : vector<2000x128xi1>, vector<2000x128xf32>
    %eq3A_96 = arith.constant 6 : i32
    %eq3A_97 = vector.broadcast %eq3A_96 : i32 to vector<2000x1xi32>
    %eq3A_98 = arith.cmpi eq, %broadcast_in_dim3A_28, %eq3A_97 : vector<2000x1xi32>
    %slice3A_99 = vector.extract_strided_slice %squeeze3A {offsets = [6, 0], sizes = [1, 128], strides = [1, 1]} : vector<32x128xf32> to vector<1x128xf32>
    %squeeze3A_100 = vector.shape_cast %slice3A_99 : vector<1x128xf32> to vector<128xf32>
    %broadcast_in_dim3A_101 = vector.shape_cast %squeeze3A_100 : vector<128xf32> to vector<1x128xf32>
    %broadcast_in_dim3A_102 = vector.shape_cast %eq3A_98 : vector<2000x1xi1> to vector<2000x1xi1>
    %broadcast_in_dim3A_103 = vector.broadcast %broadcast_in_dim3A_102 : vector<2000x1xi1> to vector<2000x128xi1>
    %broadcast_in_dim3A_104 = vector.shape_cast %broadcast_in_dim3A_101 : vector<1x128xf32> to vector<1x128xf32>
    %broadcast_in_dim3A_105 = vector.broadcast %broadcast_in_dim3A_104 : vector<1x128xf32> to vector<2000x128xf32>
    %select_n3A_106 = arith.select %broadcast_in_dim3A_103, %broadcast_in_dim3A_105, %select_n3A_95 : vector<2000x128xi1>, vector<2000x128xf32>
    %eq3A_107 = arith.constant 7 : i32
    %eq3A_108 = vector.broadcast %eq3A_107 : i32 to vector<2000x1xi32>
    %eq3A_109 = arith.cmpi eq, %broadcast_in_dim3A_28, %eq3A_108 : vector<2000x1xi32>
    %slice3A_110 = vector.extract_strided_slice %squeeze3A {offsets = [7, 0], sizes = [1, 128], strides = [1, 1]} : vector<32x128xf32> to vector<1x128xf32>
    %squeeze3A_111 = vector.shape_cast %slice3A_110 : vector<1x128xf32> to vector<128xf32>
    %broadcast_in_dim3A_112 = vector.shape_cast %squeeze3A_111 : vector<128xf32> to vector<1x128xf32>
    %broadcast_in_dim3A_113 = vector.shape_cast %eq3A_109 : vector<2000x1xi1> to vector<2000x1xi1>
    %broadcast_in_dim3A_114 = vector.broadcast %broadcast_in_dim3A_113 : vector<2000x1xi1> to vector<2000x128xi1>
    %broadcast_in_dim3A_115 = vector.shape_cast %broadcast_in_dim3A_112 : vector<1x128xf32> to vector<1x128xf32>
    %broadcast_in_dim3A_116 = vector.broadcast %broadcast_in_dim3A_115 : vector<1x128xf32> to vector<2000x128xf32>
    %select_n3A_117 = arith.select %broadcast_in_dim3A_114, %broadcast_in_dim3A_116, %select_n3A_106 : vector<2000x128xi1>, vector<2000x128xf32>
    %eq3A_118 = arith.constant 8 : i32
    %eq3A_119 = vector.broadcast %eq3A_118 : i32 to vector<2000x1xi32>
    %eq3A_120 = arith.cmpi eq, %broadcast_in_dim3A_28, %eq3A_119 : vector<2000x1xi32>
    %slice3A_121 = vector.extract_strided_slice %squeeze3A {offsets = [8, 0], sizes = [1, 128], strides = [1, 1]} : vector<32x128xf32> to vector<1x128xf32>
    %squeeze3A_122 = vector.shape_cast %slice3A_121 : vector<1x128xf32> to vector<128xf32>
    %broadcast_in_dim3A_123 = vector.shape_cast %squeeze3A_122 : vector<128xf32> to vector<1x128xf32>
    %broadcast_in_dim3A_124 = vector.shape_cast %eq3A_120 : vector<2000x1xi1> to vector<2000x1xi1>
    %broadcast_in_dim3A_125 = vector.broadcast %broadcast_in_dim3A_124 : vector<2000x1xi1> to vector<2000x128xi1>
    %broadcast_in_dim3A_126 = vector.shape_cast %broadcast_in_dim3A_123 : vector<1x128xf32> to vector<1x128xf32>
    %broadcast_in_dim3A_127 = vector.broadcast %broadcast_in_dim3A_126 : vector<1x128xf32> to vector<2000x128xf32>
    %select_n3A_128 = arith.select %broadcast_in_dim3A_125, %broadcast_in_dim3A_127, %select_n3A_117 : vector<2000x128xi1>, vector<2000x128xf32>
    %eq3A_129 = arith.constant 9 : i32
    %eq3A_130 = vector.broadcast %eq3A_129 : i32 to vector<2000x1xi32>
    %eq3A_131 = arith.cmpi eq, %broadcast_in_dim3A_28, %eq3A_130 : vector<2000x1xi32>
    %slice3A_132 = vector.extract_strided_slice %squeeze3A {offsets = [9, 0], sizes = [1, 128], strides = [1, 1]} : vector<32x128xf32> to vector<1x128xf32>
    %squeeze3A_133 = vector.shape_cast %slice3A_132 : vector<1x128xf32> to vector<128xf32>
    %broadcast_in_dim3A_134 = vector.shape_cast %squeeze3A_133 : vector<128xf32> to vector<1x128xf32>
    %broadcast_in_dim3A_135 = vector.shape_cast %eq3A_131 : vector<2000x1xi1> to vector<2000x1xi1>
    %broadcast_in_dim3A_136 = vector.broadcast %broadcast_in_dim3A_135 : vector<2000x1xi1> to vector<2000x128xi1>
    %broadcast_in_dim3A_137 = vector.shape_cast %broadcast_in_dim3A_134 : vector<1x128xf32> to vector<1x128xf32>
    %broadcast_in_dim3A_138 = vector.broadcast %broadcast_in_dim3A_137 : vector<1x128xf32> to vector<2000x128xf32>
    %select_n3A_139 = arith.select %broadcast_in_dim3A_136, %broadcast_in_dim3A_138, %select_n3A_128 : vector<2000x128xi1>, vector<2000x128xf32>
    %eq3A_140 = arith.constant 10 : i32
    %eq3A_141 = vector.broadcast %eq3A_140 : i32 to vector<2000x1xi32>
    %eq3A_142 = arith.cmpi eq, %broadcast_in_dim3A_28, %eq3A_141 : vector<2000x1xi32>
    %slice3A_143 = vector.extract_strided_slice %squeeze3A {offsets = [10, 0], sizes = [1, 128], strides = [1, 1]} : vector<32x128xf32> to vector<1x128xf32>
    %squeeze3A_144 = vector.shape_cast %slice3A_143 : vector<1x128xf32> to vector<128xf32>
    %broadcast_in_dim3A_145 = vector.shape_cast %squeeze3A_144 : vector<128xf32> to vector<1x128xf32>
    %broadcast_in_dim3A_146 = vector.shape_cast %eq3A_142 : vector<2000x1xi1> to vector<2000x1xi1>
    %broadcast_in_dim3A_147 = vector.broadcast %broadcast_in_dim3A_146 : vector<2000x1xi1> to vector<2000x128xi1>
    %broadcast_in_dim3A_148 = vector.shape_cast %broadcast_in_dim3A_145 : vector<1x128xf32> to vector<1x128xf32>
    %broadcast_in_dim3A_149 = vector.broadcast %broadcast_in_dim3A_148 : vector<1x128xf32> to vector<2000x128xf32>
    %select_n3A_150 = arith.select %broadcast_in_dim3A_147, %broadcast_in_dim3A_149, %select_n3A_139 : vector<2000x128xi1>, vector<2000x128xf32>
    %eq3A_151 = arith.constant 11 : i32
    %eq3A_152 = vector.broadcast %eq3A_151 : i32 to vector<2000x1xi32>
    %eq3A_153 = arith.cmpi eq, %broadcast_in_dim3A_28, %eq3A_152 : vector<2000x1xi32>
    %slice3A_154 = vector.extract_strided_slice %squeeze3A {offsets = [11, 0], sizes = [1, 128], strides = [1, 1]} : vector<32x128xf32> to vector<1x128xf32>
    %squeeze3A_155 = vector.shape_cast %slice3A_154 : vector<1x128xf32> to vector<128xf32>
    %broadcast_in_dim3A_156 = vector.shape_cast %squeeze3A_155 : vector<128xf32> to vector<1x128xf32>
    %broadcast_in_dim3A_157 = vector.shape_cast %eq3A_153 : vector<2000x1xi1> to vector<2000x1xi1>
    %broadcast_in_dim3A_158 = vector.broadcast %broadcast_in_dim3A_157 : vector<2000x1xi1> to vector<2000x128xi1>
    %broadcast_in_dim3A_159 = vector.shape_cast %broadcast_in_dim3A_156 : vector<1x128xf32> to vector<1x128xf32>
    %broadcast_in_dim3A_160 = vector.broadcast %broadcast_in_dim3A_159 : vector<1x128xf32> to vector<2000x128xf32>
    %select_n3A_161 = arith.select %broadcast_in_dim3A_158, %broadcast_in_dim3A_160, %select_n3A_150 : vector<2000x128xi1>, vector<2000x128xf32>
    %eq3A_162 = arith.constant 12 : i32
    %eq3A_163 = vector.broadcast %eq3A_162 : i32 to vector<2000x1xi32>
    %eq3A_164 = arith.cmpi eq, %broadcast_in_dim3A_28, %eq3A_163 : vector<2000x1xi32>
    %slice3A_165 = vector.extract_strided_slice %squeeze3A {offsets = [12, 0], sizes = [1, 128], strides = [1, 1]} : vector<32x128xf32> to vector<1x128xf32>
    %squeeze3A_166 = vector.shape_cast %slice3A_165 : vector<1x128xf32> to vector<128xf32>
    %broadcast_in_dim3A_167 = vector.shape_cast %squeeze3A_166 : vector<128xf32> to vector<1x128xf32>
    %broadcast_in_dim3A_168 = vector.shape_cast %eq3A_164 : vector<2000x1xi1> to vector<2000x1xi1>
    %broadcast_in_dim3A_169 = vector.broadcast %broadcast_in_dim3A_168 : vector<2000x1xi1> to vector<2000x128xi1>
    %broadcast_in_dim3A_170 = vector.shape_cast %broadcast_in_dim3A_167 : vector<1x128xf32> to vector<1x128xf32>
    %broadcast_in_dim3A_171 = vector.broadcast %broadcast_in_dim3A_170 : vector<1x128xf32> to vector<2000x128xf32>
    %select_n3A_172 = arith.select %broadcast_in_dim3A_169, %broadcast_in_dim3A_171, %select_n3A_161 : vector<2000x128xi1>, vector<2000x128xf32>
    %eq3A_173 = arith.constant 13 : i32
    %eq3A_174 = vector.broadcast %eq3A_173 : i32 to vector<2000x1xi32>
    %eq3A_175 = arith.cmpi eq, %broadcast_in_dim3A_28, %eq3A_174 : vector<2000x1xi32>
    %slice3A_176 = vector.extract_strided_slice %squeeze3A {offsets = [13, 0], sizes = [1, 128], strides = [1, 1]} : vector<32x128xf32> to vector<1x128xf32>
    %squeeze3A_177 = vector.shape_cast %slice3A_176 : vector<1x128xf32> to vector<128xf32>
    %broadcast_in_dim3A_178 = vector.shape_cast %squeeze3A_177 : vector<128xf32> to vector<1x128xf32>
    %broadcast_in_dim3A_179 = vector.shape_cast %eq3A_175 : vector<2000x1xi1> to vector<2000x1xi1>
    %broadcast_in_dim3A_180 = vector.broadcast %broadcast_in_dim3A_179 : vector<2000x1xi1> to vector<2000x128xi1>
    %broadcast_in_dim3A_181 = vector.shape_cast %broadcast_in_dim3A_178 : vector<1x128xf32> to vector<1x128xf32>
    %broadcast_in_dim3A_182 = vector.broadcast %broadcast_in_dim3A_181 : vector<1x128xf32> to vector<2000x128xf32>
    %select_n3A_183 = arith.select %broadcast_in_dim3A_180, %broadcast_in_dim3A_182, %select_n3A_172 : vector<2000x128xi1>, vector<2000x128xf32>
    %eq3A_184 = arith.constant 14 : i32
    %eq3A_185 = vector.broadcast %eq3A_184 : i32 to vector<2000x1xi32>
    %eq3A_186 = arith.cmpi eq, %broadcast_in_dim3A_28, %eq3A_185 : vector<2000x1xi32>
    %slice3A_187 = vector.extract_strided_slice %squeeze3A {offsets = [14, 0], sizes = [1, 128], strides = [1, 1]} : vector<32x128xf32> to vector<1x128xf32>
    %squeeze3A_188 = vector.shape_cast %slice3A_187 : vector<1x128xf32> to vector<128xf32>
    %broadcast_in_dim3A_189 = vector.shape_cast %squeeze3A_188 : vector<128xf32> to vector<1x128xf32>
    %broadcast_in_dim3A_190 = vector.shape_cast %eq3A_186 : vector<2000x1xi1> to vector<2000x1xi1>
    %broadcast_in_dim3A_191 = vector.broadcast %broadcast_in_dim3A_190 : vector<2000x1xi1> to vector<2000x128xi1>
    %broadcast_in_dim3A_192 = vector.shape_cast %broadcast_in_dim3A_189 : vector<1x128xf32> to vector<1x128xf32>
    %broadcast_in_dim3A_193 = vector.broadcast %broadcast_in_dim3A_192 : vector<1x128xf32> to vector<2000x128xf32>
    %select_n3A_194 = arith.select %broadcast_in_dim3A_191, %broadcast_in_dim3A_193, %select_n3A_183 : vector<2000x128xi1>, vector<2000x128xf32>
    %eq3A_195 = arith.constant 15 : i32
    %eq3A_196 = vector.broadcast %eq3A_195 : i32 to vector<2000x1xi32>
    %eq3A_197 = arith.cmpi eq, %broadcast_in_dim3A_28, %eq3A_196 : vector<2000x1xi32>
    %slice3A_198 = vector.extract_strided_slice %squeeze3A {offsets = [15, 0], sizes = [1, 128], strides = [1, 1]} : vector<32x128xf32> to vector<1x128xf32>
    %squeeze3A_199 = vector.shape_cast %slice3A_198 : vector<1x128xf32> to vector<128xf32>
    %broadcast_in_dim3A_200 = vector.shape_cast %squeeze3A_199 : vector<128xf32> to vector<1x128xf32>
    %broadcast_in_dim3A_201 = vector.shape_cast %eq3A_197 : vector<2000x1xi1> to vector<2000x1xi1>
    %broadcast_in_dim3A_202 = vector.broadcast %broadcast_in_dim3A_201 : vector<2000x1xi1> to vector<2000x128xi1>
    %broadcast_in_dim3A_203 = vector.shape_cast %broadcast_in_dim3A_200 : vector<1x128xf32> to vector<1x128xf32>
    %broadcast_in_dim3A_204 = vector.broadcast %broadcast_in_dim3A_203 : vector<1x128xf32> to vector<2000x128xf32>
    %select_n3A_205 = arith.select %broadcast_in_dim3A_202, %broadcast_in_dim3A_204, %select_n3A_194 : vector<2000x128xi1>, vector<2000x128xf32>
    %eq3A_206 = arith.constant 16 : i32
    %eq3A_207 = vector.broadcast %eq3A_206 : i32 to vector<2000x1xi32>
    %eq3A_208 = arith.cmpi eq, %broadcast_in_dim3A_28, %eq3A_207 : vector<2000x1xi32>
    %slice3A_209 = vector.extract_strided_slice %squeeze3A {offsets = [16, 0], sizes = [1, 128], strides = [1, 1]} : vector<32x128xf32> to vector<1x128xf32>
    %squeeze3A_210 = vector.shape_cast %slice3A_209 : vector<1x128xf32> to vector<128xf32>
    %broadcast_in_dim3A_211 = vector.shape_cast %squeeze3A_210 : vector<128xf32> to vector<1x128xf32>
    %broadcast_in_dim3A_212 = vector.shape_cast %eq3A_208 : vector<2000x1xi1> to vector<2000x1xi1>
    %broadcast_in_dim3A_213 = vector.broadcast %broadcast_in_dim3A_212 : vector<2000x1xi1> to vector<2000x128xi1>
    %broadcast_in_dim3A_214 = vector.shape_cast %broadcast_in_dim3A_211 : vector<1x128xf32> to vector<1x128xf32>
    %broadcast_in_dim3A_215 = vector.broadcast %broadcast_in_dim3A_214 : vector<1x128xf32> to vector<2000x128xf32>
    %select_n3A_216 = arith.select %broadcast_in_dim3A_213, %broadcast_in_dim3A_215, %select_n3A_205 : vector<2000x128xi1>, vector<2000x128xf32>
    %eq3A_217 = arith.constant 17 : i32
    %eq3A_218 = vector.broadcast %eq3A_217 : i32 to vector<2000x1xi32>
    %eq3A_219 = arith.cmpi eq, %broadcast_in_dim3A_28, %eq3A_218 : vector<2000x1xi32>
    %slice3A_220 = vector.extract_strided_slice %squeeze3A {offsets = [17, 0], sizes = [1, 128], strides = [1, 1]} : vector<32x128xf32> to vector<1x128xf32>
    %squeeze3A_221 = vector.shape_cast %slice3A_220 : vector<1x128xf32> to vector<128xf32>
    %broadcast_in_dim3A_222 = vector.shape_cast %squeeze3A_221 : vector<128xf32> to vector<1x128xf32>
    %broadcast_in_dim3A_223 = vector.shape_cast %eq3A_219 : vector<2000x1xi1> to vector<2000x1xi1>
    %broadcast_in_dim3A_224 = vector.broadcast %broadcast_in_dim3A_223 : vector<2000x1xi1> to vector<2000x128xi1>
    %broadcast_in_dim3A_225 = vector.shape_cast %broadcast_in_dim3A_222 : vector<1x128xf32> to vector<1x128xf32>
    %broadcast_in_dim3A_226 = vector.broadcast %broadcast_in_dim3A_225 : vector<1x128xf32> to vector<2000x128xf32>
    %select_n3A_227 = arith.select %broadcast_in_dim3A_224, %broadcast_in_dim3A_226, %select_n3A_216 : vector<2000x128xi1>, vector<2000x128xf32>
    %eq3A_228 = arith.constant 18 : i32
    %eq3A_229 = vector.broadcast %eq3A_228 : i32 to vector<2000x1xi32>
    %eq3A_230 = arith.cmpi eq, %broadcast_in_dim3A_28, %eq3A_229 : vector<2000x1xi32>
    %slice3A_231 = vector.extract_strided_slice %squeeze3A {offsets = [18, 0], sizes = [1, 128], strides = [1, 1]} : vector<32x128xf32> to vector<1x128xf32>
    %squeeze3A_232 = vector.shape_cast %slice3A_231 : vector<1x128xf32> to vector<128xf32>
    %broadcast_in_dim3A_233 = vector.shape_cast %squeeze3A_232 : vector<128xf32> to vector<1x128xf32>
    %broadcast_in_dim3A_234 = vector.shape_cast %eq3A_230 : vector<2000x1xi1> to vector<2000x1xi1>
    %broadcast_in_dim3A_235 = vector.broadcast %broadcast_in_dim3A_234 : vector<2000x1xi1> to vector<2000x128xi1>
    %broadcast_in_dim3A_236 = vector.shape_cast %broadcast_in_dim3A_233 : vector<1x128xf32> to vector<1x128xf32>
    %broadcast_in_dim3A_237 = vector.broadcast %broadcast_in_dim3A_236 : vector<1x128xf32> to vector<2000x128xf32>
    %select_n3A_238 = arith.select %broadcast_in_dim3A_235, %broadcast_in_dim3A_237, %select_n3A_227 : vector<2000x128xi1>, vector<2000x128xf32>
    %eq3A_239 = arith.constant 19 : i32
    %eq3A_240 = vector.broadcast %eq3A_239 : i32 to vector<2000x1xi32>
    %eq3A_241 = arith.cmpi eq, %broadcast_in_dim3A_28, %eq3A_240 : vector<2000x1xi32>
    %slice3A_242 = vector.extract_strided_slice %squeeze3A {offsets = [19, 0], sizes = [1, 128], strides = [1, 1]} : vector<32x128xf32> to vector<1x128xf32>
    %squeeze3A_243 = vector.shape_cast %slice3A_242 : vector<1x128xf32> to vector<128xf32>
    %broadcast_in_dim3A_244 = vector.shape_cast %squeeze3A_243 : vector<128xf32> to vector<1x128xf32>
    %broadcast_in_dim3A_245 = vector.shape_cast %eq3A_241 : vector<2000x1xi1> to vector<2000x1xi1>
    %broadcast_in_dim3A_246 = vector.broadcast %broadcast_in_dim3A_245 : vector<2000x1xi1> to vector<2000x128xi1>
    %broadcast_in_dim3A_247 = vector.shape_cast %broadcast_in_dim3A_244 : vector<1x128xf32> to vector<1x128xf32>
    %broadcast_in_dim3A_248 = vector.broadcast %broadcast_in_dim3A_247 : vector<1x128xf32> to vector<2000x128xf32>
    %select_n3A_249 = arith.select %broadcast_in_dim3A_246, %broadcast_in_dim3A_248, %select_n3A_238 : vector<2000x128xi1>, vector<2000x128xf32>
    %eq3A_250 = arith.constant 20 : i32
    %eq3A_251 = vector.broadcast %eq3A_250 : i32 to vector<2000x1xi32>
    %eq3A_252 = arith.cmpi eq, %broadcast_in_dim3A_28, %eq3A_251 : vector<2000x1xi32>
    %slice3A_253 = vector.extract_strided_slice %squeeze3A {offsets = [20, 0], sizes = [1, 128], strides = [1, 1]} : vector<32x128xf32> to vector<1x128xf32>
    %squeeze3A_254 = vector.shape_cast %slice3A_253 : vector<1x128xf32> to vector<128xf32>
    %broadcast_in_dim3A_255 = vector.shape_cast %squeeze3A_254 : vector<128xf32> to vector<1x128xf32>
    %broadcast_in_dim3A_256 = vector.shape_cast %eq3A_252 : vector<2000x1xi1> to vector<2000x1xi1>
    %broadcast_in_dim3A_257 = vector.broadcast %broadcast_in_dim3A_256 : vector<2000x1xi1> to vector<2000x128xi1>
    %broadcast_in_dim3A_258 = vector.shape_cast %broadcast_in_dim3A_255 : vector<1x128xf32> to vector<1x128xf32>
    %broadcast_in_dim3A_259 = vector.broadcast %broadcast_in_dim3A_258 : vector<1x128xf32> to vector<2000x128xf32>
    %select_n3A_260 = arith.select %broadcast_in_dim3A_257, %broadcast_in_dim3A_259, %select_n3A_249 : vector<2000x128xi1>, vector<2000x128xf32>
    %eq3A_261 = arith.constant 21 : i32
    %eq3A_262 = vector.broadcast %eq3A_261 : i32 to vector<2000x1xi32>
    %eq3A_263 = arith.cmpi eq, %broadcast_in_dim3A_28, %eq3A_262 : vector<2000x1xi32>
    %slice3A_264 = vector.extract_strided_slice %squeeze3A {offsets = [21, 0], sizes = [1, 128], strides = [1, 1]} : vector<32x128xf32> to vector<1x128xf32>
    %squeeze3A_265 = vector.shape_cast %slice3A_264 : vector<1x128xf32> to vector<128xf32>
    %broadcast_in_dim3A_266 = vector.shape_cast %squeeze3A_265 : vector<128xf32> to vector<1x128xf32>
    %broadcast_in_dim3A_267 = vector.shape_cast %eq3A_263 : vector<2000x1xi1> to vector<2000x1xi1>
    %broadcast_in_dim3A_268 = vector.broadcast %broadcast_in_dim3A_267 : vector<2000x1xi1> to vector<2000x128xi1>
    %broadcast_in_dim3A_269 = vector.shape_cast %broadcast_in_dim3A_266 : vector<1x128xf32> to vector<1x128xf32>
    %broadcast_in_dim3A_270 = vector.broadcast %broadcast_in_dim3A_269 : vector<1x128xf32> to vector<2000x128xf32>
    %select_n3A_271 = arith.select %broadcast_in_dim3A_268, %broadcast_in_dim3A_270, %select_n3A_260 : vector<2000x128xi1>, vector<2000x128xf32>
    %eq3A_272 = arith.constant 22 : i32
    %eq3A_273 = vector.broadcast %eq3A_272 : i32 to vector<2000x1xi32>
    %eq3A_274 = arith.cmpi eq, %broadcast_in_dim3A_28, %eq3A_273 : vector<2000x1xi32>
    %slice3A_275 = vector.extract_strided_slice %squeeze3A {offsets = [22, 0], sizes = [1, 128], strides = [1, 1]} : vector<32x128xf32> to vector<1x128xf32>
    %squeeze3A_276 = vector.shape_cast %slice3A_275 : vector<1x128xf32> to vector<128xf32>
    %broadcast_in_dim3A_277 = vector.shape_cast %squeeze3A_276 : vector<128xf32> to vector<1x128xf32>
    %broadcast_in_dim3A_278 = vector.shape_cast %eq3A_274 : vector<2000x1xi1> to vector<2000x1xi1>
    %broadcast_in_dim3A_279 = vector.broadcast %broadcast_in_dim3A_278 : vector<2000x1xi1> to vector<2000x128xi1>
    %broadcast_in_dim3A_280 = vector.shape_cast %broadcast_in_dim3A_277 : vector<1x128xf32> to vector<1x128xf32>
    %broadcast_in_dim3A_281 = vector.broadcast %broadcast_in_dim3A_280 : vector<1x128xf32> to vector<2000x128xf32>
    %select_n3A_282 = arith.select %broadcast_in_dim3A_279, %broadcast_in_dim3A_281, %select_n3A_271 : vector<2000x128xi1>, vector<2000x128xf32>
    %eq3A_283 = arith.constant 23 : i32
    %eq3A_284 = vector.broadcast %eq3A_283 : i32 to vector<2000x1xi32>
    %eq3A_285 = arith.cmpi eq, %broadcast_in_dim3A_28, %eq3A_284 : vector<2000x1xi32>
    %slice3A_286 = vector.extract_strided_slice %squeeze3A {offsets = [23, 0], sizes = [1, 128], strides = [1, 1]} : vector<32x128xf32> to vector<1x128xf32>
    %squeeze3A_287 = vector.shape_cast %slice3A_286 : vector<1x128xf32> to vector<128xf32>
    %broadcast_in_dim3A_288 = vector.shape_cast %squeeze3A_287 : vector<128xf32> to vector<1x128xf32>
    %broadcast_in_dim3A_289 = vector.shape_cast %eq3A_285 : vector<2000x1xi1> to vector<2000x1xi1>
    %broadcast_in_dim3A_290 = vector.broadcast %broadcast_in_dim3A_289 : vector<2000x1xi1> to vector<2000x128xi1>
    %broadcast_in_dim3A_291 = vector.shape_cast %broadcast_in_dim3A_288 : vector<1x128xf32> to vector<1x128xf32>
    %broadcast_in_dim3A_292 = vector.broadcast %broadcast_in_dim3A_291 : vector<1x128xf32> to vector<2000x128xf32>
    %select_n3A_293 = arith.select %broadcast_in_dim3A_290, %broadcast_in_dim3A_292, %select_n3A_282 : vector<2000x128xi1>, vector<2000x128xf32>
    %eq3A_294 = arith.constant 24 : i32
    %eq3A_295 = vector.broadcast %eq3A_294 : i32 to vector<2000x1xi32>
    %eq3A_296 = arith.cmpi eq, %broadcast_in_dim3A_28, %eq3A_295 : vector<2000x1xi32>
    %slice3A_297 = vector.extract_strided_slice %squeeze3A {offsets = [24, 0], sizes = [1, 128], strides = [1, 1]} : vector<32x128xf32> to vector<1x128xf32>
    %squeeze3A_298 = vector.shape_cast %slice3A_297 : vector<1x128xf32> to vector<128xf32>
    %broadcast_in_dim3A_299 = vector.shape_cast %squeeze3A_298 : vector<128xf32> to vector<1x128xf32>
    %broadcast_in_dim3A_300 = vector.shape_cast %eq3A_296 : vector<2000x1xi1> to vector<2000x1xi1>
    %broadcast_in_dim3A_301 = vector.broadcast %broadcast_in_dim3A_300 : vector<2000x1xi1> to vector<2000x128xi1>
    %broadcast_in_dim3A_302 = vector.shape_cast %broadcast_in_dim3A_299 : vector<1x128xf32> to vector<1x128xf32>
    %broadcast_in_dim3A_303 = vector.broadcast %broadcast_in_dim3A_302 : vector<1x128xf32> to vector<2000x128xf32>
    %select_n3A_304 = arith.select %broadcast_in_dim3A_301, %broadcast_in_dim3A_303, %select_n3A_293 : vector<2000x128xi1>, vector<2000x128xf32>
    %eq3A_305 = arith.constant 25 : i32
    %eq3A_306 = vector.broadcast %eq3A_305 : i32 to vector<2000x1xi32>
    %eq3A_307 = arith.cmpi eq, %broadcast_in_dim3A_28, %eq3A_306 : vector<2000x1xi32>
    %slice3A_308 = vector.extract_strided_slice %squeeze3A {offsets = [25, 0], sizes = [1, 128], strides = [1, 1]} : vector<32x128xf32> to vector<1x128xf32>
    %squeeze3A_309 = vector.shape_cast %slice3A_308 : vector<1x128xf32> to vector<128xf32>
    %broadcast_in_dim3A_310 = vector.shape_cast %squeeze3A_309 : vector<128xf32> to vector<1x128xf32>
    %broadcast_in_dim3A_311 = vector.shape_cast %eq3A_307 : vector<2000x1xi1> to vector<2000x1xi1>
    %broadcast_in_dim3A_312 = vector.broadcast %broadcast_in_dim3A_311 : vector<2000x1xi1> to vector<2000x128xi1>
    %broadcast_in_dim3A_313 = vector.shape_cast %broadcast_in_dim3A_310 : vector<1x128xf32> to vector<1x128xf32>
    %broadcast_in_dim3A_314 = vector.broadcast %broadcast_in_dim3A_313 : vector<1x128xf32> to vector<2000x128xf32>
    %select_n3A_315 = arith.select %broadcast_in_dim3A_312, %broadcast_in_dim3A_314, %select_n3A_304 : vector<2000x128xi1>, vector<2000x128xf32>
    %eq3A_316 = arith.constant 26 : i32
    %eq3A_317 = vector.broadcast %eq3A_316 : i32 to vector<2000x1xi32>
    %eq3A_318 = arith.cmpi eq, %broadcast_in_dim3A_28, %eq3A_317 : vector<2000x1xi32>
    %slice3A_319 = vector.extract_strided_slice %squeeze3A {offsets = [26, 0], sizes = [1, 128], strides = [1, 1]} : vector<32x128xf32> to vector<1x128xf32>
    %squeeze3A_320 = vector.shape_cast %slice3A_319 : vector<1x128xf32> to vector<128xf32>
    %broadcast_in_dim3A_321 = vector.shape_cast %squeeze3A_320 : vector<128xf32> to vector<1x128xf32>
    %broadcast_in_dim3A_322 = vector.shape_cast %eq3A_318 : vector<2000x1xi1> to vector<2000x1xi1>
    %broadcast_in_dim3A_323 = vector.broadcast %broadcast_in_dim3A_322 : vector<2000x1xi1> to vector<2000x128xi1>
    %broadcast_in_dim3A_324 = vector.shape_cast %broadcast_in_dim3A_321 : vector<1x128xf32> to vector<1x128xf32>
    %broadcast_in_dim3A_325 = vector.broadcast %broadcast_in_dim3A_324 : vector<1x128xf32> to vector<2000x128xf32>
    %select_n3A_326 = arith.select %broadcast_in_dim3A_323, %broadcast_in_dim3A_325, %select_n3A_315 : vector<2000x128xi1>, vector<2000x128xf32>
    %eq3A_327 = arith.constant 27 : i32
    %eq3A_328 = vector.broadcast %eq3A_327 : i32 to vector<2000x1xi32>
    %eq3A_329 = arith.cmpi eq, %broadcast_in_dim3A_28, %eq3A_328 : vector<2000x1xi32>
    %slice3A_330 = vector.extract_strided_slice %squeeze3A {offsets = [27, 0], sizes = [1, 128], strides = [1, 1]} : vector<32x128xf32> to vector<1x128xf32>
    %squeeze3A_331 = vector.shape_cast %slice3A_330 : vector<1x128xf32> to vector<128xf32>
    %broadcast_in_dim3A_332 = vector.shape_cast %squeeze3A_331 : vector<128xf32> to vector<1x128xf32>
    %broadcast_in_dim3A_333 = vector.shape_cast %eq3A_329 : vector<2000x1xi1> to vector<2000x1xi1>
    %broadcast_in_dim3A_334 = vector.broadcast %broadcast_in_dim3A_333 : vector<2000x1xi1> to vector<2000x128xi1>
    %broadcast_in_dim3A_335 = vector.shape_cast %broadcast_in_dim3A_332 : vector<1x128xf32> to vector<1x128xf32>
    %broadcast_in_dim3A_336 = vector.broadcast %broadcast_in_dim3A_335 : vector<1x128xf32> to vector<2000x128xf32>
    %select_n3A_337 = arith.select %broadcast_in_dim3A_334, %broadcast_in_dim3A_336, %select_n3A_326 : vector<2000x128xi1>, vector<2000x128xf32>
    %eq3A_338 = arith.constant 28 : i32
    %eq3A_339 = vector.broadcast %eq3A_338 : i32 to vector<2000x1xi32>
    %eq3A_340 = arith.cmpi eq, %broadcast_in_dim3A_28, %eq3A_339 : vector<2000x1xi32>
    %slice3A_341 = vector.extract_strided_slice %squeeze3A {offsets = [28, 0], sizes = [1, 128], strides = [1, 1]} : vector<32x128xf32> to vector<1x128xf32>
    %squeeze3A_342 = vector.shape_cast %slice3A_341 : vector<1x128xf32> to vector<128xf32>
    %broadcast_in_dim3A_343 = vector.shape_cast %squeeze3A_342 : vector<128xf32> to vector<1x128xf32>
    %broadcast_in_dim3A_344 = vector.shape_cast %eq3A_340 : vector<2000x1xi1> to vector<2000x1xi1>
    %broadcast_in_dim3A_345 = vector.broadcast %broadcast_in_dim3A_344 : vector<2000x1xi1> to vector<2000x128xi1>
    %broadcast_in_dim3A_346 = vector.shape_cast %broadcast_in_dim3A_343 : vector<1x128xf32> to vector<1x128xf32>
    %broadcast_in_dim3A_347 = vector.broadcast %broadcast_in_dim3A_346 : vector<1x128xf32> to vector<2000x128xf32>
    %select_n3A_348 = arith.select %broadcast_in_dim3A_345, %broadcast_in_dim3A_347, %select_n3A_337 : vector<2000x128xi1>, vector<2000x128xf32>
    %eq3A_349 = arith.constant 29 : i32
    %eq3A_350 = vector.broadcast %eq3A_349 : i32 to vector<2000x1xi32>
    %eq3A_351 = arith.cmpi eq, %broadcast_in_dim3A_28, %eq3A_350 : vector<2000x1xi32>
    %slice3A_352 = vector.extract_strided_slice %squeeze3A {offsets = [29, 0], sizes = [1, 128], strides = [1, 1]} : vector<32x128xf32> to vector<1x128xf32>
    %squeeze3A_353 = vector.shape_cast %slice3A_352 : vector<1x128xf32> to vector<128xf32>
    %broadcast_in_dim3A_354 = vector.shape_cast %squeeze3A_353 : vector<128xf32> to vector<1x128xf32>
    %broadcast_in_dim3A_355 = vector.shape_cast %eq3A_351 : vector<2000x1xi1> to vector<2000x1xi1>
    %broadcast_in_dim3A_356 = vector.broadcast %broadcast_in_dim3A_355 : vector<2000x1xi1> to vector<2000x128xi1>
    %broadcast_in_dim3A_357 = vector.shape_cast %broadcast_in_dim3A_354 : vector<1x128xf32> to vector<1x128xf32>
    %broadcast_in_dim3A_358 = vector.broadcast %broadcast_in_dim3A_357 : vector<1x128xf32> to vector<2000x128xf32>
    %select_n3A_359 = arith.select %broadcast_in_dim3A_356, %broadcast_in_dim3A_358, %select_n3A_348 : vector<2000x128xi1>, vector<2000x128xf32>
    %eq3A_360 = arith.constant 30 : i32
    %eq3A_361 = vector.broadcast %eq3A_360 : i32 to vector<2000x1xi32>
    %eq3A_362 = arith.cmpi eq, %broadcast_in_dim3A_28, %eq3A_361 : vector<2000x1xi32>
    %slice3A_363 = vector.extract_strided_slice %squeeze3A {offsets = [30, 0], sizes = [1, 128], strides = [1, 1]} : vector<32x128xf32> to vector<1x128xf32>
    %squeeze3A_364 = vector.shape_cast %slice3A_363 : vector<1x128xf32> to vector<128xf32>
    %broadcast_in_dim3A_365 = vector.shape_cast %squeeze3A_364 : vector<128xf32> to vector<1x128xf32>
    %broadcast_in_dim3A_366 = vector.shape_cast %eq3A_362 : vector<2000x1xi1> to vector<2000x1xi1>
    %broadcast_in_dim3A_367 = vector.broadcast %broadcast_in_dim3A_366 : vector<2000x1xi1> to vector<2000x128xi1>
    %broadcast_in_dim3A_368 = vector.shape_cast %broadcast_in_dim3A_365 : vector<1x128xf32> to vector<1x128xf32>
    %broadcast_in_dim3A_369 = vector.broadcast %broadcast_in_dim3A_368 : vector<1x128xf32> to vector<2000x128xf32>
    %select_n3A_370 = arith.select %broadcast_in_dim3A_367, %broadcast_in_dim3A_369, %select_n3A_359 : vector<2000x128xi1>, vector<2000x128xf32>
    %eq3A_371 = arith.constant 31 : i32
    %eq3A_372 = vector.broadcast %eq3A_371 : i32 to vector<2000x1xi32>
    %eq3A_373 = arith.cmpi eq, %broadcast_in_dim3A_28, %eq3A_372 : vector<2000x1xi32>
    %slice3A_374 = vector.extract_strided_slice %squeeze3A {offsets = [31, 0], sizes = [1, 128], strides = [1, 1]} : vector<32x128xf32> to vector<1x128xf32>
    %squeeze3A_375 = vector.shape_cast %slice3A_374 : vector<1x128xf32> to vector<128xf32>
    %broadcast_in_dim3A_376 = vector.shape_cast %squeeze3A_375 : vector<128xf32> to vector<1x128xf32>
    %broadcast_in_dim3A_377 = vector.shape_cast %eq3A_373 : vector<2000x1xi1> to vector<2000x1xi1>
    %broadcast_in_dim3A_378 = vector.broadcast %broadcast_in_dim3A_377 : vector<2000x1xi1> to vector<2000x128xi1>
    %broadcast_in_dim3A_379 = vector.shape_cast %broadcast_in_dim3A_376 : vector<1x128xf32> to vector<1x128xf32>
    %broadcast_in_dim3A_380 = vector.broadcast %broadcast_in_dim3A_379 : vector<1x128xf32> to vector<2000x128xf32>
    %select_n3A_381 = arith.select %broadcast_in_dim3A_378, %broadcast_in_dim3A_380, %select_n3A_370 : vector<2000x128xi1>, vector<2000x128xf32>
    %sub3A = arith.subf %select_n3A_381, %get3A_1 : vector<2000x128xf32>
    %integer_pow3A = arith.mulf %sub3A, %sub3A : vector<2000x128xf32>
    %reduce_sum3A_382 = vector.shape_cast %integer_pow3A : vector<2000x128xf32> to vector<1x2000x128xf32>
    %reduce_sum3A_383 = arith.constant dense<0.000000e+00> : vector<1xf32>
    %reduce_sum3A_384 = vector.multi_reduction <add>, %reduce_sum3A_382, %reduce_sum3A_383 [1, 2] : vector<1x2000x128xf32> to vector<1xf32>
    %reduce_sum3A_385 = vector.shape_cast %reduce_sum3A_384 : vector<1xf32> to vector<1x1x1xf32>
    %reduce_sum3A_386 = vector.extract %reduce_sum3A_385[0, 0, 0] : f32 from vector<1x1x1xf32>
    %div3A_387 = arith.constant 1.280000e+06 : f32
    %div3A_388 = arith.divf %reduce_sum3A_386, %div3A_387 : f32
    %mul3A_389 = arith.constant 2.500000e-01 : f32
    %mul3A_390 = arith.mulf %mul3A_389, %div3A_388 : f32
    %add3A_391 = arith.constant 0.000000e+00 : f32
    %add3A_392 = arith.addf %add3A_391, %mul3A_390 : f32
    %sub3A_393 = arith.subf %get3A_1, %select_n3A_381 : vector<2000x128xf32>
    %shift_left3A = arith.constant 0 : i32
    %shift_left3A_394 = vector.broadcast %shift_left3A : i32 to vector<2000x1xi32>
    %shift_left3A_395 = arith.shli %broadcast_in_dim3A_28, %shift_left3A_394 : vector<2000x1xi32>
    %add3A_396 = arith.addi %broadcast_in_dim3A_6, %shift_left3A_395 : vector<2000x1xi32>
    %slice3A_397 = vector.extract_strided_slice %get3A_5 {offsets = [1, 0, 0], sizes = [1, 32, 128], strides = [1, 1, 1]} : vector<3x32x128xf32> to vector<1x32x128xf32>
    %squeeze3A_398 = vector.shape_cast %slice3A_397 : vector<1x32x128xf32> to vector<32x128xf32>
    %mul3A_399 = arith.mulf %sub3A_393, %sub3A_393 : vector<2000x128xf32>
    %reduce_sum3A_400 = arith.constant dense<0.000000e+00> : vector<2000xf32>
    %reduce_sum3A_401 = vector.multi_reduction <add>, %mul3A_399, %reduce_sum3A_400 [1] : vector<2000x128xf32> to vector<2000xf32>
    %broadcast_in_dim3A_402 = vector.shape_cast %reduce_sum3A_401 : vector<2000xf32> to vector<2000x1xf32>
    %sqrt3A_403 = math.sqrt %broadcast_in_dim3A_402 : vector<2000x1xf32>
    %add3A_404 = arith.constant 9.99999993E-9 : f32
    %add3A_405 = vector.broadcast %add3A_404 : f32 to vector<2000x1xf32>
    %add3A_406 = arith.addf %sqrt3A_403, %add3A_405 : vector<2000x1xf32>
    %div3A_407 = vector.broadcast %add3A_406 : vector<2000x1xf32> to vector<2000x128xf32>
    %div3A_408 = arith.divf %sub3A_393, %div3A_407 : vector<2000x128xf32>
    %mul3A_409 = arith.mulf %squeeze3A_398, %squeeze3A_398 : vector<32x128xf32>
    %reduce_sum3A_410 = arith.constant dense<0.000000e+00> : vector<32xf32>
    %reduce_sum3A_411 = vector.multi_reduction <add>, %mul3A_409, %reduce_sum3A_410 [1] : vector<32x128xf32> to vector<32xf32>
    %broadcast_in_dim3A_412 = vector.shape_cast %reduce_sum3A_411 : vector<32xf32> to vector<32x1xf32>
    %sqrt3A_413 = math.sqrt %broadcast_in_dim3A_412 : vector<32x1xf32>
    %add3A_414 = arith.constant 9.99999993E-9 : f32
    %add3A_415 = vector.broadcast %add3A_414 : f32 to vector<32x1xf32>
    %add3A_416 = arith.addf %sqrt3A_413, %add3A_415 : vector<32x1xf32>
    %div3A_417 = vector.broadcast %add3A_416 : vector<32x1xf32> to vector<32x128xf32>
    %div3A_418 = arith.divf %squeeze3A_398, %div3A_417 : vector<32x128xf32>
    %dot_general3A_419 = arith.constant dense<0.000000e+00> : vector<2000x32xf32>
    %dot_general3A_420 = tpu.matmul %div3A_408, %div3A_418, %dot_general3A_419 {dimension_numbers = #tpu.dot_dimension_numbers<[1], [1], [0], [0], [0, 0, 1, 0], [], []>, transpose_lhs_hint = false} : vector<2000x128xf32>, vector<32x128xf32>, vector<2000x32xf32> -> vector<2000x32xf32>
    %reduce_max3A_421 = arith.constant dense<0xFF800000> : vector<2000xf32>
    %reduce_max3A_422 = vector.multi_reduction <maximumf>, %dot_general3A_420, %reduce_max3A_421 [1] : vector<2000x32xf32> to vector<2000xf32>
    %broadcast_in_dim3A_423 = vector.shape_cast %reduce_max3A_422 : vector<2000xf32> to vector<2000x1xf32>
    %iota3A_424 = tpu.iota {dimensions = array<i32: 1>} : vector<2000x32xi32>
    %ge3A_425 = vector.broadcast %broadcast_in_dim3A_423 : vector<2000x1xf32> to vector<2000x32xf32>
    %ge3A_426 = arith.cmpf oge, %dot_general3A_420, %ge3A_425 : vector<2000x32xf32>
    %jit3A_427 = arith.constant 32 : i32
    %broadcast_in_dim3A_428 = vector.broadcast %jit3A_427 : i32 to vector<2000x32xi32>
    %select_n3A_429 = arith.select %ge3A_426, %iota3A_424, %broadcast_in_dim3A_428 : vector<2000x32xi1>, vector<2000x32xi32>
    %reduce_min3A_430 = arith.constant dense<2147483647> : vector<2000xi32>
    %reduce_min3A_431 = vector.multi_reduction <minsi>, %select_n3A_429, %reduce_min3A_430 [1] : vector<2000x32xi32> to vector<2000xi32>
    %broadcast_in_dim3A_432 = vector.shape_cast %reduce_min3A_431 : vector<2000xi32> to vector<2000x1xi32>
    %broadcast_in_dim3A_433 = arith.constant 0.000000e+00 : f32
    %broadcast_in_dim3A_434 = vector.broadcast %broadcast_in_dim3A_433 : f32 to vector<2000x128xf32>
    %eq3A_435 = arith.constant 0 : i32
    %eq3A_436 = vector.broadcast %eq3A_435 : i32 to vector<2000x1xi32>
    %eq3A_437 = arith.cmpi eq, %broadcast_in_dim3A_432, %eq3A_436 : vector<2000x1xi32>
    %slice3A_438 = vector.extract_strided_slice %squeeze3A_398 {offsets = [0, 0], sizes = [1, 128], strides = [1, 1]} : vector<32x128xf32> to vector<1x128xf32>
    %squeeze3A_439 = vector.shape_cast %slice3A_438 : vector<1x128xf32> to vector<128xf32>
    %broadcast_in_dim3A_440 = vector.shape_cast %squeeze3A_439 : vector<128xf32> to vector<1x128xf32>
    %broadcast_in_dim3A_441 = vector.shape_cast %eq3A_437 : vector<2000x1xi1> to vector<2000x1xi1>
    %broadcast_in_dim3A_442 = vector.broadcast %broadcast_in_dim3A_441 : vector<2000x1xi1> to vector<2000x128xi1>
    %broadcast_in_dim3A_443 = vector.shape_cast %broadcast_in_dim3A_440 : vector<1x128xf32> to vector<1x128xf32>
    %broadcast_in_dim3A_444 = vector.broadcast %broadcast_in_dim3A_443 : vector<1x128xf32> to vector<2000x128xf32>
    %select_n3A_445 = arith.select %broadcast_in_dim3A_442, %broadcast_in_dim3A_444, %broadcast_in_dim3A_434 : vector<2000x128xi1>, vector<2000x128xf32>
    %eq3A_446 = arith.constant 1 : i32
    %eq3A_447 = vector.broadcast %eq3A_446 : i32 to vector<2000x1xi32>
    %eq3A_448 = arith.cmpi eq, %broadcast_in_dim3A_432, %eq3A_447 : vector<2000x1xi32>
    %slice3A_449 = vector.extract_strided_slice %squeeze3A_398 {offsets = [1, 0], sizes = [1, 128], strides = [1, 1]} : vector<32x128xf32> to vector<1x128xf32>
    %squeeze3A_450 = vector.shape_cast %slice3A_449 : vector<1x128xf32> to vector<128xf32>
    %broadcast_in_dim3A_451 = vector.shape_cast %squeeze3A_450 : vector<128xf32> to vector<1x128xf32>
    %broadcast_in_dim3A_452 = vector.shape_cast %eq3A_448 : vector<2000x1xi1> to vector<2000x1xi1>
    %broadcast_in_dim3A_453 = vector.broadcast %broadcast_in_dim3A_452 : vector<2000x1xi1> to vector<2000x128xi1>
    %broadcast_in_dim3A_454 = vector.shape_cast %broadcast_in_dim3A_451 : vector<1x128xf32> to vector<1x128xf32>
    %broadcast_in_dim3A_455 = vector.broadcast %broadcast_in_dim3A_454 : vector<1x128xf32> to vector<2000x128xf32>
    %select_n3A_456 = arith.select %broadcast_in_dim3A_453, %broadcast_in_dim3A_455, %select_n3A_445 : vector<2000x128xi1>, vector<2000x128xf32>
    %eq3A_457 = arith.constant 2 : i32
    %eq3A_458 = vector.broadcast %eq3A_457 : i32 to vector<2000x1xi32>
    %eq3A_459 = arith.cmpi eq, %broadcast_in_dim3A_432, %eq3A_458 : vector<2000x1xi32>
    %slice3A_460 = vector.extract_strided_slice %squeeze3A_398 {offsets = [2, 0], sizes = [1, 128], strides = [1, 1]} : vector<32x128xf32> to vector<1x128xf32>
    %squeeze3A_461 = vector.shape_cast %slice3A_460 : vector<1x128xf32> to vector<128xf32>
    %broadcast_in_dim3A_462 = vector.shape_cast %squeeze3A_461 : vector<128xf32> to vector<1x128xf32>
    %broadcast_in_dim3A_463 = vector.shape_cast %eq3A_459 : vector<2000x1xi1> to vector<2000x1xi1>
    %broadcast_in_dim3A_464 = vector.broadcast %broadcast_in_dim3A_463 : vector<2000x1xi1> to vector<2000x128xi1>
    %broadcast_in_dim3A_465 = vector.shape_cast %broadcast_in_dim3A_462 : vector<1x128xf32> to vector<1x128xf32>
    %broadcast_in_dim3A_466 = vector.broadcast %broadcast_in_dim3A_465 : vector<1x128xf32> to vector<2000x128xf32>
    %select_n3A_467 = arith.select %broadcast_in_dim3A_464, %broadcast_in_dim3A_466, %select_n3A_456 : vector<2000x128xi1>, vector<2000x128xf32>
    %eq3A_468 = arith.constant 3 : i32
    %eq3A_469 = vector.broadcast %eq3A_468 : i32 to vector<2000x1xi32>
    %eq3A_470 = arith.cmpi eq, %broadcast_in_dim3A_432, %eq3A_469 : vector<2000x1xi32>
    %slice3A_471 = vector.extract_strided_slice %squeeze3A_398 {offsets = [3, 0], sizes = [1, 128], strides = [1, 1]} : vector<32x128xf32> to vector<1x128xf32>
    %squeeze3A_472 = vector.shape_cast %slice3A_471 : vector<1x128xf32> to vector<128xf32>
    %broadcast_in_dim3A_473 = vector.shape_cast %squeeze3A_472 : vector<128xf32> to vector<1x128xf32>
    %broadcast_in_dim3A_474 = vector.shape_cast %eq3A_470 : vector<2000x1xi1> to vector<2000x1xi1>
    %broadcast_in_dim3A_475 = vector.broadcast %broadcast_in_dim3A_474 : vector<2000x1xi1> to vector<2000x128xi1>
    %broadcast_in_dim3A_476 = vector.shape_cast %broadcast_in_dim3A_473 : vector<1x128xf32> to vector<1x128xf32>
    %broadcast_in_dim3A_477 = vector.broadcast %broadcast_in_dim3A_476 : vector<1x128xf32> to vector<2000x128xf32>
    %select_n3A_478 = arith.select %broadcast_in_dim3A_475, %broadcast_in_dim3A_477, %select_n3A_467 : vector<2000x128xi1>, vector<2000x128xf32>
    %eq3A_479 = arith.constant 4 : i32
    %eq3A_480 = vector.broadcast %eq3A_479 : i32 to vector<2000x1xi32>
    %eq3A_481 = arith.cmpi eq, %broadcast_in_dim3A_432, %eq3A_480 : vector<2000x1xi32>
    %slice3A_482 = vector.extract_strided_slice %squeeze3A_398 {offsets = [4, 0], sizes = [1, 128], strides = [1, 1]} : vector<32x128xf32> to vector<1x128xf32>
    %squeeze3A_483 = vector.shape_cast %slice3A_482 : vector<1x128xf32> to vector<128xf32>
    %broadcast_in_dim3A_484 = vector.shape_cast %squeeze3A_483 : vector<128xf32> to vector<1x128xf32>
    %broadcast_in_dim3A_485 = vector.shape_cast %eq3A_481 : vector<2000x1xi1> to vector<2000x1xi1>
    %broadcast_in_dim3A_486 = vector.broadcast %broadcast_in_dim3A_485 : vector<2000x1xi1> to vector<2000x128xi1>
    %broadcast_in_dim3A_487 = vector.shape_cast %broadcast_in_dim3A_484 : vector<1x128xf32> to vector<1x128xf32>
    %broadcast_in_dim3A_488 = vector.broadcast %broadcast_in_dim3A_487 : vector<1x128xf32> to vector<2000x128xf32>
    %select_n3A_489 = arith.select %broadcast_in_dim3A_486, %broadcast_in_dim3A_488, %select_n3A_478 : vector<2000x128xi1>, vector<2000x128xf32>
    %eq3A_490 = arith.constant 5 : i32
    %eq3A_491 = vector.broadcast %eq3A_490 : i32 to vector<2000x1xi32>
    %eq3A_492 = arith.cmpi eq, %broadcast_in_dim3A_432, %eq3A_491 : vector<2000x1xi32>
    %slice3A_493 = vector.extract_strided_slice %squeeze3A_398 {offsets = [5, 0], sizes = [1, 128], strides = [1, 1]} : vector<32x128xf32> to vector<1x128xf32>
    %squeeze3A_494 = vector.shape_cast %slice3A_493 : vector<1x128xf32> to vector<128xf32>
    %broadcast_in_dim3A_495 = vector.shape_cast %squeeze3A_494 : vector<128xf32> to vector<1x128xf32>
    %broadcast_in_dim3A_496 = vector.shape_cast %eq3A_492 : vector<2000x1xi1> to vector<2000x1xi1>
    %broadcast_in_dim3A_497 = vector.broadcast %broadcast_in_dim3A_496 : vector<2000x1xi1> to vector<2000x128xi1>
    %broadcast_in_dim3A_498 = vector.shape_cast %broadcast_in_dim3A_495 : vector<1x128xf32> to vector<1x128xf32>
    %broadcast_in_dim3A_499 = vector.broadcast %broadcast_in_dim3A_498 : vector<1x128xf32> to vector<2000x128xf32>
    %select_n3A_500 = arith.select %broadcast_in_dim3A_497, %broadcast_in_dim3A_499, %select_n3A_489 : vector<2000x128xi1>, vector<2000x128xf32>
    %eq3A_501 = arith.constant 6 : i32
    %eq3A_502 = vector.broadcast %eq3A_501 : i32 to vector<2000x1xi32>
    %eq3A_503 = arith.cmpi eq, %broadcast_in_dim3A_432, %eq3A_502 : vector<2000x1xi32>
    %slice3A_504 = vector.extract_strided_slice %squeeze3A_398 {offsets = [6, 0], sizes = [1, 128], strides = [1, 1]} : vector<32x128xf32> to vector<1x128xf32>
    %squeeze3A_505 = vector.shape_cast %slice3A_504 : vector<1x128xf32> to vector<128xf32>
    %broadcast_in_dim3A_506 = vector.shape_cast %squeeze3A_505 : vector<128xf32> to vector<1x128xf32>
    %broadcast_in_dim3A_507 = vector.shape_cast %eq3A_503 : vector<2000x1xi1> to vector<2000x1xi1>
    %broadcast_in_dim3A_508 = vector.broadcast %broadcast_in_dim3A_507 : vector<2000x1xi1> to vector<2000x128xi1>
    %broadcast_in_dim3A_509 = vector.shape_cast %broadcast_in_dim3A_506 : vector<1x128xf32> to vector<1x128xf32>
    %broadcast_in_dim3A_510 = vector.broadcast %broadcast_in_dim3A_509 : vector<1x128xf32> to vector<2000x128xf32>
    %select_n3A_511 = arith.select %broadcast_in_dim3A_508, %broadcast_in_dim3A_510, %select_n3A_500 : vector<2000x128xi1>, vector<2000x128xf32>
    %eq3A_512 = arith.constant 7 : i32
    %eq3A_513 = vector.broadcast %eq3A_512 : i32 to vector<2000x1xi32>
    %eq3A_514 = arith.cmpi eq, %broadcast_in_dim3A_432, %eq3A_513 : vector<2000x1xi32>
    %slice3A_515 = vector.extract_strided_slice %squeeze3A_398 {offsets = [7, 0], sizes = [1, 128], strides = [1, 1]} : vector<32x128xf32> to vector<1x128xf32>
    %squeeze3A_516 = vector.shape_cast %slice3A_515 : vector<1x128xf32> to vector<128xf32>
    %broadcast_in_dim3A_517 = vector.shape_cast %squeeze3A_516 : vector<128xf32> to vector<1x128xf32>
    %broadcast_in_dim3A_518 = vector.shape_cast %eq3A_514 : vector<2000x1xi1> to vector<2000x1xi1>
    %broadcast_in_dim3A_519 = vector.broadcast %broadcast_in_dim3A_518 : vector<2000x1xi1> to vector<2000x128xi1>
    %broadcast_in_dim3A_520 = vector.shape_cast %broadcast_in_dim3A_517 : vector<1x128xf32> to vector<1x128xf32>
    %broadcast_in_dim3A_521 = vector.broadcast %broadcast_in_dim3A_520 : vector<1x128xf32> to vector<2000x128xf32>
    %select_n3A_522 = arith.select %broadcast_in_dim3A_519, %broadcast_in_dim3A_521, %select_n3A_511 : vector<2000x128xi1>, vector<2000x128xf32>
    %eq3A_523 = arith.constant 8 : i32
    %eq3A_524 = vector.broadcast %eq3A_523 : i32 to vector<2000x1xi32>
    %eq3A_525 = arith.cmpi eq, %broadcast_in_dim3A_432, %eq3A_524 : vector<2000x1xi32>
    %slice3A_526 = vector.extract_strided_slice %squeeze3A_398 {offsets = [8, 0], sizes = [1, 128], strides = [1, 1]} : vector<32x128xf32> to vector<1x128xf32>
    %squeeze3A_527 = vector.shape_cast %slice3A_526 : vector<1x128xf32> to vector<128xf32>
    %broadcast_in_dim3A_528 = vector.shape_cast %squeeze3A_527 : vector<128xf32> to vector<1x128xf32>
    %broadcast_in_dim3A_529 = vector.shape_cast %eq3A_525 : vector<2000x1xi1> to vector<2000x1xi1>
    %broadcast_in_dim3A_530 = vector.broadcast %broadcast_in_dim3A_529 : vector<2000x1xi1> to vector<2000x128xi1>
    %broadcast_in_dim3A_531 = vector.shape_cast %broadcast_in_dim3A_528 : vector<1x128xf32> to vector<1x128xf32>
    %broadcast_in_dim3A_532 = vector.broadcast %broadcast_in_dim3A_531 : vector<1x128xf32> to vector<2000x128xf32>
    %select_n3A_533 = arith.select %broadcast_in_dim3A_530, %broadcast_in_dim3A_532, %select_n3A_522 : vector<2000x128xi1>, vector<2000x128xf32>
    %eq3A_534 = arith.constant 9 : i32
    %eq3A_535 = vector.broadcast %eq3A_534 : i32 to vector<2000x1xi32>
    %eq3A_536 = arith.cmpi eq, %broadcast_in_dim3A_432, %eq3A_535 : vector<2000x1xi32>
    %slice3A_537 = vector.extract_strided_slice %squeeze3A_398 {offsets = [9, 0], sizes = [1, 128], strides = [1, 1]} : vector<32x128xf32> to vector<1x128xf32>
    %squeeze3A_538 = vector.shape_cast %slice3A_537 : vector<1x128xf32> to vector<128xf32>
    %broadcast_in_dim3A_539 = vector.shape_cast %squeeze3A_538 : vector<128xf32> to vector<1x128xf32>
    %broadcast_in_dim3A_540 = vector.shape_cast %eq3A_536 : vector<2000x1xi1> to vector<2000x1xi1>
    %broadcast_in_dim3A_541 = vector.broadcast %broadcast_in_dim3A_540 : vector<2000x1xi1> to vector<2000x128xi1>
    %broadcast_in_dim3A_542 = vector.shape_cast %broadcast_in_dim3A_539 : vector<1x128xf32> to vector<1x128xf32>
    %broadcast_in_dim3A_543 = vector.broadcast %broadcast_in_dim3A_542 : vector<1x128xf32> to vector<2000x128xf32>
    %select_n3A_544 = arith.select %broadcast_in_dim3A_541, %broadcast_in_dim3A_543, %select_n3A_533 : vector<2000x128xi1>, vector<2000x128xf32>
    %eq3A_545 = arith.constant 10 : i32
    %eq3A_546 = vector.broadcast %eq3A_545 : i32 to vector<2000x1xi32>
    %eq3A_547 = arith.cmpi eq, %broadcast_in_dim3A_432, %eq3A_546 : vector<2000x1xi32>
    %slice3A_548 = vector.extract_strided_slice %squeeze3A_398 {offsets = [10, 0], sizes = [1, 128], strides = [1, 1]} : vector<32x128xf32> to vector<1x128xf32>
    %squeeze3A_549 = vector.shape_cast %slice3A_548 : vector<1x128xf32> to vector<128xf32>
    %broadcast_in_dim3A_550 = vector.shape_cast %squeeze3A_549 : vector<128xf32> to vector<1x128xf32>
    %broadcast_in_dim3A_551 = vector.shape_cast %eq3A_547 : vector<2000x1xi1> to vector<2000x1xi1>
    %broadcast_in_dim3A_552 = vector.broadcast %broadcast_in_dim3A_551 : vector<2000x1xi1> to vector<2000x128xi1>
    %broadcast_in_dim3A_553 = vector.shape_cast %broadcast_in_dim3A_550 : vector<1x128xf32> to vector<1x128xf32>
    %broadcast_in_dim3A_554 = vector.broadcast %broadcast_in_dim3A_553 : vector<1x128xf32> to vector<2000x128xf32>
    %select_n3A_555 = arith.select %broadcast_in_dim3A_552, %broadcast_in_dim3A_554, %select_n3A_544 : vector<2000x128xi1>, vector<2000x128xf32>
    %eq3A_556 = arith.constant 11 : i32
    %eq3A_557 = vector.broadcast %eq3A_556 : i32 to vector<2000x1xi32>
    %eq3A_558 = arith.cmpi eq, %broadcast_in_dim3A_432, %eq3A_557 : vector<2000x1xi32>
    %slice3A_559 = vector.extract_strided_slice %squeeze3A_398 {offsets = [11, 0], sizes = [1, 128], strides = [1, 1]} : vector<32x128xf32> to vector<1x128xf32>
    %squeeze3A_560 = vector.shape_cast %slice3A_559 : vector<1x128xf32> to vector<128xf32>
    %broadcast_in_dim3A_561 = vector.shape_cast %squeeze3A_560 : vector<128xf32> to vector<1x128xf32>
    %broadcast_in_dim3A_562 = vector.shape_cast %eq3A_558 : vector<2000x1xi1> to vector<2000x1xi1>
    %broadcast_in_dim3A_563 = vector.broadcast %broadcast_in_dim3A_562 : vector<2000x1xi1> to vector<2000x128xi1>
    %broadcast_in_dim3A_564 = vector.shape_cast %broadcast_in_dim3A_561 : vector<1x128xf32> to vector<1x128xf32>
    %broadcast_in_dim3A_565 = vector.broadcast %broadcast_in_dim3A_564 : vector<1x128xf32> to vector<2000x128xf32>
    %select_n3A_566 = arith.select %broadcast_in_dim3A_563, %broadcast_in_dim3A_565, %select_n3A_555 : vector<2000x128xi1>, vector<2000x128xf32>
    %eq3A_567 = arith.constant 12 : i32
    %eq3A_568 = vector.broadcast %eq3A_567 : i32 to vector<2000x1xi32>
    %eq3A_569 = arith.cmpi eq, %broadcast_in_dim3A_432, %eq3A_568 : vector<2000x1xi32>
    %slice3A_570 = vector.extract_strided_slice %squeeze3A_398 {offsets = [12, 0], sizes = [1, 128], strides = [1, 1]} : vector<32x128xf32> to vector<1x128xf32>
    %squeeze3A_571 = vector.shape_cast %slice3A_570 : vector<1x128xf32> to vector<128xf32>
    %broadcast_in_dim3A_572 = vector.shape_cast %squeeze3A_571 : vector<128xf32> to vector<1x128xf32>
    %broadcast_in_dim3A_573 = vector.shape_cast %eq3A_569 : vector<2000x1xi1> to vector<2000x1xi1>
    %broadcast_in_dim3A_574 = vector.broadcast %broadcast_in_dim3A_573 : vector<2000x1xi1> to vector<2000x128xi1>
    %broadcast_in_dim3A_575 = vector.shape_cast %broadcast_in_dim3A_572 : vector<1x128xf32> to vector<1x128xf32>
    %broadcast_in_dim3A_576 = vector.broadcast %broadcast_in_dim3A_575 : vector<1x128xf32> to vector<2000x128xf32>
    %select_n3A_577 = arith.select %broadcast_in_dim3A_574, %broadcast_in_dim3A_576, %select_n3A_566 : vector<2000x128xi1>, vector<2000x128xf32>
    %eq3A_578 = arith.constant 13 : i32
    %eq3A_579 = vector.broadcast %eq3A_578 : i32 to vector<2000x1xi32>
    %eq3A_580 = arith.cmpi eq, %broadcast_in_dim3A_432, %eq3A_579 : vector<2000x1xi32>
    %slice3A_581 = vector.extract_strided_slice %squeeze3A_398 {offsets = [13, 0], sizes = [1, 128], strides = [1, 1]} : vector<32x128xf32> to vector<1x128xf32>
    %squeeze3A_582 = vector.shape_cast %slice3A_581 : vector<1x128xf32> to vector<128xf32>
    %broadcast_in_dim3A_583 = vector.shape_cast %squeeze3A_582 : vector<128xf32> to vector<1x128xf32>
    %broadcast_in_dim3A_584 = vector.shape_cast %eq3A_580 : vector<2000x1xi1> to vector<2000x1xi1>
    %broadcast_in_dim3A_585 = vector.broadcast %broadcast_in_dim3A_584 : vector<2000x1xi1> to vector<2000x128xi1>
    %broadcast_in_dim3A_586 = vector.shape_cast %broadcast_in_dim3A_583 : vector<1x128xf32> to vector<1x128xf32>
    %broadcast_in_dim3A_587 = vector.broadcast %broadcast_in_dim3A_586 : vector<1x128xf32> to vector<2000x128xf32>
    %select_n3A_588 = arith.select %broadcast_in_dim3A_585, %broadcast_in_dim3A_587, %select_n3A_577 : vector<2000x128xi1>, vector<2000x128xf32>
    %eq3A_589 = arith.constant 14 : i32
    %eq3A_590 = vector.broadcast %eq3A_589 : i32 to vector<2000x1xi32>
    %eq3A_591 = arith.cmpi eq, %broadcast_in_dim3A_432, %eq3A_590 : vector<2000x1xi32>
    %slice3A_592 = vector.extract_strided_slice %squeeze3A_398 {offsets = [14, 0], sizes = [1, 128], strides = [1, 1]} : vector<32x128xf32> to vector<1x128xf32>
    %squeeze3A_593 = vector.shape_cast %slice3A_592 : vector<1x128xf32> to vector<128xf32>
    %broadcast_in_dim3A_594 = vector.shape_cast %squeeze3A_593 : vector<128xf32> to vector<1x128xf32>
    %broadcast_in_dim3A_595 = vector.shape_cast %eq3A_591 : vector<2000x1xi1> to vector<2000x1xi1>
    %broadcast_in_dim3A_596 = vector.broadcast %broadcast_in_dim3A_595 : vector<2000x1xi1> to vector<2000x128xi1>
    %broadcast_in_dim3A_597 = vector.shape_cast %broadcast_in_dim3A_594 : vector<1x128xf32> to vector<1x128xf32>
    %broadcast_in_dim3A_598 = vector.broadcast %broadcast_in_dim3A_597 : vector<1x128xf32> to vector<2000x128xf32>
    %select_n3A_599 = arith.select %broadcast_in_dim3A_596, %broadcast_in_dim3A_598, %select_n3A_588 : vector<2000x128xi1>, vector<2000x128xf32>
    %eq3A_600 = arith.constant 15 : i32
    %eq3A_601 = vector.broadcast %eq3A_600 : i32 to vector<2000x1xi32>
    %eq3A_602 = arith.cmpi eq, %broadcast_in_dim3A_432, %eq3A_601 : vector<2000x1xi32>
    %slice3A_603 = vector.extract_strided_slice %squeeze3A_398 {offsets = [15, 0], sizes = [1, 128], strides = [1, 1]} : vector<32x128xf32> to vector<1x128xf32>
    %squeeze3A_604 = vector.shape_cast %slice3A_603 : vector<1x128xf32> to vector<128xf32>
    %broadcast_in_dim3A_605 = vector.shape_cast %squeeze3A_604 : vector<128xf32> to vector<1x128xf32>
    %broadcast_in_dim3A_606 = vector.shape_cast %eq3A_602 : vector<2000x1xi1> to vector<2000x1xi1>
    %broadcast_in_dim3A_607 = vector.broadcast %broadcast_in_dim3A_606 : vector<2000x1xi1> to vector<2000x128xi1>
    %broadcast_in_dim3A_608 = vector.shape_cast %broadcast_in_dim3A_605 : vector<1x128xf32> to vector<1x128xf32>
    %broadcast_in_dim3A_609 = vector.broadcast %broadcast_in_dim3A_608 : vector<1x128xf32> to vector<2000x128xf32>
    %select_n3A_610 = arith.select %broadcast_in_dim3A_607, %broadcast_in_dim3A_609, %select_n3A_599 : vector<2000x128xi1>, vector<2000x128xf32>
    %eq3A_611 = arith.constant 16 : i32
    %eq3A_612 = vector.broadcast %eq3A_611 : i32 to vector<2000x1xi32>
    %eq3A_613 = arith.cmpi eq, %broadcast_in_dim3A_432, %eq3A_612 : vector<2000x1xi32>
    %slice3A_614 = vector.extract_strided_slice %squeeze3A_398 {offsets = [16, 0], sizes = [1, 128], strides = [1, 1]} : vector<32x128xf32> to vector<1x128xf32>
    %squeeze3A_615 = vector.shape_cast %slice3A_614 : vector<1x128xf32> to vector<128xf32>
    %broadcast_in_dim3A_616 = vector.shape_cast %squeeze3A_615 : vector<128xf32> to vector<1x128xf32>
    %broadcast_in_dim3A_617 = vector.shape_cast %eq3A_613 : vector<2000x1xi1> to vector<2000x1xi1>
    %broadcast_in_dim3A_618 = vector.broadcast %broadcast_in_dim3A_617 : vector<2000x1xi1> to vector<2000x128xi1>
    %broadcast_in_dim3A_619 = vector.shape_cast %broadcast_in_dim3A_616 : vector<1x128xf32> to vector<1x128xf32>
    %broadcast_in_dim3A_620 = vector.broadcast %broadcast_in_dim3A_619 : vector<1x128xf32> to vector<2000x128xf32>
    %select_n3A_621 = arith.select %broadcast_in_dim3A_618, %broadcast_in_dim3A_620, %select_n3A_610 : vector<2000x128xi1>, vector<2000x128xf32>
    %eq3A_622 = arith.constant 17 : i32
    %eq3A_623 = vector.broadcast %eq3A_622 : i32 to vector<2000x1xi32>
    %eq3A_624 = arith.cmpi eq, %broadcast_in_dim3A_432, %eq3A_623 : vector<2000x1xi32>
    %slice3A_625 = vector.extract_strided_slice %squeeze3A_398 {offsets = [17, 0], sizes = [1, 128], strides = [1, 1]} : vector<32x128xf32> to vector<1x128xf32>
    %squeeze3A_626 = vector.shape_cast %slice3A_625 : vector<1x128xf32> to vector<128xf32>
    %broadcast_in_dim3A_627 = vector.shape_cast %squeeze3A_626 : vector<128xf32> to vector<1x128xf32>
    %broadcast_in_dim3A_628 = vector.shape_cast %eq3A_624 : vector<2000x1xi1> to vector<2000x1xi1>
    %broadcast_in_dim3A_629 = vector.broadcast %broadcast_in_dim3A_628 : vector<2000x1xi1> to vector<2000x128xi1>
    %broadcast_in_dim3A_630 = vector.shape_cast %broadcast_in_dim3A_627 : vector<1x128xf32> to vector<1x128xf32>
    %broadcast_in_dim3A_631 = vector.broadcast %broadcast_in_dim3A_630 : vector<1x128xf32> to vector<2000x128xf32>
    %select_n3A_632 = arith.select %broadcast_in_dim3A_629, %broadcast_in_dim3A_631, %select_n3A_621 : vector<2000x128xi1>, vector<2000x128xf32>
    %eq3A_633 = arith.constant 18 : i32
    %eq3A_634 = vector.broadcast %eq3A_633 : i32 to vector<2000x1xi32>
    %eq3A_635 = arith.cmpi eq, %broadcast_in_dim3A_432, %eq3A_634 : vector<2000x1xi32>
    %slice3A_636 = vector.extract_strided_slice %squeeze3A_398 {offsets = [18, 0], sizes = [1, 128], strides = [1, 1]} : vector<32x128xf32> to vector<1x128xf32>
    %squeeze3A_637 = vector.shape_cast %slice3A_636 : vector<1x128xf32> to vector<128xf32>
    %broadcast_in_dim3A_638 = vector.shape_cast %squeeze3A_637 : vector<128xf32> to vector<1x128xf32>
    %broadcast_in_dim3A_639 = vector.shape_cast %eq3A_635 : vector<2000x1xi1> to vector<2000x1xi1>
    %broadcast_in_dim3A_640 = vector.broadcast %broadcast_in_dim3A_639 : vector<2000x1xi1> to vector<2000x128xi1>
    %broadcast_in_dim3A_641 = vector.shape_cast %broadcast_in_dim3A_638 : vector<1x128xf32> to vector<1x128xf32>
    %broadcast_in_dim3A_642 = vector.broadcast %broadcast_in_dim3A_641 : vector<1x128xf32> to vector<2000x128xf32>
    %select_n3A_643 = arith.select %broadcast_in_dim3A_640, %broadcast_in_dim3A_642, %select_n3A_632 : vector<2000x128xi1>, vector<2000x128xf32>
    %eq3A_644 = arith.constant 19 : i32
    %eq3A_645 = vector.broadcast %eq3A_644 : i32 to vector<2000x1xi32>
    %eq3A_646 = arith.cmpi eq, %broadcast_in_dim3A_432, %eq3A_645 : vector<2000x1xi32>
    %slice3A_647 = vector.extract_strided_slice %squeeze3A_398 {offsets = [19, 0], sizes = [1, 128], strides = [1, 1]} : vector<32x128xf32> to vector<1x128xf32>
    %squeeze3A_648 = vector.shape_cast %slice3A_647 : vector<1x128xf32> to vector<128xf32>
    %broadcast_in_dim3A_649 = vector.shape_cast %squeeze3A_648 : vector<128xf32> to vector<1x128xf32>
    %broadcast_in_dim3A_650 = vector.shape_cast %eq3A_646 : vector<2000x1xi1> to vector<2000x1xi1>
    %broadcast_in_dim3A_651 = vector.broadcast %broadcast_in_dim3A_650 : vector<2000x1xi1> to vector<2000x128xi1>
    %broadcast_in_dim3A_652 = vector.shape_cast %broadcast_in_dim3A_649 : vector<1x128xf32> to vector<1x128xf32>
    %broadcast_in_dim3A_653 = vector.broadcast %broadcast_in_dim3A_652 : vector<1x128xf32> to vector<2000x128xf32>
    %select_n3A_654 = arith.select %broadcast_in_dim3A_651, %broadcast_in_dim3A_653, %select_n3A_643 : vector<2000x128xi1>, vector<2000x128xf32>
    %eq3A_655 = arith.constant 20 : i32
    %eq3A_656 = vector.broadcast %eq3A_655 : i32 to vector<2000x1xi32>
    %eq3A_657 = arith.cmpi eq, %broadcast_in_dim3A_432, %eq3A_656 : vector<2000x1xi32>
    %slice3A_658 = vector.extract_strided_slice %squeeze3A_398 {offsets = [20, 0], sizes = [1, 128], strides = [1, 1]} : vector<32x128xf32> to vector<1x128xf32>
    %squeeze3A_659 = vector.shape_cast %slice3A_658 : vector<1x128xf32> to vector<128xf32>
    %broadcast_in_dim3A_660 = vector.shape_cast %squeeze3A_659 : vector<128xf32> to vector<1x128xf32>
    %broadcast_in_dim3A_661 = vector.shape_cast %eq3A_657 : vector<2000x1xi1> to vector<2000x1xi1>
    %broadcast_in_dim3A_662 = vector.broadcast %broadcast_in_dim3A_661 : vector<2000x1xi1> to vector<2000x128xi1>
    %broadcast_in_dim3A_663 = vector.shape_cast %broadcast_in_dim3A_660 : vector<1x128xf32> to vector<1x128xf32>
    %broadcast_in_dim3A_664 = vector.broadcast %broadcast_in_dim3A_663 : vector<1x128xf32> to vector<2000x128xf32>
    %select_n3A_665 = arith.select %broadcast_in_dim3A_662, %broadcast_in_dim3A_664, %select_n3A_654 : vector<2000x128xi1>, vector<2000x128xf32>
    %eq3A_666 = arith.constant 21 : i32
    %eq3A_667 = vector.broadcast %eq3A_666 : i32 to vector<2000x1xi32>
    %eq3A_668 = arith.cmpi eq, %broadcast_in_dim3A_432, %eq3A_667 : vector<2000x1xi32>
    %slice3A_669 = vector.extract_strided_slice %squeeze3A_398 {offsets = [21, 0], sizes = [1, 128], strides = [1, 1]} : vector<32x128xf32> to vector<1x128xf32>
    %squeeze3A_670 = vector.shape_cast %slice3A_669 : vector<1x128xf32> to vector<128xf32>
    %broadcast_in_dim3A_671 = vector.shape_cast %squeeze3A_670 : vector<128xf32> to vector<1x128xf32>
    %broadcast_in_dim3A_672 = vector.shape_cast %eq3A_668 : vector<2000x1xi1> to vector<2000x1xi1>
    %broadcast_in_dim3A_673 = vector.broadcast %broadcast_in_dim3A_672 : vector<2000x1xi1> to vector<2000x128xi1>
    %broadcast_in_dim3A_674 = vector.shape_cast %broadcast_in_dim3A_671 : vector<1x128xf32> to vector<1x128xf32>
    %broadcast_in_dim3A_675 = vector.broadcast %broadcast_in_dim3A_674 : vector<1x128xf32> to vector<2000x128xf32>
    %select_n3A_676 = arith.select %broadcast_in_dim3A_673, %broadcast_in_dim3A_675, %select_n3A_665 : vector<2000x128xi1>, vector<2000x128xf32>
    %eq3A_677 = arith.constant 22 : i32
    %eq3A_678 = vector.broadcast %eq3A_677 : i32 to vector<2000x1xi32>
    %eq3A_679 = arith.cmpi eq, %broadcast_in_dim3A_432, %eq3A_678 : vector<2000x1xi32>
    %slice3A_680 = vector.extract_strided_slice %squeeze3A_398 {offsets = [22, 0], sizes = [1, 128], strides = [1, 1]} : vector<32x128xf32> to vector<1x128xf32>
    %squeeze3A_681 = vector.shape_cast %slice3A_680 : vector<1x128xf32> to vector<128xf32>
    %broadcast_in_dim3A_682 = vector.shape_cast %squeeze3A_681 : vector<128xf32> to vector<1x128xf32>
    %broadcast_in_dim3A_683 = vector.shape_cast %eq3A_679 : vector<2000x1xi1> to vector<2000x1xi1>
    %broadcast_in_dim3A_684 = vector.broadcast %broadcast_in_dim3A_683 : vector<2000x1xi1> to vector<2000x128xi1>
    %broadcast_in_dim3A_685 = vector.shape_cast %broadcast_in_dim3A_682 : vector<1x128xf32> to vector<1x128xf32>
    %broadcast_in_dim3A_686 = vector.broadcast %broadcast_in_dim3A_685 : vector<1x128xf32> to vector<2000x128xf32>
    %select_n3A_687 = arith.select %broadcast_in_dim3A_684, %broadcast_in_dim3A_686, %select_n3A_676 : vector<2000x128xi1>, vector<2000x128xf32>
    %eq3A_688 = arith.constant 23 : i32
    %eq3A_689 = vector.broadcast %eq3A_688 : i32 to vector<2000x1xi32>
    %eq3A_690 = arith.cmpi eq, %broadcast_in_dim3A_432, %eq3A_689 : vector<2000x1xi32>
    %slice3A_691 = vector.extract_strided_slice %squeeze3A_398 {offsets = [23, 0], sizes = [1, 128], strides = [1, 1]} : vector<32x128xf32> to vector<1x128xf32>
    %squeeze3A_692 = vector.shape_cast %slice3A_691 : vector<1x128xf32> to vector<128xf32>
    %broadcast_in_dim3A_693 = vector.shape_cast %squeeze3A_692 : vector<128xf32> to vector<1x128xf32>
    %broadcast_in_dim3A_694 = vector.shape_cast %eq3A_690 : vector<2000x1xi1> to vector<2000x1xi1>
    %broadcast_in_dim3A_695 = vector.broadcast %broadcast_in_dim3A_694 : vector<2000x1xi1> to vector<2000x128xi1>
    %broadcast_in_dim3A_696 = vector.shape_cast %broadcast_in_dim3A_693 : vector<1x128xf32> to vector<1x128xf32>
    %broadcast_in_dim3A_697 = vector.broadcast %broadcast_in_dim3A_696 : vector<1x128xf32> to vector<2000x128xf32>
    %select_n3A_698 = arith.select %broadcast_in_dim3A_695, %broadcast_in_dim3A_697, %select_n3A_687 : vector<2000x128xi1>, vector<2000x128xf32>
    %eq3A_699 = arith.constant 24 : i32
    %eq3A_700 = vector.broadcast %eq3A_699 : i32 to vector<2000x1xi32>
    %eq3A_701 = arith.cmpi eq, %broadcast_in_dim3A_432, %eq3A_700 : vector<2000x1xi32>
    %slice3A_702 = vector.extract_strided_slice %squeeze3A_398 {offsets = [24, 0], sizes = [1, 128], strides = [1, 1]} : vector<32x128xf32> to vector<1x128xf32>
    %squeeze3A_703 = vector.shape_cast %slice3A_702 : vector<1x128xf32> to vector<128xf32>
    %broadcast_in_dim3A_704 = vector.shape_cast %squeeze3A_703 : vector<128xf32> to vector<1x128xf32>
    %broadcast_in_dim3A_705 = vector.shape_cast %eq3A_701 : vector<2000x1xi1> to vector<2000x1xi1>
    %broadcast_in_dim3A_706 = vector.broadcast %broadcast_in_dim3A_705 : vector<2000x1xi1> to vector<2000x128xi1>
    %broadcast_in_dim3A_707 = vector.shape_cast %broadcast_in_dim3A_704 : vector<1x128xf32> to vector<1x128xf32>
    %broadcast_in_dim3A_708 = vector.broadcast %broadcast_in_dim3A_707 : vector<1x128xf32> to vector<2000x128xf32>
    %select_n3A_709 = arith.select %broadcast_in_dim3A_706, %broadcast_in_dim3A_708, %select_n3A_698 : vector<2000x128xi1>, vector<2000x128xf32>
    %eq3A_710 = arith.constant 25 : i32
    %eq3A_711 = vector.broadcast %eq3A_710 : i32 to vector<2000x1xi32>
    %eq3A_712 = arith.cmpi eq, %broadcast_in_dim3A_432, %eq3A_711 : vector<2000x1xi32>
    %slice3A_713 = vector.extract_strided_slice %squeeze3A_398 {offsets = [25, 0], sizes = [1, 128], strides = [1, 1]} : vector<32x128xf32> to vector<1x128xf32>
    %squeeze3A_714 = vector.shape_cast %slice3A_713 : vector<1x128xf32> to vector<128xf32>
    %broadcast_in_dim3A_715 = vector.shape_cast %squeeze3A_714 : vector<128xf32> to vector<1x128xf32>
    %broadcast_in_dim3A_716 = vector.shape_cast %eq3A_712 : vector<2000x1xi1> to vector<2000x1xi1>
    %broadcast_in_dim3A_717 = vector.broadcast %broadcast_in_dim3A_716 : vector<2000x1xi1> to vector<2000x128xi1>
    %broadcast_in_dim3A_718 = vector.shape_cast %broadcast_in_dim3A_715 : vector<1x128xf32> to vector<1x128xf32>
    %broadcast_in_dim3A_719 = vector.broadcast %broadcast_in_dim3A_718 : vector<1x128xf32> to vector<2000x128xf32>
    %select_n3A_720 = arith.select %broadcast_in_dim3A_717, %broadcast_in_dim3A_719, %select_n3A_709 : vector<2000x128xi1>, vector<2000x128xf32>
    %eq3A_721 = arith.constant 26 : i32
    %eq3A_722 = vector.broadcast %eq3A_721 : i32 to vector<2000x1xi32>
    %eq3A_723 = arith.cmpi eq, %broadcast_in_dim3A_432, %eq3A_722 : vector<2000x1xi32>
    %slice3A_724 = vector.extract_strided_slice %squeeze3A_398 {offsets = [26, 0], sizes = [1, 128], strides = [1, 1]} : vector<32x128xf32> to vector<1x128xf32>
    %squeeze3A_725 = vector.shape_cast %slice3A_724 : vector<1x128xf32> to vector<128xf32>
    %broadcast_in_dim3A_726 = vector.shape_cast %squeeze3A_725 : vector<128xf32> to vector<1x128xf32>
    %broadcast_in_dim3A_727 = vector.shape_cast %eq3A_723 : vector<2000x1xi1> to vector<2000x1xi1>
    %broadcast_in_dim3A_728 = vector.broadcast %broadcast_in_dim3A_727 : vector<2000x1xi1> to vector<2000x128xi1>
    %broadcast_in_dim3A_729 = vector.shape_cast %broadcast_in_dim3A_726 : vector<1x128xf32> to vector<1x128xf32>
    %broadcast_in_dim3A_730 = vector.broadcast %broadcast_in_dim3A_729 : vector<1x128xf32> to vector<2000x128xf32>
    %select_n3A_731 = arith.select %broadcast_in_dim3A_728, %broadcast_in_dim3A_730, %select_n3A_720 : vector<2000x128xi1>, vector<2000x128xf32>
    %eq3A_732 = arith.constant 27 : i32
    %eq3A_733 = vector.broadcast %eq3A_732 : i32 to vector<2000x1xi32>
    %eq3A_734 = arith.cmpi eq, %broadcast_in_dim3A_432, %eq3A_733 : vector<2000x1xi32>
    %slice3A_735 = vector.extract_strided_slice %squeeze3A_398 {offsets = [27, 0], sizes = [1, 128], strides = [1, 1]} : vector<32x128xf32> to vector<1x128xf32>
    %squeeze3A_736 = vector.shape_cast %slice3A_735 : vector<1x128xf32> to vector<128xf32>
    %broadcast_in_dim3A_737 = vector.shape_cast %squeeze3A_736 : vector<128xf32> to vector<1x128xf32>
    %broadcast_in_dim3A_738 = vector.shape_cast %eq3A_734 : vector<2000x1xi1> to vector<2000x1xi1>
    %broadcast_in_dim3A_739 = vector.broadcast %broadcast_in_dim3A_738 : vector<2000x1xi1> to vector<2000x128xi1>
    %broadcast_in_dim3A_740 = vector.shape_cast %broadcast_in_dim3A_737 : vector<1x128xf32> to vector<1x128xf32>
    %broadcast_in_dim3A_741 = vector.broadcast %broadcast_in_dim3A_740 : vector<1x128xf32> to vector<2000x128xf32>
    %select_n3A_742 = arith.select %broadcast_in_dim3A_739, %broadcast_in_dim3A_741, %select_n3A_731 : vector<2000x128xi1>, vector<2000x128xf32>
    %eq3A_743 = arith.constant 28 : i32
    %eq3A_744 = vector.broadcast %eq3A_743 : i32 to vector<2000x1xi32>
    %eq3A_745 = arith.cmpi eq, %broadcast_in_dim3A_432, %eq3A_744 : vector<2000x1xi32>
    %slice3A_746 = vector.extract_strided_slice %squeeze3A_398 {offsets = [28, 0], sizes = [1, 128], strides = [1, 1]} : vector<32x128xf32> to vector<1x128xf32>
    %squeeze3A_747 = vector.shape_cast %slice3A_746 : vector<1x128xf32> to vector<128xf32>
    %broadcast_in_dim3A_748 = vector.shape_cast %squeeze3A_747 : vector<128xf32> to vector<1x128xf32>
    %broadcast_in_dim3A_749 = vector.shape_cast %eq3A_745 : vector<2000x1xi1> to vector<2000x1xi1>
    %broadcast_in_dim3A_750 = vector.broadcast %broadcast_in_dim3A_749 : vector<2000x1xi1> to vector<2000x128xi1>
    %broadcast_in_dim3A_751 = vector.shape_cast %broadcast_in_dim3A_748 : vector<1x128xf32> to vector<1x128xf32>
    %broadcast_in_dim3A_752 = vector.broadcast %broadcast_in_dim3A_751 : vector<1x128xf32> to vector<2000x128xf32>
    %select_n3A_753 = arith.select %broadcast_in_dim3A_750, %broadcast_in_dim3A_752, %select_n3A_742 : vector<2000x128xi1>, vector<2000x128xf32>
    %eq3A_754 = arith.constant 29 : i32
    %eq3A_755 = vector.broadcast %eq3A_754 : i32 to vector<2000x1xi32>
    %eq3A_756 = arith.cmpi eq, %broadcast_in_dim3A_432, %eq3A_755 : vector<2000x1xi32>
    %slice3A_757 = vector.extract_strided_slice %squeeze3A_398 {offsets = [29, 0], sizes = [1, 128], strides = [1, 1]} : vector<32x128xf32> to vector<1x128xf32>
    %squeeze3A_758 = vector.shape_cast %slice3A_757 : vector<1x128xf32> to vector<128xf32>
    %broadcast_in_dim3A_759 = vector.shape_cast %squeeze3A_758 : vector<128xf32> to vector<1x128xf32>
    %broadcast_in_dim3A_760 = vector.shape_cast %eq3A_756 : vector<2000x1xi1> to vector<2000x1xi1>
    %broadcast_in_dim3A_761 = vector.broadcast %broadcast_in_dim3A_760 : vector<2000x1xi1> to vector<2000x128xi1>
    %broadcast_in_dim3A_762 = vector.shape_cast %broadcast_in_dim3A_759 : vector<1x128xf32> to vector<1x128xf32>
    %broadcast_in_dim3A_763 = vector.broadcast %broadcast_in_dim3A_762 : vector<1x128xf32> to vector<2000x128xf32>
    %select_n3A_764 = arith.select %broadcast_in_dim3A_761, %broadcast_in_dim3A_763, %select_n3A_753 : vector<2000x128xi1>, vector<2000x128xf32>
    %eq3A_765 = arith.constant 30 : i32
    %eq3A_766 = vector.broadcast %eq3A_765 : i32 to vector<2000x1xi32>
    %eq3A_767 = arith.cmpi eq, %broadcast_in_dim3A_432, %eq3A_766 : vector<2000x1xi32>
    %slice3A_768 = vector.extract_strided_slice %squeeze3A_398 {offsets = [30, 0], sizes = [1, 128], strides = [1, 1]} : vector<32x128xf32> to vector<1x128xf32>
    %squeeze3A_769 = vector.shape_cast %slice3A_768 : vector<1x128xf32> to vector<128xf32>
    %broadcast_in_dim3A_770 = vector.shape_cast %squeeze3A_769 : vector<128xf32> to vector<1x128xf32>
    %broadcast_in_dim3A_771 = vector.shape_cast %eq3A_767 : vector<2000x1xi1> to vector<2000x1xi1>
    %broadcast_in_dim3A_772 = vector.broadcast %broadcast_in_dim3A_771 : vector<2000x1xi1> to vector<2000x128xi1>
    %broadcast_in_dim3A_773 = vector.shape_cast %broadcast_in_dim3A_770 : vector<1x128xf32> to vector<1x128xf32>
    %broadcast_in_dim3A_774 = vector.broadcast %broadcast_in_dim3A_773 : vector<1x128xf32> to vector<2000x128xf32>
    %select_n3A_775 = arith.select %broadcast_in_dim3A_772, %broadcast_in_dim3A_774, %select_n3A_764 : vector<2000x128xi1>, vector<2000x128xf32>
    %eq3A_776 = arith.constant 31 : i32
    %eq3A_777 = vector.broadcast %eq3A_776 : i32 to vector<2000x1xi32>
    %eq3A_778 = arith.cmpi eq, %broadcast_in_dim3A_432, %eq3A_777 : vector<2000x1xi32>
    %slice3A_779 = vector.extract_strided_slice %squeeze3A_398 {offsets = [31, 0], sizes = [1, 128], strides = [1, 1]} : vector<32x128xf32> to vector<1x128xf32>
    %squeeze3A_780 = vector.shape_cast %slice3A_779 : vector<1x128xf32> to vector<128xf32>
    %broadcast_in_dim3A_781 = vector.shape_cast %squeeze3A_780 : vector<128xf32> to vector<1x128xf32>
    %broadcast_in_dim3A_782 = vector.shape_cast %eq3A_778 : vector<2000x1xi1> to vector<2000x1xi1>
    %broadcast_in_dim3A_783 = vector.broadcast %broadcast_in_dim3A_782 : vector<2000x1xi1> to vector<2000x128xi1>
    %broadcast_in_dim3A_784 = vector.shape_cast %broadcast_in_dim3A_781 : vector<1x128xf32> to vector<1x128xf32>
    %broadcast_in_dim3A_785 = vector.broadcast %broadcast_in_dim3A_784 : vector<1x128xf32> to vector<2000x128xf32>
    %select_n3A_786 = arith.select %broadcast_in_dim3A_783, %broadcast_in_dim3A_785, %select_n3A_775 : vector<2000x128xi1>, vector<2000x128xf32>
    %sub3A_787 = arith.subf %select_n3A_786, %sub3A_393 : vector<2000x128xf32>
    %integer_pow3A_788 = arith.mulf %sub3A_787, %sub3A_787 : vector<2000x128xf32>
    %reduce_sum3A_789 = vector.shape_cast %integer_pow3A_788 : vector<2000x128xf32> to vector<1x2000x128xf32>
    %reduce_sum3A_790 = arith.constant dense<0.000000e+00> : vector<1xf32>
    %reduce_sum3A_791 = vector.multi_reduction <add>, %reduce_sum3A_789, %reduce_sum3A_790 [1, 2] : vector<1x2000x128xf32> to vector<1xf32>
    %reduce_sum3A_792 = vector.shape_cast %reduce_sum3A_791 : vector<1xf32> to vector<1x1x1xf32>
    %reduce_sum3A_793 = vector.extract %reduce_sum3A_792[0, 0, 0] : f32 from vector<1x1x1xf32>
    %div3A_794 = arith.constant 1.280000e+06 : f32
    %div3A_795 = arith.divf %reduce_sum3A_793, %div3A_794 : f32
    %mul3A_796 = arith.constant 2.500000e-01 : f32
    %mul3A_797 = arith.mulf %mul3A_796, %div3A_795 : f32
    %add3A_798 = arith.addf %add3A_392, %mul3A_797 : f32
    %sub3A_799 = arith.subf %sub3A_393, %select_n3A_786 : vector<2000x128xf32>
    %shift_left3A_800 = arith.constant 5 : i32
    %shift_left3A_801 = vector.broadcast %shift_left3A_800 : i32 to vector<2000x1xi32>
    %shift_left3A_802 = arith.shli %broadcast_in_dim3A_432, %shift_left3A_801 : vector<2000x1xi32>
    %add3A_803 = arith.addi %add3A_396, %shift_left3A_802 : vector<2000x1xi32>
    %slice3A_804 = vector.extract_strided_slice %get3A_5 {offsets = [2, 0, 0], sizes = [1, 32, 128], strides = [1, 1, 1]} : vector<3x32x128xf32> to vector<1x32x128xf32>
    %squeeze3A_805 = vector.shape_cast %slice3A_804 : vector<1x32x128xf32> to vector<32x128xf32>
    %mul3A_806 = arith.mulf %sub3A_799, %sub3A_799 : vector<2000x128xf32>
    %reduce_sum3A_807 = arith.constant dense<0.000000e+00> : vector<2000xf32>
    %reduce_sum3A_808 = vector.multi_reduction <add>, %mul3A_806, %reduce_sum3A_807 [1] : vector<2000x128xf32> to vector<2000xf32>
    %broadcast_in_dim3A_809 = vector.shape_cast %reduce_sum3A_808 : vector<2000xf32> to vector<2000x1xf32>
    %sqrt3A_810 = math.sqrt %broadcast_in_dim3A_809 : vector<2000x1xf32>
    %add3A_811 = arith.constant 9.99999993E-9 : f32
    %add3A_812 = vector.broadcast %add3A_811 : f32 to vector<2000x1xf32>
    %add3A_813 = arith.addf %sqrt3A_810, %add3A_812 : vector<2000x1xf32>
    %div3A_814 = vector.broadcast %add3A_813 : vector<2000x1xf32> to vector<2000x128xf32>
    %div3A_815 = arith.divf %sub3A_799, %div3A_814 : vector<2000x128xf32>
    %mul3A_816 = arith.mulf %squeeze3A_805, %squeeze3A_805 : vector<32x128xf32>
    %reduce_sum3A_817 = arith.constant dense<0.000000e+00> : vector<32xf32>
    %reduce_sum3A_818 = vector.multi_reduction <add>, %mul3A_816, %reduce_sum3A_817 [1] : vector<32x128xf32> to vector<32xf32>
    %broadcast_in_dim3A_819 = vector.shape_cast %reduce_sum3A_818 : vector<32xf32> to vector<32x1xf32>
    %sqrt3A_820 = math.sqrt %broadcast_in_dim3A_819 : vector<32x1xf32>
    %add3A_821 = arith.constant 9.99999993E-9 : f32
    %add3A_822 = vector.broadcast %add3A_821 : f32 to vector<32x1xf32>
    %add3A_823 = arith.addf %sqrt3A_820, %add3A_822 : vector<32x1xf32>
    %div3A_824 = vector.broadcast %add3A_823 : vector<32x1xf32> to vector<32x128xf32>
    %div3A_825 = arith.divf %squeeze3A_805, %div3A_824 : vector<32x128xf32>
    %dot_general3A_826 = arith.constant dense<0.000000e+00> : vector<2000x32xf32>
    %dot_general3A_827 = tpu.matmul %div3A_815, %div3A_825, %dot_general3A_826 {dimension_numbers = #tpu.dot_dimension_numbers<[1], [1], [0], [0], [0, 0, 1, 0], [], []>, transpose_lhs_hint = false} : vector<2000x128xf32>, vector<32x128xf32>, vector<2000x32xf32> -> vector<2000x32xf32>
    %reduce_max3A_828 = arith.constant dense<0xFF800000> : vector<2000xf32>
    %reduce_max3A_829 = vector.multi_reduction <maximumf>, %dot_general3A_827, %reduce_max3A_828 [1] : vector<2000x32xf32> to vector<2000xf32>
    %broadcast_in_dim3A_830 = vector.shape_cast %reduce_max3A_829 : vector<2000xf32> to vector<2000x1xf32>
    %iota3A_831 = tpu.iota {dimensions = array<i32: 1>} : vector<2000x32xi32>
    %ge3A_832 = vector.broadcast %broadcast_in_dim3A_830 : vector<2000x1xf32> to vector<2000x32xf32>
    %ge3A_833 = arith.cmpf oge, %dot_general3A_827, %ge3A_832 : vector<2000x32xf32>
    %jit3A_834 = arith.constant 32 : i32
    %broadcast_in_dim3A_835 = vector.broadcast %jit3A_834 : i32 to vector<2000x32xi32>
    %select_n3A_836 = arith.select %ge3A_833, %iota3A_831, %broadcast_in_dim3A_835 : vector<2000x32xi1>, vector<2000x32xi32>
    %reduce_min3A_837 = arith.constant dense<2147483647> : vector<2000xi32>
    %reduce_min3A_838 = vector.multi_reduction <minsi>, %select_n3A_836, %reduce_min3A_837 [1] : vector<2000x32xi32> to vector<2000xi32>
    %broadcast_in_dim3A_839 = vector.shape_cast %reduce_min3A_838 : vector<2000xi32> to vector<2000x1xi32>
    %broadcast_in_dim3A_840 = arith.constant 0.000000e+00 : f32
    %broadcast_in_dim3A_841 = vector.broadcast %broadcast_in_dim3A_840 : f32 to vector<2000x128xf32>
    %eq3A_842 = arith.constant 0 : i32
    %eq3A_843 = vector.broadcast %eq3A_842 : i32 to vector<2000x1xi32>
    %eq3A_844 = arith.cmpi eq, %broadcast_in_dim3A_839, %eq3A_843 : vector<2000x1xi32>
    %slice3A_845 = vector.extract_strided_slice %squeeze3A_805 {offsets = [0, 0], sizes = [1, 128], strides = [1, 1]} : vector<32x128xf32> to vector<1x128xf32>
    %squeeze3A_846 = vector.shape_cast %slice3A_845 : vector<1x128xf32> to vector<128xf32>
    %broadcast_in_dim3A_847 = vector.shape_cast %squeeze3A_846 : vector<128xf32> to vector<1x128xf32>
    %broadcast_in_dim3A_848 = vector.shape_cast %eq3A_844 : vector<2000x1xi1> to vector<2000x1xi1>
    %broadcast_in_dim3A_849 = vector.broadcast %broadcast_in_dim3A_848 : vector<2000x1xi1> to vector<2000x128xi1>
    %broadcast_in_dim3A_850 = vector.shape_cast %broadcast_in_dim3A_847 : vector<1x128xf32> to vector<1x128xf32>
    %broadcast_in_dim3A_851 = vector.broadcast %broadcast_in_dim3A_850 : vector<1x128xf32> to vector<2000x128xf32>
    %select_n3A_852 = arith.select %broadcast_in_dim3A_849, %broadcast_in_dim3A_851, %broadcast_in_dim3A_841 : vector<2000x128xi1>, vector<2000x128xf32>
    %eq3A_853 = arith.constant 1 : i32
    %eq3A_854 = vector.broadcast %eq3A_853 : i32 to vector<2000x1xi32>
    %eq3A_855 = arith.cmpi eq, %broadcast_in_dim3A_839, %eq3A_854 : vector<2000x1xi32>
    %slice3A_856 = vector.extract_strided_slice %squeeze3A_805 {offsets = [1, 0], sizes = [1, 128], strides = [1, 1]} : vector<32x128xf32> to vector<1x128xf32>
    %squeeze3A_857 = vector.shape_cast %slice3A_856 : vector<1x128xf32> to vector<128xf32>
    %broadcast_in_dim3A_858 = vector.shape_cast %squeeze3A_857 : vector<128xf32> to vector<1x128xf32>
    %broadcast_in_dim3A_859 = vector.shape_cast %eq3A_855 : vector<2000x1xi1> to vector<2000x1xi1>
    %broadcast_in_dim3A_860 = vector.broadcast %broadcast_in_dim3A_859 : vector<2000x1xi1> to vector<2000x128xi1>
    %broadcast_in_dim3A_861 = vector.shape_cast %broadcast_in_dim3A_858 : vector<1x128xf32> to vector<1x128xf32>
    %broadcast_in_dim3A_862 = vector.broadcast %broadcast_in_dim3A_861 : vector<1x128xf32> to vector<2000x128xf32>
    %select_n3A_863 = arith.select %broadcast_in_dim3A_860, %broadcast_in_dim3A_862, %select_n3A_852 : vector<2000x128xi1>, vector<2000x128xf32>
    %eq3A_864 = arith.constant 2 : i32
    %eq3A_865 = vector.broadcast %eq3A_864 : i32 to vector<2000x1xi32>
    %eq3A_866 = arith.cmpi eq, %broadcast_in_dim3A_839, %eq3A_865 : vector<2000x1xi32>
    %slice3A_867 = vector.extract_strided_slice %squeeze3A_805 {offsets = [2, 0], sizes = [1, 128], strides = [1, 1]} : vector<32x128xf32> to vector<1x128xf32>
    %squeeze3A_868 = vector.shape_cast %slice3A_867 : vector<1x128xf32> to vector<128xf32>
    %broadcast_in_dim3A_869 = vector.shape_cast %squeeze3A_868 : vector<128xf32> to vector<1x128xf32>
    %broadcast_in_dim3A_870 = vector.shape_cast %eq3A_866 : vector<2000x1xi1> to vector<2000x1xi1>
    %broadcast_in_dim3A_871 = vector.broadcast %broadcast_in_dim3A_870 : vector<2000x1xi1> to vector<2000x128xi1>
    %broadcast_in_dim3A_872 = vector.shape_cast %broadcast_in_dim3A_869 : vector<1x128xf32> to vector<1x128xf32>
    %broadcast_in_dim3A_873 = vector.broadcast %broadcast_in_dim3A_872 : vector<1x128xf32> to vector<2000x128xf32>
    %select_n3A_874 = arith.select %broadcast_in_dim3A_871, %broadcast_in_dim3A_873, %select_n3A_863 : vector<2000x128xi1>, vector<2000x128xf32>
    %eq3A_875 = arith.constant 3 : i32
    %eq3A_876 = vector.broadcast %eq3A_875 : i32 to vector<2000x1xi32>
    %eq3A_877 = arith.cmpi eq, %broadcast_in_dim3A_839, %eq3A_876 : vector<2000x1xi32>
    %slice3A_878 = vector.extract_strided_slice %squeeze3A_805 {offsets = [3, 0], sizes = [1, 128], strides = [1, 1]} : vector<32x128xf32> to vector<1x128xf32>
    %squeeze3A_879 = vector.shape_cast %slice3A_878 : vector<1x128xf32> to vector<128xf32>
    %broadcast_in_dim3A_880 = vector.shape_cast %squeeze3A_879 : vector<128xf32> to vector<1x128xf32>
    %broadcast_in_dim3A_881 = vector.shape_cast %eq3A_877 : vector<2000x1xi1> to vector<2000x1xi1>
    %broadcast_in_dim3A_882 = vector.broadcast %broadcast_in_dim3A_881 : vector<2000x1xi1> to vector<2000x128xi1>
    %broadcast_in_dim3A_883 = vector.shape_cast %broadcast_in_dim3A_880 : vector<1x128xf32> to vector<1x128xf32>
    %broadcast_in_dim3A_884 = vector.broadcast %broadcast_in_dim3A_883 : vector<1x128xf32> to vector<2000x128xf32>
    %select_n3A_885 = arith.select %broadcast_in_dim3A_882, %broadcast_in_dim3A_884, %select_n3A_874 : vector<2000x128xi1>, vector<2000x128xf32>
    %eq3A_886 = arith.constant 4 : i32
    %eq3A_887 = vector.broadcast %eq3A_886 : i32 to vector<2000x1xi32>
    %eq3A_888 = arith.cmpi eq, %broadcast_in_dim3A_839, %eq3A_887 : vector<2000x1xi32>
    %slice3A_889 = vector.extract_strided_slice %squeeze3A_805 {offsets = [4, 0], sizes = [1, 128], strides = [1, 1]} : vector<32x128xf32> to vector<1x128xf32>
    %squeeze3A_890 = vector.shape_cast %slice3A_889 : vector<1x128xf32> to vector<128xf32>
    %broadcast_in_dim3A_891 = vector.shape_cast %squeeze3A_890 : vector<128xf32> to vector<1x128xf32>
    %broadcast_in_dim3A_892 = vector.shape_cast %eq3A_888 : vector<2000x1xi1> to vector<2000x1xi1>
    %broadcast_in_dim3A_893 = vector.broadcast %broadcast_in_dim3A_892 : vector<2000x1xi1> to vector<2000x128xi1>
    %broadcast_in_dim3A_894 = vector.shape_cast %broadcast_in_dim3A_891 : vector<1x128xf32> to vector<1x128xf32>
    %broadcast_in_dim3A_895 = vector.broadcast %broadcast_in_dim3A_894 : vector<1x128xf32> to vector<2000x128xf32>
    %select_n3A_896 = arith.select %broadcast_in_dim3A_893, %broadcast_in_dim3A_895, %select_n3A_885 : vector<2000x128xi1>, vector<2000x128xf32>
    %eq3A_897 = arith.constant 5 : i32
    %eq3A_898 = vector.broadcast %eq3A_897 : i32 to vector<2000x1xi32>
    %eq3A_899 = arith.cmpi eq, %broadcast_in_dim3A_839, %eq3A_898 : vector<2000x1xi32>
    %slice3A_900 = vector.extract_strided_slice %squeeze3A_805 {offsets = [5, 0], sizes = [1, 128], strides = [1, 1]} : vector<32x128xf32> to vector<1x128xf32>
    %squeeze3A_901 = vector.shape_cast %slice3A_900 : vector<1x128xf32> to vector<128xf32>
    %broadcast_in_dim3A_902 = vector.shape_cast %squeeze3A_901 : vector<128xf32> to vector<1x128xf32>
    %broadcast_in_dim3A_903 = vector.shape_cast %eq3A_899 : vector<2000x1xi1> to vector<2000x1xi1>
    %broadcast_in_dim3A_904 = vector.broadcast %broadcast_in_dim3A_903 : vector<2000x1xi1> to vector<2000x128xi1>
    %broadcast_in_dim3A_905 = vector.shape_cast %broadcast_in_dim3A_902 : vector<1x128xf32> to vector<1x128xf32>
    %broadcast_in_dim3A_906 = vector.broadcast %broadcast_in_dim3A_905 : vector<1x128xf32> to vector<2000x128xf32>
    %select_n3A_907 = arith.select %broadcast_in_dim3A_904, %broadcast_in_dim3A_906, %select_n3A_896 : vector<2000x128xi1>, vector<2000x128xf32>
    %eq3A_908 = arith.constant 6 : i32
    %eq3A_909 = vector.broadcast %eq3A_908 : i32 to vector<2000x1xi32>
    %eq3A_910 = arith.cmpi eq, %broadcast_in_dim3A_839, %eq3A_909 : vector<2000x1xi32>
    %slice3A_911 = vector.extract_strided_slice %squeeze3A_805 {offsets = [6, 0], sizes = [1, 128], strides = [1, 1]} : vector<32x128xf32> to vector<1x128xf32>
    %squeeze3A_912 = vector.shape_cast %slice3A_911 : vector<1x128xf32> to vector<128xf32>
    %broadcast_in_dim3A_913 = vector.shape_cast %squeeze3A_912 : vector<128xf32> to vector<1x128xf32>
    %broadcast_in_dim3A_914 = vector.shape_cast %eq3A_910 : vector<2000x1xi1> to vector<2000x1xi1>
    %broadcast_in_dim3A_915 = vector.broadcast %broadcast_in_dim3A_914 : vector<2000x1xi1> to vector<2000x128xi1>
    %broadcast_in_dim3A_916 = vector.shape_cast %broadcast_in_dim3A_913 : vector<1x128xf32> to vector<1x128xf32>
    %broadcast_in_dim3A_917 = vector.broadcast %broadcast_in_dim3A_916 : vector<1x128xf32> to vector<2000x128xf32>
    %select_n3A_918 = arith.select %broadcast_in_dim3A_915, %broadcast_in_dim3A_917, %select_n3A_907 : vector<2000x128xi1>, vector<2000x128xf32>
    %eq3A_919 = arith.constant 7 : i32
    %eq3A_920 = vector.broadcast %eq3A_919 : i32 to vector<2000x1xi32>
    %eq3A_921 = arith.cmpi eq, %broadcast_in_dim3A_839, %eq3A_920 : vector<2000x1xi32>
    %slice3A_922 = vector.extract_strided_slice %squeeze3A_805 {offsets = [7, 0], sizes = [1, 128], strides = [1, 1]} : vector<32x128xf32> to vector<1x128xf32>
    %squeeze3A_923 = vector.shape_cast %slice3A_922 : vector<1x128xf32> to vector<128xf32>
    %broadcast_in_dim3A_924 = vector.shape_cast %squeeze3A_923 : vector<128xf32> to vector<1x128xf32>
    %broadcast_in_dim3A_925 = vector.shape_cast %eq3A_921 : vector<2000x1xi1> to vector<2000x1xi1>
    %broadcast_in_dim3A_926 = vector.broadcast %broadcast_in_dim3A_925 : vector<2000x1xi1> to vector<2000x128xi1>
    %broadcast_in_dim3A_927 = vector.shape_cast %broadcast_in_dim3A_924 : vector<1x128xf32> to vector<1x128xf32>
    %broadcast_in_dim3A_928 = vector.broadcast %broadcast_in_dim3A_927 : vector<1x128xf32> to vector<2000x128xf32>
    %select_n3A_929 = arith.select %broadcast_in_dim3A_926, %broadcast_in_dim3A_928, %select_n3A_918 : vector<2000x128xi1>, vector<2000x128xf32>
    %eq3A_930 = arith.constant 8 : i32
    %eq3A_931 = vector.broadcast %eq3A_930 : i32 to vector<2000x1xi32>
    %eq3A_932 = arith.cmpi eq, %broadcast_in_dim3A_839, %eq3A_931 : vector<2000x1xi32>
    %slice3A_933 = vector.extract_strided_slice %squeeze3A_805 {offsets = [8, 0], sizes = [1, 128], strides = [1, 1]} : vector<32x128xf32> to vector<1x128xf32>
    %squeeze3A_934 = vector.shape_cast %slice3A_933 : vector<1x128xf32> to vector<128xf32>
    %broadcast_in_dim3A_935 = vector.shape_cast %squeeze3A_934 : vector<128xf32> to vector<1x128xf32>
    %broadcast_in_dim3A_936 = vector.shape_cast %eq3A_932 : vector<2000x1xi1> to vector<2000x1xi1>
    %broadcast_in_dim3A_937 = vector.broadcast %broadcast_in_dim3A_936 : vector<2000x1xi1> to vector<2000x128xi1>
    %broadcast_in_dim3A_938 = vector.shape_cast %broadcast_in_dim3A_935 : vector<1x128xf32> to vector<1x128xf32>
    %broadcast_in_dim3A_939 = vector.broadcast %broadcast_in_dim3A_938 : vector<1x128xf32> to vector<2000x128xf32>
    %select_n3A_940 = arith.select %broadcast_in_dim3A_937, %broadcast_in_dim3A_939, %select_n3A_929 : vector<2000x128xi1>, vector<2000x128xf32>
    %eq3A_941 = arith.constant 9 : i32
    %eq3A_942 = vector.broadcast %eq3A_941 : i32 to vector<2000x1xi32>
    %eq3A_943 = arith.cmpi eq, %broadcast_in_dim3A_839, %eq3A_942 : vector<2000x1xi32>
    %slice3A_944 = vector.extract_strided_slice %squeeze3A_805 {offsets = [9, 0], sizes = [1, 128], strides = [1, 1]} : vector<32x128xf32> to vector<1x128xf32>
    %squeeze3A_945 = vector.shape_cast %slice3A_944 : vector<1x128xf32> to vector<128xf32>
    %broadcast_in_dim3A_946 = vector.shape_cast %squeeze3A_945 : vector<128xf32> to vector<1x128xf32>
    %broadcast_in_dim3A_947 = vector.shape_cast %eq3A_943 : vector<2000x1xi1> to vector<2000x1xi1>
    %broadcast_in_dim3A_948 = vector.broadcast %broadcast_in_dim3A_947 : vector<2000x1xi1> to vector<2000x128xi1>
    %broadcast_in_dim3A_949 = vector.shape_cast %broadcast_in_dim3A_946 : vector<1x128xf32> to vector<1x128xf32>
    %broadcast_in_dim3A_950 = vector.broadcast %broadcast_in_dim3A_949 : vector<1x128xf32> to vector<2000x128xf32>
    %select_n3A_951 = arith.select %broadcast_in_dim3A_948, %broadcast_in_dim3A_950, %select_n3A_940 : vector<2000x128xi1>, vector<2000x128xf32>
    %eq3A_952 = arith.constant 10 : i32
    %eq3A_953 = vector.broadcast %eq3A_952 : i32 to vector<2000x1xi32>
    %eq3A_954 = arith.cmpi eq, %broadcast_in_dim3A_839, %eq3A_953 : vector<2000x1xi32>
    %slice3A_955 = vector.extract_strided_slice %squeeze3A_805 {offsets = [10, 0], sizes = [1, 128], strides = [1, 1]} : vector<32x128xf32> to vector<1x128xf32>
    %squeeze3A_956 = vector.shape_cast %slice3A_955 : vector<1x128xf32> to vector<128xf32>
    %broadcast_in_dim3A_957 = vector.shape_cast %squeeze3A_956 : vector<128xf32> to vector<1x128xf32>
    %broadcast_in_dim3A_958 = vector.shape_cast %eq3A_954 : vector<2000x1xi1> to vector<2000x1xi1>
    %broadcast_in_dim3A_959 = vector.broadcast %broadcast_in_dim3A_958 : vector<2000x1xi1> to vector<2000x128xi1>
    %broadcast_in_dim3A_960 = vector.shape_cast %broadcast_in_dim3A_957 : vector<1x128xf32> to vector<1x128xf32>
    %broadcast_in_dim3A_961 = vector.broadcast %broadcast_in_dim3A_960 : vector<1x128xf32> to vector<2000x128xf32>
    %select_n3A_962 = arith.select %broadcast_in_dim3A_959, %broadcast_in_dim3A_961, %select_n3A_951 : vector<2000x128xi1>, vector<2000x128xf32>
    %eq3A_963 = arith.constant 11 : i32
    %eq3A_964 = vector.broadcast %eq3A_963 : i32 to vector<2000x1xi32>
    %eq3A_965 = arith.cmpi eq, %broadcast_in_dim3A_839, %eq3A_964 : vector<2000x1xi32>
    %slice3A_966 = vector.extract_strided_slice %squeeze3A_805 {offsets = [11, 0], sizes = [1, 128], strides = [1, 1]} : vector<32x128xf32> to vector<1x128xf32>
    %squeeze3A_967 = vector.shape_cast %slice3A_966 : vector<1x128xf32> to vector<128xf32>
    %broadcast_in_dim3A_968 = vector.shape_cast %squeeze3A_967 : vector<128xf32> to vector<1x128xf32>
    %broadcast_in_dim3A_969 = vector.shape_cast %eq3A_965 : vector<2000x1xi1> to vector<2000x1xi1>
    %broadcast_in_dim3A_970 = vector.broadcast %broadcast_in_dim3A_969 : vector<2000x1xi1> to vector<2000x128xi1>
    %broadcast_in_dim3A_971 = vector.shape_cast %broadcast_in_dim3A_968 : vector<1x128xf32> to vector<1x128xf32>
    %broadcast_in_dim3A_972 = vector.broadcast %broadcast_in_dim3A_971 : vector<1x128xf32> to vector<2000x128xf32>
    %select_n3A_973 = arith.select %broadcast_in_dim3A_970, %broadcast_in_dim3A_972, %select_n3A_962 : vector<2000x128xi1>, vector<2000x128xf32>
    %eq3A_974 = arith.constant 12 : i32
    %eq3A_975 = vector.broadcast %eq3A_974 : i32 to vector<2000x1xi32>
    %eq3A_976 = arith.cmpi eq, %broadcast_in_dim3A_839, %eq3A_975 : vector<2000x1xi32>
    %slice3A_977 = vector.extract_strided_slice %squeeze3A_805 {offsets = [12, 0], sizes = [1, 128], strides = [1, 1]} : vector<32x128xf32> to vector<1x128xf32>
    %squeeze3A_978 = vector.shape_cast %slice3A_977 : vector<1x128xf32> to vector<128xf32>
    %broadcast_in_dim3A_979 = vector.shape_cast %squeeze3A_978 : vector<128xf32> to vector<1x128xf32>
    %broadcast_in_dim3A_980 = vector.shape_cast %eq3A_976 : vector<2000x1xi1> to vector<2000x1xi1>
    %broadcast_in_dim3A_981 = vector.broadcast %broadcast_in_dim3A_980 : vector<2000x1xi1> to vector<2000x128xi1>
    %broadcast_in_dim3A_982 = vector.shape_cast %broadcast_in_dim3A_979 : vector<1x128xf32> to vector<1x128xf32>
    %broadcast_in_dim3A_983 = vector.broadcast %broadcast_in_dim3A_982 : vector<1x128xf32> to vector<2000x128xf32>
    %select_n3A_984 = arith.select %broadcast_in_dim3A_981, %broadcast_in_dim3A_983, %select_n3A_973 : vector<2000x128xi1>, vector<2000x128xf32>
    %eq3A_985 = arith.constant 13 : i32
    %eq3A_986 = vector.broadcast %eq3A_985 : i32 to vector<2000x1xi32>
    %eq3A_987 = arith.cmpi eq, %broadcast_in_dim3A_839, %eq3A_986 : vector<2000x1xi32>
    %slice3A_988 = vector.extract_strided_slice %squeeze3A_805 {offsets = [13, 0], sizes = [1, 128], strides = [1, 1]} : vector<32x128xf32> to vector<1x128xf32>
    %squeeze3A_989 = vector.shape_cast %slice3A_988 : vector<1x128xf32> to vector<128xf32>
    %broadcast_in_dim3A_990 = vector.shape_cast %squeeze3A_989 : vector<128xf32> to vector<1x128xf32>
    %broadcast_in_dim3A_991 = vector.shape_cast %eq3A_987 : vector<2000x1xi1> to vector<2000x1xi1>
    %broadcast_in_dim3A_992 = vector.broadcast %broadcast_in_dim3A_991 : vector<2000x1xi1> to vector<2000x128xi1>
    %broadcast_in_dim3A_993 = vector.shape_cast %broadcast_in_dim3A_990 : vector<1x128xf32> to vector<1x128xf32>
    %broadcast_in_dim3A_994 = vector.broadcast %broadcast_in_dim3A_993 : vector<1x128xf32> to vector<2000x128xf32>
    %select_n3A_995 = arith.select %broadcast_in_dim3A_992, %broadcast_in_dim3A_994, %select_n3A_984 : vector<2000x128xi1>, vector<2000x128xf32>
    %eq3A_996 = arith.constant 14 : i32
    %eq3A_997 = vector.broadcast %eq3A_996 : i32 to vector<2000x1xi32>
    %eq3A_998 = arith.cmpi eq, %broadcast_in_dim3A_839, %eq3A_997 : vector<2000x1xi32>
    %slice3A_999 = vector.extract_strided_slice %squeeze3A_805 {offsets = [14, 0], sizes = [1, 128], strides = [1, 1]} : vector<32x128xf32> to vector<1x128xf32>
    %squeeze3A_1000 = vector.shape_cast %slice3A_999 : vector<1x128xf32> to vector<128xf32>
    %broadcast_in_dim3A_1001 = vector.shape_cast %squeeze3A_1000 : vector<128xf32> to vector<1x128xf32>
    %broadcast_in_dim3A_1002 = vector.shape_cast %eq3A_998 : vector<2000x1xi1> to vector<2000x1xi1>
    %broadcast_in_dim3A_1003 = vector.broadcast %broadcast_in_dim3A_1002 : vector<2000x1xi1> to vector<2000x128xi1>
    %broadcast_in_dim3A_1004 = vector.shape_cast %broadcast_in_dim3A_1001 : vector<1x128xf32> to vector<1x128xf32>
    %broadcast_in_dim3A_1005 = vector.broadcast %broadcast_in_dim3A_1004 : vector<1x128xf32> to vector<2000x128xf32>
    %select_n3A_1006 = arith.select %broadcast_in_dim3A_1003, %broadcast_in_dim3A_1005, %select_n3A_995 : vector<2000x128xi1>, vector<2000x128xf32>
    %eq3A_1007 = arith.constant 15 : i32
    %eq3A_1008 = vector.broadcast %eq3A_1007 : i32 to vector<2000x1xi32>
    %eq3A_1009 = arith.cmpi eq, %broadcast_in_dim3A_839, %eq3A_1008 : vector<2000x1xi32>
    %slice3A_1010 = vector.extract_strided_slice %squeeze3A_805 {offsets = [15, 0], sizes = [1, 128], strides = [1, 1]} : vector<32x128xf32> to vector<1x128xf32>
    %squeeze3A_1011 = vector.shape_cast %slice3A_1010 : vector<1x128xf32> to vector<128xf32>
    %broadcast_in_dim3A_1012 = vector.shape_cast %squeeze3A_1011 : vector<128xf32> to vector<1x128xf32>
    %broadcast_in_dim3A_1013 = vector.shape_cast %eq3A_1009 : vector<2000x1xi1> to vector<2000x1xi1>
    %broadcast_in_dim3A_1014 = vector.broadcast %broadcast_in_dim3A_1013 : vector<2000x1xi1> to vector<2000x128xi1>
    %broadcast_in_dim3A_1015 = vector.shape_cast %broadcast_in_dim3A_1012 : vector<1x128xf32> to vector<1x128xf32>
    %broadcast_in_dim3A_1016 = vector.broadcast %broadcast_in_dim3A_1015 : vector<1x128xf32> to vector<2000x128xf32>
    %select_n3A_1017 = arith.select %broadcast_in_dim3A_1014, %broadcast_in_dim3A_1016, %select_n3A_1006 : vector<2000x128xi1>, vector<2000x128xf32>
    %eq3A_1018 = arith.constant 16 : i32
    %eq3A_1019 = vector.broadcast %eq3A_1018 : i32 to vector<2000x1xi32>
    %eq3A_1020 = arith.cmpi eq, %broadcast_in_dim3A_839, %eq3A_1019 : vector<2000x1xi32>
    %slice3A_1021 = vector.extract_strided_slice %squeeze3A_805 {offsets = [16, 0], sizes = [1, 128], strides = [1, 1]} : vector<32x128xf32> to vector<1x128xf32>
    %squeeze3A_1022 = vector.shape_cast %slice3A_1021 : vector<1x128xf32> to vector<128xf32>
    %broadcast_in_dim3A_1023 = vector.shape_cast %squeeze3A_1022 : vector<128xf32> to vector<1x128xf32>
    %broadcast_in_dim3A_1024 = vector.shape_cast %eq3A_1020 : vector<2000x1xi1> to vector<2000x1xi1>
    %broadcast_in_dim3A_1025 = vector.broadcast %broadcast_in_dim3A_1024 : vector<2000x1xi1> to vector<2000x128xi1>
    %broadcast_in_dim3A_1026 = vector.shape_cast %broadcast_in_dim3A_1023 : vector<1x128xf32> to vector<1x128xf32>
    %broadcast_in_dim3A_1027 = vector.broadcast %broadcast_in_dim3A_1026 : vector<1x128xf32> to vector<2000x128xf32>
    %select_n3A_1028 = arith.select %broadcast_in_dim3A_1025, %broadcast_in_dim3A_1027, %select_n3A_1017 : vector<2000x128xi1>, vector<2000x128xf32>
    %eq3A_1029 = arith.constant 17 : i32
    %eq3A_1030 = vector.broadcast %eq3A_1029 : i32 to vector<2000x1xi32>
    %eq3A_1031 = arith.cmpi eq, %broadcast_in_dim3A_839, %eq3A_1030 : vector<2000x1xi32>
    %slice3A_1032 = vector.extract_strided_slice %squeeze3A_805 {offsets = [17, 0], sizes = [1, 128], strides = [1, 1]} : vector<32x128xf32> to vector<1x128xf32>
    %squeeze3A_1033 = vector.shape_cast %slice3A_1032 : vector<1x128xf32> to vector<128xf32>
    %broadcast_in_dim3A_1034 = vector.shape_cast %squeeze3A_1033 : vector<128xf32> to vector<1x128xf32>
    %broadcast_in_dim3A_1035 = vector.shape_cast %eq3A_1031 : vector<2000x1xi1> to vector<2000x1xi1>
    %broadcast_in_dim3A_1036 = vector.broadcast %broadcast_in_dim3A_1035 : vector<2000x1xi1> to vector<2000x128xi1>
    %broadcast_in_dim3A_1037 = vector.shape_cast %broadcast_in_dim3A_1034 : vector<1x128xf32> to vector<1x128xf32>
    %broadcast_in_dim3A_1038 = vector.broadcast %broadcast_in_dim3A_1037 : vector<1x128xf32> to vector<2000x128xf32>
    %select_n3A_1039 = arith.select %broadcast_in_dim3A_1036, %broadcast_in_dim3A_1038, %select_n3A_1028 : vector<2000x128xi1>, vector<2000x128xf32>
    %eq3A_1040 = arith.constant 18 : i32
    %eq3A_1041 = vector.broadcast %eq3A_1040 : i32 to vector<2000x1xi32>
    %eq3A_1042 = arith.cmpi eq, %broadcast_in_dim3A_839, %eq3A_1041 : vector<2000x1xi32>
    %slice3A_1043 = vector.extract_strided_slice %squeeze3A_805 {offsets = [18, 0], sizes = [1, 128], strides = [1, 1]} : vector<32x128xf32> to vector<1x128xf32>
    %squeeze3A_1044 = vector.shape_cast %slice3A_1043 : vector<1x128xf32> to vector<128xf32>
    %broadcast_in_dim3A_1045 = vector.shape_cast %squeeze3A_1044 : vector<128xf32> to vector<1x128xf32>
    %broadcast_in_dim3A_1046 = vector.shape_cast %eq3A_1042 : vector<2000x1xi1> to vector<2000x1xi1>
    %broadcast_in_dim3A_1047 = vector.broadcast %broadcast_in_dim3A_1046 : vector<2000x1xi1> to vector<2000x128xi1>
    %broadcast_in_dim3A_1048 = vector.shape_cast %broadcast_in_dim3A_1045 : vector<1x128xf32> to vector<1x128xf32>
    %broadcast_in_dim3A_1049 = vector.broadcast %broadcast_in_dim3A_1048 : vector<1x128xf32> to vector<2000x128xf32>
    %select_n3A_1050 = arith.select %broadcast_in_dim3A_1047, %broadcast_in_dim3A_1049, %select_n3A_1039 : vector<2000x128xi1>, vector<2000x128xf32>
    %eq3A_1051 = arith.constant 19 : i32
    %eq3A_1052 = vector.broadcast %eq3A_1051 : i32 to vector<2000x1xi32>
    %eq3A_1053 = arith.cmpi eq, %broadcast_in_dim3A_839, %eq3A_1052 : vector<2000x1xi32>
    %slice3A_1054 = vector.extract_strided_slice %squeeze3A_805 {offsets = [19, 0], sizes = [1, 128], strides = [1, 1]} : vector<32x128xf32> to vector<1x128xf32>
    %squeeze3A_1055 = vector.shape_cast %slice3A_1054 : vector<1x128xf32> to vector<128xf32>
    %broadcast_in_dim3A_1056 = vector.shape_cast %squeeze3A_1055 : vector<128xf32> to vector<1x128xf32>
    %broadcast_in_dim3A_1057 = vector.shape_cast %eq3A_1053 : vector<2000x1xi1> to vector<2000x1xi1>
    %broadcast_in_dim3A_1058 = vector.broadcast %broadcast_in_dim3A_1057 : vector<2000x1xi1> to vector<2000x128xi1>
    %broadcast_in_dim3A_1059 = vector.shape_cast %broadcast_in_dim3A_1056 : vector<1x128xf32> to vector<1x128xf32>
    %broadcast_in_dim3A_1060 = vector.broadcast %broadcast_in_dim3A_1059 : vector<1x128xf32> to vector<2000x128xf32>
    %select_n3A_1061 = arith.select %broadcast_in_dim3A_1058, %broadcast_in_dim3A_1060, %select_n3A_1050 : vector<2000x128xi1>, vector<2000x128xf32>
    %eq3A_1062 = arith.constant 20 : i32
    %eq3A_1063 = vector.broadcast %eq3A_1062 : i32 to vector<2000x1xi32>
    %eq3A_1064 = arith.cmpi eq, %broadcast_in_dim3A_839, %eq3A_1063 : vector<2000x1xi32>
    %slice3A_1065 = vector.extract_strided_slice %squeeze3A_805 {offsets = [20, 0], sizes = [1, 128], strides = [1, 1]} : vector<32x128xf32> to vector<1x128xf32>
    %squeeze3A_1066 = vector.shape_cast %slice3A_1065 : vector<1x128xf32> to vector<128xf32>
    %broadcast_in_dim3A_1067 = vector.shape_cast %squeeze3A_1066 : vector<128xf32> to vector<1x128xf32>
    %broadcast_in_dim3A_1068 = vector.shape_cast %eq3A_1064 : vector<2000x1xi1> to vector<2000x1xi1>
    %broadcast_in_dim3A_1069 = vector.broadcast %broadcast_in_dim3A_1068 : vector<2000x1xi1> to vector<2000x128xi1>
    %broadcast_in_dim3A_1070 = vector.shape_cast %broadcast_in_dim3A_1067 : vector<1x128xf32> to vector<1x128xf32>
    %broadcast_in_dim3A_1071 = vector.broadcast %broadcast_in_dim3A_1070 : vector<1x128xf32> to vector<2000x128xf32>
    %select_n3A_1072 = arith.select %broadcast_in_dim3A_1069, %broadcast_in_dim3A_1071, %select_n3A_1061 : vector<2000x128xi1>, vector<2000x128xf32>
    %eq3A_1073 = arith.constant 21 : i32
    %eq3A_1074 = vector.broadcast %eq3A_1073 : i32 to vector<2000x1xi32>
    %eq3A_1075 = arith.cmpi eq, %broadcast_in_dim3A_839, %eq3A_1074 : vector<2000x1xi32>
    %slice3A_1076 = vector.extract_strided_slice %squeeze3A_805 {offsets = [21, 0], sizes = [1, 128], strides = [1, 1]} : vector<32x128xf32> to vector<1x128xf32>
    %squeeze3A_1077 = vector.shape_cast %slice3A_1076 : vector<1x128xf32> to vector<128xf32>
    %broadcast_in_dim3A_1078 = vector.shape_cast %squeeze3A_1077 : vector<128xf32> to vector<1x128xf32>
    %broadcast_in_dim3A_1079 = vector.shape_cast %eq3A_1075 : vector<2000x1xi1> to vector<2000x1xi1>
    %broadcast_in_dim3A_1080 = vector.broadcast %broadcast_in_dim3A_1079 : vector<2000x1xi1> to vector<2000x128xi1>
    %broadcast_in_dim3A_1081 = vector.shape_cast %broadcast_in_dim3A_1078 : vector<1x128xf32> to vector<1x128xf32>
    %broadcast_in_dim3A_1082 = vector.broadcast %broadcast_in_dim3A_1081 : vector<1x128xf32> to vector<2000x128xf32>
    %select_n3A_1083 = arith.select %broadcast_in_dim3A_1080, %broadcast_in_dim3A_1082, %select_n3A_1072 : vector<2000x128xi1>, vector<2000x128xf32>
    %eq3A_1084 = arith.constant 22 : i32
    %eq3A_1085 = vector.broadcast %eq3A_1084 : i32 to vector<2000x1xi32>
    %eq3A_1086 = arith.cmpi eq, %broadcast_in_dim3A_839, %eq3A_1085 : vector<2000x1xi32>
    %slice3A_1087 = vector.extract_strided_slice %squeeze3A_805 {offsets = [22, 0], sizes = [1, 128], strides = [1, 1]} : vector<32x128xf32> to vector<1x128xf32>
    %squeeze3A_1088 = vector.shape_cast %slice3A_1087 : vector<1x128xf32> to vector<128xf32>
    %broadcast_in_dim3A_1089 = vector.shape_cast %squeeze3A_1088 : vector<128xf32> to vector<1x128xf32>
    %broadcast_in_dim3A_1090 = vector.shape_cast %eq3A_1086 : vector<2000x1xi1> to vector<2000x1xi1>
    %broadcast_in_dim3A_1091 = vector.broadcast %broadcast_in_dim3A_1090 : vector<2000x1xi1> to vector<2000x128xi1>
    %broadcast_in_dim3A_1092 = vector.shape_cast %broadcast_in_dim3A_1089 : vector<1x128xf32> to vector<1x128xf32>
    %broadcast_in_dim3A_1093 = vector.broadcast %broadcast_in_dim3A_1092 : vector<1x128xf32> to vector<2000x128xf32>
    %select_n3A_1094 = arith.select %broadcast_in_dim3A_1091, %broadcast_in_dim3A_1093, %select_n3A_1083 : vector<2000x128xi1>, vector<2000x128xf32>
    %eq3A_1095 = arith.constant 23 : i32
    %eq3A_1096 = vector.broadcast %eq3A_1095 : i32 to vector<2000x1xi32>
    %eq3A_1097 = arith.cmpi eq, %broadcast_in_dim3A_839, %eq3A_1096 : vector<2000x1xi32>
    %slice3A_1098 = vector.extract_strided_slice %squeeze3A_805 {offsets = [23, 0], sizes = [1, 128], strides = [1, 1]} : vector<32x128xf32> to vector<1x128xf32>
    %squeeze3A_1099 = vector.shape_cast %slice3A_1098 : vector<1x128xf32> to vector<128xf32>
    %broadcast_in_dim3A_1100 = vector.shape_cast %squeeze3A_1099 : vector<128xf32> to vector<1x128xf32>
    %broadcast_in_dim3A_1101 = vector.shape_cast %eq3A_1097 : vector<2000x1xi1> to vector<2000x1xi1>
    %broadcast_in_dim3A_1102 = vector.broadcast %broadcast_in_dim3A_1101 : vector<2000x1xi1> to vector<2000x128xi1>
    %broadcast_in_dim3A_1103 = vector.shape_cast %broadcast_in_dim3A_1100 : vector<1x128xf32> to vector<1x128xf32>
    %broadcast_in_dim3A_1104 = vector.broadcast %broadcast_in_dim3A_1103 : vector<1x128xf32> to vector<2000x128xf32>
    %select_n3A_1105 = arith.select %broadcast_in_dim3A_1102, %broadcast_in_dim3A_1104, %select_n3A_1094 : vector<2000x128xi1>, vector<2000x128xf32>
    %eq3A_1106 = arith.constant 24 : i32
    %eq3A_1107 = vector.broadcast %eq3A_1106 : i32 to vector<2000x1xi32>
    %eq3A_1108 = arith.cmpi eq, %broadcast_in_dim3A_839, %eq3A_1107 : vector<2000x1xi32>
    %slice3A_1109 = vector.extract_strided_slice %squeeze3A_805 {offsets = [24, 0], sizes = [1, 128], strides = [1, 1]} : vector<32x128xf32> to vector<1x128xf32>
    %squeeze3A_1110 = vector.shape_cast %slice3A_1109 : vector<1x128xf32> to vector<128xf32>
    %broadcast_in_dim3A_1111 = vector.shape_cast %squeeze3A_1110 : vector<128xf32> to vector<1x128xf32>
    %broadcast_in_dim3A_1112 = vector.shape_cast %eq3A_1108 : vector<2000x1xi1> to vector<2000x1xi1>
    %broadcast_in_dim3A_1113 = vector.broadcast %broadcast_in_dim3A_1112 : vector<2000x1xi1> to vector<2000x128xi1>
    %broadcast_in_dim3A_1114 = vector.shape_cast %broadcast_in_dim3A_1111 : vector<1x128xf32> to vector<1x128xf32>
    %broadcast_in_dim3A_1115 = vector.broadcast %broadcast_in_dim3A_1114 : vector<1x128xf32> to vector<2000x128xf32>
    %select_n3A_1116 = arith.select %broadcast_in_dim3A_1113, %broadcast_in_dim3A_1115, %select_n3A_1105 : vector<2000x128xi1>, vector<2000x128xf32>
    %eq3A_1117 = arith.constant 25 : i32
    %eq3A_1118 = vector.broadcast %eq3A_1117 : i32 to vector<2000x1xi32>
    %eq3A_1119 = arith.cmpi eq, %broadcast_in_dim3A_839, %eq3A_1118 : vector<2000x1xi32>
    %slice3A_1120 = vector.extract_strided_slice %squeeze3A_805 {offsets = [25, 0], sizes = [1, 128], strides = [1, 1]} : vector<32x128xf32> to vector<1x128xf32>
    %squeeze3A_1121 = vector.shape_cast %slice3A_1120 : vector<1x128xf32> to vector<128xf32>
    %broadcast_in_dim3A_1122 = vector.shape_cast %squeeze3A_1121 : vector<128xf32> to vector<1x128xf32>
    %broadcast_in_dim3A_1123 = vector.shape_cast %eq3A_1119 : vector<2000x1xi1> to vector<2000x1xi1>
    %broadcast_in_dim3A_1124 = vector.broadcast %broadcast_in_dim3A_1123 : vector<2000x1xi1> to vector<2000x128xi1>
    %broadcast_in_dim3A_1125 = vector.shape_cast %broadcast_in_dim3A_1122 : vector<1x128xf32> to vector<1x128xf32>
    %broadcast_in_dim3A_1126 = vector.broadcast %broadcast_in_dim3A_1125 : vector<1x128xf32> to vector<2000x128xf32>
    %select_n3A_1127 = arith.select %broadcast_in_dim3A_1124, %broadcast_in_dim3A_1126, %select_n3A_1116 : vector<2000x128xi1>, vector<2000x128xf32>
    %eq3A_1128 = arith.constant 26 : i32
    %eq3A_1129 = vector.broadcast %eq3A_1128 : i32 to vector<2000x1xi32>
    %eq3A_1130 = arith.cmpi eq, %broadcast_in_dim3A_839, %eq3A_1129 : vector<2000x1xi32>
    %slice3A_1131 = vector.extract_strided_slice %squeeze3A_805 {offsets = [26, 0], sizes = [1, 128], strides = [1, 1]} : vector<32x128xf32> to vector<1x128xf32>
    %squeeze3A_1132 = vector.shape_cast %slice3A_1131 : vector<1x128xf32> to vector<128xf32>
    %broadcast_in_dim3A_1133 = vector.shape_cast %squeeze3A_1132 : vector<128xf32> to vector<1x128xf32>
    %broadcast_in_dim3A_1134 = vector.shape_cast %eq3A_1130 : vector<2000x1xi1> to vector<2000x1xi1>
    %broadcast_in_dim3A_1135 = vector.broadcast %broadcast_in_dim3A_1134 : vector<2000x1xi1> to vector<2000x128xi1>
    %broadcast_in_dim3A_1136 = vector.shape_cast %broadcast_in_dim3A_1133 : vector<1x128xf32> to vector<1x128xf32>
    %broadcast_in_dim3A_1137 = vector.broadcast %broadcast_in_dim3A_1136 : vector<1x128xf32> to vector<2000x128xf32>
    %select_n3A_1138 = arith.select %broadcast_in_dim3A_1135, %broadcast_in_dim3A_1137, %select_n3A_1127 : vector<2000x128xi1>, vector<2000x128xf32>
    %eq3A_1139 = arith.constant 27 : i32
    %eq3A_1140 = vector.broadcast %eq3A_1139 : i32 to vector<2000x1xi32>
    %eq3A_1141 = arith.cmpi eq, %broadcast_in_dim3A_839, %eq3A_1140 : vector<2000x1xi32>
    %slice3A_1142 = vector.extract_strided_slice %squeeze3A_805 {offsets = [27, 0], sizes = [1, 128], strides = [1, 1]} : vector<32x128xf32> to vector<1x128xf32>
    %squeeze3A_1143 = vector.shape_cast %slice3A_1142 : vector<1x128xf32> to vector<128xf32>
    %broadcast_in_dim3A_1144 = vector.shape_cast %squeeze3A_1143 : vector<128xf32> to vector<1x128xf32>
    %broadcast_in_dim3A_1145 = vector.shape_cast %eq3A_1141 : vector<2000x1xi1> to vector<2000x1xi1>
    %broadcast_in_dim3A_1146 = vector.broadcast %broadcast_in_dim3A_1145 : vector<2000x1xi1> to vector<2000x128xi1>
    %broadcast_in_dim3A_1147 = vector.shape_cast %broadcast_in_dim3A_1144 : vector<1x128xf32> to vector<1x128xf32>
    %broadcast_in_dim3A_1148 = vector.broadcast %broadcast_in_dim3A_1147 : vector<1x128xf32> to vector<2000x128xf32>
    %select_n3A_1149 = arith.select %broadcast_in_dim3A_1146, %broadcast_in_dim3A_1148, %select_n3A_1138 : vector<2000x128xi1>, vector<2000x128xf32>
    %eq3A_1150 = arith.constant 28 : i32
    %eq3A_1151 = vector.broadcast %eq3A_1150 : i32 to vector<2000x1xi32>
    %eq3A_1152 = arith.cmpi eq, %broadcast_in_dim3A_839, %eq3A_1151 : vector<2000x1xi32>
    %slice3A_1153 = vector.extract_strided_slice %squeeze3A_805 {offsets = [28, 0], sizes = [1, 128], strides = [1, 1]} : vector<32x128xf32> to vector<1x128xf32>
    %squeeze3A_1154 = vector.shape_cast %slice3A_1153 : vector<1x128xf32> to vector<128xf32>
    %broadcast_in_dim3A_1155 = vector.shape_cast %squeeze3A_1154 : vector<128xf32> to vector<1x128xf32>
    %broadcast_in_dim3A_1156 = vector.shape_cast %eq3A_1152 : vector<2000x1xi1> to vector<2000x1xi1>
    %broadcast_in_dim3A_1157 = vector.broadcast %broadcast_in_dim3A_1156 : vector<2000x1xi1> to vector<2000x128xi1>
    %broadcast_in_dim3A_1158 = vector.shape_cast %broadcast_in_dim3A_1155 : vector<1x128xf32> to vector<1x128xf32>
    %broadcast_in_dim3A_1159 = vector.broadcast %broadcast_in_dim3A_1158 : vector<1x128xf32> to vector<2000x128xf32>
    %select_n3A_1160 = arith.select %broadcast_in_dim3A_1157, %broadcast_in_dim3A_1159, %select_n3A_1149 : vector<2000x128xi1>, vector<2000x128xf32>
    %eq3A_1161 = arith.constant 29 : i32
    %eq3A_1162 = vector.broadcast %eq3A_1161 : i32 to vector<2000x1xi32>
    %eq3A_1163 = arith.cmpi eq, %broadcast_in_dim3A_839, %eq3A_1162 : vector<2000x1xi32>
    %slice3A_1164 = vector.extract_strided_slice %squeeze3A_805 {offsets = [29, 0], sizes = [1, 128], strides = [1, 1]} : vector<32x128xf32> to vector<1x128xf32>
    %squeeze3A_1165 = vector.shape_cast %slice3A_1164 : vector<1x128xf32> to vector<128xf32>
    %broadcast_in_dim3A_1166 = vector.shape_cast %squeeze3A_1165 : vector<128xf32> to vector<1x128xf32>
    %broadcast_in_dim3A_1167 = vector.shape_cast %eq3A_1163 : vector<2000x1xi1> to vector<2000x1xi1>
    %broadcast_in_dim3A_1168 = vector.broadcast %broadcast_in_dim3A_1167 : vector<2000x1xi1> to vector<2000x128xi1>
    %broadcast_in_dim3A_1169 = vector.shape_cast %broadcast_in_dim3A_1166 : vector<1x128xf32> to vector<1x128xf32>
    %broadcast_in_dim3A_1170 = vector.broadcast %broadcast_in_dim3A_1169 : vector<1x128xf32> to vector<2000x128xf32>
    %select_n3A_1171 = arith.select %broadcast_in_dim3A_1168, %broadcast_in_dim3A_1170, %select_n3A_1160 : vector<2000x128xi1>, vector<2000x128xf32>
    %eq3A_1172 = arith.constant 30 : i32
    %eq3A_1173 = vector.broadcast %eq3A_1172 : i32 to vector<2000x1xi32>
    %eq3A_1174 = arith.cmpi eq, %broadcast_in_dim3A_839, %eq3A_1173 : vector<2000x1xi32>
    %slice3A_1175 = vector.extract_strided_slice %squeeze3A_805 {offsets = [30, 0], sizes = [1, 128], strides = [1, 1]} : vector<32x128xf32> to vector<1x128xf32>
    %squeeze3A_1176 = vector.shape_cast %slice3A_1175 : vector<1x128xf32> to vector<128xf32>
    %broadcast_in_dim3A_1177 = vector.shape_cast %squeeze3A_1176 : vector<128xf32> to vector<1x128xf32>
    %broadcast_in_dim3A_1178 = vector.shape_cast %eq3A_1174 : vector<2000x1xi1> to vector<2000x1xi1>
    %broadcast_in_dim3A_1179 = vector.broadcast %broadcast_in_dim3A_1178 : vector<2000x1xi1> to vector<2000x128xi1>
    %broadcast_in_dim3A_1180 = vector.shape_cast %broadcast_in_dim3A_1177 : vector<1x128xf32> to vector<1x128xf32>
    %broadcast_in_dim3A_1181 = vector.broadcast %broadcast_in_dim3A_1180 : vector<1x128xf32> to vector<2000x128xf32>
    %select_n3A_1182 = arith.select %broadcast_in_dim3A_1179, %broadcast_in_dim3A_1181, %select_n3A_1171 : vector<2000x128xi1>, vector<2000x128xf32>
    %eq3A_1183 = arith.constant 31 : i32
    %eq3A_1184 = vector.broadcast %eq3A_1183 : i32 to vector<2000x1xi32>
    %eq3A_1185 = arith.cmpi eq, %broadcast_in_dim3A_839, %eq3A_1184 : vector<2000x1xi32>
    %slice3A_1186 = vector.extract_strided_slice %squeeze3A_805 {offsets = [31, 0], sizes = [1, 128], strides = [1, 1]} : vector<32x128xf32> to vector<1x128xf32>
    %squeeze3A_1187 = vector.shape_cast %slice3A_1186 : vector<1x128xf32> to vector<128xf32>
    %broadcast_in_dim3A_1188 = vector.shape_cast %squeeze3A_1187 : vector<128xf32> to vector<1x128xf32>
    %broadcast_in_dim3A_1189 = vector.shape_cast %eq3A_1185 : vector<2000x1xi1> to vector<2000x1xi1>
    %broadcast_in_dim3A_1190 = vector.broadcast %broadcast_in_dim3A_1189 : vector<2000x1xi1> to vector<2000x128xi1>
    %broadcast_in_dim3A_1191 = vector.shape_cast %broadcast_in_dim3A_1188 : vector<1x128xf32> to vector<1x128xf32>
    %broadcast_in_dim3A_1192 = vector.broadcast %broadcast_in_dim3A_1191 : vector<1x128xf32> to vector<2000x128xf32>
    %select_n3A_1193 = arith.select %broadcast_in_dim3A_1190, %broadcast_in_dim3A_1192, %select_n3A_1182 : vector<2000x128xi1>, vector<2000x128xf32>
    %sub3A_1194 = arith.subf %select_n3A_1193, %sub3A_799 : vector<2000x128xf32>
    %integer_pow3A_1195 = arith.mulf %sub3A_1194, %sub3A_1194 : vector<2000x128xf32>
    %reduce_sum3A_1196 = vector.shape_cast %integer_pow3A_1195 : vector<2000x128xf32> to vector<1x2000x128xf32>
    %reduce_sum3A_1197 = arith.constant dense<0.000000e+00> : vector<1xf32>
    %reduce_sum3A_1198 = vector.multi_reduction <add>, %reduce_sum3A_1196, %reduce_sum3A_1197 [1, 2] : vector<1x2000x128xf32> to vector<1xf32>
    %reduce_sum3A_1199 = vector.shape_cast %reduce_sum3A_1198 : vector<1xf32> to vector<1x1x1xf32>
    %reduce_sum3A_1200 = vector.extract %reduce_sum3A_1199[0, 0, 0] : f32 from vector<1x1x1xf32>
    %div3A_1201 = arith.constant 1.280000e+06 : f32
    %div3A_1202 = arith.divf %reduce_sum3A_1200, %div3A_1201 : f32
    %mul3A_1203 = arith.constant 2.500000e-01 : f32
    %mul3A_1204 = arith.mulf %mul3A_1203, %div3A_1202 : f32
    %add3A_1205 = arith.addf %add3A_798, %mul3A_1204 : f32
    %shift_left3A_1206 = arith.constant 10 : i32
    %shift_left3A_1207 = vector.broadcast %shift_left3A_1206 : i32 to vector<2000x1xi32>
    %shift_left3A_1208 = arith.shli %broadcast_in_dim3A_839, %shift_left3A_1207 : vector<2000x1xi32>
    %add3A_1209 = arith.addi %add3A_803, %shift_left3A_1208 : vector<2000x1xi32>
    %swap3A = arith.constant 0 : index
    %swap3A_1210 = arith.constant 0 : index
    %swap3A_1211 = vector.load %arg3[%swap3A, %swap3A_1210] : memref<2000x1xi32, #tpu.memory_space<vmem>>, vector<2000x1xi32>
    tpu.vector_store %arg3[%swap3A, %swap3A_1210], %add3A_1209 {strides = array<i32>} : memref<2000x1xi32, #tpu.memory_space<vmem>>, vector<2000x1xi32>,
    %eq3A_1212 = arith.constant 0 : i32
    %eq3A_1213 = arith.cmpi eq, %arg0, %eq3A_1212 : i32
    %convert_element_type3A = arith.extui %eq3A_1213 : i1 to i32
    %cond3A = arith.constant 0 : i32
    %cond3A_1214 = arith.cmpi ne, %convert_element_type3A, %cond3A : i32
    scf.if %cond3A_1214 {
      %broadcast_in_dim3A_1222 = arith.constant 0.000000e+00 : f32
      %broadcast_in_dim3A_1223 = vector.broadcast %broadcast_in_dim3A_1222 : f32 to vector<1x1xf32>
      %swap3A_1224 = arith.constant 0 : index
      %swap3A_1225 = arith.constant 0 : index
      %swap3A_1226 = vector.load %arg4[%swap3A_1224, %swap3A_1225] : memref<1x1xf32, #tpu.memory_space<vmem>>, vector<1x1xf32>
      tpu.vector_store %arg4[%swap3A_1224, %swap3A_1225], %broadcast_in_dim3A_1223 {strides = array<i32>} : memref<1x1xf32, #tpu.memory_space<vmem>>, vector<1x1xf32>,
    } else {
    }
    %get3A_1215 = arith.constant 0 : index
    %get3A_1216 = arith.constant 0 : index
    %get3A_1217 = vector.load %arg4[%get3A_1215, %get3A_1216] : memref<1x1xf32, #tpu.memory_space<vmem>>, vector<1x1xf32>
    %reshape3A = vector.broadcast %add3A_1205 : f32 to vector<1x1xf32>
    %add3A_1218 = arith.addf %get3A_1217, %reshape3A : vector<1x1xf32>
    %swap3A_1219 = arith.constant 0 : index
    %swap3A_1220 = arith.constant 0 : index
    %swap3A_1221 = vector.load %arg4[%swap3A_1219, %swap3A_1220] : memref<1x1xf32, #tpu.memory_space<vmem>>, vector<1x1xf32>
    tpu.vector_store %arg4[%swap3A_1219, %swap3A_1220], %add3A_1218 {strides = array<i32>} : memref<1x1xf32, #tpu.memory_space<vmem>>, vector<1x1xf32>,
    return
  }
  func.func @transform_0(%arg0: i32) -> (i32, i32) {
    %c0_i32 = arith.constant 0 : i32
    %c0_i32_0 = arith.constant 0 : i32
    return %arg0, %c0_i32 : i32, i32
  }
  func.func @transform_1(%arg0: i32) -> (i32, i32, i32) {
    %c0_i32 = arith.constant 0 : i32
    %c0_i32_0 = arith.constant 0 : i32
    %c0_i32_1 = arith.constant 0 : i32
    %c0_i32_2 = arith.constant 0 : i32
    return %c0_i32, %c0_i32_0, %c0_i32_1 : i32, i32, i32
  }
  func.func @transform_2(%arg0: i32) -> (i32, i32) {
    %c0_i32 = arith.constant 0 : i32
    %c0_i32_0 = arith.constant 0 : i32
    return %arg0, %c0_i32 : i32, i32
  }
  func.func @transform_3(%arg0: i32) -> (i32, i32) {
    %c0_i32 = arith.constant 0 : i32
    %c0_i32_0 = arith.constant 0 : i32
    %c0_i32_1 = arith.constant 0 : i32
    return %c0_i32, %c0_i32_0 : i32, i32
  }
}

module attributes {stable_mosaic.version = 14 : i64} {
  func.func @_tc_fin_body(%arg0: i32, %arg1: memref<2x2000x128xf32, #tpu.memory_space<vmem>>, %arg2: memref<2000x128xf32, #tpu.memory_space<vmem>>, %arg3: memref<2000x1xf32, #tpu.memory_space<vmem>>, %arg4: memref<1x128xf32, #tpu.memory_space<vmem>>, %arg5: memref<3x32x128xf32, #tpu.memory_space<vmem>>, %arg6: memref<128x128xf32, #tpu.memory_space<vmem>>, %arg7: memref<1x128xf32, #tpu.memory_space<vmem>>, %arg8: memref<128x6xf32, #tpu.memory_space<vmem>>, %arg9: memref<1x6xf32, #tpu.memory_space<vmem>>, %arg10: memref<1x1xf32, #tpu.memory_space<vmem>>, %arg11: memref<2000x128xf32, #tpu.memory_space<vmem>>, %arg12: memref<2000x6xf32, #tpu.memory_space<vmem>>, %arg13: memref<2000x1xi32, #tpu.memory_space<vmem>>, %arg14: memref<1x1xf32, #tpu.memory_space<vmem>>) attributes {dimension_semantics = [#tpu.dimension_semantics<arbitrary>], iteration_bounds = array<i64: 5>, scalar_prefetch = 0 : i64, scratch_operands = 0 : i64, tpu.core_type = #tpu.core_type<tc>, window_params = [{transform_indices = @transform_0, window_bounds = array<i64: 2, 2000, 128>}, {transform_indices = @transform_1, window_bounds = array<i64: 2000, 128>}, {transform_indices = @transform_2, window_bounds = array<i64: 2000, 1>}, {pipeline_mode = #tpu.pipeline_mode<synchronous>, transform_indices = @transform_3, window_bounds = array<i64: 1, 128>}, {pipeline_mode = #tpu.pipeline_mode<synchronous>, transform_indices = @transform_4, window_bounds = array<i64: 3, 32, 128>}, {pipeline_mode = #tpu.pipeline_mode<synchronous>, transform_indices = @transform_5, window_bounds = array<i64: 128, 128>}, {pipeline_mode = #tpu.pipeline_mode<synchronous>, transform_indices = @transform_6, window_bounds = array<i64: 1, 128>}, {pipeline_mode = #tpu.pipeline_mode<synchronous>, transform_indices = @transform_7, window_bounds = array<i64: 128, 6>}, {pipeline_mode = #tpu.pipeline_mode<synchronous>, transform_indices = @transform_8, window_bounds = array<i64: 1, 6>}, {pipeline_mode = #tpu.pipeline_mode<synchronous>, transform_indices = @transform_9, window_bounds = array<i64: 1, 1>}, {transform_indices = @transform_10, window_bounds = array<i64: 2000, 128>}, {transform_indices = @transform_11, window_bounds = array<i64: 2000, 6>}, {transform_indices = @transform_12, window_bounds = array<i64: 2000, 1>}, {pipeline_mode = #tpu.pipeline_mode<synchronous>, transform_indices = @transform_13, window_bounds = array<i64: 1, 1>}]} {
    %get3A = arith.constant 0 : index
    %get3A_0 = arith.constant 0 : index
    %get3A_1 = arith.constant 0 : index
    %get3A_2 = vector.load %arg1[%get3A, %get3A_0, %get3A_1] : memref<2x2000x128xf32, #tpu.memory_space<vmem>>, vector<2x2000x128xf32>
    %get3A_3 = arith.constant 0 : index
    %get3A_4 = arith.constant 0 : index
    %get3A_5 = vector.load %arg3[%get3A_3, %get3A_4] : memref<2000x1xf32, #tpu.memory_space<vmem>>, vector<2000x1xf32>
    %slice3A = vector.extract_strided_slice %get3A_2 {offsets = [0, 0, 0], sizes = [1, 2000, 128], strides = [1, 1, 1]} : vector<2x2000x128xf32> to vector<1x2000x128xf32>
    %squeeze3A = vector.shape_cast %slice3A : vector<1x2000x128xf32> to vector<2000x128xf32>
    %slice3A_6 = vector.extract_strided_slice %get3A_2 {offsets = [1, 0, 0], sizes = [1, 2000, 128], strides = [1, 1, 1]} : vector<2x2000x128xf32> to vector<1x2000x128xf32>
    %squeeze3A_7 = vector.shape_cast %slice3A_6 : vector<1x2000x128xf32> to vector<2000x128xf32>
    %add3A = arith.addf %squeeze3A, %squeeze3A_7 : vector<2000x128xf32>
    %get3A_8 = arith.constant 0 : index
    %get3A_9 = arith.constant 0 : index
    %get3A_10 = vector.load %arg2[%get3A_8, %get3A_9] : memref<2000x128xf32, #tpu.memory_space<vmem>>, vector<2000x128xf32>
    %add3A_11 = arith.addf %add3A, %get3A_10 : vector<2000x128xf32>
    %mul3A = vector.broadcast %get3A_5 : vector<2000x1xf32> to vector<2000x128xf32>
    %mul3A_12 = arith.mulf %mul3A, %add3A_11 : vector<2000x128xf32>
    %get3A_13 = arith.constant 0 : index
    %get3A_14 = arith.constant 0 : index
    %get3A_15 = vector.load %arg4[%get3A_13, %get3A_14] : memref<1x128xf32, #tpu.memory_space<vmem>>, vector<1x128xf32>
    %add3A_16 = vector.broadcast %get3A_15 : vector<1x128xf32> to vector<2000x128xf32>
    %add3A_17 = arith.addf %mul3A_12, %add3A_16 : vector<2000x128xf32>
    %get3A_18 = arith.constant 0 : index
    %get3A_19 = arith.constant 0 : index
    %get3A_20 = arith.constant 0 : index
    %get3A_21 = vector.load %arg5[%get3A_18, %get3A_19, %get3A_20] : memref<3x32x128xf32, #tpu.memory_space<vmem>>, vector<3x32x128xf32>
    %broadcast_in_dim3A = arith.constant 0 : i32
    %broadcast_in_dim3A_22 = vector.broadcast %broadcast_in_dim3A : i32 to vector<2000x1xi32>
    %slice3A_23 = vector.extract_strided_slice %get3A_21 {offsets = [0, 0, 0], sizes = [1, 32, 128], strides = [1, 1, 1]} : vector<3x32x128xf32> to vector<1x32x128xf32>
    %squeeze3A_24 = vector.shape_cast %slice3A_23 : vector<1x32x128xf32> to vector<32x128xf32>
    %mul3A_25 = arith.mulf %add3A_17, %add3A_17 : vector<2000x128xf32>
    %reduce_sum3A = arith.constant dense<0.000000e+00> : vector<2000xf32>
    %reduce_sum3A_26 = vector.multi_reduction <add>, %mul3A_25, %reduce_sum3A [1] : vector<2000x128xf32> to vector<2000xf32>
    %broadcast_in_dim3A_27 = vector.shape_cast %reduce_sum3A_26 : vector<2000xf32> to vector<2000x1xf32>
    %sqrt3A = math.sqrt %broadcast_in_dim3A_27 : vector<2000x1xf32>
    %add3A_28 = arith.constant 9.99999993E-9 : f32
    %add3A_29 = vector.broadcast %add3A_28 : f32 to vector<2000x1xf32>
    %add3A_30 = arith.addf %sqrt3A, %add3A_29 : vector<2000x1xf32>
    %div3A = vector.broadcast %add3A_30 : vector<2000x1xf32> to vector<2000x128xf32>
    %div3A_31 = arith.divf %add3A_17, %div3A : vector<2000x128xf32>
    %mul3A_32 = arith.mulf %squeeze3A_24, %squeeze3A_24 : vector<32x128xf32>
    %reduce_sum3A_33 = arith.constant dense<0.000000e+00> : vector<32xf32>
    %reduce_sum3A_34 = vector.multi_reduction <add>, %mul3A_32, %reduce_sum3A_33 [1] : vector<32x128xf32> to vector<32xf32>
    %broadcast_in_dim3A_35 = vector.shape_cast %reduce_sum3A_34 : vector<32xf32> to vector<32x1xf32>
    %sqrt3A_36 = math.sqrt %broadcast_in_dim3A_35 : vector<32x1xf32>
    %add3A_37 = arith.constant 9.99999993E-9 : f32
    %add3A_38 = vector.broadcast %add3A_37 : f32 to vector<32x1xf32>
    %add3A_39 = arith.addf %sqrt3A_36, %add3A_38 : vector<32x1xf32>
    %div3A_40 = vector.broadcast %add3A_39 : vector<32x1xf32> to vector<32x128xf32>
    %div3A_41 = arith.divf %squeeze3A_24, %div3A_40 : vector<32x128xf32>
    %dot_general3A = arith.constant dense<0.000000e+00> : vector<2000x32xf32>
    %dot_general3A_42 = tpu.matmul %div3A_31, %div3A_41, %dot_general3A {dimension_numbers = #tpu.dot_dimension_numbers<[1], [1], [0], [0], [0, 0, 1, 0], [], []>, transpose_lhs_hint = false} : vector<2000x128xf32>, vector<32x128xf32>, vector<2000x32xf32> -> vector<2000x32xf32>
    %reduce_max3A = arith.constant dense<0xFF800000> : vector<2000xf32>
    %reduce_max3A_43 = vector.multi_reduction <maximumf>, %dot_general3A_42, %reduce_max3A [1] : vector<2000x32xf32> to vector<2000xf32>
    %broadcast_in_dim3A_44 = vector.shape_cast %reduce_max3A_43 : vector<2000xf32> to vector<2000x1xf32>
    %iota3A = tpu.iota {dimensions = array<i32: 1>} : vector<2000x32xi32>
    %ge3A = vector.broadcast %broadcast_in_dim3A_44 : vector<2000x1xf32> to vector<2000x32xf32>
    %ge3A_45 = arith.cmpf oge, %dot_general3A_42, %ge3A : vector<2000x32xf32>
    %jit3A = arith.constant 32 : i32
    %broadcast_in_dim3A_46 = vector.broadcast %jit3A : i32 to vector<2000x32xi32>
    %select_n3A = arith.select %ge3A_45, %iota3A, %broadcast_in_dim3A_46 : vector<2000x32xi1>, vector<2000x32xi32>
    %reduce_min3A = arith.constant dense<2147483647> : vector<2000xi32>
    %reduce_min3A_47 = vector.multi_reduction <minsi>, %select_n3A, %reduce_min3A [1] : vector<2000x32xi32> to vector<2000xi32>
    %broadcast_in_dim3A_48 = vector.shape_cast %reduce_min3A_47 : vector<2000xi32> to vector<2000x1xi32>
    %broadcast_in_dim3A_49 = arith.constant 0.000000e+00 : f32
    %broadcast_in_dim3A_50 = vector.broadcast %broadcast_in_dim3A_49 : f32 to vector<2000x128xf32>
    %eq3A = arith.constant 0 : i32
    %eq3A_51 = vector.broadcast %eq3A : i32 to vector<2000x1xi32>
    %eq3A_52 = arith.cmpi eq, %broadcast_in_dim3A_48, %eq3A_51 : vector<2000x1xi32>
    %slice3A_53 = vector.extract_strided_slice %squeeze3A_24 {offsets = [0, 0], sizes = [1, 128], strides = [1, 1]} : vector<32x128xf32> to vector<1x128xf32>
    %squeeze3A_54 = vector.shape_cast %slice3A_53 : vector<1x128xf32> to vector<128xf32>
    %broadcast_in_dim3A_55 = vector.shape_cast %squeeze3A_54 : vector<128xf32> to vector<1x128xf32>
    %broadcast_in_dim3A_56 = vector.shape_cast %eq3A_52 : vector<2000x1xi1> to vector<2000x1xi1>
    %broadcast_in_dim3A_57 = vector.broadcast %broadcast_in_dim3A_56 : vector<2000x1xi1> to vector<2000x128xi1>
    %broadcast_in_dim3A_58 = vector.shape_cast %broadcast_in_dim3A_55 : vector<1x128xf32> to vector<1x128xf32>
    %broadcast_in_dim3A_59 = vector.broadcast %broadcast_in_dim3A_58 : vector<1x128xf32> to vector<2000x128xf32>
    %select_n3A_60 = arith.select %broadcast_in_dim3A_57, %broadcast_in_dim3A_59, %broadcast_in_dim3A_50 : vector<2000x128xi1>, vector<2000x128xf32>
    %eq3A_61 = arith.constant 1 : i32
    %eq3A_62 = vector.broadcast %eq3A_61 : i32 to vector<2000x1xi32>
    %eq3A_63 = arith.cmpi eq, %broadcast_in_dim3A_48, %eq3A_62 : vector<2000x1xi32>
    %slice3A_64 = vector.extract_strided_slice %squeeze3A_24 {offsets = [1, 0], sizes = [1, 128], strides = [1, 1]} : vector<32x128xf32> to vector<1x128xf32>
    %squeeze3A_65 = vector.shape_cast %slice3A_64 : vector<1x128xf32> to vector<128xf32>
    %broadcast_in_dim3A_66 = vector.shape_cast %squeeze3A_65 : vector<128xf32> to vector<1x128xf32>
    %broadcast_in_dim3A_67 = vector.shape_cast %eq3A_63 : vector<2000x1xi1> to vector<2000x1xi1>
    %broadcast_in_dim3A_68 = vector.broadcast %broadcast_in_dim3A_67 : vector<2000x1xi1> to vector<2000x128xi1>
    %broadcast_in_dim3A_69 = vector.shape_cast %broadcast_in_dim3A_66 : vector<1x128xf32> to vector<1x128xf32>
    %broadcast_in_dim3A_70 = vector.broadcast %broadcast_in_dim3A_69 : vector<1x128xf32> to vector<2000x128xf32>
    %select_n3A_71 = arith.select %broadcast_in_dim3A_68, %broadcast_in_dim3A_70, %select_n3A_60 : vector<2000x128xi1>, vector<2000x128xf32>
    %eq3A_72 = arith.constant 2 : i32
    %eq3A_73 = vector.broadcast %eq3A_72 : i32 to vector<2000x1xi32>
    %eq3A_74 = arith.cmpi eq, %broadcast_in_dim3A_48, %eq3A_73 : vector<2000x1xi32>
    %slice3A_75 = vector.extract_strided_slice %squeeze3A_24 {offsets = [2, 0], sizes = [1, 128], strides = [1, 1]} : vector<32x128xf32> to vector<1x128xf32>
    %squeeze3A_76 = vector.shape_cast %slice3A_75 : vector<1x128xf32> to vector<128xf32>
    %broadcast_in_dim3A_77 = vector.shape_cast %squeeze3A_76 : vector<128xf32> to vector<1x128xf32>
    %broadcast_in_dim3A_78 = vector.shape_cast %eq3A_74 : vector<2000x1xi1> to vector<2000x1xi1>
    %broadcast_in_dim3A_79 = vector.broadcast %broadcast_in_dim3A_78 : vector<2000x1xi1> to vector<2000x128xi1>
    %broadcast_in_dim3A_80 = vector.shape_cast %broadcast_in_dim3A_77 : vector<1x128xf32> to vector<1x128xf32>
    %broadcast_in_dim3A_81 = vector.broadcast %broadcast_in_dim3A_80 : vector<1x128xf32> to vector<2000x128xf32>
    %select_n3A_82 = arith.select %broadcast_in_dim3A_79, %broadcast_in_dim3A_81, %select_n3A_71 : vector<2000x128xi1>, vector<2000x128xf32>
    %eq3A_83 = arith.constant 3 : i32
    %eq3A_84 = vector.broadcast %eq3A_83 : i32 to vector<2000x1xi32>
    %eq3A_85 = arith.cmpi eq, %broadcast_in_dim3A_48, %eq3A_84 : vector<2000x1xi32>
    %slice3A_86 = vector.extract_strided_slice %squeeze3A_24 {offsets = [3, 0], sizes = [1, 128], strides = [1, 1]} : vector<32x128xf32> to vector<1x128xf32>
    %squeeze3A_87 = vector.shape_cast %slice3A_86 : vector<1x128xf32> to vector<128xf32>
    %broadcast_in_dim3A_88 = vector.shape_cast %squeeze3A_87 : vector<128xf32> to vector<1x128xf32>
    %broadcast_in_dim3A_89 = vector.shape_cast %eq3A_85 : vector<2000x1xi1> to vector<2000x1xi1>
    %broadcast_in_dim3A_90 = vector.broadcast %broadcast_in_dim3A_89 : vector<2000x1xi1> to vector<2000x128xi1>
    %broadcast_in_dim3A_91 = vector.shape_cast %broadcast_in_dim3A_88 : vector<1x128xf32> to vector<1x128xf32>
    %broadcast_in_dim3A_92 = vector.broadcast %broadcast_in_dim3A_91 : vector<1x128xf32> to vector<2000x128xf32>
    %select_n3A_93 = arith.select %broadcast_in_dim3A_90, %broadcast_in_dim3A_92, %select_n3A_82 : vector<2000x128xi1>, vector<2000x128xf32>
    %eq3A_94 = arith.constant 4 : i32
    %eq3A_95 = vector.broadcast %eq3A_94 : i32 to vector<2000x1xi32>
    %eq3A_96 = arith.cmpi eq, %broadcast_in_dim3A_48, %eq3A_95 : vector<2000x1xi32>
    %slice3A_97 = vector.extract_strided_slice %squeeze3A_24 {offsets = [4, 0], sizes = [1, 128], strides = [1, 1]} : vector<32x128xf32> to vector<1x128xf32>
    %squeeze3A_98 = vector.shape_cast %slice3A_97 : vector<1x128xf32> to vector<128xf32>
    %broadcast_in_dim3A_99 = vector.shape_cast %squeeze3A_98 : vector<128xf32> to vector<1x128xf32>
    %broadcast_in_dim3A_100 = vector.shape_cast %eq3A_96 : vector<2000x1xi1> to vector<2000x1xi1>
    %broadcast_in_dim3A_101 = vector.broadcast %broadcast_in_dim3A_100 : vector<2000x1xi1> to vector<2000x128xi1>
    %broadcast_in_dim3A_102 = vector.shape_cast %broadcast_in_dim3A_99 : vector<1x128xf32> to vector<1x128xf32>
    %broadcast_in_dim3A_103 = vector.broadcast %broadcast_in_dim3A_102 : vector<1x128xf32> to vector<2000x128xf32>
    %select_n3A_104 = arith.select %broadcast_in_dim3A_101, %broadcast_in_dim3A_103, %select_n3A_93 : vector<2000x128xi1>, vector<2000x128xf32>
    %eq3A_105 = arith.constant 5 : i32
    %eq3A_106 = vector.broadcast %eq3A_105 : i32 to vector<2000x1xi32>
    %eq3A_107 = arith.cmpi eq, %broadcast_in_dim3A_48, %eq3A_106 : vector<2000x1xi32>
    %slice3A_108 = vector.extract_strided_slice %squeeze3A_24 {offsets = [5, 0], sizes = [1, 128], strides = [1, 1]} : vector<32x128xf32> to vector<1x128xf32>
    %squeeze3A_109 = vector.shape_cast %slice3A_108 : vector<1x128xf32> to vector<128xf32>
    %broadcast_in_dim3A_110 = vector.shape_cast %squeeze3A_109 : vector<128xf32> to vector<1x128xf32>
    %broadcast_in_dim3A_111 = vector.shape_cast %eq3A_107 : vector<2000x1xi1> to vector<2000x1xi1>
    %broadcast_in_dim3A_112 = vector.broadcast %broadcast_in_dim3A_111 : vector<2000x1xi1> to vector<2000x128xi1>
    %broadcast_in_dim3A_113 = vector.shape_cast %broadcast_in_dim3A_110 : vector<1x128xf32> to vector<1x128xf32>
    %broadcast_in_dim3A_114 = vector.broadcast %broadcast_in_dim3A_113 : vector<1x128xf32> to vector<2000x128xf32>
    %select_n3A_115 = arith.select %broadcast_in_dim3A_112, %broadcast_in_dim3A_114, %select_n3A_104 : vector<2000x128xi1>, vector<2000x128xf32>
    %eq3A_116 = arith.constant 6 : i32
    %eq3A_117 = vector.broadcast %eq3A_116 : i32 to vector<2000x1xi32>
    %eq3A_118 = arith.cmpi eq, %broadcast_in_dim3A_48, %eq3A_117 : vector<2000x1xi32>
    %slice3A_119 = vector.extract_strided_slice %squeeze3A_24 {offsets = [6, 0], sizes = [1, 128], strides = [1, 1]} : vector<32x128xf32> to vector<1x128xf32>
    %squeeze3A_120 = vector.shape_cast %slice3A_119 : vector<1x128xf32> to vector<128xf32>
    %broadcast_in_dim3A_121 = vector.shape_cast %squeeze3A_120 : vector<128xf32> to vector<1x128xf32>
    %broadcast_in_dim3A_122 = vector.shape_cast %eq3A_118 : vector<2000x1xi1> to vector<2000x1xi1>
    %broadcast_in_dim3A_123 = vector.broadcast %broadcast_in_dim3A_122 : vector<2000x1xi1> to vector<2000x128xi1>
    %broadcast_in_dim3A_124 = vector.shape_cast %broadcast_in_dim3A_121 : vector<1x128xf32> to vector<1x128xf32>
    %broadcast_in_dim3A_125 = vector.broadcast %broadcast_in_dim3A_124 : vector<1x128xf32> to vector<2000x128xf32>
    %select_n3A_126 = arith.select %broadcast_in_dim3A_123, %broadcast_in_dim3A_125, %select_n3A_115 : vector<2000x128xi1>, vector<2000x128xf32>
    %eq3A_127 = arith.constant 7 : i32
    %eq3A_128 = vector.broadcast %eq3A_127 : i32 to vector<2000x1xi32>
    %eq3A_129 = arith.cmpi eq, %broadcast_in_dim3A_48, %eq3A_128 : vector<2000x1xi32>
    %slice3A_130 = vector.extract_strided_slice %squeeze3A_24 {offsets = [7, 0], sizes = [1, 128], strides = [1, 1]} : vector<32x128xf32> to vector<1x128xf32>
    %squeeze3A_131 = vector.shape_cast %slice3A_130 : vector<1x128xf32> to vector<128xf32>
    %broadcast_in_dim3A_132 = vector.shape_cast %squeeze3A_131 : vector<128xf32> to vector<1x128xf32>
    %broadcast_in_dim3A_133 = vector.shape_cast %eq3A_129 : vector<2000x1xi1> to vector<2000x1xi1>
    %broadcast_in_dim3A_134 = vector.broadcast %broadcast_in_dim3A_133 : vector<2000x1xi1> to vector<2000x128xi1>
    %broadcast_in_dim3A_135 = vector.shape_cast %broadcast_in_dim3A_132 : vector<1x128xf32> to vector<1x128xf32>
    %broadcast_in_dim3A_136 = vector.broadcast %broadcast_in_dim3A_135 : vector<1x128xf32> to vector<2000x128xf32>
    %select_n3A_137 = arith.select %broadcast_in_dim3A_134, %broadcast_in_dim3A_136, %select_n3A_126 : vector<2000x128xi1>, vector<2000x128xf32>
    %eq3A_138 = arith.constant 8 : i32
    %eq3A_139 = vector.broadcast %eq3A_138 : i32 to vector<2000x1xi32>
    %eq3A_140 = arith.cmpi eq, %broadcast_in_dim3A_48, %eq3A_139 : vector<2000x1xi32>
    %slice3A_141 = vector.extract_strided_slice %squeeze3A_24 {offsets = [8, 0], sizes = [1, 128], strides = [1, 1]} : vector<32x128xf32> to vector<1x128xf32>
    %squeeze3A_142 = vector.shape_cast %slice3A_141 : vector<1x128xf32> to vector<128xf32>
    %broadcast_in_dim3A_143 = vector.shape_cast %squeeze3A_142 : vector<128xf32> to vector<1x128xf32>
    %broadcast_in_dim3A_144 = vector.shape_cast %eq3A_140 : vector<2000x1xi1> to vector<2000x1xi1>
    %broadcast_in_dim3A_145 = vector.broadcast %broadcast_in_dim3A_144 : vector<2000x1xi1> to vector<2000x128xi1>
    %broadcast_in_dim3A_146 = vector.shape_cast %broadcast_in_dim3A_143 : vector<1x128xf32> to vector<1x128xf32>
    %broadcast_in_dim3A_147 = vector.broadcast %broadcast_in_dim3A_146 : vector<1x128xf32> to vector<2000x128xf32>
    %select_n3A_148 = arith.select %broadcast_in_dim3A_145, %broadcast_in_dim3A_147, %select_n3A_137 : vector<2000x128xi1>, vector<2000x128xf32>
    %eq3A_149 = arith.constant 9 : i32
    %eq3A_150 = vector.broadcast %eq3A_149 : i32 to vector<2000x1xi32>
    %eq3A_151 = arith.cmpi eq, %broadcast_in_dim3A_48, %eq3A_150 : vector<2000x1xi32>
    %slice3A_152 = vector.extract_strided_slice %squeeze3A_24 {offsets = [9, 0], sizes = [1, 128], strides = [1, 1]} : vector<32x128xf32> to vector<1x128xf32>
    %squeeze3A_153 = vector.shape_cast %slice3A_152 : vector<1x128xf32> to vector<128xf32>
    %broadcast_in_dim3A_154 = vector.shape_cast %squeeze3A_153 : vector<128xf32> to vector<1x128xf32>
    %broadcast_in_dim3A_155 = vector.shape_cast %eq3A_151 : vector<2000x1xi1> to vector<2000x1xi1>
    %broadcast_in_dim3A_156 = vector.broadcast %broadcast_in_dim3A_155 : vector<2000x1xi1> to vector<2000x128xi1>
    %broadcast_in_dim3A_157 = vector.shape_cast %broadcast_in_dim3A_154 : vector<1x128xf32> to vector<1x128xf32>
    %broadcast_in_dim3A_158 = vector.broadcast %broadcast_in_dim3A_157 : vector<1x128xf32> to vector<2000x128xf32>
    %select_n3A_159 = arith.select %broadcast_in_dim3A_156, %broadcast_in_dim3A_158, %select_n3A_148 : vector<2000x128xi1>, vector<2000x128xf32>
    %eq3A_160 = arith.constant 10 : i32
    %eq3A_161 = vector.broadcast %eq3A_160 : i32 to vector<2000x1xi32>
    %eq3A_162 = arith.cmpi eq, %broadcast_in_dim3A_48, %eq3A_161 : vector<2000x1xi32>
    %slice3A_163 = vector.extract_strided_slice %squeeze3A_24 {offsets = [10, 0], sizes = [1, 128], strides = [1, 1]} : vector<32x128xf32> to vector<1x128xf32>
    %squeeze3A_164 = vector.shape_cast %slice3A_163 : vector<1x128xf32> to vector<128xf32>
    %broadcast_in_dim3A_165 = vector.shape_cast %squeeze3A_164 : vector<128xf32> to vector<1x128xf32>
    %broadcast_in_dim3A_166 = vector.shape_cast %eq3A_162 : vector<2000x1xi1> to vector<2000x1xi1>
    %broadcast_in_dim3A_167 = vector.broadcast %broadcast_in_dim3A_166 : vector<2000x1xi1> to vector<2000x128xi1>
    %broadcast_in_dim3A_168 = vector.shape_cast %broadcast_in_dim3A_165 : vector<1x128xf32> to vector<1x128xf32>
    %broadcast_in_dim3A_169 = vector.broadcast %broadcast_in_dim3A_168 : vector<1x128xf32> to vector<2000x128xf32>
    %select_n3A_170 = arith.select %broadcast_in_dim3A_167, %broadcast_in_dim3A_169, %select_n3A_159 : vector<2000x128xi1>, vector<2000x128xf32>
    %eq3A_171 = arith.constant 11 : i32
    %eq3A_172 = vector.broadcast %eq3A_171 : i32 to vector<2000x1xi32>
    %eq3A_173 = arith.cmpi eq, %broadcast_in_dim3A_48, %eq3A_172 : vector<2000x1xi32>
    %slice3A_174 = vector.extract_strided_slice %squeeze3A_24 {offsets = [11, 0], sizes = [1, 128], strides = [1, 1]} : vector<32x128xf32> to vector<1x128xf32>
    %squeeze3A_175 = vector.shape_cast %slice3A_174 : vector<1x128xf32> to vector<128xf32>
    %broadcast_in_dim3A_176 = vector.shape_cast %squeeze3A_175 : vector<128xf32> to vector<1x128xf32>
    %broadcast_in_dim3A_177 = vector.shape_cast %eq3A_173 : vector<2000x1xi1> to vector<2000x1xi1>
    %broadcast_in_dim3A_178 = vector.broadcast %broadcast_in_dim3A_177 : vector<2000x1xi1> to vector<2000x128xi1>
    %broadcast_in_dim3A_179 = vector.shape_cast %broadcast_in_dim3A_176 : vector<1x128xf32> to vector<1x128xf32>
    %broadcast_in_dim3A_180 = vector.broadcast %broadcast_in_dim3A_179 : vector<1x128xf32> to vector<2000x128xf32>
    %select_n3A_181 = arith.select %broadcast_in_dim3A_178, %broadcast_in_dim3A_180, %select_n3A_170 : vector<2000x128xi1>, vector<2000x128xf32>
    %eq3A_182 = arith.constant 12 : i32
    %eq3A_183 = vector.broadcast %eq3A_182 : i32 to vector<2000x1xi32>
    %eq3A_184 = arith.cmpi eq, %broadcast_in_dim3A_48, %eq3A_183 : vector<2000x1xi32>
    %slice3A_185 = vector.extract_strided_slice %squeeze3A_24 {offsets = [12, 0], sizes = [1, 128], strides = [1, 1]} : vector<32x128xf32> to vector<1x128xf32>
    %squeeze3A_186 = vector.shape_cast %slice3A_185 : vector<1x128xf32> to vector<128xf32>
    %broadcast_in_dim3A_187 = vector.shape_cast %squeeze3A_186 : vector<128xf32> to vector<1x128xf32>
    %broadcast_in_dim3A_188 = vector.shape_cast %eq3A_184 : vector<2000x1xi1> to vector<2000x1xi1>
    %broadcast_in_dim3A_189 = vector.broadcast %broadcast_in_dim3A_188 : vector<2000x1xi1> to vector<2000x128xi1>
    %broadcast_in_dim3A_190 = vector.shape_cast %broadcast_in_dim3A_187 : vector<1x128xf32> to vector<1x128xf32>
    %broadcast_in_dim3A_191 = vector.broadcast %broadcast_in_dim3A_190 : vector<1x128xf32> to vector<2000x128xf32>
    %select_n3A_192 = arith.select %broadcast_in_dim3A_189, %broadcast_in_dim3A_191, %select_n3A_181 : vector<2000x128xi1>, vector<2000x128xf32>
    %eq3A_193 = arith.constant 13 : i32
    %eq3A_194 = vector.broadcast %eq3A_193 : i32 to vector<2000x1xi32>
    %eq3A_195 = arith.cmpi eq, %broadcast_in_dim3A_48, %eq3A_194 : vector<2000x1xi32>
    %slice3A_196 = vector.extract_strided_slice %squeeze3A_24 {offsets = [13, 0], sizes = [1, 128], strides = [1, 1]} : vector<32x128xf32> to vector<1x128xf32>
    %squeeze3A_197 = vector.shape_cast %slice3A_196 : vector<1x128xf32> to vector<128xf32>
    %broadcast_in_dim3A_198 = vector.shape_cast %squeeze3A_197 : vector<128xf32> to vector<1x128xf32>
    %broadcast_in_dim3A_199 = vector.shape_cast %eq3A_195 : vector<2000x1xi1> to vector<2000x1xi1>
    %broadcast_in_dim3A_200 = vector.broadcast %broadcast_in_dim3A_199 : vector<2000x1xi1> to vector<2000x128xi1>
    %broadcast_in_dim3A_201 = vector.shape_cast %broadcast_in_dim3A_198 : vector<1x128xf32> to vector<1x128xf32>
    %broadcast_in_dim3A_202 = vector.broadcast %broadcast_in_dim3A_201 : vector<1x128xf32> to vector<2000x128xf32>
    %select_n3A_203 = arith.select %broadcast_in_dim3A_200, %broadcast_in_dim3A_202, %select_n3A_192 : vector<2000x128xi1>, vector<2000x128xf32>
    %eq3A_204 = arith.constant 14 : i32
    %eq3A_205 = vector.broadcast %eq3A_204 : i32 to vector<2000x1xi32>
    %eq3A_206 = arith.cmpi eq, %broadcast_in_dim3A_48, %eq3A_205 : vector<2000x1xi32>
    %slice3A_207 = vector.extract_strided_slice %squeeze3A_24 {offsets = [14, 0], sizes = [1, 128], strides = [1, 1]} : vector<32x128xf32> to vector<1x128xf32>
    %squeeze3A_208 = vector.shape_cast %slice3A_207 : vector<1x128xf32> to vector<128xf32>
    %broadcast_in_dim3A_209 = vector.shape_cast %squeeze3A_208 : vector<128xf32> to vector<1x128xf32>
    %broadcast_in_dim3A_210 = vector.shape_cast %eq3A_206 : vector<2000x1xi1> to vector<2000x1xi1>
    %broadcast_in_dim3A_211 = vector.broadcast %broadcast_in_dim3A_210 : vector<2000x1xi1> to vector<2000x128xi1>
    %broadcast_in_dim3A_212 = vector.shape_cast %broadcast_in_dim3A_209 : vector<1x128xf32> to vector<1x128xf32>
    %broadcast_in_dim3A_213 = vector.broadcast %broadcast_in_dim3A_212 : vector<1x128xf32> to vector<2000x128xf32>
    %select_n3A_214 = arith.select %broadcast_in_dim3A_211, %broadcast_in_dim3A_213, %select_n3A_203 : vector<2000x128xi1>, vector<2000x128xf32>
    %eq3A_215 = arith.constant 15 : i32
    %eq3A_216 = vector.broadcast %eq3A_215 : i32 to vector<2000x1xi32>
    %eq3A_217 = arith.cmpi eq, %broadcast_in_dim3A_48, %eq3A_216 : vector<2000x1xi32>
    %slice3A_218 = vector.extract_strided_slice %squeeze3A_24 {offsets = [15, 0], sizes = [1, 128], strides = [1, 1]} : vector<32x128xf32> to vector<1x128xf32>
    %squeeze3A_219 = vector.shape_cast %slice3A_218 : vector<1x128xf32> to vector<128xf32>
    %broadcast_in_dim3A_220 = vector.shape_cast %squeeze3A_219 : vector<128xf32> to vector<1x128xf32>
    %broadcast_in_dim3A_221 = vector.shape_cast %eq3A_217 : vector<2000x1xi1> to vector<2000x1xi1>
    %broadcast_in_dim3A_222 = vector.broadcast %broadcast_in_dim3A_221 : vector<2000x1xi1> to vector<2000x128xi1>
    %broadcast_in_dim3A_223 = vector.shape_cast %broadcast_in_dim3A_220 : vector<1x128xf32> to vector<1x128xf32>
    %broadcast_in_dim3A_224 = vector.broadcast %broadcast_in_dim3A_223 : vector<1x128xf32> to vector<2000x128xf32>
    %select_n3A_225 = arith.select %broadcast_in_dim3A_222, %broadcast_in_dim3A_224, %select_n3A_214 : vector<2000x128xi1>, vector<2000x128xf32>
    %eq3A_226 = arith.constant 16 : i32
    %eq3A_227 = vector.broadcast %eq3A_226 : i32 to vector<2000x1xi32>
    %eq3A_228 = arith.cmpi eq, %broadcast_in_dim3A_48, %eq3A_227 : vector<2000x1xi32>
    %slice3A_229 = vector.extract_strided_slice %squeeze3A_24 {offsets = [16, 0], sizes = [1, 128], strides = [1, 1]} : vector<32x128xf32> to vector<1x128xf32>
    %squeeze3A_230 = vector.shape_cast %slice3A_229 : vector<1x128xf32> to vector<128xf32>
    %broadcast_in_dim3A_231 = vector.shape_cast %squeeze3A_230 : vector<128xf32> to vector<1x128xf32>
    %broadcast_in_dim3A_232 = vector.shape_cast %eq3A_228 : vector<2000x1xi1> to vector<2000x1xi1>
    %broadcast_in_dim3A_233 = vector.broadcast %broadcast_in_dim3A_232 : vector<2000x1xi1> to vector<2000x128xi1>
    %broadcast_in_dim3A_234 = vector.shape_cast %broadcast_in_dim3A_231 : vector<1x128xf32> to vector<1x128xf32>
    %broadcast_in_dim3A_235 = vector.broadcast %broadcast_in_dim3A_234 : vector<1x128xf32> to vector<2000x128xf32>
    %select_n3A_236 = arith.select %broadcast_in_dim3A_233, %broadcast_in_dim3A_235, %select_n3A_225 : vector<2000x128xi1>, vector<2000x128xf32>
    %eq3A_237 = arith.constant 17 : i32
    %eq3A_238 = vector.broadcast %eq3A_237 : i32 to vector<2000x1xi32>
    %eq3A_239 = arith.cmpi eq, %broadcast_in_dim3A_48, %eq3A_238 : vector<2000x1xi32>
    %slice3A_240 = vector.extract_strided_slice %squeeze3A_24 {offsets = [17, 0], sizes = [1, 128], strides = [1, 1]} : vector<32x128xf32> to vector<1x128xf32>
    %squeeze3A_241 = vector.shape_cast %slice3A_240 : vector<1x128xf32> to vector<128xf32>
    %broadcast_in_dim3A_242 = vector.shape_cast %squeeze3A_241 : vector<128xf32> to vector<1x128xf32>
    %broadcast_in_dim3A_243 = vector.shape_cast %eq3A_239 : vector<2000x1xi1> to vector<2000x1xi1>
    %broadcast_in_dim3A_244 = vector.broadcast %broadcast_in_dim3A_243 : vector<2000x1xi1> to vector<2000x128xi1>
    %broadcast_in_dim3A_245 = vector.shape_cast %broadcast_in_dim3A_242 : vector<1x128xf32> to vector<1x128xf32>
    %broadcast_in_dim3A_246 = vector.broadcast %broadcast_in_dim3A_245 : vector<1x128xf32> to vector<2000x128xf32>
    %select_n3A_247 = arith.select %broadcast_in_dim3A_244, %broadcast_in_dim3A_246, %select_n3A_236 : vector<2000x128xi1>, vector<2000x128xf32>
    %eq3A_248 = arith.constant 18 : i32
    %eq3A_249 = vector.broadcast %eq3A_248 : i32 to vector<2000x1xi32>
    %eq3A_250 = arith.cmpi eq, %broadcast_in_dim3A_48, %eq3A_249 : vector<2000x1xi32>
    %slice3A_251 = vector.extract_strided_slice %squeeze3A_24 {offsets = [18, 0], sizes = [1, 128], strides = [1, 1]} : vector<32x128xf32> to vector<1x128xf32>
    %squeeze3A_252 = vector.shape_cast %slice3A_251 : vector<1x128xf32> to vector<128xf32>
    %broadcast_in_dim3A_253 = vector.shape_cast %squeeze3A_252 : vector<128xf32> to vector<1x128xf32>
    %broadcast_in_dim3A_254 = vector.shape_cast %eq3A_250 : vector<2000x1xi1> to vector<2000x1xi1>
    %broadcast_in_dim3A_255 = vector.broadcast %broadcast_in_dim3A_254 : vector<2000x1xi1> to vector<2000x128xi1>
    %broadcast_in_dim3A_256 = vector.shape_cast %broadcast_in_dim3A_253 : vector<1x128xf32> to vector<1x128xf32>
    %broadcast_in_dim3A_257 = vector.broadcast %broadcast_in_dim3A_256 : vector<1x128xf32> to vector<2000x128xf32>
    %select_n3A_258 = arith.select %broadcast_in_dim3A_255, %broadcast_in_dim3A_257, %select_n3A_247 : vector<2000x128xi1>, vector<2000x128xf32>
    %eq3A_259 = arith.constant 19 : i32
    %eq3A_260 = vector.broadcast %eq3A_259 : i32 to vector<2000x1xi32>
    %eq3A_261 = arith.cmpi eq, %broadcast_in_dim3A_48, %eq3A_260 : vector<2000x1xi32>
    %slice3A_262 = vector.extract_strided_slice %squeeze3A_24 {offsets = [19, 0], sizes = [1, 128], strides = [1, 1]} : vector<32x128xf32> to vector<1x128xf32>
    %squeeze3A_263 = vector.shape_cast %slice3A_262 : vector<1x128xf32> to vector<128xf32>
    %broadcast_in_dim3A_264 = vector.shape_cast %squeeze3A_263 : vector<128xf32> to vector<1x128xf32>
    %broadcast_in_dim3A_265 = vector.shape_cast %eq3A_261 : vector<2000x1xi1> to vector<2000x1xi1>
    %broadcast_in_dim3A_266 = vector.broadcast %broadcast_in_dim3A_265 : vector<2000x1xi1> to vector<2000x128xi1>
    %broadcast_in_dim3A_267 = vector.shape_cast %broadcast_in_dim3A_264 : vector<1x128xf32> to vector<1x128xf32>
    %broadcast_in_dim3A_268 = vector.broadcast %broadcast_in_dim3A_267 : vector<1x128xf32> to vector<2000x128xf32>
    %select_n3A_269 = arith.select %broadcast_in_dim3A_266, %broadcast_in_dim3A_268, %select_n3A_258 : vector<2000x128xi1>, vector<2000x128xf32>
    %eq3A_270 = arith.constant 20 : i32
    %eq3A_271 = vector.broadcast %eq3A_270 : i32 to vector<2000x1xi32>
    %eq3A_272 = arith.cmpi eq, %broadcast_in_dim3A_48, %eq3A_271 : vector<2000x1xi32>
    %slice3A_273 = vector.extract_strided_slice %squeeze3A_24 {offsets = [20, 0], sizes = [1, 128], strides = [1, 1]} : vector<32x128xf32> to vector<1x128xf32>
    %squeeze3A_274 = vector.shape_cast %slice3A_273 : vector<1x128xf32> to vector<128xf32>
    %broadcast_in_dim3A_275 = vector.shape_cast %squeeze3A_274 : vector<128xf32> to vector<1x128xf32>
    %broadcast_in_dim3A_276 = vector.shape_cast %eq3A_272 : vector<2000x1xi1> to vector<2000x1xi1>
    %broadcast_in_dim3A_277 = vector.broadcast %broadcast_in_dim3A_276 : vector<2000x1xi1> to vector<2000x128xi1>
    %broadcast_in_dim3A_278 = vector.shape_cast %broadcast_in_dim3A_275 : vector<1x128xf32> to vector<1x128xf32>
    %broadcast_in_dim3A_279 = vector.broadcast %broadcast_in_dim3A_278 : vector<1x128xf32> to vector<2000x128xf32>
    %select_n3A_280 = arith.select %broadcast_in_dim3A_277, %broadcast_in_dim3A_279, %select_n3A_269 : vector<2000x128xi1>, vector<2000x128xf32>
    %eq3A_281 = arith.constant 21 : i32
    %eq3A_282 = vector.broadcast %eq3A_281 : i32 to vector<2000x1xi32>
    %eq3A_283 = arith.cmpi eq, %broadcast_in_dim3A_48, %eq3A_282 : vector<2000x1xi32>
    %slice3A_284 = vector.extract_strided_slice %squeeze3A_24 {offsets = [21, 0], sizes = [1, 128], strides = [1, 1]} : vector<32x128xf32> to vector<1x128xf32>
    %squeeze3A_285 = vector.shape_cast %slice3A_284 : vector<1x128xf32> to vector<128xf32>
    %broadcast_in_dim3A_286 = vector.shape_cast %squeeze3A_285 : vector<128xf32> to vector<1x128xf32>
    %broadcast_in_dim3A_287 = vector.shape_cast %eq3A_283 : vector<2000x1xi1> to vector<2000x1xi1>
    %broadcast_in_dim3A_288 = vector.broadcast %broadcast_in_dim3A_287 : vector<2000x1xi1> to vector<2000x128xi1>
    %broadcast_in_dim3A_289 = vector.shape_cast %broadcast_in_dim3A_286 : vector<1x128xf32> to vector<1x128xf32>
    %broadcast_in_dim3A_290 = vector.broadcast %broadcast_in_dim3A_289 : vector<1x128xf32> to vector<2000x128xf32>
    %select_n3A_291 = arith.select %broadcast_in_dim3A_288, %broadcast_in_dim3A_290, %select_n3A_280 : vector<2000x128xi1>, vector<2000x128xf32>
    %eq3A_292 = arith.constant 22 : i32
    %eq3A_293 = vector.broadcast %eq3A_292 : i32 to vector<2000x1xi32>
    %eq3A_294 = arith.cmpi eq, %broadcast_in_dim3A_48, %eq3A_293 : vector<2000x1xi32>
    %slice3A_295 = vector.extract_strided_slice %squeeze3A_24 {offsets = [22, 0], sizes = [1, 128], strides = [1, 1]} : vector<32x128xf32> to vector<1x128xf32>
    %squeeze3A_296 = vector.shape_cast %slice3A_295 : vector<1x128xf32> to vector<128xf32>
    %broadcast_in_dim3A_297 = vector.shape_cast %squeeze3A_296 : vector<128xf32> to vector<1x128xf32>
    %broadcast_in_dim3A_298 = vector.shape_cast %eq3A_294 : vector<2000x1xi1> to vector<2000x1xi1>
    %broadcast_in_dim3A_299 = vector.broadcast %broadcast_in_dim3A_298 : vector<2000x1xi1> to vector<2000x128xi1>
    %broadcast_in_dim3A_300 = vector.shape_cast %broadcast_in_dim3A_297 : vector<1x128xf32> to vector<1x128xf32>
    %broadcast_in_dim3A_301 = vector.broadcast %broadcast_in_dim3A_300 : vector<1x128xf32> to vector<2000x128xf32>
    %select_n3A_302 = arith.select %broadcast_in_dim3A_299, %broadcast_in_dim3A_301, %select_n3A_291 : vector<2000x128xi1>, vector<2000x128xf32>
    %eq3A_303 = arith.constant 23 : i32
    %eq3A_304 = vector.broadcast %eq3A_303 : i32 to vector<2000x1xi32>
    %eq3A_305 = arith.cmpi eq, %broadcast_in_dim3A_48, %eq3A_304 : vector<2000x1xi32>
    %slice3A_306 = vector.extract_strided_slice %squeeze3A_24 {offsets = [23, 0], sizes = [1, 128], strides = [1, 1]} : vector<32x128xf32> to vector<1x128xf32>
    %squeeze3A_307 = vector.shape_cast %slice3A_306 : vector<1x128xf32> to vector<128xf32>
    %broadcast_in_dim3A_308 = vector.shape_cast %squeeze3A_307 : vector<128xf32> to vector<1x128xf32>
    %broadcast_in_dim3A_309 = vector.shape_cast %eq3A_305 : vector<2000x1xi1> to vector<2000x1xi1>
    %broadcast_in_dim3A_310 = vector.broadcast %broadcast_in_dim3A_309 : vector<2000x1xi1> to vector<2000x128xi1>
    %broadcast_in_dim3A_311 = vector.shape_cast %broadcast_in_dim3A_308 : vector<1x128xf32> to vector<1x128xf32>
    %broadcast_in_dim3A_312 = vector.broadcast %broadcast_in_dim3A_311 : vector<1x128xf32> to vector<2000x128xf32>
    %select_n3A_313 = arith.select %broadcast_in_dim3A_310, %broadcast_in_dim3A_312, %select_n3A_302 : vector<2000x128xi1>, vector<2000x128xf32>
    %eq3A_314 = arith.constant 24 : i32
    %eq3A_315 = vector.broadcast %eq3A_314 : i32 to vector<2000x1xi32>
    %eq3A_316 = arith.cmpi eq, %broadcast_in_dim3A_48, %eq3A_315 : vector<2000x1xi32>
    %slice3A_317 = vector.extract_strided_slice %squeeze3A_24 {offsets = [24, 0], sizes = [1, 128], strides = [1, 1]} : vector<32x128xf32> to vector<1x128xf32>
    %squeeze3A_318 = vector.shape_cast %slice3A_317 : vector<1x128xf32> to vector<128xf32>
    %broadcast_in_dim3A_319 = vector.shape_cast %squeeze3A_318 : vector<128xf32> to vector<1x128xf32>
    %broadcast_in_dim3A_320 = vector.shape_cast %eq3A_316 : vector<2000x1xi1> to vector<2000x1xi1>
    %broadcast_in_dim3A_321 = vector.broadcast %broadcast_in_dim3A_320 : vector<2000x1xi1> to vector<2000x128xi1>
    %broadcast_in_dim3A_322 = vector.shape_cast %broadcast_in_dim3A_319 : vector<1x128xf32> to vector<1x128xf32>
    %broadcast_in_dim3A_323 = vector.broadcast %broadcast_in_dim3A_322 : vector<1x128xf32> to vector<2000x128xf32>
    %select_n3A_324 = arith.select %broadcast_in_dim3A_321, %broadcast_in_dim3A_323, %select_n3A_313 : vector<2000x128xi1>, vector<2000x128xf32>
    %eq3A_325 = arith.constant 25 : i32
    %eq3A_326 = vector.broadcast %eq3A_325 : i32 to vector<2000x1xi32>
    %eq3A_327 = arith.cmpi eq, %broadcast_in_dim3A_48, %eq3A_326 : vector<2000x1xi32>
    %slice3A_328 = vector.extract_strided_slice %squeeze3A_24 {offsets = [25, 0], sizes = [1, 128], strides = [1, 1]} : vector<32x128xf32> to vector<1x128xf32>
    %squeeze3A_329 = vector.shape_cast %slice3A_328 : vector<1x128xf32> to vector<128xf32>
    %broadcast_in_dim3A_330 = vector.shape_cast %squeeze3A_329 : vector<128xf32> to vector<1x128xf32>
    %broadcast_in_dim3A_331 = vector.shape_cast %eq3A_327 : vector<2000x1xi1> to vector<2000x1xi1>
    %broadcast_in_dim3A_332 = vector.broadcast %broadcast_in_dim3A_331 : vector<2000x1xi1> to vector<2000x128xi1>
    %broadcast_in_dim3A_333 = vector.shape_cast %broadcast_in_dim3A_330 : vector<1x128xf32> to vector<1x128xf32>
    %broadcast_in_dim3A_334 = vector.broadcast %broadcast_in_dim3A_333 : vector<1x128xf32> to vector<2000x128xf32>
    %select_n3A_335 = arith.select %broadcast_in_dim3A_332, %broadcast_in_dim3A_334, %select_n3A_324 : vector<2000x128xi1>, vector<2000x128xf32>
    %eq3A_336 = arith.constant 26 : i32
    %eq3A_337 = vector.broadcast %eq3A_336 : i32 to vector<2000x1xi32>
    %eq3A_338 = arith.cmpi eq, %broadcast_in_dim3A_48, %eq3A_337 : vector<2000x1xi32>
    %slice3A_339 = vector.extract_strided_slice %squeeze3A_24 {offsets = [26, 0], sizes = [1, 128], strides = [1, 1]} : vector<32x128xf32> to vector<1x128xf32>
    %squeeze3A_340 = vector.shape_cast %slice3A_339 : vector<1x128xf32> to vector<128xf32>
    %broadcast_in_dim3A_341 = vector.shape_cast %squeeze3A_340 : vector<128xf32> to vector<1x128xf32>
    %broadcast_in_dim3A_342 = vector.shape_cast %eq3A_338 : vector<2000x1xi1> to vector<2000x1xi1>
    %broadcast_in_dim3A_343 = vector.broadcast %broadcast_in_dim3A_342 : vector<2000x1xi1> to vector<2000x128xi1>
    %broadcast_in_dim3A_344 = vector.shape_cast %broadcast_in_dim3A_341 : vector<1x128xf32> to vector<1x128xf32>
    %broadcast_in_dim3A_345 = vector.broadcast %broadcast_in_dim3A_344 : vector<1x128xf32> to vector<2000x128xf32>
    %select_n3A_346 = arith.select %broadcast_in_dim3A_343, %broadcast_in_dim3A_345, %select_n3A_335 : vector<2000x128xi1>, vector<2000x128xf32>
    %eq3A_347 = arith.constant 27 : i32
    %eq3A_348 = vector.broadcast %eq3A_347 : i32 to vector<2000x1xi32>
    %eq3A_349 = arith.cmpi eq, %broadcast_in_dim3A_48, %eq3A_348 : vector<2000x1xi32>
    %slice3A_350 = vector.extract_strided_slice %squeeze3A_24 {offsets = [27, 0], sizes = [1, 128], strides = [1, 1]} : vector<32x128xf32> to vector<1x128xf32>
    %squeeze3A_351 = vector.shape_cast %slice3A_350 : vector<1x128xf32> to vector<128xf32>
    %broadcast_in_dim3A_352 = vector.shape_cast %squeeze3A_351 : vector<128xf32> to vector<1x128xf32>
    %broadcast_in_dim3A_353 = vector.shape_cast %eq3A_349 : vector<2000x1xi1> to vector<2000x1xi1>
    %broadcast_in_dim3A_354 = vector.broadcast %broadcast_in_dim3A_353 : vector<2000x1xi1> to vector<2000x128xi1>
    %broadcast_in_dim3A_355 = vector.shape_cast %broadcast_in_dim3A_352 : vector<1x128xf32> to vector<1x128xf32>
    %broadcast_in_dim3A_356 = vector.broadcast %broadcast_in_dim3A_355 : vector<1x128xf32> to vector<2000x128xf32>
    %select_n3A_357 = arith.select %broadcast_in_dim3A_354, %broadcast_in_dim3A_356, %select_n3A_346 : vector<2000x128xi1>, vector<2000x128xf32>
    %eq3A_358 = arith.constant 28 : i32
    %eq3A_359 = vector.broadcast %eq3A_358 : i32 to vector<2000x1xi32>
    %eq3A_360 = arith.cmpi eq, %broadcast_in_dim3A_48, %eq3A_359 : vector<2000x1xi32>
    %slice3A_361 = vector.extract_strided_slice %squeeze3A_24 {offsets = [28, 0], sizes = [1, 128], strides = [1, 1]} : vector<32x128xf32> to vector<1x128xf32>
    %squeeze3A_362 = vector.shape_cast %slice3A_361 : vector<1x128xf32> to vector<128xf32>
    %broadcast_in_dim3A_363 = vector.shape_cast %squeeze3A_362 : vector<128xf32> to vector<1x128xf32>
    %broadcast_in_dim3A_364 = vector.shape_cast %eq3A_360 : vector<2000x1xi1> to vector<2000x1xi1>
    %broadcast_in_dim3A_365 = vector.broadcast %broadcast_in_dim3A_364 : vector<2000x1xi1> to vector<2000x128xi1>
    %broadcast_in_dim3A_366 = vector.shape_cast %broadcast_in_dim3A_363 : vector<1x128xf32> to vector<1x128xf32>
    %broadcast_in_dim3A_367 = vector.broadcast %broadcast_in_dim3A_366 : vector<1x128xf32> to vector<2000x128xf32>
    %select_n3A_368 = arith.select %broadcast_in_dim3A_365, %broadcast_in_dim3A_367, %select_n3A_357 : vector<2000x128xi1>, vector<2000x128xf32>
    %eq3A_369 = arith.constant 29 : i32
    %eq3A_370 = vector.broadcast %eq3A_369 : i32 to vector<2000x1xi32>
    %eq3A_371 = arith.cmpi eq, %broadcast_in_dim3A_48, %eq3A_370 : vector<2000x1xi32>
    %slice3A_372 = vector.extract_strided_slice %squeeze3A_24 {offsets = [29, 0], sizes = [1, 128], strides = [1, 1]} : vector<32x128xf32> to vector<1x128xf32>
    %squeeze3A_373 = vector.shape_cast %slice3A_372 : vector<1x128xf32> to vector<128xf32>
    %broadcast_in_dim3A_374 = vector.shape_cast %squeeze3A_373 : vector<128xf32> to vector<1x128xf32>
    %broadcast_in_dim3A_375 = vector.shape_cast %eq3A_371 : vector<2000x1xi1> to vector<2000x1xi1>
    %broadcast_in_dim3A_376 = vector.broadcast %broadcast_in_dim3A_375 : vector<2000x1xi1> to vector<2000x128xi1>
    %broadcast_in_dim3A_377 = vector.shape_cast %broadcast_in_dim3A_374 : vector<1x128xf32> to vector<1x128xf32>
    %broadcast_in_dim3A_378 = vector.broadcast %broadcast_in_dim3A_377 : vector<1x128xf32> to vector<2000x128xf32>
    %select_n3A_379 = arith.select %broadcast_in_dim3A_376, %broadcast_in_dim3A_378, %select_n3A_368 : vector<2000x128xi1>, vector<2000x128xf32>
    %eq3A_380 = arith.constant 30 : i32
    %eq3A_381 = vector.broadcast %eq3A_380 : i32 to vector<2000x1xi32>
    %eq3A_382 = arith.cmpi eq, %broadcast_in_dim3A_48, %eq3A_381 : vector<2000x1xi32>
    %slice3A_383 = vector.extract_strided_slice %squeeze3A_24 {offsets = [30, 0], sizes = [1, 128], strides = [1, 1]} : vector<32x128xf32> to vector<1x128xf32>
    %squeeze3A_384 = vector.shape_cast %slice3A_383 : vector<1x128xf32> to vector<128xf32>
    %broadcast_in_dim3A_385 = vector.shape_cast %squeeze3A_384 : vector<128xf32> to vector<1x128xf32>
    %broadcast_in_dim3A_386 = vector.shape_cast %eq3A_382 : vector<2000x1xi1> to vector<2000x1xi1>
    %broadcast_in_dim3A_387 = vector.broadcast %broadcast_in_dim3A_386 : vector<2000x1xi1> to vector<2000x128xi1>
    %broadcast_in_dim3A_388 = vector.shape_cast %broadcast_in_dim3A_385 : vector<1x128xf32> to vector<1x128xf32>
    %broadcast_in_dim3A_389 = vector.broadcast %broadcast_in_dim3A_388 : vector<1x128xf32> to vector<2000x128xf32>
    %select_n3A_390 = arith.select %broadcast_in_dim3A_387, %broadcast_in_dim3A_389, %select_n3A_379 : vector<2000x128xi1>, vector<2000x128xf32>
    %eq3A_391 = arith.constant 31 : i32
    %eq3A_392 = vector.broadcast %eq3A_391 : i32 to vector<2000x1xi32>
    %eq3A_393 = arith.cmpi eq, %broadcast_in_dim3A_48, %eq3A_392 : vector<2000x1xi32>
    %slice3A_394 = vector.extract_strided_slice %squeeze3A_24 {offsets = [31, 0], sizes = [1, 128], strides = [1, 1]} : vector<32x128xf32> to vector<1x128xf32>
    %squeeze3A_395 = vector.shape_cast %slice3A_394 : vector<1x128xf32> to vector<128xf32>
    %broadcast_in_dim3A_396 = vector.shape_cast %squeeze3A_395 : vector<128xf32> to vector<1x128xf32>
    %broadcast_in_dim3A_397 = vector.shape_cast %eq3A_393 : vector<2000x1xi1> to vector<2000x1xi1>
    %broadcast_in_dim3A_398 = vector.broadcast %broadcast_in_dim3A_397 : vector<2000x1xi1> to vector<2000x128xi1>
    %broadcast_in_dim3A_399 = vector.shape_cast %broadcast_in_dim3A_396 : vector<1x128xf32> to vector<1x128xf32>
    %broadcast_in_dim3A_400 = vector.broadcast %broadcast_in_dim3A_399 : vector<1x128xf32> to vector<2000x128xf32>
    %select_n3A_401 = arith.select %broadcast_in_dim3A_398, %broadcast_in_dim3A_400, %select_n3A_390 : vector<2000x128xi1>, vector<2000x128xf32>
    %sub3A = arith.subf %select_n3A_401, %add3A_17 : vector<2000x128xf32>
    %integer_pow3A = arith.mulf %sub3A, %sub3A : vector<2000x128xf32>
    %reduce_sum3A_402 = vector.shape_cast %integer_pow3A : vector<2000x128xf32> to vector<1x2000x128xf32>
    %reduce_sum3A_403 = arith.constant dense<0.000000e+00> : vector<1xf32>
    %reduce_sum3A_404 = vector.multi_reduction <add>, %reduce_sum3A_402, %reduce_sum3A_403 [1, 2] : vector<1x2000x128xf32> to vector<1xf32>
    %reduce_sum3A_405 = vector.shape_cast %reduce_sum3A_404 : vector<1xf32> to vector<1x1x1xf32>
    %reduce_sum3A_406 = vector.extract %reduce_sum3A_405[0, 0, 0] : f32 from vector<1x1x1xf32>
    %div3A_407 = arith.constant 1.280000e+06 : f32
    %div3A_408 = arith.divf %reduce_sum3A_406, %div3A_407 : f32
    %mul3A_409 = arith.constant 2.500000e-01 : f32
    %mul3A_410 = arith.mulf %mul3A_409, %div3A_408 : f32
    %add3A_411 = arith.constant 0.000000e+00 : f32
    %add3A_412 = arith.addf %add3A_411, %mul3A_410 : f32
    %sub3A_413 = arith.subf %add3A_17, %select_n3A_401 : vector<2000x128xf32>
    %shift_left3A = arith.constant 0 : i32
    %shift_left3A_414 = vector.broadcast %shift_left3A : i32 to vector<2000x1xi32>
    %shift_left3A_415 = arith.shli %broadcast_in_dim3A_48, %shift_left3A_414 : vector<2000x1xi32>
    %add3A_416 = arith.addi %broadcast_in_dim3A_22, %shift_left3A_415 : vector<2000x1xi32>
    %slice3A_417 = vector.extract_strided_slice %get3A_21 {offsets = [1, 0, 0], sizes = [1, 32, 128], strides = [1, 1, 1]} : vector<3x32x128xf32> to vector<1x32x128xf32>
    %squeeze3A_418 = vector.shape_cast %slice3A_417 : vector<1x32x128xf32> to vector<32x128xf32>
    %mul3A_419 = arith.mulf %sub3A_413, %sub3A_413 : vector<2000x128xf32>
    %reduce_sum3A_420 = arith.constant dense<0.000000e+00> : vector<2000xf32>
    %reduce_sum3A_421 = vector.multi_reduction <add>, %mul3A_419, %reduce_sum3A_420 [1] : vector<2000x128xf32> to vector<2000xf32>
    %broadcast_in_dim3A_422 = vector.shape_cast %reduce_sum3A_421 : vector<2000xf32> to vector<2000x1xf32>
    %sqrt3A_423 = math.sqrt %broadcast_in_dim3A_422 : vector<2000x1xf32>
    %add3A_424 = arith.constant 9.99999993E-9 : f32
    %add3A_425 = vector.broadcast %add3A_424 : f32 to vector<2000x1xf32>
    %add3A_426 = arith.addf %sqrt3A_423, %add3A_425 : vector<2000x1xf32>
    %div3A_427 = vector.broadcast %add3A_426 : vector<2000x1xf32> to vector<2000x128xf32>
    %div3A_428 = arith.divf %sub3A_413, %div3A_427 : vector<2000x128xf32>
    %mul3A_429 = arith.mulf %squeeze3A_418, %squeeze3A_418 : vector<32x128xf32>
    %reduce_sum3A_430 = arith.constant dense<0.000000e+00> : vector<32xf32>
    %reduce_sum3A_431 = vector.multi_reduction <add>, %mul3A_429, %reduce_sum3A_430 [1] : vector<32x128xf32> to vector<32xf32>
    %broadcast_in_dim3A_432 = vector.shape_cast %reduce_sum3A_431 : vector<32xf32> to vector<32x1xf32>
    %sqrt3A_433 = math.sqrt %broadcast_in_dim3A_432 : vector<32x1xf32>
    %add3A_434 = arith.constant 9.99999993E-9 : f32
    %add3A_435 = vector.broadcast %add3A_434 : f32 to vector<32x1xf32>
    %add3A_436 = arith.addf %sqrt3A_433, %add3A_435 : vector<32x1xf32>
    %div3A_437 = vector.broadcast %add3A_436 : vector<32x1xf32> to vector<32x128xf32>
    %div3A_438 = arith.divf %squeeze3A_418, %div3A_437 : vector<32x128xf32>
    %dot_general3A_439 = arith.constant dense<0.000000e+00> : vector<2000x32xf32>
    %dot_general3A_440 = tpu.matmul %div3A_428, %div3A_438, %dot_general3A_439 {dimension_numbers = #tpu.dot_dimension_numbers<[1], [1], [0], [0], [0, 0, 1, 0], [], []>, transpose_lhs_hint = false} : vector<2000x128xf32>, vector<32x128xf32>, vector<2000x32xf32> -> vector<2000x32xf32>
    %reduce_max3A_441 = arith.constant dense<0xFF800000> : vector<2000xf32>
    %reduce_max3A_442 = vector.multi_reduction <maximumf>, %dot_general3A_440, %reduce_max3A_441 [1] : vector<2000x32xf32> to vector<2000xf32>
    %broadcast_in_dim3A_443 = vector.shape_cast %reduce_max3A_442 : vector<2000xf32> to vector<2000x1xf32>
    %iota3A_444 = tpu.iota {dimensions = array<i32: 1>} : vector<2000x32xi32>
    %ge3A_445 = vector.broadcast %broadcast_in_dim3A_443 : vector<2000x1xf32> to vector<2000x32xf32>
    %ge3A_446 = arith.cmpf oge, %dot_general3A_440, %ge3A_445 : vector<2000x32xf32>
    %jit3A_447 = arith.constant 32 : i32
    %broadcast_in_dim3A_448 = vector.broadcast %jit3A_447 : i32 to vector<2000x32xi32>
    %select_n3A_449 = arith.select %ge3A_446, %iota3A_444, %broadcast_in_dim3A_448 : vector<2000x32xi1>, vector<2000x32xi32>
    %reduce_min3A_450 = arith.constant dense<2147483647> : vector<2000xi32>
    %reduce_min3A_451 = vector.multi_reduction <minsi>, %select_n3A_449, %reduce_min3A_450 [1] : vector<2000x32xi32> to vector<2000xi32>
    %broadcast_in_dim3A_452 = vector.shape_cast %reduce_min3A_451 : vector<2000xi32> to vector<2000x1xi32>
    %broadcast_in_dim3A_453 = arith.constant 0.000000e+00 : f32
    %broadcast_in_dim3A_454 = vector.broadcast %broadcast_in_dim3A_453 : f32 to vector<2000x128xf32>
    %eq3A_455 = arith.constant 0 : i32
    %eq3A_456 = vector.broadcast %eq3A_455 : i32 to vector<2000x1xi32>
    %eq3A_457 = arith.cmpi eq, %broadcast_in_dim3A_452, %eq3A_456 : vector<2000x1xi32>
    %slice3A_458 = vector.extract_strided_slice %squeeze3A_418 {offsets = [0, 0], sizes = [1, 128], strides = [1, 1]} : vector<32x128xf32> to vector<1x128xf32>
    %squeeze3A_459 = vector.shape_cast %slice3A_458 : vector<1x128xf32> to vector<128xf32>
    %broadcast_in_dim3A_460 = vector.shape_cast %squeeze3A_459 : vector<128xf32> to vector<1x128xf32>
    %broadcast_in_dim3A_461 = vector.shape_cast %eq3A_457 : vector<2000x1xi1> to vector<2000x1xi1>
    %broadcast_in_dim3A_462 = vector.broadcast %broadcast_in_dim3A_461 : vector<2000x1xi1> to vector<2000x128xi1>
    %broadcast_in_dim3A_463 = vector.shape_cast %broadcast_in_dim3A_460 : vector<1x128xf32> to vector<1x128xf32>
    %broadcast_in_dim3A_464 = vector.broadcast %broadcast_in_dim3A_463 : vector<1x128xf32> to vector<2000x128xf32>
    %select_n3A_465 = arith.select %broadcast_in_dim3A_462, %broadcast_in_dim3A_464, %broadcast_in_dim3A_454 : vector<2000x128xi1>, vector<2000x128xf32>
    %eq3A_466 = arith.constant 1 : i32
    %eq3A_467 = vector.broadcast %eq3A_466 : i32 to vector<2000x1xi32>
    %eq3A_468 = arith.cmpi eq, %broadcast_in_dim3A_452, %eq3A_467 : vector<2000x1xi32>
    %slice3A_469 = vector.extract_strided_slice %squeeze3A_418 {offsets = [1, 0], sizes = [1, 128], strides = [1, 1]} : vector<32x128xf32> to vector<1x128xf32>
    %squeeze3A_470 = vector.shape_cast %slice3A_469 : vector<1x128xf32> to vector<128xf32>
    %broadcast_in_dim3A_471 = vector.shape_cast %squeeze3A_470 : vector<128xf32> to vector<1x128xf32>
    %broadcast_in_dim3A_472 = vector.shape_cast %eq3A_468 : vector<2000x1xi1> to vector<2000x1xi1>
    %broadcast_in_dim3A_473 = vector.broadcast %broadcast_in_dim3A_472 : vector<2000x1xi1> to vector<2000x128xi1>
    %broadcast_in_dim3A_474 = vector.shape_cast %broadcast_in_dim3A_471 : vector<1x128xf32> to vector<1x128xf32>
    %broadcast_in_dim3A_475 = vector.broadcast %broadcast_in_dim3A_474 : vector<1x128xf32> to vector<2000x128xf32>
    %select_n3A_476 = arith.select %broadcast_in_dim3A_473, %broadcast_in_dim3A_475, %select_n3A_465 : vector<2000x128xi1>, vector<2000x128xf32>
    %eq3A_477 = arith.constant 2 : i32
    %eq3A_478 = vector.broadcast %eq3A_477 : i32 to vector<2000x1xi32>
    %eq3A_479 = arith.cmpi eq, %broadcast_in_dim3A_452, %eq3A_478 : vector<2000x1xi32>
    %slice3A_480 = vector.extract_strided_slice %squeeze3A_418 {offsets = [2, 0], sizes = [1, 128], strides = [1, 1]} : vector<32x128xf32> to vector<1x128xf32>
    %squeeze3A_481 = vector.shape_cast %slice3A_480 : vector<1x128xf32> to vector<128xf32>
    %broadcast_in_dim3A_482 = vector.shape_cast %squeeze3A_481 : vector<128xf32> to vector<1x128xf32>
    %broadcast_in_dim3A_483 = vector.shape_cast %eq3A_479 : vector<2000x1xi1> to vector<2000x1xi1>
    %broadcast_in_dim3A_484 = vector.broadcast %broadcast_in_dim3A_483 : vector<2000x1xi1> to vector<2000x128xi1>
    %broadcast_in_dim3A_485 = vector.shape_cast %broadcast_in_dim3A_482 : vector<1x128xf32> to vector<1x128xf32>
    %broadcast_in_dim3A_486 = vector.broadcast %broadcast_in_dim3A_485 : vector<1x128xf32> to vector<2000x128xf32>
    %select_n3A_487 = arith.select %broadcast_in_dim3A_484, %broadcast_in_dim3A_486, %select_n3A_476 : vector<2000x128xi1>, vector<2000x128xf32>
    %eq3A_488 = arith.constant 3 : i32
    %eq3A_489 = vector.broadcast %eq3A_488 : i32 to vector<2000x1xi32>
    %eq3A_490 = arith.cmpi eq, %broadcast_in_dim3A_452, %eq3A_489 : vector<2000x1xi32>
    %slice3A_491 = vector.extract_strided_slice %squeeze3A_418 {offsets = [3, 0], sizes = [1, 128], strides = [1, 1]} : vector<32x128xf32> to vector<1x128xf32>
    %squeeze3A_492 = vector.shape_cast %slice3A_491 : vector<1x128xf32> to vector<128xf32>
    %broadcast_in_dim3A_493 = vector.shape_cast %squeeze3A_492 : vector<128xf32> to vector<1x128xf32>
    %broadcast_in_dim3A_494 = vector.shape_cast %eq3A_490 : vector<2000x1xi1> to vector<2000x1xi1>
    %broadcast_in_dim3A_495 = vector.broadcast %broadcast_in_dim3A_494 : vector<2000x1xi1> to vector<2000x128xi1>
    %broadcast_in_dim3A_496 = vector.shape_cast %broadcast_in_dim3A_493 : vector<1x128xf32> to vector<1x128xf32>
    %broadcast_in_dim3A_497 = vector.broadcast %broadcast_in_dim3A_496 : vector<1x128xf32> to vector<2000x128xf32>
    %select_n3A_498 = arith.select %broadcast_in_dim3A_495, %broadcast_in_dim3A_497, %select_n3A_487 : vector<2000x128xi1>, vector<2000x128xf32>
    %eq3A_499 = arith.constant 4 : i32
    %eq3A_500 = vector.broadcast %eq3A_499 : i32 to vector<2000x1xi32>
    %eq3A_501 = arith.cmpi eq, %broadcast_in_dim3A_452, %eq3A_500 : vector<2000x1xi32>
    %slice3A_502 = vector.extract_strided_slice %squeeze3A_418 {offsets = [4, 0], sizes = [1, 128], strides = [1, 1]} : vector<32x128xf32> to vector<1x128xf32>
    %squeeze3A_503 = vector.shape_cast %slice3A_502 : vector<1x128xf32> to vector<128xf32>
    %broadcast_in_dim3A_504 = vector.shape_cast %squeeze3A_503 : vector<128xf32> to vector<1x128xf32>
    %broadcast_in_dim3A_505 = vector.shape_cast %eq3A_501 : vector<2000x1xi1> to vector<2000x1xi1>
    %broadcast_in_dim3A_506 = vector.broadcast %broadcast_in_dim3A_505 : vector<2000x1xi1> to vector<2000x128xi1>
    %broadcast_in_dim3A_507 = vector.shape_cast %broadcast_in_dim3A_504 : vector<1x128xf32> to vector<1x128xf32>
    %broadcast_in_dim3A_508 = vector.broadcast %broadcast_in_dim3A_507 : vector<1x128xf32> to vector<2000x128xf32>
    %select_n3A_509 = arith.select %broadcast_in_dim3A_506, %broadcast_in_dim3A_508, %select_n3A_498 : vector<2000x128xi1>, vector<2000x128xf32>
    %eq3A_510 = arith.constant 5 : i32
    %eq3A_511 = vector.broadcast %eq3A_510 : i32 to vector<2000x1xi32>
    %eq3A_512 = arith.cmpi eq, %broadcast_in_dim3A_452, %eq3A_511 : vector<2000x1xi32>
    %slice3A_513 = vector.extract_strided_slice %squeeze3A_418 {offsets = [5, 0], sizes = [1, 128], strides = [1, 1]} : vector<32x128xf32> to vector<1x128xf32>
    %squeeze3A_514 = vector.shape_cast %slice3A_513 : vector<1x128xf32> to vector<128xf32>
    %broadcast_in_dim3A_515 = vector.shape_cast %squeeze3A_514 : vector<128xf32> to vector<1x128xf32>
    %broadcast_in_dim3A_516 = vector.shape_cast %eq3A_512 : vector<2000x1xi1> to vector<2000x1xi1>
    %broadcast_in_dim3A_517 = vector.broadcast %broadcast_in_dim3A_516 : vector<2000x1xi1> to vector<2000x128xi1>
    %broadcast_in_dim3A_518 = vector.shape_cast %broadcast_in_dim3A_515 : vector<1x128xf32> to vector<1x128xf32>
    %broadcast_in_dim3A_519 = vector.broadcast %broadcast_in_dim3A_518 : vector<1x128xf32> to vector<2000x128xf32>
    %select_n3A_520 = arith.select %broadcast_in_dim3A_517, %broadcast_in_dim3A_519, %select_n3A_509 : vector<2000x128xi1>, vector<2000x128xf32>
    %eq3A_521 = arith.constant 6 : i32
    %eq3A_522 = vector.broadcast %eq3A_521 : i32 to vector<2000x1xi32>
    %eq3A_523 = arith.cmpi eq, %broadcast_in_dim3A_452, %eq3A_522 : vector<2000x1xi32>
    %slice3A_524 = vector.extract_strided_slice %squeeze3A_418 {offsets = [6, 0], sizes = [1, 128], strides = [1, 1]} : vector<32x128xf32> to vector<1x128xf32>
    %squeeze3A_525 = vector.shape_cast %slice3A_524 : vector<1x128xf32> to vector<128xf32>
    %broadcast_in_dim3A_526 = vector.shape_cast %squeeze3A_525 : vector<128xf32> to vector<1x128xf32>
    %broadcast_in_dim3A_527 = vector.shape_cast %eq3A_523 : vector<2000x1xi1> to vector<2000x1xi1>
    %broadcast_in_dim3A_528 = vector.broadcast %broadcast_in_dim3A_527 : vector<2000x1xi1> to vector<2000x128xi1>
    %broadcast_in_dim3A_529 = vector.shape_cast %broadcast_in_dim3A_526 : vector<1x128xf32> to vector<1x128xf32>
    %broadcast_in_dim3A_530 = vector.broadcast %broadcast_in_dim3A_529 : vector<1x128xf32> to vector<2000x128xf32>
    %select_n3A_531 = arith.select %broadcast_in_dim3A_528, %broadcast_in_dim3A_530, %select_n3A_520 : vector<2000x128xi1>, vector<2000x128xf32>
    %eq3A_532 = arith.constant 7 : i32
    %eq3A_533 = vector.broadcast %eq3A_532 : i32 to vector<2000x1xi32>
    %eq3A_534 = arith.cmpi eq, %broadcast_in_dim3A_452, %eq3A_533 : vector<2000x1xi32>
    %slice3A_535 = vector.extract_strided_slice %squeeze3A_418 {offsets = [7, 0], sizes = [1, 128], strides = [1, 1]} : vector<32x128xf32> to vector<1x128xf32>
    %squeeze3A_536 = vector.shape_cast %slice3A_535 : vector<1x128xf32> to vector<128xf32>
    %broadcast_in_dim3A_537 = vector.shape_cast %squeeze3A_536 : vector<128xf32> to vector<1x128xf32>
    %broadcast_in_dim3A_538 = vector.shape_cast %eq3A_534 : vector<2000x1xi1> to vector<2000x1xi1>
    %broadcast_in_dim3A_539 = vector.broadcast %broadcast_in_dim3A_538 : vector<2000x1xi1> to vector<2000x128xi1>
    %broadcast_in_dim3A_540 = vector.shape_cast %broadcast_in_dim3A_537 : vector<1x128xf32> to vector<1x128xf32>
    %broadcast_in_dim3A_541 = vector.broadcast %broadcast_in_dim3A_540 : vector<1x128xf32> to vector<2000x128xf32>
    %select_n3A_542 = arith.select %broadcast_in_dim3A_539, %broadcast_in_dim3A_541, %select_n3A_531 : vector<2000x128xi1>, vector<2000x128xf32>
    %eq3A_543 = arith.constant 8 : i32
    %eq3A_544 = vector.broadcast %eq3A_543 : i32 to vector<2000x1xi32>
    %eq3A_545 = arith.cmpi eq, %broadcast_in_dim3A_452, %eq3A_544 : vector<2000x1xi32>
    %slice3A_546 = vector.extract_strided_slice %squeeze3A_418 {offsets = [8, 0], sizes = [1, 128], strides = [1, 1]} : vector<32x128xf32> to vector<1x128xf32>
    %squeeze3A_547 = vector.shape_cast %slice3A_546 : vector<1x128xf32> to vector<128xf32>
    %broadcast_in_dim3A_548 = vector.shape_cast %squeeze3A_547 : vector<128xf32> to vector<1x128xf32>
    %broadcast_in_dim3A_549 = vector.shape_cast %eq3A_545 : vector<2000x1xi1> to vector<2000x1xi1>
    %broadcast_in_dim3A_550 = vector.broadcast %broadcast_in_dim3A_549 : vector<2000x1xi1> to vector<2000x128xi1>
    %broadcast_in_dim3A_551 = vector.shape_cast %broadcast_in_dim3A_548 : vector<1x128xf32> to vector<1x128xf32>
    %broadcast_in_dim3A_552 = vector.broadcast %broadcast_in_dim3A_551 : vector<1x128xf32> to vector<2000x128xf32>
    %select_n3A_553 = arith.select %broadcast_in_dim3A_550, %broadcast_in_dim3A_552, %select_n3A_542 : vector<2000x128xi1>, vector<2000x128xf32>
    %eq3A_554 = arith.constant 9 : i32
    %eq3A_555 = vector.broadcast %eq3A_554 : i32 to vector<2000x1xi32>
    %eq3A_556 = arith.cmpi eq, %broadcast_in_dim3A_452, %eq3A_555 : vector<2000x1xi32>
    %slice3A_557 = vector.extract_strided_slice %squeeze3A_418 {offsets = [9, 0], sizes = [1, 128], strides = [1, 1]} : vector<32x128xf32> to vector<1x128xf32>
    %squeeze3A_558 = vector.shape_cast %slice3A_557 : vector<1x128xf32> to vector<128xf32>
    %broadcast_in_dim3A_559 = vector.shape_cast %squeeze3A_558 : vector<128xf32> to vector<1x128xf32>
    %broadcast_in_dim3A_560 = vector.shape_cast %eq3A_556 : vector<2000x1xi1> to vector<2000x1xi1>
    %broadcast_in_dim3A_561 = vector.broadcast %broadcast_in_dim3A_560 : vector<2000x1xi1> to vector<2000x128xi1>
    %broadcast_in_dim3A_562 = vector.shape_cast %broadcast_in_dim3A_559 : vector<1x128xf32> to vector<1x128xf32>
    %broadcast_in_dim3A_563 = vector.broadcast %broadcast_in_dim3A_562 : vector<1x128xf32> to vector<2000x128xf32>
    %select_n3A_564 = arith.select %broadcast_in_dim3A_561, %broadcast_in_dim3A_563, %select_n3A_553 : vector<2000x128xi1>, vector<2000x128xf32>
    %eq3A_565 = arith.constant 10 : i32
    %eq3A_566 = vector.broadcast %eq3A_565 : i32 to vector<2000x1xi32>
    %eq3A_567 = arith.cmpi eq, %broadcast_in_dim3A_452, %eq3A_566 : vector<2000x1xi32>
    %slice3A_568 = vector.extract_strided_slice %squeeze3A_418 {offsets = [10, 0], sizes = [1, 128], strides = [1, 1]} : vector<32x128xf32> to vector<1x128xf32>
    %squeeze3A_569 = vector.shape_cast %slice3A_568 : vector<1x128xf32> to vector<128xf32>
    %broadcast_in_dim3A_570 = vector.shape_cast %squeeze3A_569 : vector<128xf32> to vector<1x128xf32>
    %broadcast_in_dim3A_571 = vector.shape_cast %eq3A_567 : vector<2000x1xi1> to vector<2000x1xi1>
    %broadcast_in_dim3A_572 = vector.broadcast %broadcast_in_dim3A_571 : vector<2000x1xi1> to vector<2000x128xi1>
    %broadcast_in_dim3A_573 = vector.shape_cast %broadcast_in_dim3A_570 : vector<1x128xf32> to vector<1x128xf32>
    %broadcast_in_dim3A_574 = vector.broadcast %broadcast_in_dim3A_573 : vector<1x128xf32> to vector<2000x128xf32>
    %select_n3A_575 = arith.select %broadcast_in_dim3A_572, %broadcast_in_dim3A_574, %select_n3A_564 : vector<2000x128xi1>, vector<2000x128xf32>
    %eq3A_576 = arith.constant 11 : i32
    %eq3A_577 = vector.broadcast %eq3A_576 : i32 to vector<2000x1xi32>
    %eq3A_578 = arith.cmpi eq, %broadcast_in_dim3A_452, %eq3A_577 : vector<2000x1xi32>
    %slice3A_579 = vector.extract_strided_slice %squeeze3A_418 {offsets = [11, 0], sizes = [1, 128], strides = [1, 1]} : vector<32x128xf32> to vector<1x128xf32>
    %squeeze3A_580 = vector.shape_cast %slice3A_579 : vector<1x128xf32> to vector<128xf32>
    %broadcast_in_dim3A_581 = vector.shape_cast %squeeze3A_580 : vector<128xf32> to vector<1x128xf32>
    %broadcast_in_dim3A_582 = vector.shape_cast %eq3A_578 : vector<2000x1xi1> to vector<2000x1xi1>
    %broadcast_in_dim3A_583 = vector.broadcast %broadcast_in_dim3A_582 : vector<2000x1xi1> to vector<2000x128xi1>
    %broadcast_in_dim3A_584 = vector.shape_cast %broadcast_in_dim3A_581 : vector<1x128xf32> to vector<1x128xf32>
    %broadcast_in_dim3A_585 = vector.broadcast %broadcast_in_dim3A_584 : vector<1x128xf32> to vector<2000x128xf32>
    %select_n3A_586 = arith.select %broadcast_in_dim3A_583, %broadcast_in_dim3A_585, %select_n3A_575 : vector<2000x128xi1>, vector<2000x128xf32>
    %eq3A_587 = arith.constant 12 : i32
    %eq3A_588 = vector.broadcast %eq3A_587 : i32 to vector<2000x1xi32>
    %eq3A_589 = arith.cmpi eq, %broadcast_in_dim3A_452, %eq3A_588 : vector<2000x1xi32>
    %slice3A_590 = vector.extract_strided_slice %squeeze3A_418 {offsets = [12, 0], sizes = [1, 128], strides = [1, 1]} : vector<32x128xf32> to vector<1x128xf32>
    %squeeze3A_591 = vector.shape_cast %slice3A_590 : vector<1x128xf32> to vector<128xf32>
    %broadcast_in_dim3A_592 = vector.shape_cast %squeeze3A_591 : vector<128xf32> to vector<1x128xf32>
    %broadcast_in_dim3A_593 = vector.shape_cast %eq3A_589 : vector<2000x1xi1> to vector<2000x1xi1>
    %broadcast_in_dim3A_594 = vector.broadcast %broadcast_in_dim3A_593 : vector<2000x1xi1> to vector<2000x128xi1>
    %broadcast_in_dim3A_595 = vector.shape_cast %broadcast_in_dim3A_592 : vector<1x128xf32> to vector<1x128xf32>
    %broadcast_in_dim3A_596 = vector.broadcast %broadcast_in_dim3A_595 : vector<1x128xf32> to vector<2000x128xf32>
    %select_n3A_597 = arith.select %broadcast_in_dim3A_594, %broadcast_in_dim3A_596, %select_n3A_586 : vector<2000x128xi1>, vector<2000x128xf32>
    %eq3A_598 = arith.constant 13 : i32
    %eq3A_599 = vector.broadcast %eq3A_598 : i32 to vector<2000x1xi32>
    %eq3A_600 = arith.cmpi eq, %broadcast_in_dim3A_452, %eq3A_599 : vector<2000x1xi32>
    %slice3A_601 = vector.extract_strided_slice %squeeze3A_418 {offsets = [13, 0], sizes = [1, 128], strides = [1, 1]} : vector<32x128xf32> to vector<1x128xf32>
    %squeeze3A_602 = vector.shape_cast %slice3A_601 : vector<1x128xf32> to vector<128xf32>
    %broadcast_in_dim3A_603 = vector.shape_cast %squeeze3A_602 : vector<128xf32> to vector<1x128xf32>
    %broadcast_in_dim3A_604 = vector.shape_cast %eq3A_600 : vector<2000x1xi1> to vector<2000x1xi1>
    %broadcast_in_dim3A_605 = vector.broadcast %broadcast_in_dim3A_604 : vector<2000x1xi1> to vector<2000x128xi1>
    %broadcast_in_dim3A_606 = vector.shape_cast %broadcast_in_dim3A_603 : vector<1x128xf32> to vector<1x128xf32>
    %broadcast_in_dim3A_607 = vector.broadcast %broadcast_in_dim3A_606 : vector<1x128xf32> to vector<2000x128xf32>
    %select_n3A_608 = arith.select %broadcast_in_dim3A_605, %broadcast_in_dim3A_607, %select_n3A_597 : vector<2000x128xi1>, vector<2000x128xf32>
    %eq3A_609 = arith.constant 14 : i32
    %eq3A_610 = vector.broadcast %eq3A_609 : i32 to vector<2000x1xi32>
    %eq3A_611 = arith.cmpi eq, %broadcast_in_dim3A_452, %eq3A_610 : vector<2000x1xi32>
    %slice3A_612 = vector.extract_strided_slice %squeeze3A_418 {offsets = [14, 0], sizes = [1, 128], strides = [1, 1]} : vector<32x128xf32> to vector<1x128xf32>
    %squeeze3A_613 = vector.shape_cast %slice3A_612 : vector<1x128xf32> to vector<128xf32>
    %broadcast_in_dim3A_614 = vector.shape_cast %squeeze3A_613 : vector<128xf32> to vector<1x128xf32>
    %broadcast_in_dim3A_615 = vector.shape_cast %eq3A_611 : vector<2000x1xi1> to vector<2000x1xi1>
    %broadcast_in_dim3A_616 = vector.broadcast %broadcast_in_dim3A_615 : vector<2000x1xi1> to vector<2000x128xi1>
    %broadcast_in_dim3A_617 = vector.shape_cast %broadcast_in_dim3A_614 : vector<1x128xf32> to vector<1x128xf32>
    %broadcast_in_dim3A_618 = vector.broadcast %broadcast_in_dim3A_617 : vector<1x128xf32> to vector<2000x128xf32>
    %select_n3A_619 = arith.select %broadcast_in_dim3A_616, %broadcast_in_dim3A_618, %select_n3A_608 : vector<2000x128xi1>, vector<2000x128xf32>
    %eq3A_620 = arith.constant 15 : i32
    %eq3A_621 = vector.broadcast %eq3A_620 : i32 to vector<2000x1xi32>
    %eq3A_622 = arith.cmpi eq, %broadcast_in_dim3A_452, %eq3A_621 : vector<2000x1xi32>
    %slice3A_623 = vector.extract_strided_slice %squeeze3A_418 {offsets = [15, 0], sizes = [1, 128], strides = [1, 1]} : vector<32x128xf32> to vector<1x128xf32>
    %squeeze3A_624 = vector.shape_cast %slice3A_623 : vector<1x128xf32> to vector<128xf32>
    %broadcast_in_dim3A_625 = vector.shape_cast %squeeze3A_624 : vector<128xf32> to vector<1x128xf32>
    %broadcast_in_dim3A_626 = vector.shape_cast %eq3A_622 : vector<2000x1xi1> to vector<2000x1xi1>
    %broadcast_in_dim3A_627 = vector.broadcast %broadcast_in_dim3A_626 : vector<2000x1xi1> to vector<2000x128xi1>
    %broadcast_in_dim3A_628 = vector.shape_cast %broadcast_in_dim3A_625 : vector<1x128xf32> to vector<1x128xf32>
    %broadcast_in_dim3A_629 = vector.broadcast %broadcast_in_dim3A_628 : vector<1x128xf32> to vector<2000x128xf32>
    %select_n3A_630 = arith.select %broadcast_in_dim3A_627, %broadcast_in_dim3A_629, %select_n3A_619 : vector<2000x128xi1>, vector<2000x128xf32>
    %eq3A_631 = arith.constant 16 : i32
    %eq3A_632 = vector.broadcast %eq3A_631 : i32 to vector<2000x1xi32>
    %eq3A_633 = arith.cmpi eq, %broadcast_in_dim3A_452, %eq3A_632 : vector<2000x1xi32>
    %slice3A_634 = vector.extract_strided_slice %squeeze3A_418 {offsets = [16, 0], sizes = [1, 128], strides = [1, 1]} : vector<32x128xf32> to vector<1x128xf32>
    %squeeze3A_635 = vector.shape_cast %slice3A_634 : vector<1x128xf32> to vector<128xf32>
    %broadcast_in_dim3A_636 = vector.shape_cast %squeeze3A_635 : vector<128xf32> to vector<1x128xf32>
    %broadcast_in_dim3A_637 = vector.shape_cast %eq3A_633 : vector<2000x1xi1> to vector<2000x1xi1>
    %broadcast_in_dim3A_638 = vector.broadcast %broadcast_in_dim3A_637 : vector<2000x1xi1> to vector<2000x128xi1>
    %broadcast_in_dim3A_639 = vector.shape_cast %broadcast_in_dim3A_636 : vector<1x128xf32> to vector<1x128xf32>
    %broadcast_in_dim3A_640 = vector.broadcast %broadcast_in_dim3A_639 : vector<1x128xf32> to vector<2000x128xf32>
    %select_n3A_641 = arith.select %broadcast_in_dim3A_638, %broadcast_in_dim3A_640, %select_n3A_630 : vector<2000x128xi1>, vector<2000x128xf32>
    %eq3A_642 = arith.constant 17 : i32
    %eq3A_643 = vector.broadcast %eq3A_642 : i32 to vector<2000x1xi32>
    %eq3A_644 = arith.cmpi eq, %broadcast_in_dim3A_452, %eq3A_643 : vector<2000x1xi32>
    %slice3A_645 = vector.extract_strided_slice %squeeze3A_418 {offsets = [17, 0], sizes = [1, 128], strides = [1, 1]} : vector<32x128xf32> to vector<1x128xf32>
    %squeeze3A_646 = vector.shape_cast %slice3A_645 : vector<1x128xf32> to vector<128xf32>
    %broadcast_in_dim3A_647 = vector.shape_cast %squeeze3A_646 : vector<128xf32> to vector<1x128xf32>
    %broadcast_in_dim3A_648 = vector.shape_cast %eq3A_644 : vector<2000x1xi1> to vector<2000x1xi1>
    %broadcast_in_dim3A_649 = vector.broadcast %broadcast_in_dim3A_648 : vector<2000x1xi1> to vector<2000x128xi1>
    %broadcast_in_dim3A_650 = vector.shape_cast %broadcast_in_dim3A_647 : vector<1x128xf32> to vector<1x128xf32>
    %broadcast_in_dim3A_651 = vector.broadcast %broadcast_in_dim3A_650 : vector<1x128xf32> to vector<2000x128xf32>
    %select_n3A_652 = arith.select %broadcast_in_dim3A_649, %broadcast_in_dim3A_651, %select_n3A_641 : vector<2000x128xi1>, vector<2000x128xf32>
    %eq3A_653 = arith.constant 18 : i32
    %eq3A_654 = vector.broadcast %eq3A_653 : i32 to vector<2000x1xi32>
    %eq3A_655 = arith.cmpi eq, %broadcast_in_dim3A_452, %eq3A_654 : vector<2000x1xi32>
    %slice3A_656 = vector.extract_strided_slice %squeeze3A_418 {offsets = [18, 0], sizes = [1, 128], strides = [1, 1]} : vector<32x128xf32> to vector<1x128xf32>
    %squeeze3A_657 = vector.shape_cast %slice3A_656 : vector<1x128xf32> to vector<128xf32>
    %broadcast_in_dim3A_658 = vector.shape_cast %squeeze3A_657 : vector<128xf32> to vector<1x128xf32>
    %broadcast_in_dim3A_659 = vector.shape_cast %eq3A_655 : vector<2000x1xi1> to vector<2000x1xi1>
    %broadcast_in_dim3A_660 = vector.broadcast %broadcast_in_dim3A_659 : vector<2000x1xi1> to vector<2000x128xi1>
    %broadcast_in_dim3A_661 = vector.shape_cast %broadcast_in_dim3A_658 : vector<1x128xf32> to vector<1x128xf32>
    %broadcast_in_dim3A_662 = vector.broadcast %broadcast_in_dim3A_661 : vector<1x128xf32> to vector<2000x128xf32>
    %select_n3A_663 = arith.select %broadcast_in_dim3A_660, %broadcast_in_dim3A_662, %select_n3A_652 : vector<2000x128xi1>, vector<2000x128xf32>
    %eq3A_664 = arith.constant 19 : i32
    %eq3A_665 = vector.broadcast %eq3A_664 : i32 to vector<2000x1xi32>
    %eq3A_666 = arith.cmpi eq, %broadcast_in_dim3A_452, %eq3A_665 : vector<2000x1xi32>
    %slice3A_667 = vector.extract_strided_slice %squeeze3A_418 {offsets = [19, 0], sizes = [1, 128], strides = [1, 1]} : vector<32x128xf32> to vector<1x128xf32>
    %squeeze3A_668 = vector.shape_cast %slice3A_667 : vector<1x128xf32> to vector<128xf32>
    %broadcast_in_dim3A_669 = vector.shape_cast %squeeze3A_668 : vector<128xf32> to vector<1x128xf32>
    %broadcast_in_dim3A_670 = vector.shape_cast %eq3A_666 : vector<2000x1xi1> to vector<2000x1xi1>
    %broadcast_in_dim3A_671 = vector.broadcast %broadcast_in_dim3A_670 : vector<2000x1xi1> to vector<2000x128xi1>
    %broadcast_in_dim3A_672 = vector.shape_cast %broadcast_in_dim3A_669 : vector<1x128xf32> to vector<1x128xf32>
    %broadcast_in_dim3A_673 = vector.broadcast %broadcast_in_dim3A_672 : vector<1x128xf32> to vector<2000x128xf32>
    %select_n3A_674 = arith.select %broadcast_in_dim3A_671, %broadcast_in_dim3A_673, %select_n3A_663 : vector<2000x128xi1>, vector<2000x128xf32>
    %eq3A_675 = arith.constant 20 : i32
    %eq3A_676 = vector.broadcast %eq3A_675 : i32 to vector<2000x1xi32>
    %eq3A_677 = arith.cmpi eq, %broadcast_in_dim3A_452, %eq3A_676 : vector<2000x1xi32>
    %slice3A_678 = vector.extract_strided_slice %squeeze3A_418 {offsets = [20, 0], sizes = [1, 128], strides = [1, 1]} : vector<32x128xf32> to vector<1x128xf32>
    %squeeze3A_679 = vector.shape_cast %slice3A_678 : vector<1x128xf32> to vector<128xf32>
    %broadcast_in_dim3A_680 = vector.shape_cast %squeeze3A_679 : vector<128xf32> to vector<1x128xf32>
    %broadcast_in_dim3A_681 = vector.shape_cast %eq3A_677 : vector<2000x1xi1> to vector<2000x1xi1>
    %broadcast_in_dim3A_682 = vector.broadcast %broadcast_in_dim3A_681 : vector<2000x1xi1> to vector<2000x128xi1>
    %broadcast_in_dim3A_683 = vector.shape_cast %broadcast_in_dim3A_680 : vector<1x128xf32> to vector<1x128xf32>
    %broadcast_in_dim3A_684 = vector.broadcast %broadcast_in_dim3A_683 : vector<1x128xf32> to vector<2000x128xf32>
    %select_n3A_685 = arith.select %broadcast_in_dim3A_682, %broadcast_in_dim3A_684, %select_n3A_674 : vector<2000x128xi1>, vector<2000x128xf32>
    %eq3A_686 = arith.constant 21 : i32
    %eq3A_687 = vector.broadcast %eq3A_686 : i32 to vector<2000x1xi32>
    %eq3A_688 = arith.cmpi eq, %broadcast_in_dim3A_452, %eq3A_687 : vector<2000x1xi32>
    %slice3A_689 = vector.extract_strided_slice %squeeze3A_418 {offsets = [21, 0], sizes = [1, 128], strides = [1, 1]} : vector<32x128xf32> to vector<1x128xf32>
    %squeeze3A_690 = vector.shape_cast %slice3A_689 : vector<1x128xf32> to vector<128xf32>
    %broadcast_in_dim3A_691 = vector.shape_cast %squeeze3A_690 : vector<128xf32> to vector<1x128xf32>
    %broadcast_in_dim3A_692 = vector.shape_cast %eq3A_688 : vector<2000x1xi1> to vector<2000x1xi1>
    %broadcast_in_dim3A_693 = vector.broadcast %broadcast_in_dim3A_692 : vector<2000x1xi1> to vector<2000x128xi1>
    %broadcast_in_dim3A_694 = vector.shape_cast %broadcast_in_dim3A_691 : vector<1x128xf32> to vector<1x128xf32>
    %broadcast_in_dim3A_695 = vector.broadcast %broadcast_in_dim3A_694 : vector<1x128xf32> to vector<2000x128xf32>
    %select_n3A_696 = arith.select %broadcast_in_dim3A_693, %broadcast_in_dim3A_695, %select_n3A_685 : vector<2000x128xi1>, vector<2000x128xf32>
    %eq3A_697 = arith.constant 22 : i32
    %eq3A_698 = vector.broadcast %eq3A_697 : i32 to vector<2000x1xi32>
    %eq3A_699 = arith.cmpi eq, %broadcast_in_dim3A_452, %eq3A_698 : vector<2000x1xi32>
    %slice3A_700 = vector.extract_strided_slice %squeeze3A_418 {offsets = [22, 0], sizes = [1, 128], strides = [1, 1]} : vector<32x128xf32> to vector<1x128xf32>
    %squeeze3A_701 = vector.shape_cast %slice3A_700 : vector<1x128xf32> to vector<128xf32>
    %broadcast_in_dim3A_702 = vector.shape_cast %squeeze3A_701 : vector<128xf32> to vector<1x128xf32>
    %broadcast_in_dim3A_703 = vector.shape_cast %eq3A_699 : vector<2000x1xi1> to vector<2000x1xi1>
    %broadcast_in_dim3A_704 = vector.broadcast %broadcast_in_dim3A_703 : vector<2000x1xi1> to vector<2000x128xi1>
    %broadcast_in_dim3A_705 = vector.shape_cast %broadcast_in_dim3A_702 : vector<1x128xf32> to vector<1x128xf32>
    %broadcast_in_dim3A_706 = vector.broadcast %broadcast_in_dim3A_705 : vector<1x128xf32> to vector<2000x128xf32>
    %select_n3A_707 = arith.select %broadcast_in_dim3A_704, %broadcast_in_dim3A_706, %select_n3A_696 : vector<2000x128xi1>, vector<2000x128xf32>
    %eq3A_708 = arith.constant 23 : i32
    %eq3A_709 = vector.broadcast %eq3A_708 : i32 to vector<2000x1xi32>
    %eq3A_710 = arith.cmpi eq, %broadcast_in_dim3A_452, %eq3A_709 : vector<2000x1xi32>
    %slice3A_711 = vector.extract_strided_slice %squeeze3A_418 {offsets = [23, 0], sizes = [1, 128], strides = [1, 1]} : vector<32x128xf32> to vector<1x128xf32>
    %squeeze3A_712 = vector.shape_cast %slice3A_711 : vector<1x128xf32> to vector<128xf32>
    %broadcast_in_dim3A_713 = vector.shape_cast %squeeze3A_712 : vector<128xf32> to vector<1x128xf32>
    %broadcast_in_dim3A_714 = vector.shape_cast %eq3A_710 : vector<2000x1xi1> to vector<2000x1xi1>
    %broadcast_in_dim3A_715 = vector.broadcast %broadcast_in_dim3A_714 : vector<2000x1xi1> to vector<2000x128xi1>
    %broadcast_in_dim3A_716 = vector.shape_cast %broadcast_in_dim3A_713 : vector<1x128xf32> to vector<1x128xf32>
    %broadcast_in_dim3A_717 = vector.broadcast %broadcast_in_dim3A_716 : vector<1x128xf32> to vector<2000x128xf32>
    %select_n3A_718 = arith.select %broadcast_in_dim3A_715, %broadcast_in_dim3A_717, %select_n3A_707 : vector<2000x128xi1>, vector<2000x128xf32>
    %eq3A_719 = arith.constant 24 : i32
    %eq3A_720 = vector.broadcast %eq3A_719 : i32 to vector<2000x1xi32>
    %eq3A_721 = arith.cmpi eq, %broadcast_in_dim3A_452, %eq3A_720 : vector<2000x1xi32>
    %slice3A_722 = vector.extract_strided_slice %squeeze3A_418 {offsets = [24, 0], sizes = [1, 128], strides = [1, 1]} : vector<32x128xf32> to vector<1x128xf32>
    %squeeze3A_723 = vector.shape_cast %slice3A_722 : vector<1x128xf32> to vector<128xf32>
    %broadcast_in_dim3A_724 = vector.shape_cast %squeeze3A_723 : vector<128xf32> to vector<1x128xf32>
    %broadcast_in_dim3A_725 = vector.shape_cast %eq3A_721 : vector<2000x1xi1> to vector<2000x1xi1>
    %broadcast_in_dim3A_726 = vector.broadcast %broadcast_in_dim3A_725 : vector<2000x1xi1> to vector<2000x128xi1>
    %broadcast_in_dim3A_727 = vector.shape_cast %broadcast_in_dim3A_724 : vector<1x128xf32> to vector<1x128xf32>
    %broadcast_in_dim3A_728 = vector.broadcast %broadcast_in_dim3A_727 : vector<1x128xf32> to vector<2000x128xf32>
    %select_n3A_729 = arith.select %broadcast_in_dim3A_726, %broadcast_in_dim3A_728, %select_n3A_718 : vector<2000x128xi1>, vector<2000x128xf32>
    %eq3A_730 = arith.constant 25 : i32
    %eq3A_731 = vector.broadcast %eq3A_730 : i32 to vector<2000x1xi32>
    %eq3A_732 = arith.cmpi eq, %broadcast_in_dim3A_452, %eq3A_731 : vector<2000x1xi32>
    %slice3A_733 = vector.extract_strided_slice %squeeze3A_418 {offsets = [25, 0], sizes = [1, 128], strides = [1, 1]} : vector<32x128xf32> to vector<1x128xf32>
    %squeeze3A_734 = vector.shape_cast %slice3A_733 : vector<1x128xf32> to vector<128xf32>
    %broadcast_in_dim3A_735 = vector.shape_cast %squeeze3A_734 : vector<128xf32> to vector<1x128xf32>
    %broadcast_in_dim3A_736 = vector.shape_cast %eq3A_732 : vector<2000x1xi1> to vector<2000x1xi1>
    %broadcast_in_dim3A_737 = vector.broadcast %broadcast_in_dim3A_736 : vector<2000x1xi1> to vector<2000x128xi1>
    %broadcast_in_dim3A_738 = vector.shape_cast %broadcast_in_dim3A_735 : vector<1x128xf32> to vector<1x128xf32>
    %broadcast_in_dim3A_739 = vector.broadcast %broadcast_in_dim3A_738 : vector<1x128xf32> to vector<2000x128xf32>
    %select_n3A_740 = arith.select %broadcast_in_dim3A_737, %broadcast_in_dim3A_739, %select_n3A_729 : vector<2000x128xi1>, vector<2000x128xf32>
    %eq3A_741 = arith.constant 26 : i32
    %eq3A_742 = vector.broadcast %eq3A_741 : i32 to vector<2000x1xi32>
    %eq3A_743 = arith.cmpi eq, %broadcast_in_dim3A_452, %eq3A_742 : vector<2000x1xi32>
    %slice3A_744 = vector.extract_strided_slice %squeeze3A_418 {offsets = [26, 0], sizes = [1, 128], strides = [1, 1]} : vector<32x128xf32> to vector<1x128xf32>
    %squeeze3A_745 = vector.shape_cast %slice3A_744 : vector<1x128xf32> to vector<128xf32>
    %broadcast_in_dim3A_746 = vector.shape_cast %squeeze3A_745 : vector<128xf32> to vector<1x128xf32>
    %broadcast_in_dim3A_747 = vector.shape_cast %eq3A_743 : vector<2000x1xi1> to vector<2000x1xi1>
    %broadcast_in_dim3A_748 = vector.broadcast %broadcast_in_dim3A_747 : vector<2000x1xi1> to vector<2000x128xi1>
    %broadcast_in_dim3A_749 = vector.shape_cast %broadcast_in_dim3A_746 : vector<1x128xf32> to vector<1x128xf32>
    %broadcast_in_dim3A_750 = vector.broadcast %broadcast_in_dim3A_749 : vector<1x128xf32> to vector<2000x128xf32>
    %select_n3A_751 = arith.select %broadcast_in_dim3A_748, %broadcast_in_dim3A_750, %select_n3A_740 : vector<2000x128xi1>, vector<2000x128xf32>
    %eq3A_752 = arith.constant 27 : i32
    %eq3A_753 = vector.broadcast %eq3A_752 : i32 to vector<2000x1xi32>
    %eq3A_754 = arith.cmpi eq, %broadcast_in_dim3A_452, %eq3A_753 : vector<2000x1xi32>
    %slice3A_755 = vector.extract_strided_slice %squeeze3A_418 {offsets = [27, 0], sizes = [1, 128], strides = [1, 1]} : vector<32x128xf32> to vector<1x128xf32>
    %squeeze3A_756 = vector.shape_cast %slice3A_755 : vector<1x128xf32> to vector<128xf32>
    %broadcast_in_dim3A_757 = vector.shape_cast %squeeze3A_756 : vector<128xf32> to vector<1x128xf32>
    %broadcast_in_dim3A_758 = vector.shape_cast %eq3A_754 : vector<2000x1xi1> to vector<2000x1xi1>
    %broadcast_in_dim3A_759 = vector.broadcast %broadcast_in_dim3A_758 : vector<2000x1xi1> to vector<2000x128xi1>
    %broadcast_in_dim3A_760 = vector.shape_cast %broadcast_in_dim3A_757 : vector<1x128xf32> to vector<1x128xf32>
    %broadcast_in_dim3A_761 = vector.broadcast %broadcast_in_dim3A_760 : vector<1x128xf32> to vector<2000x128xf32>
    %select_n3A_762 = arith.select %broadcast_in_dim3A_759, %broadcast_in_dim3A_761, %select_n3A_751 : vector<2000x128xi1>, vector<2000x128xf32>
    %eq3A_763 = arith.constant 28 : i32
    %eq3A_764 = vector.broadcast %eq3A_763 : i32 to vector<2000x1xi32>
    %eq3A_765 = arith.cmpi eq, %broadcast_in_dim3A_452, %eq3A_764 : vector<2000x1xi32>
    %slice3A_766 = vector.extract_strided_slice %squeeze3A_418 {offsets = [28, 0], sizes = [1, 128], strides = [1, 1]} : vector<32x128xf32> to vector<1x128xf32>
    %squeeze3A_767 = vector.shape_cast %slice3A_766 : vector<1x128xf32> to vector<128xf32>
    %broadcast_in_dim3A_768 = vector.shape_cast %squeeze3A_767 : vector<128xf32> to vector<1x128xf32>
    %broadcast_in_dim3A_769 = vector.shape_cast %eq3A_765 : vector<2000x1xi1> to vector<2000x1xi1>
    %broadcast_in_dim3A_770 = vector.broadcast %broadcast_in_dim3A_769 : vector<2000x1xi1> to vector<2000x128xi1>
    %broadcast_in_dim3A_771 = vector.shape_cast %broadcast_in_dim3A_768 : vector<1x128xf32> to vector<1x128xf32>
    %broadcast_in_dim3A_772 = vector.broadcast %broadcast_in_dim3A_771 : vector<1x128xf32> to vector<2000x128xf32>
    %select_n3A_773 = arith.select %broadcast_in_dim3A_770, %broadcast_in_dim3A_772, %select_n3A_762 : vector<2000x128xi1>, vector<2000x128xf32>
    %eq3A_774 = arith.constant 29 : i32
    %eq3A_775 = vector.broadcast %eq3A_774 : i32 to vector<2000x1xi32>
    %eq3A_776 = arith.cmpi eq, %broadcast_in_dim3A_452, %eq3A_775 : vector<2000x1xi32>
    %slice3A_777 = vector.extract_strided_slice %squeeze3A_418 {offsets = [29, 0], sizes = [1, 128], strides = [1, 1]} : vector<32x128xf32> to vector<1x128xf32>
    %squeeze3A_778 = vector.shape_cast %slice3A_777 : vector<1x128xf32> to vector<128xf32>
    %broadcast_in_dim3A_779 = vector.shape_cast %squeeze3A_778 : vector<128xf32> to vector<1x128xf32>
    %broadcast_in_dim3A_780 = vector.shape_cast %eq3A_776 : vector<2000x1xi1> to vector<2000x1xi1>
    %broadcast_in_dim3A_781 = vector.broadcast %broadcast_in_dim3A_780 : vector<2000x1xi1> to vector<2000x128xi1>
    %broadcast_in_dim3A_782 = vector.shape_cast %broadcast_in_dim3A_779 : vector<1x128xf32> to vector<1x128xf32>
    %broadcast_in_dim3A_783 = vector.broadcast %broadcast_in_dim3A_782 : vector<1x128xf32> to vector<2000x128xf32>
    %select_n3A_784 = arith.select %broadcast_in_dim3A_781, %broadcast_in_dim3A_783, %select_n3A_773 : vector<2000x128xi1>, vector<2000x128xf32>
    %eq3A_785 = arith.constant 30 : i32
    %eq3A_786 = vector.broadcast %eq3A_785 : i32 to vector<2000x1xi32>
    %eq3A_787 = arith.cmpi eq, %broadcast_in_dim3A_452, %eq3A_786 : vector<2000x1xi32>
    %slice3A_788 = vector.extract_strided_slice %squeeze3A_418 {offsets = [30, 0], sizes = [1, 128], strides = [1, 1]} : vector<32x128xf32> to vector<1x128xf32>
    %squeeze3A_789 = vector.shape_cast %slice3A_788 : vector<1x128xf32> to vector<128xf32>
    %broadcast_in_dim3A_790 = vector.shape_cast %squeeze3A_789 : vector<128xf32> to vector<1x128xf32>
    %broadcast_in_dim3A_791 = vector.shape_cast %eq3A_787 : vector<2000x1xi1> to vector<2000x1xi1>
    %broadcast_in_dim3A_792 = vector.broadcast %broadcast_in_dim3A_791 : vector<2000x1xi1> to vector<2000x128xi1>
    %broadcast_in_dim3A_793 = vector.shape_cast %broadcast_in_dim3A_790 : vector<1x128xf32> to vector<1x128xf32>
    %broadcast_in_dim3A_794 = vector.broadcast %broadcast_in_dim3A_793 : vector<1x128xf32> to vector<2000x128xf32>
    %select_n3A_795 = arith.select %broadcast_in_dim3A_792, %broadcast_in_dim3A_794, %select_n3A_784 : vector<2000x128xi1>, vector<2000x128xf32>
    %eq3A_796 = arith.constant 31 : i32
    %eq3A_797 = vector.broadcast %eq3A_796 : i32 to vector<2000x1xi32>
    %eq3A_798 = arith.cmpi eq, %broadcast_in_dim3A_452, %eq3A_797 : vector<2000x1xi32>
    %slice3A_799 = vector.extract_strided_slice %squeeze3A_418 {offsets = [31, 0], sizes = [1, 128], strides = [1, 1]} : vector<32x128xf32> to vector<1x128xf32>
    %squeeze3A_800 = vector.shape_cast %slice3A_799 : vector<1x128xf32> to vector<128xf32>
    %broadcast_in_dim3A_801 = vector.shape_cast %squeeze3A_800 : vector<128xf32> to vector<1x128xf32>
    %broadcast_in_dim3A_802 = vector.shape_cast %eq3A_798 : vector<2000x1xi1> to vector<2000x1xi1>
    %broadcast_in_dim3A_803 = vector.broadcast %broadcast_in_dim3A_802 : vector<2000x1xi1> to vector<2000x128xi1>
    %broadcast_in_dim3A_804 = vector.shape_cast %broadcast_in_dim3A_801 : vector<1x128xf32> to vector<1x128xf32>
    %broadcast_in_dim3A_805 = vector.broadcast %broadcast_in_dim3A_804 : vector<1x128xf32> to vector<2000x128xf32>
    %select_n3A_806 = arith.select %broadcast_in_dim3A_803, %broadcast_in_dim3A_805, %select_n3A_795 : vector<2000x128xi1>, vector<2000x128xf32>
    %sub3A_807 = arith.subf %select_n3A_806, %sub3A_413 : vector<2000x128xf32>
    %integer_pow3A_808 = arith.mulf %sub3A_807, %sub3A_807 : vector<2000x128xf32>
    %reduce_sum3A_809 = vector.shape_cast %integer_pow3A_808 : vector<2000x128xf32> to vector<1x2000x128xf32>
    %reduce_sum3A_810 = arith.constant dense<0.000000e+00> : vector<1xf32>
    %reduce_sum3A_811 = vector.multi_reduction <add>, %reduce_sum3A_809, %reduce_sum3A_810 [1, 2] : vector<1x2000x128xf32> to vector<1xf32>
    %reduce_sum3A_812 = vector.shape_cast %reduce_sum3A_811 : vector<1xf32> to vector<1x1x1xf32>
    %reduce_sum3A_813 = vector.extract %reduce_sum3A_812[0, 0, 0] : f32 from vector<1x1x1xf32>
    %div3A_814 = arith.constant 1.280000e+06 : f32
    %div3A_815 = arith.divf %reduce_sum3A_813, %div3A_814 : f32
    %mul3A_816 = arith.constant 2.500000e-01 : f32
    %mul3A_817 = arith.mulf %mul3A_816, %div3A_815 : f32
    %add3A_818 = arith.addf %add3A_412, %mul3A_817 : f32
    %sub3A_819 = arith.subf %sub3A_413, %select_n3A_806 : vector<2000x128xf32>
    %shift_left3A_820 = arith.constant 5 : i32
    %shift_left3A_821 = vector.broadcast %shift_left3A_820 : i32 to vector<2000x1xi32>
    %shift_left3A_822 = arith.shli %broadcast_in_dim3A_452, %shift_left3A_821 : vector<2000x1xi32>
    %add3A_823 = arith.addi %add3A_416, %shift_left3A_822 : vector<2000x1xi32>
    %slice3A_824 = vector.extract_strided_slice %get3A_21 {offsets = [2, 0, 0], sizes = [1, 32, 128], strides = [1, 1, 1]} : vector<3x32x128xf32> to vector<1x32x128xf32>
    %squeeze3A_825 = vector.shape_cast %slice3A_824 : vector<1x32x128xf32> to vector<32x128xf32>
    %mul3A_826 = arith.mulf %sub3A_819, %sub3A_819 : vector<2000x128xf32>
    %reduce_sum3A_827 = arith.constant dense<0.000000e+00> : vector<2000xf32>
    %reduce_sum3A_828 = vector.multi_reduction <add>, %mul3A_826, %reduce_sum3A_827 [1] : vector<2000x128xf32> to vector<2000xf32>
    %broadcast_in_dim3A_829 = vector.shape_cast %reduce_sum3A_828 : vector<2000xf32> to vector<2000x1xf32>
    %sqrt3A_830 = math.sqrt %broadcast_in_dim3A_829 : vector<2000x1xf32>
    %add3A_831 = arith.constant 9.99999993E-9 : f32
    %add3A_832 = vector.broadcast %add3A_831 : f32 to vector<2000x1xf32>
    %add3A_833 = arith.addf %sqrt3A_830, %add3A_832 : vector<2000x1xf32>
    %div3A_834 = vector.broadcast %add3A_833 : vector<2000x1xf32> to vector<2000x128xf32>
    %div3A_835 = arith.divf %sub3A_819, %div3A_834 : vector<2000x128xf32>
    %mul3A_836 = arith.mulf %squeeze3A_825, %squeeze3A_825 : vector<32x128xf32>
    %reduce_sum3A_837 = arith.constant dense<0.000000e+00> : vector<32xf32>
    %reduce_sum3A_838 = vector.multi_reduction <add>, %mul3A_836, %reduce_sum3A_837 [1] : vector<32x128xf32> to vector<32xf32>
    %broadcast_in_dim3A_839 = vector.shape_cast %reduce_sum3A_838 : vector<32xf32> to vector<32x1xf32>
    %sqrt3A_840 = math.sqrt %broadcast_in_dim3A_839 : vector<32x1xf32>
    %add3A_841 = arith.constant 9.99999993E-9 : f32
    %add3A_842 = vector.broadcast %add3A_841 : f32 to vector<32x1xf32>
    %add3A_843 = arith.addf %sqrt3A_840, %add3A_842 : vector<32x1xf32>
    %div3A_844 = vector.broadcast %add3A_843 : vector<32x1xf32> to vector<32x128xf32>
    %div3A_845 = arith.divf %squeeze3A_825, %div3A_844 : vector<32x128xf32>
    %dot_general3A_846 = arith.constant dense<0.000000e+00> : vector<2000x32xf32>
    %dot_general3A_847 = tpu.matmul %div3A_835, %div3A_845, %dot_general3A_846 {dimension_numbers = #tpu.dot_dimension_numbers<[1], [1], [0], [0], [0, 0, 1, 0], [], []>, transpose_lhs_hint = false} : vector<2000x128xf32>, vector<32x128xf32>, vector<2000x32xf32> -> vector<2000x32xf32>
    %reduce_max3A_848 = arith.constant dense<0xFF800000> : vector<2000xf32>
    %reduce_max3A_849 = vector.multi_reduction <maximumf>, %dot_general3A_847, %reduce_max3A_848 [1] : vector<2000x32xf32> to vector<2000xf32>
    %broadcast_in_dim3A_850 = vector.shape_cast %reduce_max3A_849 : vector<2000xf32> to vector<2000x1xf32>
    %iota3A_851 = tpu.iota {dimensions = array<i32: 1>} : vector<2000x32xi32>
    %ge3A_852 = vector.broadcast %broadcast_in_dim3A_850 : vector<2000x1xf32> to vector<2000x32xf32>
    %ge3A_853 = arith.cmpf oge, %dot_general3A_847, %ge3A_852 : vector<2000x32xf32>
    %jit3A_854 = arith.constant 32 : i32
    %broadcast_in_dim3A_855 = vector.broadcast %jit3A_854 : i32 to vector<2000x32xi32>
    %select_n3A_856 = arith.select %ge3A_853, %iota3A_851, %broadcast_in_dim3A_855 : vector<2000x32xi1>, vector<2000x32xi32>
    %reduce_min3A_857 = arith.constant dense<2147483647> : vector<2000xi32>
    %reduce_min3A_858 = vector.multi_reduction <minsi>, %select_n3A_856, %reduce_min3A_857 [1] : vector<2000x32xi32> to vector<2000xi32>
    %broadcast_in_dim3A_859 = vector.shape_cast %reduce_min3A_858 : vector<2000xi32> to vector<2000x1xi32>
    %broadcast_in_dim3A_860 = arith.constant 0.000000e+00 : f32
    %broadcast_in_dim3A_861 = vector.broadcast %broadcast_in_dim3A_860 : f32 to vector<2000x128xf32>
    %eq3A_862 = arith.constant 0 : i32
    %eq3A_863 = vector.broadcast %eq3A_862 : i32 to vector<2000x1xi32>
    %eq3A_864 = arith.cmpi eq, %broadcast_in_dim3A_859, %eq3A_863 : vector<2000x1xi32>
    %slice3A_865 = vector.extract_strided_slice %squeeze3A_825 {offsets = [0, 0], sizes = [1, 128], strides = [1, 1]} : vector<32x128xf32> to vector<1x128xf32>
    %squeeze3A_866 = vector.shape_cast %slice3A_865 : vector<1x128xf32> to vector<128xf32>
    %broadcast_in_dim3A_867 = vector.shape_cast %squeeze3A_866 : vector<128xf32> to vector<1x128xf32>
    %broadcast_in_dim3A_868 = vector.shape_cast %eq3A_864 : vector<2000x1xi1> to vector<2000x1xi1>
    %broadcast_in_dim3A_869 = vector.broadcast %broadcast_in_dim3A_868 : vector<2000x1xi1> to vector<2000x128xi1>
    %broadcast_in_dim3A_870 = vector.shape_cast %broadcast_in_dim3A_867 : vector<1x128xf32> to vector<1x128xf32>
    %broadcast_in_dim3A_871 = vector.broadcast %broadcast_in_dim3A_870 : vector<1x128xf32> to vector<2000x128xf32>
    %select_n3A_872 = arith.select %broadcast_in_dim3A_869, %broadcast_in_dim3A_871, %broadcast_in_dim3A_861 : vector<2000x128xi1>, vector<2000x128xf32>
    %eq3A_873 = arith.constant 1 : i32
    %eq3A_874 = vector.broadcast %eq3A_873 : i32 to vector<2000x1xi32>
    %eq3A_875 = arith.cmpi eq, %broadcast_in_dim3A_859, %eq3A_874 : vector<2000x1xi32>
    %slice3A_876 = vector.extract_strided_slice %squeeze3A_825 {offsets = [1, 0], sizes = [1, 128], strides = [1, 1]} : vector<32x128xf32> to vector<1x128xf32>
    %squeeze3A_877 = vector.shape_cast %slice3A_876 : vector<1x128xf32> to vector<128xf32>
    %broadcast_in_dim3A_878 = vector.shape_cast %squeeze3A_877 : vector<128xf32> to vector<1x128xf32>
    %broadcast_in_dim3A_879 = vector.shape_cast %eq3A_875 : vector<2000x1xi1> to vector<2000x1xi1>
    %broadcast_in_dim3A_880 = vector.broadcast %broadcast_in_dim3A_879 : vector<2000x1xi1> to vector<2000x128xi1>
    %broadcast_in_dim3A_881 = vector.shape_cast %broadcast_in_dim3A_878 : vector<1x128xf32> to vector<1x128xf32>
    %broadcast_in_dim3A_882 = vector.broadcast %broadcast_in_dim3A_881 : vector<1x128xf32> to vector<2000x128xf32>
    %select_n3A_883 = arith.select %broadcast_in_dim3A_880, %broadcast_in_dim3A_882, %select_n3A_872 : vector<2000x128xi1>, vector<2000x128xf32>
    %eq3A_884 = arith.constant 2 : i32
    %eq3A_885 = vector.broadcast %eq3A_884 : i32 to vector<2000x1xi32>
    %eq3A_886 = arith.cmpi eq, %broadcast_in_dim3A_859, %eq3A_885 : vector<2000x1xi32>
    %slice3A_887 = vector.extract_strided_slice %squeeze3A_825 {offsets = [2, 0], sizes = [1, 128], strides = [1, 1]} : vector<32x128xf32> to vector<1x128xf32>
    %squeeze3A_888 = vector.shape_cast %slice3A_887 : vector<1x128xf32> to vector<128xf32>
    %broadcast_in_dim3A_889 = vector.shape_cast %squeeze3A_888 : vector<128xf32> to vector<1x128xf32>
    %broadcast_in_dim3A_890 = vector.shape_cast %eq3A_886 : vector<2000x1xi1> to vector<2000x1xi1>
    %broadcast_in_dim3A_891 = vector.broadcast %broadcast_in_dim3A_890 : vector<2000x1xi1> to vector<2000x128xi1>
    %broadcast_in_dim3A_892 = vector.shape_cast %broadcast_in_dim3A_889 : vector<1x128xf32> to vector<1x128xf32>
    %broadcast_in_dim3A_893 = vector.broadcast %broadcast_in_dim3A_892 : vector<1x128xf32> to vector<2000x128xf32>
    %select_n3A_894 = arith.select %broadcast_in_dim3A_891, %broadcast_in_dim3A_893, %select_n3A_883 : vector<2000x128xi1>, vector<2000x128xf32>
    %eq3A_895 = arith.constant 3 : i32
    %eq3A_896 = vector.broadcast %eq3A_895 : i32 to vector<2000x1xi32>
    %eq3A_897 = arith.cmpi eq, %broadcast_in_dim3A_859, %eq3A_896 : vector<2000x1xi32>
    %slice3A_898 = vector.extract_strided_slice %squeeze3A_825 {offsets = [3, 0], sizes = [1, 128], strides = [1, 1]} : vector<32x128xf32> to vector<1x128xf32>
    %squeeze3A_899 = vector.shape_cast %slice3A_898 : vector<1x128xf32> to vector<128xf32>
    %broadcast_in_dim3A_900 = vector.shape_cast %squeeze3A_899 : vector<128xf32> to vector<1x128xf32>
    %broadcast_in_dim3A_901 = vector.shape_cast %eq3A_897 : vector<2000x1xi1> to vector<2000x1xi1>
    %broadcast_in_dim3A_902 = vector.broadcast %broadcast_in_dim3A_901 : vector<2000x1xi1> to vector<2000x128xi1>
    %broadcast_in_dim3A_903 = vector.shape_cast %broadcast_in_dim3A_900 : vector<1x128xf32> to vector<1x128xf32>
    %broadcast_in_dim3A_904 = vector.broadcast %broadcast_in_dim3A_903 : vector<1x128xf32> to vector<2000x128xf32>
    %select_n3A_905 = arith.select %broadcast_in_dim3A_902, %broadcast_in_dim3A_904, %select_n3A_894 : vector<2000x128xi1>, vector<2000x128xf32>
    %eq3A_906 = arith.constant 4 : i32
    %eq3A_907 = vector.broadcast %eq3A_906 : i32 to vector<2000x1xi32>
    %eq3A_908 = arith.cmpi eq, %broadcast_in_dim3A_859, %eq3A_907 : vector<2000x1xi32>
    %slice3A_909 = vector.extract_strided_slice %squeeze3A_825 {offsets = [4, 0], sizes = [1, 128], strides = [1, 1]} : vector<32x128xf32> to vector<1x128xf32>
    %squeeze3A_910 = vector.shape_cast %slice3A_909 : vector<1x128xf32> to vector<128xf32>
    %broadcast_in_dim3A_911 = vector.shape_cast %squeeze3A_910 : vector<128xf32> to vector<1x128xf32>
    %broadcast_in_dim3A_912 = vector.shape_cast %eq3A_908 : vector<2000x1xi1> to vector<2000x1xi1>
    %broadcast_in_dim3A_913 = vector.broadcast %broadcast_in_dim3A_912 : vector<2000x1xi1> to vector<2000x128xi1>
    %broadcast_in_dim3A_914 = vector.shape_cast %broadcast_in_dim3A_911 : vector<1x128xf32> to vector<1x128xf32>
    %broadcast_in_dim3A_915 = vector.broadcast %broadcast_in_dim3A_914 : vector<1x128xf32> to vector<2000x128xf32>
    %select_n3A_916 = arith.select %broadcast_in_dim3A_913, %broadcast_in_dim3A_915, %select_n3A_905 : vector<2000x128xi1>, vector<2000x128xf32>
    %eq3A_917 = arith.constant 5 : i32
    %eq3A_918 = vector.broadcast %eq3A_917 : i32 to vector<2000x1xi32>
    %eq3A_919 = arith.cmpi eq, %broadcast_in_dim3A_859, %eq3A_918 : vector<2000x1xi32>
    %slice3A_920 = vector.extract_strided_slice %squeeze3A_825 {offsets = [5, 0], sizes = [1, 128], strides = [1, 1]} : vector<32x128xf32> to vector<1x128xf32>
    %squeeze3A_921 = vector.shape_cast %slice3A_920 : vector<1x128xf32> to vector<128xf32>
    %broadcast_in_dim3A_922 = vector.shape_cast %squeeze3A_921 : vector<128xf32> to vector<1x128xf32>
    %broadcast_in_dim3A_923 = vector.shape_cast %eq3A_919 : vector<2000x1xi1> to vector<2000x1xi1>
    %broadcast_in_dim3A_924 = vector.broadcast %broadcast_in_dim3A_923 : vector<2000x1xi1> to vector<2000x128xi1>
    %broadcast_in_dim3A_925 = vector.shape_cast %broadcast_in_dim3A_922 : vector<1x128xf32> to vector<1x128xf32>
    %broadcast_in_dim3A_926 = vector.broadcast %broadcast_in_dim3A_925 : vector<1x128xf32> to vector<2000x128xf32>
    %select_n3A_927 = arith.select %broadcast_in_dim3A_924, %broadcast_in_dim3A_926, %select_n3A_916 : vector<2000x128xi1>, vector<2000x128xf32>
    %eq3A_928 = arith.constant 6 : i32
    %eq3A_929 = vector.broadcast %eq3A_928 : i32 to vector<2000x1xi32>
    %eq3A_930 = arith.cmpi eq, %broadcast_in_dim3A_859, %eq3A_929 : vector<2000x1xi32>
    %slice3A_931 = vector.extract_strided_slice %squeeze3A_825 {offsets = [6, 0], sizes = [1, 128], strides = [1, 1]} : vector<32x128xf32> to vector<1x128xf32>
    %squeeze3A_932 = vector.shape_cast %slice3A_931 : vector<1x128xf32> to vector<128xf32>
    %broadcast_in_dim3A_933 = vector.shape_cast %squeeze3A_932 : vector<128xf32> to vector<1x128xf32>
    %broadcast_in_dim3A_934 = vector.shape_cast %eq3A_930 : vector<2000x1xi1> to vector<2000x1xi1>
    %broadcast_in_dim3A_935 = vector.broadcast %broadcast_in_dim3A_934 : vector<2000x1xi1> to vector<2000x128xi1>
    %broadcast_in_dim3A_936 = vector.shape_cast %broadcast_in_dim3A_933 : vector<1x128xf32> to vector<1x128xf32>
    %broadcast_in_dim3A_937 = vector.broadcast %broadcast_in_dim3A_936 : vector<1x128xf32> to vector<2000x128xf32>
    %select_n3A_938 = arith.select %broadcast_in_dim3A_935, %broadcast_in_dim3A_937, %select_n3A_927 : vector<2000x128xi1>, vector<2000x128xf32>
    %eq3A_939 = arith.constant 7 : i32
    %eq3A_940 = vector.broadcast %eq3A_939 : i32 to vector<2000x1xi32>
    %eq3A_941 = arith.cmpi eq, %broadcast_in_dim3A_859, %eq3A_940 : vector<2000x1xi32>
    %slice3A_942 = vector.extract_strided_slice %squeeze3A_825 {offsets = [7, 0], sizes = [1, 128], strides = [1, 1]} : vector<32x128xf32> to vector<1x128xf32>
    %squeeze3A_943 = vector.shape_cast %slice3A_942 : vector<1x128xf32> to vector<128xf32>
    %broadcast_in_dim3A_944 = vector.shape_cast %squeeze3A_943 : vector<128xf32> to vector<1x128xf32>
    %broadcast_in_dim3A_945 = vector.shape_cast %eq3A_941 : vector<2000x1xi1> to vector<2000x1xi1>
    %broadcast_in_dim3A_946 = vector.broadcast %broadcast_in_dim3A_945 : vector<2000x1xi1> to vector<2000x128xi1>
    %broadcast_in_dim3A_947 = vector.shape_cast %broadcast_in_dim3A_944 : vector<1x128xf32> to vector<1x128xf32>
    %broadcast_in_dim3A_948 = vector.broadcast %broadcast_in_dim3A_947 : vector<1x128xf32> to vector<2000x128xf32>
    %select_n3A_949 = arith.select %broadcast_in_dim3A_946, %broadcast_in_dim3A_948, %select_n3A_938 : vector<2000x128xi1>, vector<2000x128xf32>
    %eq3A_950 = arith.constant 8 : i32
    %eq3A_951 = vector.broadcast %eq3A_950 : i32 to vector<2000x1xi32>
    %eq3A_952 = arith.cmpi eq, %broadcast_in_dim3A_859, %eq3A_951 : vector<2000x1xi32>
    %slice3A_953 = vector.extract_strided_slice %squeeze3A_825 {offsets = [8, 0], sizes = [1, 128], strides = [1, 1]} : vector<32x128xf32> to vector<1x128xf32>
    %squeeze3A_954 = vector.shape_cast %slice3A_953 : vector<1x128xf32> to vector<128xf32>
    %broadcast_in_dim3A_955 = vector.shape_cast %squeeze3A_954 : vector<128xf32> to vector<1x128xf32>
    %broadcast_in_dim3A_956 = vector.shape_cast %eq3A_952 : vector<2000x1xi1> to vector<2000x1xi1>
    %broadcast_in_dim3A_957 = vector.broadcast %broadcast_in_dim3A_956 : vector<2000x1xi1> to vector<2000x128xi1>
    %broadcast_in_dim3A_958 = vector.shape_cast %broadcast_in_dim3A_955 : vector<1x128xf32> to vector<1x128xf32>
    %broadcast_in_dim3A_959 = vector.broadcast %broadcast_in_dim3A_958 : vector<1x128xf32> to vector<2000x128xf32>
    %select_n3A_960 = arith.select %broadcast_in_dim3A_957, %broadcast_in_dim3A_959, %select_n3A_949 : vector<2000x128xi1>, vector<2000x128xf32>
    %eq3A_961 = arith.constant 9 : i32
    %eq3A_962 = vector.broadcast %eq3A_961 : i32 to vector<2000x1xi32>
    %eq3A_963 = arith.cmpi eq, %broadcast_in_dim3A_859, %eq3A_962 : vector<2000x1xi32>
    %slice3A_964 = vector.extract_strided_slice %squeeze3A_825 {offsets = [9, 0], sizes = [1, 128], strides = [1, 1]} : vector<32x128xf32> to vector<1x128xf32>
    %squeeze3A_965 = vector.shape_cast %slice3A_964 : vector<1x128xf32> to vector<128xf32>
    %broadcast_in_dim3A_966 = vector.shape_cast %squeeze3A_965 : vector<128xf32> to vector<1x128xf32>
    %broadcast_in_dim3A_967 = vector.shape_cast %eq3A_963 : vector<2000x1xi1> to vector<2000x1xi1>
    %broadcast_in_dim3A_968 = vector.broadcast %broadcast_in_dim3A_967 : vector<2000x1xi1> to vector<2000x128xi1>
    %broadcast_in_dim3A_969 = vector.shape_cast %broadcast_in_dim3A_966 : vector<1x128xf32> to vector<1x128xf32>
    %broadcast_in_dim3A_970 = vector.broadcast %broadcast_in_dim3A_969 : vector<1x128xf32> to vector<2000x128xf32>
    %select_n3A_971 = arith.select %broadcast_in_dim3A_968, %broadcast_in_dim3A_970, %select_n3A_960 : vector<2000x128xi1>, vector<2000x128xf32>
    %eq3A_972 = arith.constant 10 : i32
    %eq3A_973 = vector.broadcast %eq3A_972 : i32 to vector<2000x1xi32>
    %eq3A_974 = arith.cmpi eq, %broadcast_in_dim3A_859, %eq3A_973 : vector<2000x1xi32>
    %slice3A_975 = vector.extract_strided_slice %squeeze3A_825 {offsets = [10, 0], sizes = [1, 128], strides = [1, 1]} : vector<32x128xf32> to vector<1x128xf32>
    %squeeze3A_976 = vector.shape_cast %slice3A_975 : vector<1x128xf32> to vector<128xf32>
    %broadcast_in_dim3A_977 = vector.shape_cast %squeeze3A_976 : vector<128xf32> to vector<1x128xf32>
    %broadcast_in_dim3A_978 = vector.shape_cast %eq3A_974 : vector<2000x1xi1> to vector<2000x1xi1>
    %broadcast_in_dim3A_979 = vector.broadcast %broadcast_in_dim3A_978 : vector<2000x1xi1> to vector<2000x128xi1>
    %broadcast_in_dim3A_980 = vector.shape_cast %broadcast_in_dim3A_977 : vector<1x128xf32> to vector<1x128xf32>
    %broadcast_in_dim3A_981 = vector.broadcast %broadcast_in_dim3A_980 : vector<1x128xf32> to vector<2000x128xf32>
    %select_n3A_982 = arith.select %broadcast_in_dim3A_979, %broadcast_in_dim3A_981, %select_n3A_971 : vector<2000x128xi1>, vector<2000x128xf32>
    %eq3A_983 = arith.constant 11 : i32
    %eq3A_984 = vector.broadcast %eq3A_983 : i32 to vector<2000x1xi32>
    %eq3A_985 = arith.cmpi eq, %broadcast_in_dim3A_859, %eq3A_984 : vector<2000x1xi32>
    %slice3A_986 = vector.extract_strided_slice %squeeze3A_825 {offsets = [11, 0], sizes = [1, 128], strides = [1, 1]} : vector<32x128xf32> to vector<1x128xf32>
    %squeeze3A_987 = vector.shape_cast %slice3A_986 : vector<1x128xf32> to vector<128xf32>
    %broadcast_in_dim3A_988 = vector.shape_cast %squeeze3A_987 : vector<128xf32> to vector<1x128xf32>
    %broadcast_in_dim3A_989 = vector.shape_cast %eq3A_985 : vector<2000x1xi1> to vector<2000x1xi1>
    %broadcast_in_dim3A_990 = vector.broadcast %broadcast_in_dim3A_989 : vector<2000x1xi1> to vector<2000x128xi1>
    %broadcast_in_dim3A_991 = vector.shape_cast %broadcast_in_dim3A_988 : vector<1x128xf32> to vector<1x128xf32>
    %broadcast_in_dim3A_992 = vector.broadcast %broadcast_in_dim3A_991 : vector<1x128xf32> to vector<2000x128xf32>
    %select_n3A_993 = arith.select %broadcast_in_dim3A_990, %broadcast_in_dim3A_992, %select_n3A_982 : vector<2000x128xi1>, vector<2000x128xf32>
    %eq3A_994 = arith.constant 12 : i32
    %eq3A_995 = vector.broadcast %eq3A_994 : i32 to vector<2000x1xi32>
    %eq3A_996 = arith.cmpi eq, %broadcast_in_dim3A_859, %eq3A_995 : vector<2000x1xi32>
    %slice3A_997 = vector.extract_strided_slice %squeeze3A_825 {offsets = [12, 0], sizes = [1, 128], strides = [1, 1]} : vector<32x128xf32> to vector<1x128xf32>
    %squeeze3A_998 = vector.shape_cast %slice3A_997 : vector<1x128xf32> to vector<128xf32>
    %broadcast_in_dim3A_999 = vector.shape_cast %squeeze3A_998 : vector<128xf32> to vector<1x128xf32>
    %broadcast_in_dim3A_1000 = vector.shape_cast %eq3A_996 : vector<2000x1xi1> to vector<2000x1xi1>
    %broadcast_in_dim3A_1001 = vector.broadcast %broadcast_in_dim3A_1000 : vector<2000x1xi1> to vector<2000x128xi1>
    %broadcast_in_dim3A_1002 = vector.shape_cast %broadcast_in_dim3A_999 : vector<1x128xf32> to vector<1x128xf32>
    %broadcast_in_dim3A_1003 = vector.broadcast %broadcast_in_dim3A_1002 : vector<1x128xf32> to vector<2000x128xf32>
    %select_n3A_1004 = arith.select %broadcast_in_dim3A_1001, %broadcast_in_dim3A_1003, %select_n3A_993 : vector<2000x128xi1>, vector<2000x128xf32>
    %eq3A_1005 = arith.constant 13 : i32
    %eq3A_1006 = vector.broadcast %eq3A_1005 : i32 to vector<2000x1xi32>
    %eq3A_1007 = arith.cmpi eq, %broadcast_in_dim3A_859, %eq3A_1006 : vector<2000x1xi32>
    %slice3A_1008 = vector.extract_strided_slice %squeeze3A_825 {offsets = [13, 0], sizes = [1, 128], strides = [1, 1]} : vector<32x128xf32> to vector<1x128xf32>
    %squeeze3A_1009 = vector.shape_cast %slice3A_1008 : vector<1x128xf32> to vector<128xf32>
    %broadcast_in_dim3A_1010 = vector.shape_cast %squeeze3A_1009 : vector<128xf32> to vector<1x128xf32>
    %broadcast_in_dim3A_1011 = vector.shape_cast %eq3A_1007 : vector<2000x1xi1> to vector<2000x1xi1>
    %broadcast_in_dim3A_1012 = vector.broadcast %broadcast_in_dim3A_1011 : vector<2000x1xi1> to vector<2000x128xi1>
    %broadcast_in_dim3A_1013 = vector.shape_cast %broadcast_in_dim3A_1010 : vector<1x128xf32> to vector<1x128xf32>
    %broadcast_in_dim3A_1014 = vector.broadcast %broadcast_in_dim3A_1013 : vector<1x128xf32> to vector<2000x128xf32>
    %select_n3A_1015 = arith.select %broadcast_in_dim3A_1012, %broadcast_in_dim3A_1014, %select_n3A_1004 : vector<2000x128xi1>, vector<2000x128xf32>
    %eq3A_1016 = arith.constant 14 : i32
    %eq3A_1017 = vector.broadcast %eq3A_1016 : i32 to vector<2000x1xi32>
    %eq3A_1018 = arith.cmpi eq, %broadcast_in_dim3A_859, %eq3A_1017 : vector<2000x1xi32>
    %slice3A_1019 = vector.extract_strided_slice %squeeze3A_825 {offsets = [14, 0], sizes = [1, 128], strides = [1, 1]} : vector<32x128xf32> to vector<1x128xf32>
    %squeeze3A_1020 = vector.shape_cast %slice3A_1019 : vector<1x128xf32> to vector<128xf32>
    %broadcast_in_dim3A_1021 = vector.shape_cast %squeeze3A_1020 : vector<128xf32> to vector<1x128xf32>
    %broadcast_in_dim3A_1022 = vector.shape_cast %eq3A_1018 : vector<2000x1xi1> to vector<2000x1xi1>
    %broadcast_in_dim3A_1023 = vector.broadcast %broadcast_in_dim3A_1022 : vector<2000x1xi1> to vector<2000x128xi1>
    %broadcast_in_dim3A_1024 = vector.shape_cast %broadcast_in_dim3A_1021 : vector<1x128xf32> to vector<1x128xf32>
    %broadcast_in_dim3A_1025 = vector.broadcast %broadcast_in_dim3A_1024 : vector<1x128xf32> to vector<2000x128xf32>
    %select_n3A_1026 = arith.select %broadcast_in_dim3A_1023, %broadcast_in_dim3A_1025, %select_n3A_1015 : vector<2000x128xi1>, vector<2000x128xf32>
    %eq3A_1027 = arith.constant 15 : i32
    %eq3A_1028 = vector.broadcast %eq3A_1027 : i32 to vector<2000x1xi32>
    %eq3A_1029 = arith.cmpi eq, %broadcast_in_dim3A_859, %eq3A_1028 : vector<2000x1xi32>
    %slice3A_1030 = vector.extract_strided_slice %squeeze3A_825 {offsets = [15, 0], sizes = [1, 128], strides = [1, 1]} : vector<32x128xf32> to vector<1x128xf32>
    %squeeze3A_1031 = vector.shape_cast %slice3A_1030 : vector<1x128xf32> to vector<128xf32>
    %broadcast_in_dim3A_1032 = vector.shape_cast %squeeze3A_1031 : vector<128xf32> to vector<1x128xf32>
    %broadcast_in_dim3A_1033 = vector.shape_cast %eq3A_1029 : vector<2000x1xi1> to vector<2000x1xi1>
    %broadcast_in_dim3A_1034 = vector.broadcast %broadcast_in_dim3A_1033 : vector<2000x1xi1> to vector<2000x128xi1>
    %broadcast_in_dim3A_1035 = vector.shape_cast %broadcast_in_dim3A_1032 : vector<1x128xf32> to vector<1x128xf32>
    %broadcast_in_dim3A_1036 = vector.broadcast %broadcast_in_dim3A_1035 : vector<1x128xf32> to vector<2000x128xf32>
    %select_n3A_1037 = arith.select %broadcast_in_dim3A_1034, %broadcast_in_dim3A_1036, %select_n3A_1026 : vector<2000x128xi1>, vector<2000x128xf32>
    %eq3A_1038 = arith.constant 16 : i32
    %eq3A_1039 = vector.broadcast %eq3A_1038 : i32 to vector<2000x1xi32>
    %eq3A_1040 = arith.cmpi eq, %broadcast_in_dim3A_859, %eq3A_1039 : vector<2000x1xi32>
    %slice3A_1041 = vector.extract_strided_slice %squeeze3A_825 {offsets = [16, 0], sizes = [1, 128], strides = [1, 1]} : vector<32x128xf32> to vector<1x128xf32>
    %squeeze3A_1042 = vector.shape_cast %slice3A_1041 : vector<1x128xf32> to vector<128xf32>
    %broadcast_in_dim3A_1043 = vector.shape_cast %squeeze3A_1042 : vector<128xf32> to vector<1x128xf32>
    %broadcast_in_dim3A_1044 = vector.shape_cast %eq3A_1040 : vector<2000x1xi1> to vector<2000x1xi1>
    %broadcast_in_dim3A_1045 = vector.broadcast %broadcast_in_dim3A_1044 : vector<2000x1xi1> to vector<2000x128xi1>
    %broadcast_in_dim3A_1046 = vector.shape_cast %broadcast_in_dim3A_1043 : vector<1x128xf32> to vector<1x128xf32>
    %broadcast_in_dim3A_1047 = vector.broadcast %broadcast_in_dim3A_1046 : vector<1x128xf32> to vector<2000x128xf32>
    %select_n3A_1048 = arith.select %broadcast_in_dim3A_1045, %broadcast_in_dim3A_1047, %select_n3A_1037 : vector<2000x128xi1>, vector<2000x128xf32>
    %eq3A_1049 = arith.constant 17 : i32
    %eq3A_1050 = vector.broadcast %eq3A_1049 : i32 to vector<2000x1xi32>
    %eq3A_1051 = arith.cmpi eq, %broadcast_in_dim3A_859, %eq3A_1050 : vector<2000x1xi32>
    %slice3A_1052 = vector.extract_strided_slice %squeeze3A_825 {offsets = [17, 0], sizes = [1, 128], strides = [1, 1]} : vector<32x128xf32> to vector<1x128xf32>
    %squeeze3A_1053 = vector.shape_cast %slice3A_1052 : vector<1x128xf32> to vector<128xf32>
    %broadcast_in_dim3A_1054 = vector.shape_cast %squeeze3A_1053 : vector<128xf32> to vector<1x128xf32>
    %broadcast_in_dim3A_1055 = vector.shape_cast %eq3A_1051 : vector<2000x1xi1> to vector<2000x1xi1>
    %broadcast_in_dim3A_1056 = vector.broadcast %broadcast_in_dim3A_1055 : vector<2000x1xi1> to vector<2000x128xi1>
    %broadcast_in_dim3A_1057 = vector.shape_cast %broadcast_in_dim3A_1054 : vector<1x128xf32> to vector<1x128xf32>
    %broadcast_in_dim3A_1058 = vector.broadcast %broadcast_in_dim3A_1057 : vector<1x128xf32> to vector<2000x128xf32>
    %select_n3A_1059 = arith.select %broadcast_in_dim3A_1056, %broadcast_in_dim3A_1058, %select_n3A_1048 : vector<2000x128xi1>, vector<2000x128xf32>
    %eq3A_1060 = arith.constant 18 : i32
    %eq3A_1061 = vector.broadcast %eq3A_1060 : i32 to vector<2000x1xi32>
    %eq3A_1062 = arith.cmpi eq, %broadcast_in_dim3A_859, %eq3A_1061 : vector<2000x1xi32>
    %slice3A_1063 = vector.extract_strided_slice %squeeze3A_825 {offsets = [18, 0], sizes = [1, 128], strides = [1, 1]} : vector<32x128xf32> to vector<1x128xf32>
    %squeeze3A_1064 = vector.shape_cast %slice3A_1063 : vector<1x128xf32> to vector<128xf32>
    %broadcast_in_dim3A_1065 = vector.shape_cast %squeeze3A_1064 : vector<128xf32> to vector<1x128xf32>
    %broadcast_in_dim3A_1066 = vector.shape_cast %eq3A_1062 : vector<2000x1xi1> to vector<2000x1xi1>
    %broadcast_in_dim3A_1067 = vector.broadcast %broadcast_in_dim3A_1066 : vector<2000x1xi1> to vector<2000x128xi1>
    %broadcast_in_dim3A_1068 = vector.shape_cast %broadcast_in_dim3A_1065 : vector<1x128xf32> to vector<1x128xf32>
    %broadcast_in_dim3A_1069 = vector.broadcast %broadcast_in_dim3A_1068 : vector<1x128xf32> to vector<2000x128xf32>
    %select_n3A_1070 = arith.select %broadcast_in_dim3A_1067, %broadcast_in_dim3A_1069, %select_n3A_1059 : vector<2000x128xi1>, vector<2000x128xf32>
    %eq3A_1071 = arith.constant 19 : i32
    %eq3A_1072 = vector.broadcast %eq3A_1071 : i32 to vector<2000x1xi32>
    %eq3A_1073 = arith.cmpi eq, %broadcast_in_dim3A_859, %eq3A_1072 : vector<2000x1xi32>
    %slice3A_1074 = vector.extract_strided_slice %squeeze3A_825 {offsets = [19, 0], sizes = [1, 128], strides = [1, 1]} : vector<32x128xf32> to vector<1x128xf32>
    %squeeze3A_1075 = vector.shape_cast %slice3A_1074 : vector<1x128xf32> to vector<128xf32>
    %broadcast_in_dim3A_1076 = vector.shape_cast %squeeze3A_1075 : vector<128xf32> to vector<1x128xf32>
    %broadcast_in_dim3A_1077 = vector.shape_cast %eq3A_1073 : vector<2000x1xi1> to vector<2000x1xi1>
    %broadcast_in_dim3A_1078 = vector.broadcast %broadcast_in_dim3A_1077 : vector<2000x1xi1> to vector<2000x128xi1>
    %broadcast_in_dim3A_1079 = vector.shape_cast %broadcast_in_dim3A_1076 : vector<1x128xf32> to vector<1x128xf32>
    %broadcast_in_dim3A_1080 = vector.broadcast %broadcast_in_dim3A_1079 : vector<1x128xf32> to vector<2000x128xf32>
    %select_n3A_1081 = arith.select %broadcast_in_dim3A_1078, %broadcast_in_dim3A_1080, %select_n3A_1070 : vector<2000x128xi1>, vector<2000x128xf32>
    %eq3A_1082 = arith.constant 20 : i32
    %eq3A_1083 = vector.broadcast %eq3A_1082 : i32 to vector<2000x1xi32>
    %eq3A_1084 = arith.cmpi eq, %broadcast_in_dim3A_859, %eq3A_1083 : vector<2000x1xi32>
    %slice3A_1085 = vector.extract_strided_slice %squeeze3A_825 {offsets = [20, 0], sizes = [1, 128], strides = [1, 1]} : vector<32x128xf32> to vector<1x128xf32>
    %squeeze3A_1086 = vector.shape_cast %slice3A_1085 : vector<1x128xf32> to vector<128xf32>
    %broadcast_in_dim3A_1087 = vector.shape_cast %squeeze3A_1086 : vector<128xf32> to vector<1x128xf32>
    %broadcast_in_dim3A_1088 = vector.shape_cast %eq3A_1084 : vector<2000x1xi1> to vector<2000x1xi1>
    %broadcast_in_dim3A_1089 = vector.broadcast %broadcast_in_dim3A_1088 : vector<2000x1xi1> to vector<2000x128xi1>
    %broadcast_in_dim3A_1090 = vector.shape_cast %broadcast_in_dim3A_1087 : vector<1x128xf32> to vector<1x128xf32>
    %broadcast_in_dim3A_1091 = vector.broadcast %broadcast_in_dim3A_1090 : vector<1x128xf32> to vector<2000x128xf32>
    %select_n3A_1092 = arith.select %broadcast_in_dim3A_1089, %broadcast_in_dim3A_1091, %select_n3A_1081 : vector<2000x128xi1>, vector<2000x128xf32>
    %eq3A_1093 = arith.constant 21 : i32
    %eq3A_1094 = vector.broadcast %eq3A_1093 : i32 to vector<2000x1xi32>
    %eq3A_1095 = arith.cmpi eq, %broadcast_in_dim3A_859, %eq3A_1094 : vector<2000x1xi32>
    %slice3A_1096 = vector.extract_strided_slice %squeeze3A_825 {offsets = [21, 0], sizes = [1, 128], strides = [1, 1]} : vector<32x128xf32> to vector<1x128xf32>
    %squeeze3A_1097 = vector.shape_cast %slice3A_1096 : vector<1x128xf32> to vector<128xf32>
    %broadcast_in_dim3A_1098 = vector.shape_cast %squeeze3A_1097 : vector<128xf32> to vector<1x128xf32>
    %broadcast_in_dim3A_1099 = vector.shape_cast %eq3A_1095 : vector<2000x1xi1> to vector<2000x1xi1>
    %broadcast_in_dim3A_1100 = vector.broadcast %broadcast_in_dim3A_1099 : vector<2000x1xi1> to vector<2000x128xi1>
    %broadcast_in_dim3A_1101 = vector.shape_cast %broadcast_in_dim3A_1098 : vector<1x128xf32> to vector<1x128xf32>
    %broadcast_in_dim3A_1102 = vector.broadcast %broadcast_in_dim3A_1101 : vector<1x128xf32> to vector<2000x128xf32>
    %select_n3A_1103 = arith.select %broadcast_in_dim3A_1100, %broadcast_in_dim3A_1102, %select_n3A_1092 : vector<2000x128xi1>, vector<2000x128xf32>
    %eq3A_1104 = arith.constant 22 : i32
    %eq3A_1105 = vector.broadcast %eq3A_1104 : i32 to vector<2000x1xi32>
    %eq3A_1106 = arith.cmpi eq, %broadcast_in_dim3A_859, %eq3A_1105 : vector<2000x1xi32>
    %slice3A_1107 = vector.extract_strided_slice %squeeze3A_825 {offsets = [22, 0], sizes = [1, 128], strides = [1, 1]} : vector<32x128xf32> to vector<1x128xf32>
    %squeeze3A_1108 = vector.shape_cast %slice3A_1107 : vector<1x128xf32> to vector<128xf32>
    %broadcast_in_dim3A_1109 = vector.shape_cast %squeeze3A_1108 : vector<128xf32> to vector<1x128xf32>
    %broadcast_in_dim3A_1110 = vector.shape_cast %eq3A_1106 : vector<2000x1xi1> to vector<2000x1xi1>
    %broadcast_in_dim3A_1111 = vector.broadcast %broadcast_in_dim3A_1110 : vector<2000x1xi1> to vector<2000x128xi1>
    %broadcast_in_dim3A_1112 = vector.shape_cast %broadcast_in_dim3A_1109 : vector<1x128xf32> to vector<1x128xf32>
    %broadcast_in_dim3A_1113 = vector.broadcast %broadcast_in_dim3A_1112 : vector<1x128xf32> to vector<2000x128xf32>
    %select_n3A_1114 = arith.select %broadcast_in_dim3A_1111, %broadcast_in_dim3A_1113, %select_n3A_1103 : vector<2000x128xi1>, vector<2000x128xf32>
    %eq3A_1115 = arith.constant 23 : i32
    %eq3A_1116 = vector.broadcast %eq3A_1115 : i32 to vector<2000x1xi32>
    %eq3A_1117 = arith.cmpi eq, %broadcast_in_dim3A_859, %eq3A_1116 : vector<2000x1xi32>
    %slice3A_1118 = vector.extract_strided_slice %squeeze3A_825 {offsets = [23, 0], sizes = [1, 128], strides = [1, 1]} : vector<32x128xf32> to vector<1x128xf32>
    %squeeze3A_1119 = vector.shape_cast %slice3A_1118 : vector<1x128xf32> to vector<128xf32>
    %broadcast_in_dim3A_1120 = vector.shape_cast %squeeze3A_1119 : vector<128xf32> to vector<1x128xf32>
    %broadcast_in_dim3A_1121 = vector.shape_cast %eq3A_1117 : vector<2000x1xi1> to vector<2000x1xi1>
    %broadcast_in_dim3A_1122 = vector.broadcast %broadcast_in_dim3A_1121 : vector<2000x1xi1> to vector<2000x128xi1>
    %broadcast_in_dim3A_1123 = vector.shape_cast %broadcast_in_dim3A_1120 : vector<1x128xf32> to vector<1x128xf32>
    %broadcast_in_dim3A_1124 = vector.broadcast %broadcast_in_dim3A_1123 : vector<1x128xf32> to vector<2000x128xf32>
    %select_n3A_1125 = arith.select %broadcast_in_dim3A_1122, %broadcast_in_dim3A_1124, %select_n3A_1114 : vector<2000x128xi1>, vector<2000x128xf32>
    %eq3A_1126 = arith.constant 24 : i32
    %eq3A_1127 = vector.broadcast %eq3A_1126 : i32 to vector<2000x1xi32>
    %eq3A_1128 = arith.cmpi eq, %broadcast_in_dim3A_859, %eq3A_1127 : vector<2000x1xi32>
    %slice3A_1129 = vector.extract_strided_slice %squeeze3A_825 {offsets = [24, 0], sizes = [1, 128], strides = [1, 1]} : vector<32x128xf32> to vector<1x128xf32>
    %squeeze3A_1130 = vector.shape_cast %slice3A_1129 : vector<1x128xf32> to vector<128xf32>
    %broadcast_in_dim3A_1131 = vector.shape_cast %squeeze3A_1130 : vector<128xf32> to vector<1x128xf32>
    %broadcast_in_dim3A_1132 = vector.shape_cast %eq3A_1128 : vector<2000x1xi1> to vector<2000x1xi1>
    %broadcast_in_dim3A_1133 = vector.broadcast %broadcast_in_dim3A_1132 : vector<2000x1xi1> to vector<2000x128xi1>
    %broadcast_in_dim3A_1134 = vector.shape_cast %broadcast_in_dim3A_1131 : vector<1x128xf32> to vector<1x128xf32>
    %broadcast_in_dim3A_1135 = vector.broadcast %broadcast_in_dim3A_1134 : vector<1x128xf32> to vector<2000x128xf32>
    %select_n3A_1136 = arith.select %broadcast_in_dim3A_1133, %broadcast_in_dim3A_1135, %select_n3A_1125 : vector<2000x128xi1>, vector<2000x128xf32>
    %eq3A_1137 = arith.constant 25 : i32
    %eq3A_1138 = vector.broadcast %eq3A_1137 : i32 to vector<2000x1xi32>
    %eq3A_1139 = arith.cmpi eq, %broadcast_in_dim3A_859, %eq3A_1138 : vector<2000x1xi32>
    %slice3A_1140 = vector.extract_strided_slice %squeeze3A_825 {offsets = [25, 0], sizes = [1, 128], strides = [1, 1]} : vector<32x128xf32> to vector<1x128xf32>
    %squeeze3A_1141 = vector.shape_cast %slice3A_1140 : vector<1x128xf32> to vector<128xf32>
    %broadcast_in_dim3A_1142 = vector.shape_cast %squeeze3A_1141 : vector<128xf32> to vector<1x128xf32>
    %broadcast_in_dim3A_1143 = vector.shape_cast %eq3A_1139 : vector<2000x1xi1> to vector<2000x1xi1>
    %broadcast_in_dim3A_1144 = vector.broadcast %broadcast_in_dim3A_1143 : vector<2000x1xi1> to vector<2000x128xi1>
    %broadcast_in_dim3A_1145 = vector.shape_cast %broadcast_in_dim3A_1142 : vector<1x128xf32> to vector<1x128xf32>
    %broadcast_in_dim3A_1146 = vector.broadcast %broadcast_in_dim3A_1145 : vector<1x128xf32> to vector<2000x128xf32>
    %select_n3A_1147 = arith.select %broadcast_in_dim3A_1144, %broadcast_in_dim3A_1146, %select_n3A_1136 : vector<2000x128xi1>, vector<2000x128xf32>
    %eq3A_1148 = arith.constant 26 : i32
    %eq3A_1149 = vector.broadcast %eq3A_1148 : i32 to vector<2000x1xi32>
    %eq3A_1150 = arith.cmpi eq, %broadcast_in_dim3A_859, %eq3A_1149 : vector<2000x1xi32>
    %slice3A_1151 = vector.extract_strided_slice %squeeze3A_825 {offsets = [26, 0], sizes = [1, 128], strides = [1, 1]} : vector<32x128xf32> to vector<1x128xf32>
    %squeeze3A_1152 = vector.shape_cast %slice3A_1151 : vector<1x128xf32> to vector<128xf32>
    %broadcast_in_dim3A_1153 = vector.shape_cast %squeeze3A_1152 : vector<128xf32> to vector<1x128xf32>
    %broadcast_in_dim3A_1154 = vector.shape_cast %eq3A_1150 : vector<2000x1xi1> to vector<2000x1xi1>
    %broadcast_in_dim3A_1155 = vector.broadcast %broadcast_in_dim3A_1154 : vector<2000x1xi1> to vector<2000x128xi1>
    %broadcast_in_dim3A_1156 = vector.shape_cast %broadcast_in_dim3A_1153 : vector<1x128xf32> to vector<1x128xf32>
    %broadcast_in_dim3A_1157 = vector.broadcast %broadcast_in_dim3A_1156 : vector<1x128xf32> to vector<2000x128xf32>
    %select_n3A_1158 = arith.select %broadcast_in_dim3A_1155, %broadcast_in_dim3A_1157, %select_n3A_1147 : vector<2000x128xi1>, vector<2000x128xf32>
    %eq3A_1159 = arith.constant 27 : i32
    %eq3A_1160 = vector.broadcast %eq3A_1159 : i32 to vector<2000x1xi32>
    %eq3A_1161 = arith.cmpi eq, %broadcast_in_dim3A_859, %eq3A_1160 : vector<2000x1xi32>
    %slice3A_1162 = vector.extract_strided_slice %squeeze3A_825 {offsets = [27, 0], sizes = [1, 128], strides = [1, 1]} : vector<32x128xf32> to vector<1x128xf32>
    %squeeze3A_1163 = vector.shape_cast %slice3A_1162 : vector<1x128xf32> to vector<128xf32>
    %broadcast_in_dim3A_1164 = vector.shape_cast %squeeze3A_1163 : vector<128xf32> to vector<1x128xf32>
    %broadcast_in_dim3A_1165 = vector.shape_cast %eq3A_1161 : vector<2000x1xi1> to vector<2000x1xi1>
    %broadcast_in_dim3A_1166 = vector.broadcast %broadcast_in_dim3A_1165 : vector<2000x1xi1> to vector<2000x128xi1>
    %broadcast_in_dim3A_1167 = vector.shape_cast %broadcast_in_dim3A_1164 : vector<1x128xf32> to vector<1x128xf32>
    %broadcast_in_dim3A_1168 = vector.broadcast %broadcast_in_dim3A_1167 : vector<1x128xf32> to vector<2000x128xf32>
    %select_n3A_1169 = arith.select %broadcast_in_dim3A_1166, %broadcast_in_dim3A_1168, %select_n3A_1158 : vector<2000x128xi1>, vector<2000x128xf32>
    %eq3A_1170 = arith.constant 28 : i32
    %eq3A_1171 = vector.broadcast %eq3A_1170 : i32 to vector<2000x1xi32>
    %eq3A_1172 = arith.cmpi eq, %broadcast_in_dim3A_859, %eq3A_1171 : vector<2000x1xi32>
    %slice3A_1173 = vector.extract_strided_slice %squeeze3A_825 {offsets = [28, 0], sizes = [1, 128], strides = [1, 1]} : vector<32x128xf32> to vector<1x128xf32>
    %squeeze3A_1174 = vector.shape_cast %slice3A_1173 : vector<1x128xf32> to vector<128xf32>
    %broadcast_in_dim3A_1175 = vector.shape_cast %squeeze3A_1174 : vector<128xf32> to vector<1x128xf32>
    %broadcast_in_dim3A_1176 = vector.shape_cast %eq3A_1172 : vector<2000x1xi1> to vector<2000x1xi1>
    %broadcast_in_dim3A_1177 = vector.broadcast %broadcast_in_dim3A_1176 : vector<2000x1xi1> to vector<2000x128xi1>
    %broadcast_in_dim3A_1178 = vector.shape_cast %broadcast_in_dim3A_1175 : vector<1x128xf32> to vector<1x128xf32>
    %broadcast_in_dim3A_1179 = vector.broadcast %broadcast_in_dim3A_1178 : vector<1x128xf32> to vector<2000x128xf32>
    %select_n3A_1180 = arith.select %broadcast_in_dim3A_1177, %broadcast_in_dim3A_1179, %select_n3A_1169 : vector<2000x128xi1>, vector<2000x128xf32>
    %eq3A_1181 = arith.constant 29 : i32
    %eq3A_1182 = vector.broadcast %eq3A_1181 : i32 to vector<2000x1xi32>
    %eq3A_1183 = arith.cmpi eq, %broadcast_in_dim3A_859, %eq3A_1182 : vector<2000x1xi32>
    %slice3A_1184 = vector.extract_strided_slice %squeeze3A_825 {offsets = [29, 0], sizes = [1, 128], strides = [1, 1]} : vector<32x128xf32> to vector<1x128xf32>
    %squeeze3A_1185 = vector.shape_cast %slice3A_1184 : vector<1x128xf32> to vector<128xf32>
    %broadcast_in_dim3A_1186 = vector.shape_cast %squeeze3A_1185 : vector<128xf32> to vector<1x128xf32>
    %broadcast_in_dim3A_1187 = vector.shape_cast %eq3A_1183 : vector<2000x1xi1> to vector<2000x1xi1>
    %broadcast_in_dim3A_1188 = vector.broadcast %broadcast_in_dim3A_1187 : vector<2000x1xi1> to vector<2000x128xi1>
    %broadcast_in_dim3A_1189 = vector.shape_cast %broadcast_in_dim3A_1186 : vector<1x128xf32> to vector<1x128xf32>
    %broadcast_in_dim3A_1190 = vector.broadcast %broadcast_in_dim3A_1189 : vector<1x128xf32> to vector<2000x128xf32>
    %select_n3A_1191 = arith.select %broadcast_in_dim3A_1188, %broadcast_in_dim3A_1190, %select_n3A_1180 : vector<2000x128xi1>, vector<2000x128xf32>
    %eq3A_1192 = arith.constant 30 : i32
    %eq3A_1193 = vector.broadcast %eq3A_1192 : i32 to vector<2000x1xi32>
    %eq3A_1194 = arith.cmpi eq, %broadcast_in_dim3A_859, %eq3A_1193 : vector<2000x1xi32>
    %slice3A_1195 = vector.extract_strided_slice %squeeze3A_825 {offsets = [30, 0], sizes = [1, 128], strides = [1, 1]} : vector<32x128xf32> to vector<1x128xf32>
    %squeeze3A_1196 = vector.shape_cast %slice3A_1195 : vector<1x128xf32> to vector<128xf32>
    %broadcast_in_dim3A_1197 = vector.shape_cast %squeeze3A_1196 : vector<128xf32> to vector<1x128xf32>
    %broadcast_in_dim3A_1198 = vector.shape_cast %eq3A_1194 : vector<2000x1xi1> to vector<2000x1xi1>
    %broadcast_in_dim3A_1199 = vector.broadcast %broadcast_in_dim3A_1198 : vector<2000x1xi1> to vector<2000x128xi1>
    %broadcast_in_dim3A_1200 = vector.shape_cast %broadcast_in_dim3A_1197 : vector<1x128xf32> to vector<1x128xf32>
    %broadcast_in_dim3A_1201 = vector.broadcast %broadcast_in_dim3A_1200 : vector<1x128xf32> to vector<2000x128xf32>
    %select_n3A_1202 = arith.select %broadcast_in_dim3A_1199, %broadcast_in_dim3A_1201, %select_n3A_1191 : vector<2000x128xi1>, vector<2000x128xf32>
    %eq3A_1203 = arith.constant 31 : i32
    %eq3A_1204 = vector.broadcast %eq3A_1203 : i32 to vector<2000x1xi32>
    %eq3A_1205 = arith.cmpi eq, %broadcast_in_dim3A_859, %eq3A_1204 : vector<2000x1xi32>
    %slice3A_1206 = vector.extract_strided_slice %squeeze3A_825 {offsets = [31, 0], sizes = [1, 128], strides = [1, 1]} : vector<32x128xf32> to vector<1x128xf32>
    %squeeze3A_1207 = vector.shape_cast %slice3A_1206 : vector<1x128xf32> to vector<128xf32>
    %broadcast_in_dim3A_1208 = vector.shape_cast %squeeze3A_1207 : vector<128xf32> to vector<1x128xf32>
    %broadcast_in_dim3A_1209 = vector.shape_cast %eq3A_1205 : vector<2000x1xi1> to vector<2000x1xi1>
    %broadcast_in_dim3A_1210 = vector.broadcast %broadcast_in_dim3A_1209 : vector<2000x1xi1> to vector<2000x128xi1>
    %broadcast_in_dim3A_1211 = vector.shape_cast %broadcast_in_dim3A_1208 : vector<1x128xf32> to vector<1x128xf32>
    %broadcast_in_dim3A_1212 = vector.broadcast %broadcast_in_dim3A_1211 : vector<1x128xf32> to vector<2000x128xf32>
    %select_n3A_1213 = arith.select %broadcast_in_dim3A_1210, %broadcast_in_dim3A_1212, %select_n3A_1202 : vector<2000x128xi1>, vector<2000x128xf32>
    %sub3A_1214 = arith.subf %select_n3A_1213, %sub3A_819 : vector<2000x128xf32>
    %integer_pow3A_1215 = arith.mulf %sub3A_1214, %sub3A_1214 : vector<2000x128xf32>
    %reduce_sum3A_1216 = vector.shape_cast %integer_pow3A_1215 : vector<2000x128xf32> to vector<1x2000x128xf32>
    %reduce_sum3A_1217 = arith.constant dense<0.000000e+00> : vector<1xf32>
    %reduce_sum3A_1218 = vector.multi_reduction <add>, %reduce_sum3A_1216, %reduce_sum3A_1217 [1, 2] : vector<1x2000x128xf32> to vector<1xf32>
    %reduce_sum3A_1219 = vector.shape_cast %reduce_sum3A_1218 : vector<1xf32> to vector<1x1x1xf32>
    %reduce_sum3A_1220 = vector.extract %reduce_sum3A_1219[0, 0, 0] : f32 from vector<1x1x1xf32>
    %div3A_1221 = arith.constant 1.280000e+06 : f32
    %div3A_1222 = arith.divf %reduce_sum3A_1220, %div3A_1221 : f32
    %mul3A_1223 = arith.constant 2.500000e-01 : f32
    %mul3A_1224 = arith.mulf %mul3A_1223, %div3A_1222 : f32
    %add3A_1225 = arith.addf %add3A_818, %mul3A_1224 : f32
    %shift_left3A_1226 = arith.constant 10 : i32
    %shift_left3A_1227 = vector.broadcast %shift_left3A_1226 : i32 to vector<2000x1xi32>
    %shift_left3A_1228 = arith.shli %broadcast_in_dim3A_859, %shift_left3A_1227 : vector<2000x1xi32>
    %add3A_1229 = arith.addi %add3A_823, %shift_left3A_1228 : vector<2000x1xi32>
    %swap3A = arith.constant 0 : index
    %swap3A_1230 = arith.constant 0 : index
    %swap3A_1231 = vector.load %arg13[%swap3A, %swap3A_1230] : memref<2000x1xi32, #tpu.memory_space<vmem>>, vector<2000x1xi32>
    tpu.vector_store %arg13[%swap3A, %swap3A_1230], %add3A_1229 {strides = array<i32>} : memref<2000x1xi32, #tpu.memory_space<vmem>>, vector<2000x1xi32>,
    %eq3A_1232 = arith.constant 0 : i32
    %eq3A_1233 = arith.cmpi eq, %arg0, %eq3A_1232 : i32
    %convert_element_type3A = arith.extui %eq3A_1233 : i1 to i32
    %cond3A = arith.constant 0 : i32
    %cond3A_1234 = arith.cmpi ne, %convert_element_type3A, %cond3A : i32
    scf.if %cond3A_1234 {
      %get3A_1268 = arith.constant 0 : index
      %get3A_1269 = arith.constant 0 : index
      %get3A_1270 = vector.load %arg10[%get3A_1268, %get3A_1269] : memref<1x1xf32, #tpu.memory_space<vmem>>, vector<1x1xf32>
      %swap3A_1271 = arith.constant 0 : index
      %swap3A_1272 = arith.constant 0 : index
      %swap3A_1273 = vector.load %arg14[%swap3A_1271, %swap3A_1272] : memref<1x1xf32, #tpu.memory_space<vmem>>, vector<1x1xf32>
      tpu.vector_store %arg14[%swap3A_1271, %swap3A_1272], %get3A_1270 {strides = array<i32>} : memref<1x1xf32, #tpu.memory_space<vmem>>, vector<1x1xf32>,
    } else {
    }
    %get3A_1235 = arith.constant 0 : index
    %get3A_1236 = arith.constant 0 : index
    %get3A_1237 = vector.load %arg14[%get3A_1235, %get3A_1236] : memref<1x1xf32, #tpu.memory_space<vmem>>, vector<1x1xf32>
    %reshape3A = vector.broadcast %add3A_1225 : f32 to vector<1x1xf32>
    %add3A_1238 = arith.addf %get3A_1237, %reshape3A : vector<1x1xf32>
    %swap3A_1239 = arith.constant 0 : index
    %swap3A_1240 = arith.constant 0 : index
    %swap3A_1241 = vector.load %arg14[%swap3A_1239, %swap3A_1240] : memref<1x1xf32, #tpu.memory_space<vmem>>, vector<1x1xf32>
    tpu.vector_store %arg14[%swap3A_1239, %swap3A_1240], %add3A_1238 {strides = array<i32>} : memref<1x1xf32, #tpu.memory_space<vmem>>, vector<1x1xf32>,
    %get3A_1242 = arith.constant 0 : index
    %get3A_1243 = arith.constant 0 : index
    %get3A_1244 = vector.load %arg6[%get3A_1242, %get3A_1243] : memref<128x128xf32, #tpu.memory_space<vmem>>, vector<128x128xf32>
    %dot_general3A_1245 = arith.constant dense<0.000000e+00> : vector<2000x128xf32>
    %dot_general3A_1246 = tpu.matmul %add3A_17, %get3A_1244, %dot_general3A_1245 {dimension_numbers = #tpu.dot_dimension_numbers<[1], [0], [0], [1], [0, 0, 1, 1], [], []>, transpose_lhs_hint = false} : vector<2000x128xf32>, vector<128x128xf32>, vector<2000x128xf32> -> vector<2000x128xf32>
    %get3A_1247 = arith.constant 0 : index
    %get3A_1248 = arith.constant 0 : index
    %get3A_1249 = vector.load %arg7[%get3A_1247, %get3A_1248] : memref<1x128xf32, #tpu.memory_space<vmem>>, vector<1x128xf32>
    %add3A_1250 = vector.broadcast %get3A_1249 : vector<1x128xf32> to vector<2000x128xf32>
    %add3A_1251 = arith.addf %dot_general3A_1246, %add3A_1250 : vector<2000x128xf32>
    %swap3A_1252 = arith.constant 0 : index
    %swap3A_1253 = arith.constant 0 : index
    %swap3A_1254 = vector.load %arg11[%swap3A_1252, %swap3A_1253] : memref<2000x128xf32, #tpu.memory_space<vmem>>, vector<2000x128xf32>
    tpu.vector_store %arg11[%swap3A_1252, %swap3A_1253], %add3A_1251 {strides = array<i32>} : memref<2000x128xf32, #tpu.memory_space<vmem>>, vector<2000x128xf32>,
    %get3A_1255 = arith.constant 0 : index
    %get3A_1256 = arith.constant 0 : index
    %get3A_1257 = vector.load %arg8[%get3A_1255, %get3A_1256] : memref<128x6xf32, #tpu.memory_space<vmem>>, vector<128x6xf32>
    %dot_general3A_1258 = arith.constant dense<0.000000e+00> : vector<2000x6xf32>
    %dot_general3A_1259 = tpu.matmul %add3A_17, %get3A_1257, %dot_general3A_1258 {dimension_numbers = #tpu.dot_dimension_numbers<[1], [0], [0], [1], [0, 0, 1, 1], [], []>, transpose_lhs_hint = false} : vector<2000x128xf32>, vector<128x6xf32>, vector<2000x6xf32> -> vector<2000x6xf32>
    %get3A_1260 = arith.constant 0 : index
    %get3A_1261 = arith.constant 0 : index
    %get3A_1262 = vector.load %arg9[%get3A_1260, %get3A_1261] : memref<1x6xf32, #tpu.memory_space<vmem>>, vector<1x6xf32>
    %add3A_1263 = vector.broadcast %get3A_1262 : vector<1x6xf32> to vector<2000x6xf32>
    %add3A_1264 = arith.addf %dot_general3A_1259, %add3A_1263 : vector<2000x6xf32>
    %swap3A_1265 = arith.constant 0 : index
    %swap3A_1266 = arith.constant 0 : index
    %swap3A_1267 = vector.load %arg12[%swap3A_1265, %swap3A_1266] : memref<2000x6xf32, #tpu.memory_space<vmem>>, vector<2000x6xf32>
    tpu.vector_store %arg12[%swap3A_1265, %swap3A_1266], %add3A_1264 {strides = array<i32>} : memref<2000x6xf32, #tpu.memory_space<vmem>>, vector<2000x6xf32>,
    return
  }
  func.func @transform_0(%arg0: i32) -> (i32, i32, i32) {
    %c0_i32 = arith.constant 0 : i32
    %c0_i32_0 = arith.constant 0 : i32
    %c0_i32_1 = arith.constant 0 : i32
    return %c0_i32, %arg0, %c0_i32_0 : i32, i32, i32
  }
  func.func @transform_1(%arg0: i32) -> (i32, i32) {
    %c0_i32 = arith.constant 0 : i32
    %c0_i32_0 = arith.constant 0 : i32
    return %arg0, %c0_i32 : i32, i32
  }
  func.func @transform_2(%arg0: i32) -> (i32, i32) {
    %c0_i32 = arith.constant 0 : i32
    %c0_i32_0 = arith.constant 0 : i32
    return %arg0, %c0_i32 : i32, i32
  }
  func.func @transform_3(%arg0: i32) -> (i32, i32) {
    %c0_i32 = arith.constant 0 : i32
    %c0_i32_0 = arith.constant 0 : i32
    %c0_i32_1 = arith.constant 0 : i32
    return %c0_i32, %c0_i32_0 : i32, i32
  }
  func.func @transform_4(%arg0: i32) -> (i32, i32, i32) {
    %c0_i32 = arith.constant 0 : i32
    %c0_i32_0 = arith.constant 0 : i32
    %c0_i32_1 = arith.constant 0 : i32
    %c0_i32_2 = arith.constant 0 : i32
    return %c0_i32, %c0_i32_0, %c0_i32_1 : i32, i32, i32
  }
  func.func @transform_5(%arg0: i32) -> (i32, i32) {
    %c0_i32 = arith.constant 0 : i32
    %c0_i32_0 = arith.constant 0 : i32
    %c0_i32_1 = arith.constant 0 : i32
    return %c0_i32, %c0_i32_0 : i32, i32
  }
  func.func @transform_6(%arg0: i32) -> (i32, i32) {
    %c0_i32 = arith.constant 0 : i32
    %c0_i32_0 = arith.constant 0 : i32
    %c0_i32_1 = arith.constant 0 : i32
    return %c0_i32, %c0_i32_0 : i32, i32
  }
  func.func @transform_7(%arg0: i32) -> (i32, i32) {
    %c0_i32 = arith.constant 0 : i32
    %c0_i32_0 = arith.constant 0 : i32
    %c0_i32_1 = arith.constant 0 : i32
    return %c0_i32, %c0_i32_0 : i32, i32
  }
  func.func @transform_8(%arg0: i32) -> (i32, i32) {
    %c0_i32 = arith.constant 0 : i32
    %c0_i32_0 = arith.constant 0 : i32
    %c0_i32_1 = arith.constant 0 : i32
    return %c0_i32, %c0_i32_0 : i32, i32
  }
  func.func @transform_9(%arg0: i32) -> (i32, i32) {
    %c0_i32 = arith.constant 0 : i32
    %c0_i32_0 = arith.constant 0 : i32
    %c0_i32_1 = arith.constant 0 : i32
    return %c0_i32, %c0_i32_0 : i32, i32
  }
  func.func @transform_10(%arg0: i32) -> (i32, i32) {
    %c0_i32 = arith.constant 0 : i32
    %c0_i32_0 = arith.constant 0 : i32
    return %arg0, %c0_i32 : i32, i32
  }
  func.func @transform_11(%arg0: i32) -> (i32, i32) {
    %c0_i32 = arith.constant 0 : i32
    %c0_i32_0 = arith.constant 0 : i32
    return %arg0, %c0_i32 : i32, i32
  }
  func.func @transform_12(%arg0: i32) -> (i32, i32) {
    %c0_i32 = arith.constant 0 : i32
    %c0_i32_0 = arith.constant 0 : i32
    return %arg0, %c0_i32 : i32, i32
  }
  func.func @transform_13(%arg0: i32) -> (i32, i32) {
    %c0_i32 = arith.constant 0 : i32
    %c0_i32_0 = arith.constant 0 : i32
    %c0_i32_1 = arith.constant 0 : i32
    return %c0_i32, %c0_i32_0 : i32, i32
  }
}

</mosaic_0001>

<sc_bundles>
// kernel: kernel.12.cloned.1.call-start
scs
__scs_entry_jumppad:
0x0: {  	(pc) =	sbr.rel $0x88, $3  }
0x1: {  	(tag) =	ssettag $0x0;
	lr =	simm.s32 $0x1  }
0x2: {  	[smem:$0x3F93] =	sst lr;
	_ =	strace $0xD0000000  }
0x3: {  	_ = 	snop  }
0x4: {  	_ = 	snop  }
0x5: {  	_ = 	snop  }
0x6: {  	_ = 	snop  }
0x7: {  	_ = 	snop  }
__scs_overlays_trampoline_lowered:
0x8: {  	[smem:$0x3FA2] =	sst s0  }
0x9: {  	[smem:$0x3FA3] =	sst s1  }
0xa: {  	[smem:$0x3FA4] =	sst s2  }
0xb: {  	[smem:$0x3FA5] =	sst s3  }
0xc: {  	[smem:$0x3FA6] =	sst s4  }
0xd: {  	[smem:$0x3FA7] =	sst s5  }
0xe: {  	[smem:$0x3FA8] =	sst s6  }
0xf: {  	[smem:$0x3FA9] =	sst s7  }
0x10: {  	[smem:$0x3FAA] =	sst s8  }
0x11: {  	[smem:$0x3FAB] =	sst s9;
	s0 =	simm.s32 @!p0 $0x0  }
0x12: {  	s1 =	sld [smem:$0x3F91];
	s0 =	simm.s32 @p0 $0x1  }
0x13: {  	[smem:$0x3FAC] =	sst s0;
	s0 =	simm.s32 @!p1 $0x0  }
0x14: {  	s2 =	sld [smem:$0x3F90];
	s0 =	simm.s32 @p1 $0x1  }
0x15: {  	[smem:$0x3FAD] =	sst s0;
	s0 =	simm.s32 @!p2 $0x0  }
0x16: {  	s3 =	sld [smem:$0x3FDB];
	s0 =	simm.s32 @p2 $0x1  }
0x17: {  	s4 =	simm.s32 $0x1BF5;
	[smem:$0x3FAF] =	sst s0  }
0x18: {  	s0 =	sld [smem:$0x3F92];
	_ =	swait.ge [sflag:s4], $0x0  }
0x19: {  	s7 =	sld [smem:$0x3F93]  }
0x1a: {  	s8 =	sadd.s32 $0xFFFFE003, lr  }
0x1b: {  	s9 =	sadd.s32 $0xFFFFFEF7, lr;
	s5 =	simm.s32 $0xFFFFFFFF;
	p2 =	slt.u32 s8, $0xFFFFF086  }
0x1c: {  	p1 =	slt.u32 s9, $0xF7A;
	s5 =	simm.s32 @!p2 $0x0  }
0x1d: {  	s5 =	simm.s32 @p1 $0x1;
	p0 =	seq.s32 s7, s2  }
0x1e: {  	s7 =	smul.u32 @!p0 $0xF7A, s2;
	p2 =	seq.s32 @!p0 s5, $0x0  }
0x1f: {  	s9 =	smul.u32 $0xF7A, s1;
	s8 =	simm.s32 @!p0 $0x1BF5;
	p2 =	por !p2, p0  }
0x20: {  	[sflag:s8] =	ssyncset.s32 @!p0 $0xFFFFF086;
	s6 =	sadd.s32 @!p0 s3, s7;
	s7 =	simm.s32 @!p0 $0x108  }
0x21: {  	s3 =	sadd.s32 s3, s9;
	s6 =	sadd.s32 @!p0 $0x88, s6;
	s7 =	simm.s32 @p2 $0x1082  }
0x22: {  	[simem:s7], [sflag:s8] =	dma.local @!p0 [hbm:s6], $0xF7A  }
0x23: {  	s9 =	sor.u32 $0xD0000000, s2;
	s6 =	simm.s32 $0x108;
	_ =	swait.ge @!p0 [sflag:s8], $0x0  }
0x24: {  	s3 =	sadd.s32 $0x88, s3;
	s6 =	simm.s32 @!p1 $0x1082;
	[sflag:s4] =	ssyncset.s32 $0xFFFFF086  }
0x25: {  	[simem:s6], [sflag:s4] =	dma.local [hbm:s3], $0xF7A  }
0x26: {  	[smem:$0x3F93] =	sst s1;
	(tag) =	ssettag s2;
	_ =	strace s9  }
0x27: {  	s1 =	sld [smem:$0x3FA3]  }
0x28: {  	s2 =	sld [smem:$0x3FA4]  }
0x29: {  	s4 =	sld [smem:$0x3FA6]  }
0x2a: {  	p0 =	seq.s32 s5, $0x0;
	s5 =	sld [smem:$0x3FA7]  }
0x2b: {  	s6 =	sld [smem:$0x3FA8]  }
0x2c: {  	s7 =	sld [smem:$0x3FA9]  }
0x2d: {  	s3 =	simm.s32 $0x108;
	s8 =	sld [smem:$0x3FAA]  }
0x2e: {  	s3 =	simm.s32 @!p0 $0x1082;
	s9 =	sld [smem:$0x3FAB]  }
0x2f: {  	lr =	sadd.s32 s0, s3;
	s0 =	sld [smem:$0x3FA2]  }
0x30: {  	s3 =	sld [smem:$0x3FA5]  }
0x31: {  	[smem:$0x3FAE] =	sst s10  }
0x32: {  	s10 =	sld [smem:$0x3FAC];
	_ =	sdelay $0x3  }
0x33: {  	p0 =	seq.s32 s10, $0x1;
	s10 =	sld [smem:$0x3FAE];
	_ =	sdelay $0x3  }
0x34: {  	[smem:$0x3FAE] =	sst s10  }
0x35: {  	s10 =	sld [smem:$0x3FAD];
	_ =	sdelay $0x3  }
0x36: {  	p1 =	seq.s32 s10, $0x1;
	s10 =	sld [smem:$0x3FAE];
	_ =	sdelay $0x3  }
0x37: {  	[smem:$0x3FAE] =	sst s10  }
0x38: {  	s10 =	sld [smem:$0x3FAF]  }
0x39: {  	_ = 	snop;
	(pc) =	sbr.ind lr, $3  }
0x3a: {  	_ = 	snop  }
0x3b: {  	_ = 	snop  }
0x3c: {  	p2 =	seq.s32 s10, $0x1;
	s10 =	sld [smem:$0x3FAE]  }
0x3d: {  	_ =	shalt  }
0x3e: {  	_ =	shalt  }
0x3f: {  	_ =	shalt  }
0x40: {  	_ =	shalt  }
0x41: {  	_ =	shalt  }
0x42: {  	_ =	shalt  }
0x43: {  	_ =	shalt  }
0x44: {  	_ =	shalt  }
0x45: {  	_ =	shalt  }
0x46: {  	_ =	shalt  }
0x47: {  	_ =	shalt  }
0x48: {  	_ =	shalt  }
0x49: {  	_ =	shalt  }
0x4a: {  	_ =	shalt  }
0x4b: {  	_ =	shalt  }
0x4c: {  	_ =	shalt  }
0x4d: {  	_ =	shalt  }
0x4e: {  	_ =	shalt  }
0x4f: {  	_ =	shalt  }
0x50: {  	_ =	shalt  }
0x51: {  	_ =	shalt  }
0x52: {  	_ =	shalt  }
0x53: {  	_ =	shalt  }
0x54: {  	_ =	shalt  }
0x55: {  	_ =	shalt  }
0x56: {  	_ =	shalt  }
0x57: {  	_ =	shalt  }
0x58: {  	_ =	shalt  }
0x59: {  	_ =	shalt  }
0x5a: {  	_ =	shalt  }
0x5b: {  	_ =	shalt  }
0x5c: {  	_ =	shalt  }
0x5d: {  	_ =	shalt  }
0x5e: {  	_ =	shalt  }
0x5f: {  	_ =	shalt  }
0x60: {  	_ =	shalt  }
0x61: {  	_ =	shalt  }
0x62: {  	_ =	shalt  }
0x63: {  	_ =	shalt  }
0x64: {  	_ =	shalt  }
0x65: {  	_ =	shalt  }
0x66: {  	_ =	shalt  }
0x67: {  	_ =	shalt  }
0x68: {  	_ =	shalt  }
0x69: {  	_ =	shalt  }
0x6a: {  	_ =	shalt  }
0x6b: {  	_ =	shalt  }
0x6c: {  	_ =	shalt  }
0x6d: {  	_ =	shalt  }
0x6e: {  	_ =	shalt  }
0x6f: {  	_ =	shalt  }
0x70: {  	_ =	shalt  }
0x71: {  	_ =	shalt  }
0x72: {  	_ =	shalt  }
0x73: {  	_ =	shalt  }
0x74: {  	_ =	shalt  }
0x75: {  	_ =	shalt  }
0x76: {  	_ =	shalt  }
0x77: {  	_ =	shalt  }
0x78: {  	_ =	shalt  }
0x79: {  	_ =	shalt  }
0x7a: {  	_ =	shalt  }
0x7b: {  	_ =	shalt  }
0x7c: {  	_ =	shalt  }
0x7d: {  	_ =	shalt  }
0x7e: {  	_ =	shalt  }
0x7f: {  	_ =	shalt  }
0x80: {  	_ =	shalt  }
0x81: {  	_ =	shalt  }
0x82: {  	_ =	shalt  }
0x83: {  	_ =	shalt  }
0x84: {  	_ =	shalt  }
0x85: {  	_ =	shalt  }
0x86: {  	_ =	shalt  }
0x87: {  	_ =	shalt  }
.Lfunc_end0:
.L_simem_size_0:
called_computation.1_lowered:
.L_overlay_start_0:
0x88: {  	s2 =	sld [smem:$0x3FD9]  }
0x89: {  	s3 =	sld [smem:$0x3FFE];
	_ =	sdelay $0x1  }
0x8a: {  	s1 =	srdreg.scid  }
0x8b: {  	s0 =	sand.u32 $0x1, s1  }
0x8c: {  	s16 =	sshll.u32 s0, $0xA;
	s2 =	sadd.s32 s3, s2  }
0x8d: {  	s2 =	sadd.s32 s2, s16  }
0x8e: {  	[smem:$0x3FBA] =	sst s2  }
0x8f: {  	_ = 	snop  }
0x90: {  	(tm) =	ssettm $0x1  }
0x91: {  	s17 =	sld [smem:$0x3FFB];
	_ =	sdelay $0x3  }
0x92: {  	_ =	strace s17  }
0x93: {  	s2 =	sld [smem:$0x3FFC];
	_ =	sdelay $0x3  }
0x94: {  	_ =	strace s2  }
0x95: {  	s2 =	sld [smem:$0x3FFD];
	_ =	sdelay $0x3  }
0x96: {  	_ =	strace s2  }
0x97: {  	_ =	strace $0x8FFFFFFF  }
0x98: {  	s18 =	sld [smem:$0x3FDB];
	_ =	sdelay $0x1  }
0x99: {  	s19 =	simm.s32 $_scs_section_size  }
0x9a: {  	s4 =	simm.s32 $_size__tile_overlayer_lowered;
	s5 =	simm.s32 $_tile_overlayer_lowered  }
0x9b: {  	s22 =	simm.s32 $0x1BFF;
	s21 =	sshll.u32 s5, $0x1;
	s2 =	sadd.s32 s19, s18  }
0x9c: {  	s6 =	simm.s32 $0x0;
	s20 =	sshll.u32 s4, $0x1;
	s4 =	sadd.s32 s21, s2  }
0x9d: {  	[timem:s6], [sflag:s22] =	dma.local [hbm:s4], s20  }
0x9e: {  	_ =	swait.ge [sflag:s22], s20  }
0x9f: {  	s3 =	ssub.s32 $0x0, s20;
	[sflag:s22] =	ssyncset.done $0x0  }
0xa0: {  	[sflag:s22] =	ssyncadd.s32 s3;
	_ =	sdelay $0x1  }
0xa1: {  	s23 =	simm.s32 $0x1B8B  }
0xa2: {  	_ =	swait.ge [sflag:s23], $0x1  }
0xa3: {  	[sflag:s23] =	ssyncset.done $0x0  }
0xa4: {  	s25 =	simm.s32 $0x1B8E;
	s24 =	sld [smem:$0x3FFE];
	[sflag:s23] =	ssyncadd.s32 $0xFFFFFFFF  }
0xa5: {  	s26 =	simm.s32 $execute0_lowered;
	[smem:$0x3FD2] =	sst s25  }
0xa6: {  	s4 =	sshll.u32 s26, $0x1;
	_ =	strace $0x80000049;
	[dreg:$0x1] =	wrdreg $0xFFFFFFFF  }
0xa7: {  	s28 =	simm.s32 $_size_execute0_lowered;
	s2 =	sadd.s32 s2, s4;
	[dreg:$0x0] =	wrdreg $0x0  }
0xa8: {  	s4 =	sshll.u32 s28, $0x1;
	[dreg:$0x2] =	wrdreg s2  }
0xa9: {  	[dreg:$0x3] =	wrdreg s4  }
0xaa: {  	[dreg:$0x4] =	wrdreg $0xC0  }
0xab: {  	_ =	task [dreg:s6], $0x5FFFF  }
0xac: {  	[dreg:$0x1] =	wrdreg $0xFFFFFFFF  }
0xad: {  	[dreg:$0x0] =	wrdreg $0x60  }
0xae: {  	[dreg:$0x2] =	wrdreg s24  }
0xaf: {  	[dreg:$0x3] =	wrdreg $0xAA000  }
0xb0: {  	[dreg:$0x4] =	wrdreg $0x9  }
0xb1: {  	_ =	task.clear_ibuf [dreg:s6], $0x5FFFF;
	_ =	strace $0x90000049  }
0xb2: {  	s29 =	simm.s32 $0x9;
	_ =	strace $0x8000004B  }
0xb3: {  	_ =	swait.ge [sflag:s29], $0x1  }
0xb4: {  	[sflag:s29] =	ssyncadd.s32 $0xFFFFFFFF  }
0xb5: {  	_ =	strace $0x9000004B  }
0xb6: {  	_ =	sfence  }
0xb7: {  	s30 =	sld [smem:$0x0];
	_ =	sdelay $0x2  }
0xb8: {  	s31 =	sshll.u32 s1, $0xD;
	s1 =	sshrl.u32 s1, $0x2  }
0xb9: {  	s3 =	sand.u32 $0x4000, s31;
	s1 =	sadd.s32 s1, s30  }
0xba: {  	s0 =	sor.u32 s3, s0;
	s1 =	sshll.u32 s1, $0x11  }
0xbb: {  	s0 =	sor.u32 s1, s0  }
0xbc: {  	s0 =	sadd.s32 $0x8F2B, s0  }
0xbd: {  	[sflag:s0] =	ssyncadd.remote.s32 $0x1  }
0xbe: {  	_ =	sfence.sel $0xFFFF  }
0xbf: {  	[dreg:$0x0] =	wrdreg $0xFFFFFFFF;
	(pc) =	sbr.abs _section_cstart, $3  }
0xc0: {  	[dreg:$0x1] =	wrdreg $0xFFFFFFFF  }
0xc1: {  	_ =	task.clear_ibuf [dreg:s6], $0x2FFFF;
	_ =	strace $0x9FFFFFFF  }
0xc2: {  	(tm) =	ssettm $0x7FFFFFFF  }
0xc3: {  	_ =	shalt  }
tec
execute0_lowered:
.L_overlay_start_1:
0x0: {  	(tag) =	ssettag $0x1  }
0x1: {  	s1 =	srdreg.scid;
	s5 =	rddreg [dreg:$0x0]  }
0x2: {  	s0 =	stileid.u32;
	s2 =	rddreg [dreg:$0x1];
	s3 =	simm.s32 $0x0  }
0x3: {  	s20 =	simm.s32 $0x2800;
	s21 =	simm.s32 $0x2880;
	s22 =	simm.s32 $0x6A00  }
0x4: {  	s23 =	simm.s32 $0x1;
	s24 =	simm.s32 $0x2900;
	s25 =	simm.s32 $0x2  }
0x5: {  	s26 =	simm.s32 $0x2980;
	s28 =	simm.s32 $0x0;
	s6 =	sand.u32 $0x1, s1  }
0x6: {  	s30 =	sshll.u32 s0, $0x1;
	[smem:$0x7FF] =	sst s3;
	s7 =	smul.u32 $0x50000, s0  }
0x7: {  	s9 =	smul.u32 $0x14000, s0;
	s15 =	sadd.s32 $0x36000, s5;
	s4 =	sor.u32 s6, s30  }
0x8: {  	_ =	strace $0x8000004A;
	s8 =	ssub.s32 $0x2, s6;
	s17 =	smul.u32 $0x140000, s6  }
0x9: {  	s4 =	smul.u32 $0x500, s4;
	s31 =	sshrl.u32 s8, $0x1;
	s7 =	sshrl.u32 s7, $0x2  }
0xa: {  	s11 =	sadd.s32 $0x4000, s9;
	s13 =	sadd.s32 $0x8000, s9;
	s14 =	sadd.s32 $0xC000, s9  }
0xb: {  	s18 =	sadd.s32 $0x10000, s9;
	s16 =	ssub.s32 s8, s31;
	s6 =	sadd.s32 s11, s2  }
0xc: {  	s8 =	sadd.s32 s14, s2;
	s12 =	sadd.s32 s9, s17;
	s11 =	sadd.s32 s17, s11  }
0xd: {  	s9 =	sadd.s32 s18, s2;
	s14 =	sadd.s32 s17, s14;
	s10 =	sadd.s32 s4, s5  }
0xe: {  	s4 =	sadd.s32 $0xE000, s5;
	s5 =	sadd.s32 s7, s2;
	s7 =	sadd.s32 s13, s2  }
0xf: {  	s12 =	sshrl.u32 s12, $0x3;
	s19 =	sshrl.u32 s11, $0x3;
	s13 =	sadd.s32 s17, s13  }
.Ltmp0:
0x10: {  	s17 =	sadd.s32 s17, s18;
	s14 =	sshrl.u32 s14, $0x3;
	(pc) =	sbr.rel .LBB2_1-.Ltmp0, $4  }
0x11: {  	s16 =	smax.u32 s16, $0x1;
	s18 =	simm.s32 $0x3;
	s10 =	sadd.s32 $0x4000, s10  }
0x12: {  	s11 =	sadd.s32 s15, s12;
	s12 =	sadd.s32 s15, s19;
	s13 =	sshrl.u32 s13, $0x3  }
0x13: {  	s17 =	sshrl.u32 s17, $0x3;
	s14 =	sadd.s32 s15, s14;
	s19 =	simm.s32 $0x80  }
0x14: {  	v0 =	vimm.f32 $0.0e+00;
	s13 =	sadd.s32 s15, s13;
	s15 =	sadd.s32 s15, s17;
	s17 =	simm.s32 $0x2A00  }
.LBB2_6:
0x15: {  	[bflag:$0x0] =	sbarrier.arrive $0xFFFF  }
0x16: {  	[tilespmem:s17], [sflag:$0x3] =	stream.linear.gather [spmem:s5], $0x4000, $0x38;
	[tilespmem:$0x1EA00] =	vst v63  }
0x17: {  	_ =	swait.ge [sflag:s18], $0x4000  }
0x18: {  	[sflag:s18] =	ssyncset.done $0x0  }
0x19: {  	[sflag:s18] =	ssyncadd.s32 $0xFFFFC000  }
0x1a: {  	[hbm4b:s11+s3] =	stream.linear.scatter [tilespmem:s17], [sflag:$0x3], $0x4000, $0x38;
	[tilespmem:$0x1EA00] =	vst v63  }
0x1b: {  	_ =	swait.ge [sflag:s18], $0x4000  }
0x1c: {  	[sflag:s18] =	ssyncset.done $0x0  }
0x1d: {  	[sflag:s18] =	ssyncadd.s32 $0xFFFFC000  }
0x1e: {  	[tilespmem:s17], [sflag:$0x3] =	stream.linear.gather [spmem:s6], $0x4000, $0x38;
	[tilespmem:$0x1EA00] =	vst v63  }
0x1f: {  	_ =	swait.ge [sflag:s18], $0x4000  }
0x20: {  	[sflag:s18] =	ssyncset.done $0x0  }
0x21: {  	[sflag:s18] =	ssyncadd.s32 $0xFFFFC000  }
0x22: {  	[hbm4b:s12+s3] =	stream.linear.scatter [tilespmem:s17], [sflag:$0x3], $0x4000, $0x38;
	[tilespmem:$0x1EA00] =	vst v63  }
0x23: {  	_ =	swait.ge [sflag:s18], $0x4000  }
0x24: {  	[sflag:s18] =	ssyncset.done $0x0  }
0x25: {  	[sflag:s18] =	ssyncadd.s32 $0xFFFFC000  }
0x26: {  	[tilespmem:s17], [sflag:$0x3] =	stream.linear.gather [spmem:s7], $0x4000, $0x38;
	[tilespmem:$0x1EA00] =	vst v63  }
0x27: {  	_ =	swait.ge [sflag:s18], $0x4000  }
0x28: {  	[sflag:s18] =	ssyncset.done $0x0  }
0x29: {  	[sflag:s18] =	ssyncadd.s32 $0xFFFFC000  }
0x2a: {  	[hbm4b:s13+s3] =	stream.linear.scatter [tilespmem:s17], [sflag:$0x3], $0x4000, $0x38;
	[tilespmem:$0x1EA00] =	vst v63  }
0x2b: {  	_ =	swait.ge [sflag:s18], $0x4000  }
0x2c: {  	[sflag:s18] =	ssyncset.done $0x0  }
0x2d: {  	[sflag:s18] =	ssyncadd.s32 $0xFFFFC000  }
0x2e: {  	[tilespmem:s17], [sflag:$0x3] =	stream.linear.gather [spmem:s8], $0x4000, $0x38;
	[tilespmem:$0x1EA00] =	vst v63  }
0x2f: {  	_ =	swait.ge [sflag:s18], $0x4000  }
0x30: {  	[sflag:s18] =	ssyncset.done $0x0  }
0x31: {  	[sflag:s18] =	ssyncadd.s32 $0xFFFFC000  }
0x32: {  	[hbm4b:s14+s3] =	stream.linear.scatter [tilespmem:s17], [sflag:$0x3], $0x4000, $0x38;
	[tilespmem:$0x1EA00] =	vst v63  }
0x33: {  	_ =	swait.ge [sflag:s18], $0x4000  }
0x34: {  	[sflag:s18] =	ssyncset.done $0x0  }
0x35: {  	[sflag:s18] =	ssyncadd.s32 $0xFFFFC000  }
0x36: {  	[tilespmem:s17], [sflag:$0x3] =	stream.linear.gather [spmem:s9], $0x4000, $0x38;
	[tilespmem:$0x1EA00] =	vst v63  }
0x37: {  	s28 =	sadd.s32 $0x1, s28;
	_ =	swait.ge [sflag:s18], $0x4000  }
0x38: {  	p0 =	sne.s32 s28, s16;
	[sflag:s18] =	ssyncset.done $0x0  }
.Ltmp1:
0x39: {  	[sflag:s18] =	ssyncadd.s32 $0xFFFFC000;
	(pc) =	sbr.rel @!p0 .LBB2_7-.Ltmp1, $4  }
0x3a: {  	[hbm4b:s15+s3] =	stream.linear.scatter [tilespmem:s17], [sflag:$0x3], $0x4000, $0x38;
	[tilespmem:$0x1EA00] =	vst v63  }
0x3b: {  	_ =	swait.ge [sflag:s18], $0x4000  }
0x3c: {  	[sflag:s18] =	ssyncset.done $0x0  }
0x3d: {  	[sflag:s18] =	ssyncadd.s32 $0xFFFFC000  }
.LBB2_1:
0x3e: {  	s29 =	sand.u32 $0xFE00, s3  }
0x3f: {  	s30 =	sand.u32 $0x70, s3;
	s31 =	sshrl.u32 s29, $0x2  }
0x40: {  	s29 =	simm.s32 $0x40;
	s31 =	sor.u32 s30, s31;
	s30 =	simm.s32 $0x0  }
.LBB2_2:
0x41: {  	p0 =	sne.s32 s29, $0xFFC0  }
0x42: {  	[tilespmem:s31+$0x2A00] =	vst v0;
	s30 =	sadd.s32 $0x10, s30;
	s31 =	smov.u32 s29;
	s29 =	sadd.s32 $0x40, s29  }
.Ltmp2:
0x43: {  	(pc) =	sbr.rel @p0 .LBB2_2-.Ltmp2, $4  }
0x44: {  	_ = 	snop  }
0x45: {  	s31 =	sand.u32 $0xFE00, s31  }
0x46: {  	s1 =	sand.u32 $0x70, s30;
	s31 =	sshrl.u32 s31, $0x2  }
0x47: {  	s31 =	sor.u32 s1, s31  }
0x48: {  	[tilespmem:s31+$0x2A00] =	vst v0  }
0x49: {  	[spmem:s5] =	stream.linear.scatter [tilespmem:s17], [sflag:$0x3], $0x4000, $0x38;
	[tilespmem:$0x1EA00] =	vst v63  }
0x4a: {  	_ =	swait.ge [sflag:s18], $0x4000  }
0x4b: {  	[sflag:s18] =	ssyncset.done $0x0  }
0x4c: {  	[sflag:s18] =	ssyncadd.s32 $0xFFFFC000  }
0x4d: {  	[spmem:s6] =	stream.linear.scatter [tilespmem:s17], [sflag:$0x3], $0x4000, $0x38;
	[tilespmem:$0x1EA00] =	vst v63  }
0x4e: {  	_ =	swait.ge [sflag:s18], $0x4000  }
0x4f: {  	[sflag:s18] =	ssyncset.done $0x0  }
0x50: {  	[sflag:s18] =	ssyncadd.s32 $0xFFFFC000  }
0x51: {  	[spmem:s7] =	stream.linear.scatter [tilespmem:s17], [sflag:$0x3], $0x4000, $0x38;
	[tilespmem:$0x1EA00] =	vst v63  }
0x52: {  	_ =	swait.ge [sflag:s18], $0x4000  }
0x53: {  	[sflag:s18] =	ssyncset.done $0x0  }
0x54: {  	[sflag:s18] =	ssyncadd.s32 $0xFFFFC000  }
0x55: {  	[spmem:s8] =	stream.linear.scatter [tilespmem:s17], [sflag:$0x3], $0x4000, $0x38;
	[tilespmem:$0x1EA00] =	vst v63  }
0x56: {  	_ =	swait.ge [sflag:s18], $0x4000  }
0x57: {  	[sflag:s18] =	ssyncset.done $0x0  }
0x58: {  	[sflag:s18] =	ssyncadd.s32 $0xFFFFC000  }
0x59: {  	[spmem:s9] =	stream.linear.scatter [tilespmem:s17], [sflag:$0x3], $0x4000, $0x38;
	[tilespmem:$0x1EA00] =	vst v63  }
0x5a: {  	_ =	swait.ge [sflag:s18], $0x4000  }
0x5b: {  	[sflag:s18] =	ssyncset.done $0x0  }
0x5c: {  	[sflag:s18] =	ssyncadd.s32 $0xFFFFC000  }
0x5d: {  	s29 =	simm.s32 $0x0;
	[bflag:$0x0] =	sbarrier.arrive $0xFFFF  }
0x5e: {  	[tilespmem:s29], [sflag:$0x3] =	stream.linear.gather [hbm4b:s10+s29], $0x2800, $0x38;
	[tilespmem:$0x1EA00] =	vst v63  }
0x5f: {  	_ =	swait.ge [sflag:s18], $0x2800  }
0x60: {  	[sflag:s18] =	ssyncset.done $0x0  }
0x61: {  	[sflag:s18] =	ssyncadd.s32 $0xFFFFD800  }
0x62: {  	v1 =	vld [tilespmem:$0x0]  }
0x63: {  	v2 =	vld [tilespmem:$0x10]  }
0x64: {  	v3 =	vld [tilespmem:$0x20]  }
0x65: {  	v4 =	vld [tilespmem:$0x30]  }
0x66: {  	v5 =	vld [tilespmem:$0x40]  }
0x67: {  	v6 =	vld [tilespmem:$0x50];
	v1 =	vand.u32 $0x3FFF, v1  }
0x68: {  	[tilespmem:$0x2800] =	vst v1;
	v1 =	vand.u32 $0x3FFF, v2;
	v2 =	vld [tilespmem:$0x60]  }
0x69: {  	[tilespmem:$0x2810] =	vst v1;
	v1 =	vand.u32 $0x3FFF, v3;
	v3 =	vld [tilespmem:$0x70]  }
0x6a: {  	[tilespmem:$0x2820] =	vst v1;
	v1 =	vand.u32 $0x3FFF, v4  }
0x6b: {  	[tilespmem:$0x2830] =	vst v1;
	v1 =	vand.u32 $0x3FFF, v5  }
0x6c: {  	[tilespmem:$0x2840] =	vst v1;
	v1 =	vand.u32 $0x3FFF, v6  }
0x6d: {  	[tilespmem:$0x2850] =	vst v1;
	v1 =	vand.u32 $0x3FFF, v2  }
0x6e: {  	[tilespmem:$0x2860] =	vst v1;
	v1 =	vand.u32 $0x3FFF, v3  }
0x6f: {  	[tilespmem:$0x2870] =	vst v1  }
0x70: {  	[tilespmem:s17], [sflag:$0x1] =	stream.indirect.gather [hbm4b:s4+s19], $0x80, s20, s19, $0xb8;
	[tilespmem:$0x1EA00] =	vst v63  }
0x71: {  	v1 =	vld [tilespmem:$0x80]  }
0x72: {  	v2 =	vld [tilespmem:$0x90]  }
0x73: {  	v3 =	vld [tilespmem:$0xA0]  }
0x74: {  	v61 =	vld [tilespmem:$0xB0]  }
0x75: {  	v62 =	vld [tilespmem:$0xC0]  }
0x76: {  	v63 =	vld [tilespmem:$0xD0];
	v1 =	vand.u32 $0x3FFF, v1  }
0x77: {  	[tilespmem:$0x2880] =	vst v1;
	v1 =	vand.u32 $0x3FFF, v2;
	v2 =	vld [tilespmem:$0xE0]  }
0x78: {  	[tilespmem:$0x2890] =	vst v1;
	v1 =	vand.u32 $0x3FFF, v3;
	v3 =	vld [tilespmem:$0xF0]  }
0x79: {  	[tilespmem:$0x28A0] =	vst v1;
	v1 =	vand.u32 $0x3FFF, v61  }
0x7a: {  	[tilespmem:$0x28B0] =	vst v1;
	v1 =	vand.u32 $0x3FFF, v62  }
0x7b: {  	[tilespmem:$0x28C0] =	vst v1;
	v1 =	vand.u32 $0x3FFF, v63  }
0x7c: {  	[tilespmem:$0x28D0] =	vst v1;
	v1 =	vand.u32 $0x3FFF, v2  }
0x7d: {  	[tilespmem:$0x28E0] =	vst v1;
	v1 =	vand.u32 $0x3FFF, v3  }
0x7e: {  	[tilespmem:$0x28F0] =	vst v1  }
0x7f: {  	[tilespmem:s22], [sflag:$0x2] =	stream.indirect.gather [hbm4b:s4+s19], $0x80, s21, s19, $0xb8;
	[tilespmem:$0x1EA00] =	vst v63  }
.LBB2_4:
0x80: {  	_ =	swait.ge [sflag:s23], $0x4000  }
0x81: {  	[sflag:s23] =	ssyncset.done $0x0  }
0x82: {  	s30 =	sshra.s32 s29, $0x2;
	[sflag:s23] =	ssyncadd.s32 $0xFFFFC000  }
0x83: {  	v1 =	vld [tilespmem:s30+$0x0];
	_ =	sdelay $0x4  }
0x84: {  	v1 =	vshrl.u32 v1, $0xE  }
0x85: {  	[tilespmem:$0x2900] =	vst v1  }
0x86: {  	v1 =	vld [tilespmem:s30+$0x10];
	_ =	sdelay $0x4  }
0x87: {  	v1 =	vshrl.u32 v1, $0xE  }
0x88: {  	[tilespmem:$0x2910] =	vst v1  }
0x89: {  	v1 =	vld [tilespmem:s30+$0x20];
	_ =	sdelay $0x4  }
0x8a: {  	v1 =	vshrl.u32 v1, $0xE  }
0x8b: {  	[tilespmem:$0x2920] =	vst v1  }
0x8c: {  	v1 =	vld [tilespmem:s30+$0x30];
	_ =	sdelay $0x4  }
0x8d: {  	v1 =	vshrl.u32 v1, $0xE  }
0x8e: {  	[tilespmem:$0x2930] =	vst v1  }
0x8f: {  	v1 =	vld [tilespmem:s30+$0x40];
	_ =	sdelay $0x4  }
0x90: {  	v1 =	vshrl.u32 v1, $0xE  }
0x91: {  	[tilespmem:$0x2940] =	vst v1  }
0x92: {  	v1 =	vld [tilespmem:s30+$0x50];
	_ =	sdelay $0x4  }
0x93: {  	v1 =	vshrl.u32 v1, $0xE  }
0x94: {  	[tilespmem:$0x2950] =	vst v1  }
0x95: {  	v1 =	vld [tilespmem:s30+$0x60];
	_ =	sdelay $0x4  }
0x96: {  	v1 =	vshrl.u32 v1, $0xE  }
0x97: {  	[tilespmem:$0x2960] =	vst v1  }
0x98: {  	v1 =	vld [tilespmem:s30+$0x70];
	_ =	sdelay $0x4  }
0x99: {  	v1 =	vshrl.u32 v1, $0xE  }
0x9a: {  	[tilespmem:$0x2970] =	vst v1  }
0x9b: {  	[spmem:s2] =	stream.indirect.scatter.add.f32 [tilespmem:s17], [sflag:$0x3], $0x80, s24, s19, $0xb8;
	[tilespmem:$0x1EA00] =	vst v63  }
0x9c: {  	_ =	swait.ge [sflag:s18], $0x4000  }
0x9d: {  	p0 =	seq.s32 s29, $0x9C00;
	[sflag:s18] =	ssyncset.done $0x0  }
0x9e: {  	s1 =	sshra.s32 @!p0 s29, $0x2;
	[sflag:s18] =	ssyncadd.s32 $0xFFFFC000  }
0x9f: {  	v1 =	vld @!p0 [tilespmem:s1+$0x100];
	_ =	sdelay $0x4  }
0xa0: {  	v1 =	vand.u32 @!p0 $0x3FFF, v1  }
0xa1: {  	[tilespmem:$0x2800] =	vst @!p0 v1  }
0xa2: {  	v1 =	vld @!p0 [tilespmem:s1+$0x110];
	_ =	sdelay $0x4  }
0xa3: {  	v1 =	vand.u32 @!p0 $0x3FFF, v1  }
0xa4: {  	[tilespmem:$0x2810] =	vst @!p0 v1  }
0xa5: {  	v1 =	vld @!p0 [tilespmem:s1+$0x120];
	_ =	sdelay $0x4  }
0xa6: {  	v1 =	vand.u32 @!p0 $0x3FFF, v1  }
0xa7: {  	[tilespmem:$0x2820] =	vst @!p0 v1  }
0xa8: {  	v1 =	vld @!p0 [tilespmem:s1+$0x130];
	_ =	sdelay $0x4  }
0xa9: {  	v1 =	vand.u32 @!p0 $0x3FFF, v1  }
0xaa: {  	[tilespmem:$0x2830] =	vst @!p0 v1  }
0xab: {  	v1 =	vld @!p0 [tilespmem:s1+$0x140];
	_ =	sdelay $0x4  }
0xac: {  	v1 =	vand.u32 @!p0 $0x3FFF, v1  }
0xad: {  	[tilespmem:$0x2840] =	vst @!p0 v1  }
0xae: {  	v1 =	vld @!p0 [tilespmem:s1+$0x150];
	_ =	sdelay $0x4  }
0xaf: {  	v1 =	vand.u32 @!p0 $0x3FFF, v1  }
0xb0: {  	[tilespmem:$0x2850] =	vst @!p0 v1  }
0xb1: {  	v1 =	vld @!p0 [tilespmem:s1+$0x160];
	_ =	sdelay $0x4  }
0xb2: {  	v1 =	vand.u32 @!p0 $0x3FFF, v1  }
0xb3: {  	[tilespmem:$0x2860] =	vst @!p0 v1  }
0xb4: {  	v1 =	vld @!p0 [tilespmem:s1+$0x170];
	_ =	sdelay $0x4  }
0xb5: {  	v1 =	vand.u32 @!p0 $0x3FFF, v1  }
0xb6: {  	s31 =	simm.s32 @!p0 $0x2800;
	s0 =	simm.s32 @!p0 $0x2A00;
	s1 =	simm.s32 @!p0 $0x80;
	[tilespmem:$0x2870] =	vst @!p0 v1  }
0xb7: {  	[tilespmem:s0], [sflag:$0x1] =	stream.indirect.gather @!p0 [hbm4b:s4+s1], $0x80, s31, s1, $0xb8;
	[tilespmem:$0x1EA00] =	vst v63  }
0xb8: {  	_ =	swait.ge [sflag:s25], $0x4000  }
0xb9: {  	[sflag:s25] =	ssyncset.done $0x0  }
0xba: {  	[sflag:s25] =	ssyncadd.s32 $0xFFFFC000  }
0xbb: {  	v1 =	vld [tilespmem:s30+$0x80];
	_ =	sdelay $0x4  }
0xbc: {  	v1 =	vshrl.u32 v1, $0xE  }
0xbd: {  	[tilespmem:$0x2980] =	vst v1  }
0xbe: {  	v1 =	vld [tilespmem:s30+$0x90];
	_ =	sdelay $0x4  }
0xbf: {  	v1 =	vshrl.u32 v1, $0xE  }
0xc0: {  	[tilespmem:$0x2990] =	vst v1  }
0xc1: {  	v1 =	vld [tilespmem:s30+$0xA0];
	_ =	sdelay $0x4  }
0xc2: {  	v1 =	vshrl.u32 v1, $0xE  }
0xc3: {  	[tilespmem:$0x29A0] =	vst v1  }
0xc4: {  	v1 =	vld [tilespmem:s30+$0xB0];
	_ =	sdelay $0x4  }
0xc5: {  	v1 =	vshrl.u32 v1, $0xE  }
0xc6: {  	[tilespmem:$0x29B0] =	vst v1  }
0xc7: {  	v1 =	vld [tilespmem:s30+$0xC0];
	_ =	sdelay $0x4  }
0xc8: {  	v1 =	vshrl.u32 v1, $0xE  }
0xc9: {  	[tilespmem:$0x29C0] =	vst v1  }
0xca: {  	v1 =	vld [tilespmem:s30+$0xD0];
	_ =	sdelay $0x4  }
0xcb: {  	v1 =	vshrl.u32 v1, $0xE  }
0xcc: {  	[tilespmem:$0x29D0] =	vst v1  }
0xcd: {  	v1 =	vld [tilespmem:s30+$0xE0];
	_ =	sdelay $0x4  }
0xce: {  	v1 =	vshrl.u32 v1, $0xE  }
0xcf: {  	[tilespmem:$0x29E0] =	vst v1  }
0xd0: {  	v1 =	vld [tilespmem:s30+$0xF0];
	_ =	sdelay $0x4  }
0xd1: {  	v1 =	vshrl.u32 v1, $0xE  }
.Ltmp3:
0xd2: {  	[tilespmem:$0x29F0] =	vst v1;
	(pc) =	sbr.rel @p0 .LBB2_6-.Ltmp3, $4  }
0xd3: {  	[spmem:s2] =	stream.indirect.scatter.add.f32 [tilespmem:s22], [sflag:$0x3], $0x80, s26, s19, $0xb8;
	[tilespmem:$0x1EA00] =	vst v63  }
0xd4: {  	_ =	swait.ge [sflag:s18], $0x4000  }
0xd5: {  	[sflag:s18] =	ssyncset.done $0x0  }
0xd6: {  	[sflag:s18] =	ssyncadd.s32 $0xFFFFC000  }
0xd7: {  	v1 =	vld [tilespmem:s30+$0x180];
	_ =	sdelay $0x4  }
0xd8: {  	v1 =	vand.u32 $0x3FFF, v1  }
0xd9: {  	[tilespmem:$0x2880] =	vst v1  }
0xda: {  	v1 =	vld [tilespmem:s30+$0x190];
	_ =	sdelay $0x4  }
0xdb: {  	v1 =	vand.u32 $0x3FFF, v1  }
0xdc: {  	[tilespmem:$0x2890] =	vst v1  }
0xdd: {  	v1 =	vld [tilespmem:s30+$0x1A0];
	_ =	sdelay $0x4  }
0xde: {  	v1 =	vand.u32 $0x3FFF, v1  }
0xdf: {  	[tilespmem:$0x28A0] =	vst v1  }
0xe0: {  	v1 =	vld [tilespmem:s30+$0x1B0];
	_ =	sdelay $0x4  }
0xe1: {  	v1 =	vand.u32 $0x3FFF, v1  }
0xe2: {  	[tilespmem:$0x28B0] =	vst v1  }
0xe3: {  	v1 =	vld [tilespmem:s30+$0x1C0];
	_ =	sdelay $0x4  }
0xe4: {  	v1 =	vand.u32 $0x3FFF, v1  }
0xe5: {  	[tilespmem:$0x28C0] =	vst v1  }
0xe6: {  	v1 =	vld [tilespmem:s30+$0x1D0];
	_ =	sdelay $0x4  }
0xe7: {  	v1 =	vand.u32 $0x3FFF, v1  }
0xe8: {  	[tilespmem:$0x28D0] =	vst v1  }
0xe9: {  	v1 =	vld [tilespmem:s30+$0x1E0];
	_ =	sdelay $0x4  }
0xea: {  	v1 =	vand.u32 $0x3FFF, v1  }
0xeb: {  	[tilespmem:$0x28E0] =	vst v1  }
0xec: {  	v1 =	vld [tilespmem:s30+$0x1F0];
	_ =	sdelay $0x2  }
.Ltmp4:
0xed: {  	_ = 	snop;
	(pc) =	sbr.rel .LBB2_4-.Ltmp4, $4  }
0xee: {  	_ = 	snop  }
0xef: {  	v1 =	vand.u32 $0x3FFF, v1  }
0xf0: {  	s29 =	sadd.s32 $0x400, s29;
	[tilespmem:$0x28F0] =	vst v1  }
0xf1: {  	[tilespmem:s22], [sflag:$0x2] =	stream.indirect.gather [hbm4b:s4+s19], $0x80, s21, s19, $0xb8;
	[tilespmem:$0x1EA00] =	vst v63  }
.LBB2_7:
0xf2: {  	_ =	sfence.sel $0x180000  }
0xf3: {  	[bflag:$0x0] =	sbarrier.arrive $0xFFFF  }
0xf4: {  	_ =	strace $0x9000004A  }
0xf5: {  	s0 =	stileid.u32;
	[bflag:$0x2] =	sbarrier.arrive $0xFFFF  }
0xf6: {  	p0 =	sne.s32 s0, $0x0;
	s0 =	rddreg [dreg:$0x2]  }
0xf7: {  	s0 =	sadd.s32 @!p0 $0x100000, s0  }
0xf8: {  	[sflag:s0] =	ssyncadd.tile.s32 @!p0 $0x1;
	_ =	shalt  }
.Lfunc_end2:
_tile_overlayer_lowered:
.L_overlay_start_2:
0xf9: {  	(tag) =	ssettag $0x2  }
0xfa: {  	s0 =	rddreg [dreg:$0x0];
	s2 =	stileid.u32  }
0xfb: {  	s1 =	rddreg [dreg:$0x1];
	p0 =	sne.s32 s2, $0x0  }
0xfc: {  	s3 =	rddreg [dreg:$0x2];
	[bflag:$0x3] =	sbarrier.arrive $0xFFFF;
	s2 =	simm.s32 @!p0 $0x1C03  }
0xfd: {  	[timem:s3], [sflag:s2] =	dma.local @!p0 [hbm:s0], s1  }
0xfe: {  	s0 =	simm.s32 @!p0 $0x3  }
0xff: {  	_ =	swait.ge @!p0 [sflag:s0], s1  }
0x100: {  	s1 =	ssub.s32 @!p0 $0x0, s1;
	[sflag:s0] =	ssyncset.done @!p0 $0x0  }
0x101: {  	[sflag:s0] =	ssyncadd.s32 @!p0 s1  }
0x102: {  	[bflag:$0x3] =	sbarrier.arrive $0xFFFF  }
0x103: {  	_ =	shalt  }

// kernel: kernel.15.cloned.1.call-start
scs
__scs_entry_jumppad:
0x0: {  	(pc) =	sbr.rel $0x88, $3  }
0x1: {  	(tag) =	ssettag $0x0;
	lr =	simm.s32 $0x1  }
0x2: {  	[smem:$0x3F93] =	sst lr;
	_ =	strace $0xD0000000  }
0x3: {  	_ = 	snop  }
0x4: {  	_ = 	snop  }
0x5: {  	_ = 	snop  }
0x6: {  	_ = 	snop  }
0x7: {  	_ = 	snop  }
__scs_overlays_trampoline_lowered:
0x8: {  	[smem:$0x3FA2] =	sst s0  }
0x9: {  	[smem:$0x3FA3] =	sst s1  }
0xa: {  	[smem:$0x3FA4] =	sst s2  }
0xb: {  	[smem:$0x3FA5] =	sst s3  }
0xc: {  	[smem:$0x3FA6] =	sst s4  }
0xd: {  	[smem:$0x3FA7] =	sst s5  }
0xe: {  	[smem:$0x3FA8] =	sst s6  }
0xf: {  	[smem:$0x3FA9] =	sst s7  }
0x10: {  	[smem:$0x3FAA] =	sst s8  }
0x11: {  	[smem:$0x3FAB] =	sst s9;
	s0 =	simm.s32 @!p0 $0x0  }
0x12: {  	s1 =	sld [smem:$0x3F91];
	s0 =	simm.s32 @p0 $0x1  }
0x13: {  	[smem:$0x3FAC] =	sst s0;
	s0 =	simm.s32 @!p1 $0x0  }
0x14: {  	s2 =	sld [smem:$0x3F90];
	s0 =	simm.s32 @p1 $0x1  }
0x15: {  	[smem:$0x3FAD] =	sst s0;
	s0 =	simm.s32 @!p2 $0x0  }
0x16: {  	s3 =	sld [smem:$0x3FDB];
	s0 =	simm.s32 @p2 $0x1  }
0x17: {  	s4 =	simm.s32 $0x1BF5;
	[smem:$0x3FAF] =	sst s0  }
0x18: {  	s0 =	sld [smem:$0x3F92];
	_ =	swait.ge [sflag:s4], $0x0  }
0x19: {  	s7 =	sld [smem:$0x3F93]  }
0x1a: {  	s8 =	sadd.s32 $0xFFFFE003, lr  }
0x1b: {  	s9 =	sadd.s32 $0xFFFFFEF7, lr;
	s5 =	simm.s32 $0xFFFFFFFF;
	p2 =	slt.u32 s8, $0xFFFFF086  }
0x1c: {  	p1 =	slt.u32 s9, $0xF7A;
	s5 =	simm.s32 @!p2 $0x0  }
0x1d: {  	s5 =	simm.s32 @p1 $0x1;
	p0 =	seq.s32 s7, s2  }
0x1e: {  	s7 =	smul.u32 @!p0 $0xF7A, s2;
	p2 =	seq.s32 @!p0 s5, $0x0  }
0x1f: {  	s9 =	smul.u32 $0xF7A, s1;
	s8 =	simm.s32 @!p0 $0x1BF5;
	p2 =	por !p2, p0  }
0x20: {  	[sflag:s8] =	ssyncset.s32 @!p0 $0xFFFFF086;
	s6 =	sadd.s32 @!p0 s3, s7;
	s7 =	simm.s32 @!p0 $0x108  }
0x21: {  	s3 =	sadd.s32 s3, s9;
	s6 =	sadd.s32 @!p0 $0x88, s6;
	s7 =	simm.s32 @p2 $0x1082  }
0x22: {  	[simem:s7], [sflag:s8] =	dma.local @!p0 [hbm:s6], $0xF7A  }
0x23: {  	s9 =	sor.u32 $0xD0000000, s2;
	s6 =	simm.s32 $0x108;
	_ =	swait.ge @!p0 [sflag:s8], $0x0  }
0x24: {  	s3 =	sadd.s32 $0x88, s3;
	s6 =	simm.s32 @!p1 $0x1082;
	[sflag:s4] =	ssyncset.s32 $0xFFFFF086  }
0x25: {  	[simem:s6], [sflag:s4] =	dma.local [hbm:s3], $0xF7A  }
0x26: {  	[smem:$0x3F93] =	sst s1;
	(tag) =	ssettag s2;
	_ =	strace s9  }
0x27: {  	s1 =	sld [smem:$0x3FA3]  }
0x28: {  	s2 =	sld [smem:$0x3FA4]  }
0x29: {  	s4 =	sld [smem:$0x3FA6]  }
0x2a: {  	p0 =	seq.s32 s5, $0x0;
	s5 =	sld [smem:$0x3FA7]  }
0x2b: {  	s6 =	sld [smem:$0x3FA8]  }
0x2c: {  	s7 =	sld [smem:$0x3FA9]  }
0x2d: {  	s3 =	simm.s32 $0x108;
	s8 =	sld [smem:$0x3FAA]  }
0x2e: {  	s3 =	simm.s32 @!p0 $0x1082;
	s9 =	sld [smem:$0x3FAB]  }
0x2f: {  	lr =	sadd.s32 s0, s3;
	s0 =	sld [smem:$0x3FA2]  }
0x30: {  	s3 =	sld [smem:$0x3FA5]  }
0x31: {  	[smem:$0x3FAE] =	sst s10  }
0x32: {  	s10 =	sld [smem:$0x3FAC];
	_ =	sdelay $0x3  }
0x33: {  	p0 =	seq.s32 s10, $0x1;
	s10 =	sld [smem:$0x3FAE];
	_ =	sdelay $0x3  }
0x34: {  	[smem:$0x3FAE] =	sst s10  }
0x35: {  	s10 =	sld [smem:$0x3FAD];
	_ =	sdelay $0x3  }
0x36: {  	p1 =	seq.s32 s10, $0x1;
	s10 =	sld [smem:$0x3FAE];
	_ =	sdelay $0x3  }
0x37: {  	[smem:$0x3FAE] =	sst s10  }
0x38: {  	s10 =	sld [smem:$0x3FAF]  }
0x39: {  	_ = 	snop;
	(pc) =	sbr.ind lr, $3  }
0x3a: {  	_ = 	snop  }
0x3b: {  	_ = 	snop  }
0x3c: {  	p2 =	seq.s32 s10, $0x1;
	s10 =	sld [smem:$0x3FAE]  }
0x3d: {  	_ =	shalt  }
0x3e: {  	_ =	shalt  }
0x3f: {  	_ =	shalt  }
0x40: {  	_ =	shalt  }
0x41: {  	_ =	shalt  }
0x42: {  	_ =	shalt  }
0x43: {  	_ =	shalt  }
0x44: {  	_ =	shalt  }
0x45: {  	_ =	shalt  }
0x46: {  	_ =	shalt  }
0x47: {  	_ =	shalt  }
0x48: {  	_ =	shalt  }
0x49: {  	_ =	shalt  }
0x4a: {  	_ =	shalt  }
0x4b: {  	_ =	shalt  }
0x4c: {  	_ =	shalt  }
0x4d: {  	_ =	shalt  }
0x4e: {  	_ =	shalt  }
0x4f: {  	_ =	shalt  }
0x50: {  	_ =	shalt  }
0x51: {  	_ =	shalt  }
0x52: {  	_ =	shalt  }
0x53: {  	_ =	shalt  }
0x54: {  	_ =	shalt  }
0x55: {  	_ =	shalt  }
0x56: {  	_ =	shalt  }
0x57: {  	_ =	shalt  }
0x58: {  	_ =	shalt  }
0x59: {  	_ =	shalt  }
0x5a: {  	_ =	shalt  }
0x5b: {  	_ =	shalt  }
0x5c: {  	_ =	shalt  }
0x5d: {  	_ =	shalt  }
0x5e: {  	_ =	shalt  }
0x5f: {  	_ =	shalt  }
0x60: {  	_ =	shalt  }
0x61: {  	_ =	shalt  }
0x62: {  	_ =	shalt  }
0x63: {  	_ =	shalt  }
0x64: {  	_ =	shalt  }
0x65: {  	_ =	shalt  }
0x66: {  	_ =	shalt  }
0x67: {  	_ =	shalt  }
0x68: {  	_ =	shalt  }
0x69: {  	_ =	shalt  }
0x6a: {  	_ =	shalt  }
0x6b: {  	_ =	shalt  }
0x6c: {  	_ =	shalt  }
0x6d: {  	_ =	shalt  }
0x6e: {  	_ =	shalt  }
0x6f: {  	_ =	shalt  }
0x70: {  	_ =	shalt  }
0x71: {  	_ =	shalt  }
0x72: {  	_ =	shalt  }
0x73: {  	_ =	shalt  }
0x74: {  	_ =	shalt  }
0x75: {  	_ =	shalt  }
0x76: {  	_ =	shalt  }
0x77: {  	_ =	shalt  }
0x78: {  	_ =	shalt  }
0x79: {  	_ =	shalt  }
0x7a: {  	_ =	shalt  }
0x7b: {  	_ =	shalt  }
0x7c: {  	_ =	shalt  }
0x7d: {  	_ =	shalt  }
0x7e: {  	_ =	shalt  }
0x7f: {  	_ =	shalt  }
0x80: {  	_ =	shalt  }
0x81: {  	_ =	shalt  }
0x82: {  	_ =	shalt  }
0x83: {  	_ =	shalt  }
0x84: {  	_ =	shalt  }
0x85: {  	_ =	shalt  }
0x86: {  	_ =	shalt  }
0x87: {  	_ =	shalt  }
.Lfunc_end0:
.L_simem_size_0:
called_computation.2_lowered:
.L_overlay_start_0:
0x88: {  	s2 =	sld [smem:$0x3FD9]  }
0x89: {  	s3 =	sld [smem:$0x3FFE];
	_ =	sdelay $0x1  }
0x8a: {  	s1 =	srdreg.scid  }
0x8b: {  	s0 =	sand.u32 $0x1, s1  }
0x8c: {  	s16 =	sshll.u32 s0, $0xA;
	s2 =	sadd.s32 s3, s2  }
0x8d: {  	s2 =	sadd.s32 s2, s16  }
0x8e: {  	[smem:$0x3FBA] =	sst s2  }
0x8f: {  	_ = 	snop  }
0x90: {  	(tm) =	ssettm $0x1  }
0x91: {  	s17 =	sld [smem:$0x3FFB];
	_ =	sdelay $0x3  }
0x92: {  	_ =	strace s17  }
0x93: {  	s2 =	sld [smem:$0x3FFC];
	_ =	sdelay $0x3  }
0x94: {  	_ =	strace s2  }
0x95: {  	s2 =	sld [smem:$0x3FFD];
	_ =	sdelay $0x3  }
0x96: {  	_ =	strace s2  }
0x97: {  	_ =	strace $0x8FFFFFFF  }
0x98: {  	s18 =	sld [smem:$0x3FDB];
	_ =	sdelay $0x1  }
0x99: {  	s19 =	simm.s32 $_scs_section_size  }
0x9a: {  	s4 =	simm.s32 $_size__tile_overlayer_lowered;
	s5 =	simm.s32 $_tile_overlayer_lowered  }
0x9b: {  	s22 =	simm.s32 $0x1BFF;
	s21 =	sshll.u32 s5, $0x1;
	s2 =	sadd.s32 s19, s18  }
0x9c: {  	s6 =	simm.s32 $0x0;
	s20 =	sshll.u32 s4, $0x1;
	s4 =	sadd.s32 s21, s2  }
0x9d: {  	[timem:s6], [sflag:s22] =	dma.local [hbm:s4], s20  }
0x9e: {  	_ =	swait.ge [sflag:s22], s20  }
0x9f: {  	s3 =	ssub.s32 $0x0, s20;
	[sflag:s22] =	ssyncset.done $0x0  }
0xa0: {  	[sflag:s22] =	ssyncadd.s32 s3;
	_ =	sdelay $0x1  }
0xa1: {  	s23 =	simm.s32 $0x1B8B  }
0xa2: {  	_ =	swait.ge [sflag:s23], $0x1  }
0xa3: {  	[sflag:s23] =	ssyncset.done $0x0  }
0xa4: {  	s25 =	simm.s32 $0x1B8E;
	s24 =	sld [smem:$0x3FFE];
	[sflag:s23] =	ssyncadd.s32 $0xFFFFFFFF  }
0xa5: {  	s26 =	simm.s32 $execute0_lowered;
	[smem:$0x3FD2] =	sst s25  }
0xa6: {  	s4 =	sshll.u32 s26, $0x1;
	_ =	strace $0x8000004C;
	[dreg:$0x1] =	wrdreg $0xFFFFFFFF  }
0xa7: {  	s28 =	simm.s32 $_size_execute0_lowered;
	s2 =	sadd.s32 s2, s4;
	[dreg:$0x0] =	wrdreg $0x0  }
0xa8: {  	s4 =	sshll.u32 s28, $0x1;
	[dreg:$0x2] =	wrdreg s2  }
0xa9: {  	[dreg:$0x3] =	wrdreg s4  }
0xaa: {  	[dreg:$0x4] =	wrdreg $0xC0  }
0xab: {  	_ =	task [dreg:s6], $0x5FFFF  }
0xac: {  	[dreg:$0x1] =	wrdreg $0xFFFFFFFF  }
0xad: {  	[dreg:$0x0] =	wrdreg $0x60  }
0xae: {  	[dreg:$0x2] =	wrdreg s24  }
0xaf: {  	[dreg:$0x3] =	wrdreg $0xAA000  }
0xb0: {  	[dreg:$0x4] =	wrdreg $0x9  }
0xb1: {  	_ =	task.clear_ibuf [dreg:s6], $0x5FFFF;
	_ =	strace $0x9000004C  }
0xb2: {  	s29 =	simm.s32 $0x9;
	_ =	strace $0x8000004E  }
0xb3: {  	_ =	swait.ge [sflag:s29], $0x1  }
0xb4: {  	[sflag:s29] =	ssyncadd.s32 $0xFFFFFFFF  }
0xb5: {  	_ =	strace $0x9000004E  }
0xb6: {  	_ =	sfence  }
0xb7: {  	s30 =	sld [smem:$0x0];
	_ =	sdelay $0x2  }
0xb8: {  	s31 =	sshll.u32 s1, $0xD;
	s1 =	sshrl.u32 s1, $0x2  }
0xb9: {  	s3 =	sand.u32 $0x4000, s31;
	s1 =	sadd.s32 s1, s30  }
0xba: {  	s0 =	sor.u32 s3, s0;
	s1 =	sshll.u32 s1, $0x11  }
0xbb: {  	s0 =	sor.u32 s1, s0  }
0xbc: {  	s0 =	sadd.s32 $0x8F2B, s0  }
0xbd: {  	[sflag:s0] =	ssyncadd.remote.s32 $0x1  }
0xbe: {  	_ =	sfence.sel $0xFFFF  }
0xbf: {  	[dreg:$0x0] =	wrdreg $0xFFFFFFFF;
	(pc) =	sbr.abs _section_cstart, $3  }
0xc0: {  	[dreg:$0x1] =	wrdreg $0xFFFFFFFF  }
0xc1: {  	_ =	task.clear_ibuf [dreg:s6], $0x2FFFF;
	_ =	strace $0x9FFFFFFF  }
0xc2: {  	(tm) =	ssettm $0x7FFFFFFF  }
0xc3: {  	_ =	shalt  }
tec
execute0_lowered:
.L_overlay_start_1:
0x0: {  	(tag) =	ssettag $0x1  }
0x1: {  	s1 =	srdreg.scid;
	s5 =	rddreg [dreg:$0x0]  }
0x2: {  	s0 =	stileid.u32;
	s2 =	rddreg [dreg:$0x1];
	s3 =	simm.s32 $0x0  }
0x3: {  	s20 =	simm.s32 $0x2800;
	s21 =	simm.s32 $0x2880;
	s22 =	simm.s32 $0x6A00  }
0x4: {  	s23 =	simm.s32 $0x1;
	s24 =	simm.s32 $0x2900;
	s25 =	simm.s32 $0x2  }
0x5: {  	s26 =	simm.s32 $0x2980;
	s28 =	simm.s32 $0x0;
	s6 =	sand.u32 $0x1, s1  }
0x6: {  	s30 =	sshll.u32 s0, $0x1;
	[smem:$0x7FF] =	sst s3;
	s7 =	smul.u32 $0x50000, s0  }
0x7: {  	s9 =	smul.u32 $0x14000, s0;
	s15 =	sadd.s32 $0x36000, s5;
	s4 =	sor.u32 s6, s30  }
0x8: {  	_ =	strace $0x8000004D;
	s8 =	ssub.s32 $0x2, s6;
	s17 =	smul.u32 $0x140000, s6  }
0x9: {  	s4 =	smul.u32 $0x500, s4;
	s31 =	sshrl.u32 s8, $0x1;
	s7 =	sshrl.u32 s7, $0x2  }
0xa: {  	s11 =	sadd.s32 $0x4000, s9;
	s13 =	sadd.s32 $0x8000, s9;
	s14 =	sadd.s32 $0xC000, s9  }
0xb: {  	s18 =	sadd.s32 $0x10000, s9;
	s16 =	ssub.s32 s8, s31;
	s6 =	sadd.s32 s11, s2  }
0xc: {  	s8 =	sadd.s32 s14, s2;
	s12 =	sadd.s32 s9, s17;
	s11 =	sadd.s32 s17, s11  }
0xd: {  	s9 =	sadd.s32 s18, s2;
	s14 =	sadd.s32 s17, s14;
	s10 =	sadd.s32 s4, s5  }
0xe: {  	s4 =	sadd.s32 $0xE000, s5;
	s5 =	sadd.s32 s7, s2;
	s7 =	sadd.s32 s13, s2  }
0xf: {  	s12 =	sshrl.u32 s12, $0x3;
	s19 =	sshrl.u32 s11, $0x3;
	s13 =	sadd.s32 s17, s13  }
.Ltmp0:
0x10: {  	s17 =	sadd.s32 s17, s18;
	s14 =	sshrl.u32 s14, $0x3;
	(pc) =	sbr.rel .LBB2_1-.Ltmp0, $4  }
0x11: {  	s16 =	smax.u32 s16, $0x1;
	s18 =	simm.s32 $0x3;
	s10 =	sadd.s32 $0x4000, s10  }
0x12: {  	s11 =	sadd.s32 s15, s12;
	s12 =	sadd.s32 s15, s19;
	s13 =	sshrl.u32 s13, $0x3  }
0x13: {  	s17 =	sshrl.u32 s17, $0x3;
	s14 =	sadd.s32 s15, s14;
	s19 =	simm.s32 $0x80  }
0x14: {  	v0 =	vimm.f32 $0.0e+00;
	s13 =	sadd.s32 s15, s13;
	s15 =	sadd.s32 s15, s17;
	s17 =	simm.s32 $0x2A00  }
.LBB2_6:
0x15: {  	[bflag:$0x0] =	sbarrier.arrive $0xFFFF  }
0x16: {  	[tilespmem:s17], [sflag:$0x3] =	stream.linear.gather [spmem:s5], $0x4000, $0x38;
	[tilespmem:$0x1EA00] =	vst v63  }
0x17: {  	_ =	swait.ge [sflag:s18], $0x4000  }
0x18: {  	[sflag:s18] =	ssyncset.done $0x0  }
0x19: {  	[sflag:s18] =	ssyncadd.s32 $0xFFFFC000  }
0x1a: {  	[hbm4b:s11+s3] =	stream.linear.scatter [tilespmem:s17], [sflag:$0x3], $0x4000, $0x38;
	[tilespmem:$0x1EA00] =	vst v63  }
0x1b: {  	_ =	swait.ge [sflag:s18], $0x4000  }
0x1c: {  	[sflag:s18] =	ssyncset.done $0x0  }
0x1d: {  	[sflag:s18] =	ssyncadd.s32 $0xFFFFC000  }
0x1e: {  	[tilespmem:s17], [sflag:$0x3] =	stream.linear.gather [spmem:s6], $0x4000, $0x38;
	[tilespmem:$0x1EA00] =	vst v63  }
0x1f: {  	_ =	swait.ge [sflag:s18], $0x4000  }
0x20: {  	[sflag:s18] =	ssyncset.done $0x0  }
0x21: {  	[sflag:s18] =	ssyncadd.s32 $0xFFFFC000  }
0x22: {  	[hbm4b:s12+s3] =	stream.linear.scatter [tilespmem:s17], [sflag:$0x3], $0x4000, $0x38;
	[tilespmem:$0x1EA00] =	vst v63  }
0x23: {  	_ =	swait.ge [sflag:s18], $0x4000  }
0x24: {  	[sflag:s18] =	ssyncset.done $0x0  }
0x25: {  	[sflag:s18] =	ssyncadd.s32 $0xFFFFC000  }
0x26: {  	[tilespmem:s17], [sflag:$0x3] =	stream.linear.gather [spmem:s7], $0x4000, $0x38;
	[tilespmem:$0x1EA00] =	vst v63  }
0x27: {  	_ =	swait.ge [sflag:s18], $0x4000  }
0x28: {  	[sflag:s18] =	ssyncset.done $0x0  }
0x29: {  	[sflag:s18] =	ssyncadd.s32 $0xFFFFC000  }
0x2a: {  	[hbm4b:s13+s3] =	stream.linear.scatter [tilespmem:s17], [sflag:$0x3], $0x4000, $0x38;
	[tilespmem:$0x1EA00] =	vst v63  }
0x2b: {  	_ =	swait.ge [sflag:s18], $0x4000  }
0x2c: {  	[sflag:s18] =	ssyncset.done $0x0  }
0x2d: {  	[sflag:s18] =	ssyncadd.s32 $0xFFFFC000  }
0x2e: {  	[tilespmem:s17], [sflag:$0x3] =	stream.linear.gather [spmem:s8], $0x4000, $0x38;
	[tilespmem:$0x1EA00] =	vst v63  }
0x2f: {  	_ =	swait.ge [sflag:s18], $0x4000  }
0x30: {  	[sflag:s18] =	ssyncset.done $0x0  }
0x31: {  	[sflag:s18] =	ssyncadd.s32 $0xFFFFC000  }
0x32: {  	[hbm4b:s14+s3] =	stream.linear.scatter [tilespmem:s17], [sflag:$0x3], $0x4000, $0x38;
	[tilespmem:$0x1EA00] =	vst v63  }
0x33: {  	_ =	swait.ge [sflag:s18], $0x4000  }
0x34: {  	[sflag:s18] =	ssyncset.done $0x0  }
0x35: {  	[sflag:s18] =	ssyncadd.s32 $0xFFFFC000  }
0x36: {  	[tilespmem:s17], [sflag:$0x3] =	stream.linear.gather [spmem:s9], $0x4000, $0x38;
	[tilespmem:$0x1EA00] =	vst v63  }
0x37: {  	s28 =	sadd.s32 $0x1, s28;
	_ =	swait.ge [sflag:s18], $0x4000  }
0x38: {  	p0 =	sne.s32 s28, s16;
	[sflag:s18] =	ssyncset.done $0x0  }
.Ltmp1:
0x39: {  	[sflag:s18] =	ssyncadd.s32 $0xFFFFC000;
	(pc) =	sbr.rel @!p0 .LBB2_7-.Ltmp1, $4  }
0x3a: {  	[hbm4b:s15+s3] =	stream.linear.scatter [tilespmem:s17], [sflag:$0x3], $0x4000, $0x38;
	[tilespmem:$0x1EA00] =	vst v63  }
0x3b: {  	_ =	swait.ge [sflag:s18], $0x4000  }
0x3c: {  	[sflag:s18] =	ssyncset.done $0x0  }
0x3d: {  	[sflag:s18] =	ssyncadd.s32 $0xFFFFC000  }
.LBB2_1:
0x3e: {  	s29 =	sand.u32 $0xFE00, s3  }
0x3f: {  	s30 =	sand.u32 $0x70, s3;
	s31 =	sshrl.u32 s29, $0x2  }
0x40: {  	s29 =	simm.s32 $0x40;
	s31 =	sor.u32 s30, s31;
	s30 =	simm.s32 $0x0  }
.LBB2_2:
0x41: {  	p0 =	sne.s32 s29, $0xFFC0  }
0x42: {  	[tilespmem:s31+$0x2A00] =	vst v0;
	s30 =	sadd.s32 $0x10, s30;
	s31 =	smov.u32 s29;
	s29 =	sadd.s32 $0x40, s29  }
.Ltmp2:
0x43: {  	(pc) =	sbr.rel @p0 .LBB2_2-.Ltmp2, $4  }
0x44: {  	_ = 	snop  }
0x45: {  	s31 =	sand.u32 $0xFE00, s31  }
0x46: {  	s1 =	sand.u32 $0x70, s30;
	s31 =	sshrl.u32 s31, $0x2  }
0x47: {  	s31 =	sor.u32 s1, s31  }
0x48: {  	[tilespmem:s31+$0x2A00] =	vst v0  }
0x49: {  	[spmem:s5] =	stream.linear.scatter [tilespmem:s17], [sflag:$0x3], $0x4000, $0x38;
	[tilespmem:$0x1EA00] =	vst v63  }
0x4a: {  	_ =	swait.ge [sflag:s18], $0x4000  }
0x4b: {  	[sflag:s18] =	ssyncset.done $0x0  }
0x4c: {  	[sflag:s18] =	ssyncadd.s32 $0xFFFFC000  }
0x4d: {  	[spmem:s6] =	stream.linear.scatter [tilespmem:s17], [sflag:$0x3], $0x4000, $0x38;
	[tilespmem:$0x1EA00] =	vst v63  }
0x4e: {  	_ =	swait.ge [sflag:s18], $0x4000  }
0x4f: {  	[sflag:s18] =	ssyncset.done $0x0  }
0x50: {  	[sflag:s18] =	ssyncadd.s32 $0xFFFFC000  }
0x51: {  	[spmem:s7] =	stream.linear.scatter [tilespmem:s17], [sflag:$0x3], $0x4000, $0x38;
	[tilespmem:$0x1EA00] =	vst v63  }
0x52: {  	_ =	swait.ge [sflag:s18], $0x4000  }
0x53: {  	[sflag:s18] =	ssyncset.done $0x0  }
0x54: {  	[sflag:s18] =	ssyncadd.s32 $0xFFFFC000  }
0x55: {  	[spmem:s8] =	stream.linear.scatter [tilespmem:s17], [sflag:$0x3], $0x4000, $0x38;
	[tilespmem:$0x1EA00] =	vst v63  }
0x56: {  	_ =	swait.ge [sflag:s18], $0x4000  }
0x57: {  	[sflag:s18] =	ssyncset.done $0x0  }
0x58: {  	[sflag:s18] =	ssyncadd.s32 $0xFFFFC000  }
0x59: {  	[spmem:s9] =	stream.linear.scatter [tilespmem:s17], [sflag:$0x3], $0x4000, $0x38;
	[tilespmem:$0x1EA00] =	vst v63  }
0x5a: {  	_ =	swait.ge [sflag:s18], $0x4000  }
0x5b: {  	[sflag:s18] =	ssyncset.done $0x0  }
0x5c: {  	[sflag:s18] =	ssyncadd.s32 $0xFFFFC000  }
0x5d: {  	s29 =	simm.s32 $0x0;
	[bflag:$0x0] =	sbarrier.arrive $0xFFFF  }
0x5e: {  	[tilespmem:s29], [sflag:$0x3] =	stream.linear.gather [hbm4b:s10+s29], $0x2800, $0x38;
	[tilespmem:$0x1EA00] =	vst v63  }
0x5f: {  	_ =	swait.ge [sflag:s18], $0x2800  }
0x60: {  	[sflag:s18] =	ssyncset.done $0x0  }
0x61: {  	[sflag:s18] =	ssyncadd.s32 $0xFFFFD800  }
0x62: {  	v1 =	vld [tilespmem:$0x0]  }
0x63: {  	v2 =	vld [tilespmem:$0x10]  }
0x64: {  	v3 =	vld [tilespmem:$0x20]  }
0x65: {  	v4 =	vld [tilespmem:$0x30]  }
0x66: {  	v5 =	vld [tilespmem:$0x40]  }
0x67: {  	v6 =	vld [tilespmem:$0x50];
	v1 =	vand.u32 $0x3FFF, v1  }
0x68: {  	[tilespmem:$0x2800] =	vst v1;
	v1 =	vand.u32 $0x3FFF, v2;
	v2 =	vld [tilespmem:$0x60]  }
0x69: {  	[tilespmem:$0x2810] =	vst v1;
	v1 =	vand.u32 $0x3FFF, v3;
	v3 =	vld [tilespmem:$0x70]  }
0x6a: {  	[tilespmem:$0x2820] =	vst v1;
	v1 =	vand.u32 $0x3FFF, v4  }
0x6b: {  	[tilespmem:$0x2830] =	vst v1;
	v1 =	vand.u32 $0x3FFF, v5  }
0x6c: {  	[tilespmem:$0x2840] =	vst v1;
	v1 =	vand.u32 $0x3FFF, v6  }
0x6d: {  	[tilespmem:$0x2850] =	vst v1;
	v1 =	vand.u32 $0x3FFF, v2  }
0x6e: {  	[tilespmem:$0x2860] =	vst v1;
	v1 =	vand.u32 $0x3FFF, v3  }
0x6f: {  	[tilespmem:$0x2870] =	vst v1  }
0x70: {  	[tilespmem:s17], [sflag:$0x1] =	stream.indirect.gather [hbm4b:s4+s19], $0x80, s20, s19, $0xb8;
	[tilespmem:$0x1EA00] =	vst v63  }
0x71: {  	v1 =	vld [tilespmem:$0x80]  }
0x72: {  	v2 =	vld [tilespmem:$0x90]  }
0x73: {  	v3 =	vld [tilespmem:$0xA0]  }
0x74: {  	v61 =	vld [tilespmem:$0xB0]  }
0x75: {  	v62 =	vld [tilespmem:$0xC0]  }
0x76: {  	v63 =	vld [tilespmem:$0xD0];
	v1 =	vand.u32 $0x3FFF, v1  }
0x77: {  	[tilespmem:$0x2880] =	vst v1;
	v1 =	vand.u32 $0x3FFF, v2;
	v2 =	vld [tilespmem:$0xE0]  }
0x78: {  	[tilespmem:$0x2890] =	vst v1;
	v1 =	vand.u32 $0x3FFF, v3;
	v3 =	vld [tilespmem:$0xF0]  }
0x79: {  	[tilespmem:$0x28A0] =	vst v1;
	v1 =	vand.u32 $0x3FFF, v61  }
0x7a: {  	[tilespmem:$0x28B0] =	vst v1;
	v1 =	vand.u32 $0x3FFF, v62  }
0x7b: {  	[tilespmem:$0x28C0] =	vst v1;
	v1 =	vand.u32 $0x3FFF, v63  }
0x7c: {  	[tilespmem:$0x28D0] =	vst v1;
	v1 =	vand.u32 $0x3FFF, v2  }
0x7d: {  	[tilespmem:$0x28E0] =	vst v1;
	v1 =	vand.u32 $0x3FFF, v3  }
0x7e: {  	[tilespmem:$0x28F0] =	vst v1  }
0x7f: {  	[tilespmem:s22], [sflag:$0x2] =	stream.indirect.gather [hbm4b:s4+s19], $0x80, s21, s19, $0xb8;
	[tilespmem:$0x1EA00] =	vst v63  }
.LBB2_4:
0x80: {  	_ =	swait.ge [sflag:s23], $0x4000  }
0x81: {  	[sflag:s23] =	ssyncset.done $0x0  }
0x82: {  	s30 =	sshra.s32 s29, $0x2;
	[sflag:s23] =	ssyncadd.s32 $0xFFFFC000  }
0x83: {  	v1 =	vld [tilespmem:s30+$0x0];
	_ =	sdelay $0x4  }
0x84: {  	v1 =	vshrl.u32 v1, $0xE  }
0x85: {  	[tilespmem:$0x2900] =	vst v1  }
0x86: {  	v1 =	vld [tilespmem:s30+$0x10];
	_ =	sdelay $0x4  }
0x87: {  	v1 =	vshrl.u32 v1, $0xE  }
0x88: {  	[tilespmem:$0x2910] =	vst v1  }
0x89: {  	v1 =	vld [tilespmem:s30+$0x20];
	_ =	sdelay $0x4  }
0x8a: {  	v1 =	vshrl.u32 v1, $0xE  }
0x8b: {  	[tilespmem:$0x2920] =	vst v1  }
0x8c: {  	v1 =	vld [tilespmem:s30+$0x30];
	_ =	sdelay $0x4  }
0x8d: {  	v1 =	vshrl.u32 v1, $0xE  }
0x8e: {  	[tilespmem:$0x2930] =	vst v1  }
0x8f: {  	v1 =	vld [tilespmem:s30+$0x40];
	_ =	sdelay $0x4  }
0x90: {  	v1 =	vshrl.u32 v1, $0xE  }
0x91: {  	[tilespmem:$0x2940] =	vst v1  }
0x92: {  	v1 =	vld [tilespmem:s30+$0x50];
	_ =	sdelay $0x4  }
0x93: {  	v1 =	vshrl.u32 v1, $0xE  }
0x94: {  	[tilespmem:$0x2950] =	vst v1  }
0x95: {  	v1 =	vld [tilespmem:s30+$0x60];
	_ =	sdelay $0x4  }
0x96: {  	v1 =	vshrl.u32 v1, $0xE  }
0x97: {  	[tilespmem:$0x2960] =	vst v1  }
0x98: {  	v1 =	vld [tilespmem:s30+$0x70];
	_ =	sdelay $0x4  }
0x99: {  	v1 =	vshrl.u32 v1, $0xE  }
0x9a: {  	[tilespmem:$0x2970] =	vst v1  }
0x9b: {  	[spmem:s2] =	stream.indirect.scatter.add.f32 [tilespmem:s17], [sflag:$0x3], $0x80, s24, s19, $0xb8;
	[tilespmem:$0x1EA00] =	vst v63  }
0x9c: {  	_ =	swait.ge [sflag:s18], $0x4000  }
0x9d: {  	p0 =	seq.s32 s29, $0x9C00;
	[sflag:s18] =	ssyncset.done $0x0  }
0x9e: {  	s1 =	sshra.s32 @!p0 s29, $0x2;
	[sflag:s18] =	ssyncadd.s32 $0xFFFFC000  }
0x9f: {  	v1 =	vld @!p0 [tilespmem:s1+$0x100];
	_ =	sdelay $0x4  }
0xa0: {  	v1 =	vand.u32 @!p0 $0x3FFF, v1  }
0xa1: {  	[tilespmem:$0x2800] =	vst @!p0 v1  }
0xa2: {  	v1 =	vld @!p0 [tilespmem:s1+$0x110];
	_ =	sdelay $0x4  }
0xa3: {  	v1 =	vand.u32 @!p0 $0x3FFF, v1  }
0xa4: {  	[tilespmem:$0x2810] =	vst @!p0 v1  }
0xa5: {  	v1 =	vld @!p0 [tilespmem:s1+$0x120];
	_ =	sdelay $0x4  }
0xa6: {  	v1 =	vand.u32 @!p0 $0x3FFF, v1  }
0xa7: {  	[tilespmem:$0x2820] =	vst @!p0 v1  }
0xa8: {  	v1 =	vld @!p0 [tilespmem:s1+$0x130];
	_ =	sdelay $0x4  }
0xa9: {  	v1 =	vand.u32 @!p0 $0x3FFF, v1  }
0xaa: {  	[tilespmem:$0x2830] =	vst @!p0 v1  }
0xab: {  	v1 =	vld @!p0 [tilespmem:s1+$0x140];
	_ =	sdelay $0x4  }
0xac: {  	v1 =	vand.u32 @!p0 $0x3FFF, v1  }
0xad: {  	[tilespmem:$0x2840] =	vst @!p0 v1  }
0xae: {  	v1 =	vld @!p0 [tilespmem:s1+$0x150];
	_ =	sdelay $0x4  }
0xaf: {  	v1 =	vand.u32 @!p0 $0x3FFF, v1  }
0xb0: {  	[tilespmem:$0x2850] =	vst @!p0 v1  }
0xb1: {  	v1 =	vld @!p0 [tilespmem:s1+$0x160];
	_ =	sdelay $0x4  }
0xb2: {  	v1 =	vand.u32 @!p0 $0x3FFF, v1  }
0xb3: {  	[tilespmem:$0x2860] =	vst @!p0 v1  }
0xb4: {  	v1 =	vld @!p0 [tilespmem:s1+$0x170];
	_ =	sdelay $0x4  }
0xb5: {  	v1 =	vand.u32 @!p0 $0x3FFF, v1  }
0xb6: {  	s31 =	simm.s32 @!p0 $0x2800;
	s0 =	simm.s32 @!p0 $0x2A00;
	s1 =	simm.s32 @!p0 $0x80;
	[tilespmem:$0x2870] =	vst @!p0 v1  }
0xb7: {  	[tilespmem:s0], [sflag:$0x1] =	stream.indirect.gather @!p0 [hbm4b:s4+s1], $0x80, s31, s1, $0xb8;
	[tilespmem:$0x1EA00] =	vst v63  }
0xb8: {  	_ =	swait.ge [sflag:s25], $0x4000  }
0xb9: {  	[sflag:s25] =	ssyncset.done $0x0  }
0xba: {  	[sflag:s25] =	ssyncadd.s32 $0xFFFFC000  }
0xbb: {  	v1 =	vld [tilespmem:s30+$0x80];
	_ =	sdelay $0x4  }
0xbc: {  	v1 =	vshrl.u32 v1, $0xE  }
0xbd: {  	[tilespmem:$0x2980] =	vst v1  }
0xbe: {  	v1 =	vld [tilespmem:s30+$0x90];
	_ =	sdelay $0x4  }
0xbf: {  	v1 =	vshrl.u32 v1, $0xE  }
0xc0: {  	[tilespmem:$0x2990] =	vst v1  }
0xc1: {  	v1 =	vld [tilespmem:s30+$0xA0];
	_ =	sdelay $0x4  }
0xc2: {  	v1 =	vshrl.u32 v1, $0xE  }
0xc3: {  	[tilespmem:$0x29A0] =	vst v1  }
0xc4: {  	v1 =	vld [tilespmem:s30+$0xB0];
	_ =	sdelay $0x4  }
0xc5: {  	v1 =	vshrl.u32 v1, $0xE  }
0xc6: {  	[tilespmem:$0x29B0] =	vst v1  }
0xc7: {  	v1 =	vld [tilespmem:s30+$0xC0];
	_ =	sdelay $0x4  }
0xc8: {  	v1 =	vshrl.u32 v1, $0xE  }
0xc9: {  	[tilespmem:$0x29C0] =	vst v1  }
0xca: {  	v1 =	vld [tilespmem:s30+$0xD0];
	_ =	sdelay $0x4  }
0xcb: {  	v1 =	vshrl.u32 v1, $0xE  }
0xcc: {  	[tilespmem:$0x29D0] =	vst v1  }
0xcd: {  	v1 =	vld [tilespmem:s30+$0xE0];
	_ =	sdelay $0x4  }
0xce: {  	v1 =	vshrl.u32 v1, $0xE  }
0xcf: {  	[tilespmem:$0x29E0] =	vst v1  }
0xd0: {  	v1 =	vld [tilespmem:s30+$0xF0];
	_ =	sdelay $0x4  }
0xd1: {  	v1 =	vshrl.u32 v1, $0xE  }
.Ltmp3:
0xd2: {  	[tilespmem:$0x29F0] =	vst v1;
	(pc) =	sbr.rel @p0 .LBB2_6-.Ltmp3, $4  }
0xd3: {  	[spmem:s2] =	stream.indirect.scatter.add.f32 [tilespmem:s22], [sflag:$0x3], $0x80, s26, s19, $0xb8;
	[tilespmem:$0x1EA00] =	vst v63  }
0xd4: {  	_ =	swait.ge [sflag:s18], $0x4000  }
0xd5: {  	[sflag:s18] =	ssyncset.done $0x0  }
0xd6: {  	[sflag:s18] =	ssyncadd.s32 $0xFFFFC000  }
0xd7: {  	v1 =	vld [tilespmem:s30+$0x180];
	_ =	sdelay $0x4  }
0xd8: {  	v1 =	vand.u32 $0x3FFF, v1  }
0xd9: {  	[tilespmem:$0x2880] =	vst v1  }
0xda: {  	v1 =	vld [tilespmem:s30+$0x190];
	_ =	sdelay $0x4  }
0xdb: {  	v1 =	vand.u32 $0x3FFF, v1  }
0xdc: {  	[tilespmem:$0x2890] =	vst v1  }
0xdd: {  	v1 =	vld [tilespmem:s30+$0x1A0];
	_ =	sdelay $0x4  }
0xde: {  	v1 =	vand.u32 $0x3FFF, v1  }
0xdf: {  	[tilespmem:$0x28A0] =	vst v1  }
0xe0: {  	v1 =	vld [tilespmem:s30+$0x1B0];
	_ =	sdelay $0x4  }
0xe1: {  	v1 =	vand.u32 $0x3FFF, v1  }
0xe2: {  	[tilespmem:$0x28B0] =	vst v1  }
0xe3: {  	v1 =	vld [tilespmem:s30+$0x1C0];
	_ =	sdelay $0x4  }
0xe4: {  	v1 =	vand.u32 $0x3FFF, v1  }
0xe5: {  	[tilespmem:$0x28C0] =	vst v1  }
0xe6: {  	v1 =	vld [tilespmem:s30+$0x1D0];
	_ =	sdelay $0x4  }
0xe7: {  	v1 =	vand.u32 $0x3FFF, v1  }
0xe8: {  	[tilespmem:$0x28D0] =	vst v1  }
0xe9: {  	v1 =	vld [tilespmem:s30+$0x1E0];
	_ =	sdelay $0x4  }
0xea: {  	v1 =	vand.u32 $0x3FFF, v1  }
0xeb: {  	[tilespmem:$0x28E0] =	vst v1  }
0xec: {  	v1 =	vld [tilespmem:s30+$0x1F0];
	_ =	sdelay $0x2  }
.Ltmp4:
0xed: {  	_ = 	snop;
	(pc) =	sbr.rel .LBB2_4-.Ltmp4, $4  }
0xee: {  	_ = 	snop  }
0xef: {  	v1 =	vand.u32 $0x3FFF, v1  }
0xf0: {  	s29 =	sadd.s32 $0x400, s29;
	[tilespmem:$0x28F0] =	vst v1  }
0xf1: {  	[tilespmem:s22], [sflag:$0x2] =	stream.indirect.gather [hbm4b:s4+s19], $0x80, s21, s19, $0xb8;
	[tilespmem:$0x1EA00] =	vst v63  }
.LBB2_7:
0xf2: {  	_ =	sfence.sel $0x180000  }
0xf3: {  	[bflag:$0x0] =	sbarrier.arrive $0xFFFF  }
0xf4: {  	_ =	strace $0x9000004D  }
0xf5: {  	s0 =	stileid.u32;
	[bflag:$0x2] =	sbarrier.arrive $0xFFFF  }
0xf6: {  	p0 =	sne.s32 s0, $0x0;
	s0 =	rddreg [dreg:$0x2]  }
0xf7: {  	s0 =	sadd.s32 @!p0 $0x100000, s0  }
0xf8: {  	[sflag:s0] =	ssyncadd.tile.s32 @!p0 $0x1;
	_ =	shalt  }
.Lfunc_end2:
_tile_overlayer_lowered:
.L_overlay_start_2:
0xf9: {  	(tag) =	ssettag $0x2  }
0xfa: {  	s0 =	rddreg [dreg:$0x0];
	s2 =	stileid.u32  }
0xfb: {  	s1 =	rddreg [dreg:$0x1];
	p0 =	sne.s32 s2, $0x0  }
0xfc: {  	s3 =	rddreg [dreg:$0x2];
	[bflag:$0x3] =	sbarrier.arrive $0xFFFF;
	s2 =	simm.s32 @!p0 $0x1C03  }
0xfd: {  	[timem:s3], [sflag:s2] =	dma.local @!p0 [hbm:s0], s1  }
0xfe: {  	s0 =	simm.s32 @!p0 $0x3  }
0xff: {  	_ =	swait.ge @!p0 [sflag:s0], s1  }
0x100: {  	s1 =	ssub.s32 @!p0 $0x0, s1;
	[sflag:s0] =	ssyncset.done @!p0 $0x0  }
0x101: {  	[sflag:s0] =	ssyncadd.s32 @!p0 s1  }
0x102: {  	[bflag:$0x3] =	sbarrier.arrive $0xFFFF  }
0x103: {  	_ =	shalt  }

// kernel: kernel.9.cloned.1.call-start
scs
__scs_entry_jumppad:
0x0: {  	(pc) =	sbr.rel $0x88, $3  }
0x1: {  	(tag) =	ssettag $0x0;
	lr =	simm.s32 $0x1  }
0x2: {  	[smem:$0x3F93] =	sst lr;
	_ =	strace $0xD0000000  }
0x3: {  	_ = 	snop  }
0x4: {  	_ = 	snop  }
0x5: {  	_ = 	snop  }
0x6: {  	_ = 	snop  }
0x7: {  	_ = 	snop  }
__scs_overlays_trampoline_lowered:
0x8: {  	[smem:$0x3FA2] =	sst s0  }
0x9: {  	[smem:$0x3FA3] =	sst s1  }
0xa: {  	[smem:$0x3FA4] =	sst s2  }
0xb: {  	[smem:$0x3FA5] =	sst s3  }
0xc: {  	[smem:$0x3FA6] =	sst s4  }
0xd: {  	[smem:$0x3FA7] =	sst s5  }
0xe: {  	[smem:$0x3FA8] =	sst s6  }
0xf: {  	[smem:$0x3FA9] =	sst s7  }
0x10: {  	[smem:$0x3FAA] =	sst s8  }
0x11: {  	[smem:$0x3FAB] =	sst s9;
	s0 =	simm.s32 @!p0 $0x0  }
0x12: {  	s1 =	sld [smem:$0x3F91];
	s0 =	simm.s32 @p0 $0x1  }
0x13: {  	[smem:$0x3FAC] =	sst s0;
	s0 =	simm.s32 @!p1 $0x0  }
0x14: {  	s2 =	sld [smem:$0x3F90];
	s0 =	simm.s32 @p1 $0x1  }
0x15: {  	[smem:$0x3FAD] =	sst s0;
	s0 =	simm.s32 @!p2 $0x0  }
0x16: {  	s3 =	sld [smem:$0x3FDB];
	s0 =	simm.s32 @p2 $0x1  }
0x17: {  	s4 =	simm.s32 $0x1BF5;
	[smem:$0x3FAF] =	sst s0  }
0x18: {  	s0 =	sld [smem:$0x3F92];
	_ =	swait.ge [sflag:s4], $0x0  }
0x19: {  	s7 =	sld [smem:$0x3F93]  }
0x1a: {  	s8 =	sadd.s32 $0xFFFFE003, lr  }
0x1b: {  	s9 =	sadd.s32 $0xFFFFFEF7, lr;
	s5 =	simm.s32 $0xFFFFFFFF;
	p2 =	slt.u32 s8, $0xFFFFF086  }
0x1c: {  	p1 =	slt.u32 s9, $0xF7A;
	s5 =	simm.s32 @!p2 $0x0  }
0x1d: {  	s5 =	simm.s32 @p1 $0x1;
	p0 =	seq.s32 s7, s2  }
0x1e: {  	s7 =	smul.u32 @!p0 $0xF7A, s2;
	p2 =	seq.s32 @!p0 s5, $0x0  }
0x1f: {  	s9 =	smul.u32 $0xF7A, s1;
	s8 =	simm.s32 @!p0 $0x1BF5;
	p2 =	por !p2, p0  }
0x20: {  	[sflag:s8] =	ssyncset.s32 @!p0 $0xFFFFF086;
	s6 =	sadd.s32 @!p0 s3, s7;
	s7 =	simm.s32 @!p0 $0x108  }
0x21: {  	s3 =	sadd.s32 s3, s9;
	s6 =	sadd.s32 @!p0 $0x88, s6;
	s7 =	simm.s32 @p2 $0x1082  }
0x22: {  	[simem:s7], [sflag:s8] =	dma.local @!p0 [hbm:s6], $0xF7A  }
0x23: {  	s9 =	sor.u32 $0xD0000000, s2;
	s6 =	simm.s32 $0x108;
	_ =	swait.ge @!p0 [sflag:s8], $0x0  }
0x24: {  	s3 =	sadd.s32 $0x88, s3;
	s6 =	simm.s32 @!p1 $0x1082;
	[sflag:s4] =	ssyncset.s32 $0xFFFFF086  }
0x25: {  	[simem:s6], [sflag:s4] =	dma.local [hbm:s3], $0xF7A  }
0x26: {  	[smem:$0x3F93] =	sst s1;
	(tag) =	ssettag s2;
	_ =	strace s9  }
0x27: {  	s1 =	sld [smem:$0x3FA3]  }
0x28: {  	s2 =	sld [smem:$0x3FA4]  }
0x29: {  	s4 =	sld [smem:$0x3FA6]  }
0x2a: {  	p0 =	seq.s32 s5, $0x0;
	s5 =	sld [smem:$0x3FA7]  }
0x2b: {  	s6 =	sld [smem:$0x3FA8]  }
0x2c: {  	s7 =	sld [smem:$0x3FA9]  }
0x2d: {  	s3 =	simm.s32 $0x108;
	s8 =	sld [smem:$0x3FAA]  }
0x2e: {  	s3 =	simm.s32 @!p0 $0x1082;
	s9 =	sld [smem:$0x3FAB]  }
0x2f: {  	lr =	sadd.s32 s0, s3;
	s0 =	sld [smem:$0x3FA2]  }
0x30: {  	s3 =	sld [smem:$0x3FA5]  }
0x31: {  	[smem:$0x3FAE] =	sst s10  }
0x32: {  	s10 =	sld [smem:$0x3FAC];
	_ =	sdelay $0x3  }
0x33: {  	p0 =	seq.s32 s10, $0x1;
	s10 =	sld [smem:$0x3FAE];
	_ =	sdelay $0x3  }
0x34: {  	[smem:$0x3FAE] =	sst s10  }
0x35: {  	s10 =	sld [smem:$0x3FAD];
	_ =	sdelay $0x3  }
0x36: {  	p1 =	seq.s32 s10, $0x1;
	s10 =	sld [smem:$0x3FAE];
	_ =	sdelay $0x3  }
0x37: {  	[smem:$0x3FAE] =	sst s10  }
0x38: {  	s10 =	sld [smem:$0x3FAF]  }
0x39: {  	_ = 	snop;
	(pc) =	sbr.ind lr, $3  }
0x3a: {  	_ = 	snop  }
0x3b: {  	_ = 	snop  }
0x3c: {  	p2 =	seq.s32 s10, $0x1;
	s10 =	sld [smem:$0x3FAE]  }
0x3d: {  	_ =	shalt  }
0x3e: {  	_ =	shalt  }
0x3f: {  	_ =	shalt  }
0x40: {  	_ =	shalt  }
0x41: {  	_ =	shalt  }
0x42: {  	_ =	shalt  }
0x43: {  	_ =	shalt  }
0x44: {  	_ =	shalt  }
0x45: {  	_ =	shalt  }
0x46: {  	_ =	shalt  }
0x47: {  	_ =	shalt  }
0x48: {  	_ =	shalt  }
0x49: {  	_ =	shalt  }
0x4a: {  	_ =	shalt  }
0x4b: {  	_ =	shalt  }
0x4c: {  	_ =	shalt  }
0x4d: {  	_ =	shalt  }
0x4e: {  	_ =	shalt  }
0x4f: {  	_ =	shalt  }
0x50: {  	_ =	shalt  }
0x51: {  	_ =	shalt  }
0x52: {  	_ =	shalt  }
0x53: {  	_ =	shalt  }
0x54: {  	_ =	shalt  }
0x55: {  	_ =	shalt  }
0x56: {  	_ =	shalt  }
0x57: {  	_ =	shalt  }
0x58: {  	_ =	shalt  }
0x59: {  	_ =	shalt  }
0x5a: {  	_ =	shalt  }
0x5b: {  	_ =	shalt  }
0x5c: {  	_ =	shalt  }
0x5d: {  	_ =	shalt  }
0x5e: {  	_ =	shalt  }
0x5f: {  	_ =	shalt  }
0x60: {  	_ =	shalt  }
0x61: {  	_ =	shalt  }
0x62: {  	_ =	shalt  }
0x63: {  	_ =	shalt  }
0x64: {  	_ =	shalt  }
0x65: {  	_ =	shalt  }
0x66: {  	_ =	shalt  }
0x67: {  	_ =	shalt  }
0x68: {  	_ =	shalt  }
0x69: {  	_ =	shalt  }
0x6a: {  	_ =	shalt  }
0x6b: {  	_ =	shalt  }
0x6c: {  	_ =	shalt  }
0x6d: {  	_ =	shalt  }
0x6e: {  	_ =	shalt  }
0x6f: {  	_ =	shalt  }
0x70: {  	_ =	shalt  }
0x71: {  	_ =	shalt  }
0x72: {  	_ =	shalt  }
0x73: {  	_ =	shalt  }
0x74: {  	_ =	shalt  }
0x75: {  	_ =	shalt  }
0x76: {  	_ =	shalt  }
0x77: {  	_ =	shalt  }
0x78: {  	_ =	shalt  }
0x79: {  	_ =	shalt  }
0x7a: {  	_ =	shalt  }
0x7b: {  	_ =	shalt  }
0x7c: {  	_ =	shalt  }
0x7d: {  	_ =	shalt  }
0x7e: {  	_ =	shalt  }
0x7f: {  	_ =	shalt  }
0x80: {  	_ =	shalt  }
0x81: {  	_ =	shalt  }
0x82: {  	_ =	shalt  }
0x83: {  	_ =	shalt  }
0x84: {  	_ =	shalt  }
0x85: {  	_ =	shalt  }
0x86: {  	_ =	shalt  }
0x87: {  	_ =	shalt  }
.Lfunc_end0:
.L_simem_size_0:
called_computation_lowered:
.L_overlay_start_0:
0x88: {  	s2 =	sld [smem:$0x3FD9]  }
0x89: {  	s3 =	sld [smem:$0x3FFE];
	_ =	sdelay $0x1  }
0x8a: {  	s1 =	srdreg.scid  }
0x8b: {  	s0 =	sand.u32 $0x1, s1  }
0x8c: {  	s15 =	sshll.u32 s0, $0xA;
	s2 =	sadd.s32 s3, s2  }
0x8d: {  	s2 =	sadd.s32 s2, s15  }
0x8e: {  	[smem:$0x3FBA] =	sst s2  }
0x8f: {  	_ = 	snop  }
0x90: {  	s2 =	sld [smem:$0x3FD0];
	_ =	sdelay $0x2  }
0x91: {  	s16 =	simm.s32 $0xA;
	s4 =	simm.s32 $0x10  }
0x92: {  	[smem:s4], [sflag:s16] =	dma.local [hbm:s2], $0x1  }
0x93: {  	_ =	swait.eq [sflag:s16], $0x1  }
0x94: {  	[sflag:s16] =	ssyncset.done $0x0  }
0x95: {  	s17 =	sld [smem:$0x10];
	[sflag:s16] =	ssyncadd.s32 $0xFFFFFFFF  }
0x96: {  	s18 =	sld [smem:$0x13];
	(tm) =	ssettm $0x1  }
0x97: {  	s19 =	sld [smem:$0x3FFB];
	_ =	sdelay $0x3  }
0x98: {  	_ =	strace s19  }
0x99: {  	s4 =	sld [smem:$0x3FFC];
	_ =	sdelay $0x3  }
0x9a: {  	_ =	strace s4  }
0x9b: {  	s4 =	sld [smem:$0x3FFD];
	_ =	sdelay $0x3  }
0x9c: {  	_ =	strace s4  }
0x9d: {  	_ =	strace $0x8FFFFFFF  }
0x9e: {  	s20 =	sld [smem:$0x3FDB];
	_ =	sdelay $0x1  }
0x9f: {  	s5 =	simm.s32 $_scs_section_size  }
0xa0: {  	s6 =	simm.s32 $_size__tile_overlayer_lowered;
	s7 =	simm.s32 $_tile_overlayer_lowered  }
0xa1: {  	s23 =	simm.s32 $0x1BFF;
	s22 =	sshll.u32 s7, $0x1;
	s4 =	sadd.s32 s5, s20  }
0xa2: {  	s8 =	simm.s32 $0x0;
	s21 =	sshll.u32 s6, $0x1;
	s6 =	sadd.s32 s22, s4  }
0xa3: {  	[timem:s8], [sflag:s23] =	dma.local [hbm:s6], s21  }
0xa4: {  	_ =	swait.ge [sflag:s23], s21  }
0xa5: {  	s5 =	ssub.s32 $0x0, s21;
	[sflag:s23] =	ssyncset.done $0x0  }
0xa6: {  	[sflag:s23] =	ssyncadd.s32 s5;
	_ =	sdelay $0x1  }
0xa7: {  	s24 =	simm.s32 $0x1B8B  }
0xa8: {  	_ =	swait.ge [sflag:s24], $0x1  }
0xa9: {  	[sflag:s24] =	ssyncset.done $0x0  }
0xaa: {  	s25 =	simm.s32 $0x1B8E;
	[sflag:s24] =	ssyncadd.s32 $0xFFFFFFFF  }
0xab: {  	s26 =	simm.s32 $execute0_lowered;
	[smem:$0x3FD2] =	sst s25  }
0xac: {  	s5 =	sshll.u32 s26, $0x1;
	_ =	strace $0x80000046;
	[dreg:$0x1] =	wrdreg $0xFFFFFFFF  }
0xad: {  	s28 =	simm.s32 $_size_execute0_lowered;
	s4 =	sadd.s32 s4, s5;
	[dreg:$0x0] =	wrdreg $0x0  }
0xae: {  	s5 =	sshll.u32 s28, $0x1;
	[dreg:$0x2] =	wrdreg s4  }
0xaf: {  	[dreg:$0x3] =	wrdreg s5  }
0xb0: {  	[dreg:$0x4] =	wrdreg $0xC0  }
0xb1: {  	_ =	task [dreg:s8], $0x5FFFF  }
0xb2: {  	[dreg:$0x1] =	wrdreg $0xFFFFFFFF  }
0xb3: {  	[dreg:$0x0] =	wrdreg $0x60  }
0xb4: {  	[dreg:$0x2] =	wrdreg s17  }
0xb5: {  	[dreg:$0x3] =	wrdreg s18  }
0xb6: {  	[dreg:$0x4] =	wrdreg $0x3800  }
0xb7: {  	[dreg:$0x5] =	wrdreg $0x9  }
0xb8: {  	_ =	task.clear_ibuf [dreg:s8], $0x6FFFF;
	_ =	strace $0x90000046  }
0xb9: {  	s29 =	simm.s32 $0x9;
	_ =	strace $0x80000048  }
0xba: {  	_ =	swait.ge [sflag:s29], $0x1  }
0xbb: {  	[sflag:s29] =	ssyncadd.s32 $0xFFFFFFFF  }
0xbc: {  	_ =	strace $0x90000048  }
0xbd: {  	_ =	sfence  }
0xbe: {  	s30 =	sld [smem:$0x0];
	_ =	sdelay $0x2  }
0xbf: {  	s31 =	sshll.u32 s1, $0xD;
	s1 =	sshrl.u32 s1, $0x2  }
0xc0: {  	s3 =	sand.u32 $0x4000, s31;
	s1 =	sadd.s32 s1, s30  }
0xc1: {  	s0 =	sor.u32 s3, s0;
	s1 =	sshll.u32 s1, $0x11  }
0xc2: {  	s0 =	sor.u32 s1, s0  }
0xc3: {  	s0 =	sadd.s32 $0x8F2B, s0  }
0xc4: {  	[sflag:s0] =	ssyncadd.remote.s32 $0x1  }
0xc5: {  	_ =	sfence.sel $0xFFFF  }
0xc6: {  	[dreg:$0x0] =	wrdreg $0xFFFFFFFF;
	(pc) =	sbr.abs _section_cstart, $3  }
0xc7: {  	[dreg:$0x1] =	wrdreg $0xFFFFFFFF  }
0xc8: {  	_ =	task.clear_ibuf [dreg:s8], $0x2FFFF;
	_ =	strace $0x9FFFFFFF  }
0xc9: {  	(tm) =	ssettm $0x7FFFFFFF  }
tec
execute0_lowered:
.L_overlay_start_1:
0x0: {  	(tag) =	ssettag $0x1  }
0x1: {  	s6 =	rddreg [dreg:$0x0]  }
0x2: {  	s5 =	rddreg [dreg:$0x1]  }
0x3: {  	s2 =	rddreg [dreg:$0x2]  }
0x4: {  	s0 =	rddreg [dreg:$0x3];
	s1 =	stileid.u32  }
0x5: {  	s4 =	srdreg.scid;
	s3 =	simm.s32 $0x0;
	s8 =	smul.u32 $0x500, s1  }
0x6: {  	s4 =	sand.u32 $0x1, s4;
	[smem:$0x7FF] =	sst s3;
	s10 =	smul.u32 $0xA00, s1  }
0x7: {  	s7 =	ssub.s32 $0x2, s4;
	s11 =	sshll.u32 s4, $0x7;
	_ =	strace $0x80000047  }
0x8: {  	s30 =	smul.u32 $0x500, s4;
	s9 =	sshrl.u32 s7, $0x1;
	s8 =	sor.u32 s11, s8  }
0x9: {  	s29 =	sshrl.u32 s10, $0x2;
	s31 =	sadd.s32 s10, s6;
	s10 =	simm.s32 $0x80  }
0xa: {  	s11 =	simm.s32 $0x0;
	s7 =	ssub.s32 s7, s9;
	s8 =	sshrl.u32 s8, $0x3  }
0xb: {  	s4 =	sadd.s32 s29, s2;
	s9 =	simm.s32 $0x1;
	s5 =	sadd.s32 s5, s8  }
0xc: {  	v0 =	vimm.f32 $1.000000000e+00;
	v1 =	vimm.f32 $0.0e+00;
	s6 =	smax.u32 s7, $0x1;
	s7 =	sadd.s32 s30, s31;
	s8 =	simm.s32 $0x100  }
.LBB2_1:
0xd: {  	[tilespmem:$0x80] =	vst v0  }
0xe: {  	[tilespmem:$0x90] =	vst v0  }
0xf: {  	[tilespmem:$0xA0] =	vst v0  }
0x10: {  	[tilespmem:$0xB0] =	vst v0  }
0x11: {  	[tilespmem:$0xC0] =	vst v0  }
0x12: {  	[tilespmem:$0xD0] =	vst v0  }
0x13: {  	[tilespmem:$0xE0] =	vst v0  }
0x14: {  	[tilespmem:$0xF0] =	vst v0  }
0x15: {  	[tilespmem:$0x100] =	vst v1  }
0x16: {  	[tilespmem:$0x110] =	vst v1  }
0x17: {  	[tilespmem:$0x120] =	vst v1  }
0x18: {  	[tilespmem:$0x130] =	vst v1  }
0x19: {  	[tilespmem:$0x140] =	vst v1  }
0x1a: {  	[tilespmem:$0x150] =	vst v1  }
0x1b: {  	[tilespmem:$0x160] =	vst v1  }
0x1c: {  	[tilespmem:$0x170] =	vst v1  }
0x1d: {  	[tilespmem:$0x180] =	vst v1  }
0x1e: {  	[tilespmem:$0x190] =	vst v1  }
0x1f: {  	[tilespmem:$0x1A0] =	vst v1  }
0x20: {  	[tilespmem:$0x1B0] =	vst v1  }
0x21: {  	[tilespmem:$0x1C0] =	vst v1  }
0x22: {  	[tilespmem:$0x1D0] =	vst v1  }
0x23: {  	[tilespmem:$0x1E0] =	vst v1  }
0x24: {  	[tilespmem:$0x1F0] =	vst v1  }
0x25: {  	[tilespmem:$0x200] =	vst v1  }
0x26: {  	[tilespmem:$0x210] =	vst v1  }
0x27: {  	[tilespmem:$0x220] =	vst v1  }
0x28: {  	[tilespmem:$0x230] =	vst v1  }
0x29: {  	[tilespmem:$0x240] =	vst v1  }
0x2a: {  	[tilespmem:$0x250] =	vst v1  }
0x2b: {  	[tilespmem:$0x260] =	vst v1  }
0x2c: {  	[tilespmem:$0x270] =	vst v1  }
0x2d: {  	[tilespmem:$0x280] =	vst v1  }
0x2e: {  	[tilespmem:$0x290] =	vst v1  }
0x2f: {  	[tilespmem:$0x2A0] =	vst v1  }
0x30: {  	[tilespmem:$0x2B0] =	vst v1  }
0x31: {  	[tilespmem:$0x2C0] =	vst v1  }
0x32: {  	[tilespmem:$0x2D0] =	vst v1  }
0x33: {  	[tilespmem:$0x2E0] =	vst v1  }
0x34: {  	[tilespmem:$0x2F0] =	vst v1  }
0x35: {  	[tilespmem:$0x300] =	vst v1  }
0x36: {  	[tilespmem:$0x310] =	vst v1  }
0x37: {  	[tilespmem:$0x320] =	vst v1  }
0x38: {  	[tilespmem:$0x330] =	vst v1  }
0x39: {  	[tilespmem:$0x340] =	vst v1  }
0x3a: {  	[tilespmem:$0x350] =	vst v1  }
0x3b: {  	[tilespmem:$0x360] =	vst v1  }
0x3c: {  	[tilespmem:$0x370] =	vst v1  }
0x3d: {  	[spmem:s4] =	stream.linear.scatter [tilespmem:s8], [sflag:$0x1], $0x280, $0x38;
	[tilespmem:$0x600] =	vst v63  }
0x3e: {  	_ =	swait.ge [sflag:s9], $0x280  }
0x3f: {  	[sflag:s9] =	ssyncset.done $0x0  }
0x40: {  	[sflag:s9] =	ssyncadd.s32 $0xFFFFFD80  }
0x41: {  	s12 =	sadd.s32 $0x0, s7;
	[bflag:$0x0] =	sbarrier.arrive $0xFFFF  }
0x42: {  	[tilespmem:s3], [sflag:$0x1] =	stream.linear.gather [hbm4b:s12+s3], $0x80, $0x38;
	[tilespmem:$0x600] =	vst v63  }
0x43: {  	_ =	swait.ge [sflag:s9], $0x80  }
0x44: {  	[sflag:s9] =	ssyncset.done $0x0  }
0x45: {  	[sflag:s9] =	ssyncadd.s32 $0xFFFFFF80  }
0x46: {  	[spmem:s2] =	stream.indirect.scatter.add.f32 [tilespmem:s10], [sflag:$0x1], $0x1, s3, s10, $0xb8;
	[tilespmem:$0x600] =	vst v63  }
0x47: {  	_ =	swait.ge [sflag:s9], $0x80  }
0x48: {  	s13 =	simm.s32 $0x20;
	s12 =	simm.s32 $0x10;
	[sflag:s9] =	ssyncset.done $0x0  }
.LBB2_2:
0x49: {  	s14 =	sadd.s32 s12, s7  }
0x4a: {  	[sflag:s9] =	ssyncadd.s32 $0xFFFFFF80;
	s12 =	smov.u32 s13;
	s15 =	sadd.s32 $0x10, s13  }
0x4b: {  	[tilespmem:s3], [sflag:$0x1] =	stream.linear.gather [hbm4b:s14+s3], $0x80, $0x38;
	[tilespmem:$0x600] =	vst v63  }
0x4c: {  	p0 =	sne.s32 s13, $0x4F0;
	_ =	swait.ge [sflag:s9], $0x80  }
.Ltmp0:
0x4d: {  	[sflag:s9] =	ssyncset.done $0x0;
	(pc) =	sbr.rel @p0 .LBB2_2-.Ltmp0, $4  }
0x4e: {  	[sflag:s9] =	ssyncadd.s32 $0xFFFFFF80  }
0x4f: {  	[spmem:s2] =	stream.indirect.scatter.add.f32 [tilespmem:s10], [sflag:$0x1], $0x1, s3, s10, $0xb8;
	[tilespmem:$0x600] =	vst v63  }
0x50: {  	_ =	swait.ge [sflag:s9], $0x80  }
0x51: {  	s13 =	smov.u32 s15;
	[sflag:s9] =	ssyncset.done $0x0  }
0x52: {  	s12 =	sadd.s32 s12, s7;
	[sflag:s9] =	ssyncadd.s32 $0xFFFFFF80  }
0x53: {  	[tilespmem:s3], [sflag:$0x1] =	stream.linear.gather [hbm4b:s12+s3], $0x80, $0x38;
	[tilespmem:$0x600] =	vst v63  }
0x54: {  	_ =	swait.ge [sflag:s9], $0x80  }
0x55: {  	[sflag:s9] =	ssyncset.done $0x0  }
0x56: {  	[sflag:s9] =	ssyncadd.s32 $0xFFFFFF80  }
0x57: {  	[spmem:s2] =	stream.indirect.scatter.add.f32 [tilespmem:s10], [sflag:$0x1], $0x1, s3, s10, $0xb8;
	[tilespmem:$0x600] =	vst v63  }
0x58: {  	_ =	swait.ge [sflag:s9], $0x80  }
0x59: {  	[sflag:s9] =	ssyncset.done $0x0  }
0x5a: {  	[sflag:s9] =	ssyncadd.s32 $0xFFFFFF80  }
0x5b: {  	[bflag:$0x0] =	sbarrier.arrive $0xFFFF  }
0x5c: {  	[tilespmem:s8], [sflag:$0x1] =	stream.linear.gather [spmem:s4], $0x280, $0x38;
	[tilespmem:$0x600] =	vst v63  }
0x5d: {  	s11 =	sadd.s32 $0x1, s11;
	_ =	swait.ge [sflag:s9], $0x280  }
0x5e: {  	p0 =	sne.s32 s11, s6;
	[sflag:s9] =	ssyncset.done $0x0  }
.Ltmp1:
0x5f: {  	[sflag:s9] =	ssyncadd.s32 $0xFFFFFD80;
	(pc) =	sbr.rel @p0 .LBB2_1-.Ltmp1, $4  }
0x60: {  	[hbm4b:s5+s10] =	stream.strided.scatter [tilespmem:s8], [sflag:$0x1], $0x280, s8, s10, $0x38;
	[tilespmem:$0x600] =	vst v63  }
0x61: {  	_ =	swait.ge [sflag:s9], $0x280  }
0x62: {  	[sflag:s9] =	ssyncset.done $0x0  }
0x63: {  	[sflag:s9] =	ssyncadd.s32 $0xFFFFFD80  }
0x64: {  	_ =	sfence.sel $0x180000  }
0x65: {  	[bflag:$0x0] =	sbarrier.arrive $0xFFFF  }
0x66: {  	p0 =	sne.s32 s1, $0x0;
	_ =	strace $0x90000047  }
0x67: {  	s0 =	sadd.s32 @!p0 $0x100000, s0;
	[bflag:$0x2] =	sbarrier.arrive $0xFFFF  }
0x68: {  	[sflag:s0] =	ssyncadd.tile.s32 @!p0 $0x1;
	_ =	shalt  }
.Lfunc_end2:
_tile_overlayer_lowered:
.L_overlay_start_2:
0x69: {  	(tag) =	ssettag $0x2  }
0x6a: {  	s0 =	rddreg [dreg:$0x0];
	s2 =	stileid.u32  }
0x6b: {  	s1 =	rddreg [dreg:$0x1];
	p0 =	sne.s32 s2, $0x0  }
0x6c: {  	s3 =	rddreg [dreg:$0x2];
	[bflag:$0x3] =	sbarrier.arrive $0xFFFF;
	s2 =	simm.s32 @!p0 $0x1C01  }
0x6d: {  	[timem:s3], [sflag:s2] =	dma.local @!p0 [hbm:s0], s1  }
0x6e: {  	s0 =	simm.s32 @!p0 $0x1  }
0x6f: {  	_ =	swait.ge @!p0 [sflag:s0], s1  }
0x70: {  	s1 =	ssub.s32 @!p0 $0x0, s1;
	[sflag:s0] =	ssyncset.done @!p0 $0x0  }
0x71: {  	[sflag:s0] =	ssyncadd.s32 @!p0 s1  }
0x72: {  	[bflag:$0x3] =	sbarrier.arrive $0xFFFF  }
0x73: {  	_ =	shalt  }

</sc_bundles>
